<compile_context>
chip_gen: v7x
topology: tpu7x:2x2x1
jax: 0.10.2.dev20260603
libtpu: 0.0.44.dev20260713+nightly
codegen_flags: <defaults>
</compile_context>

<pallas_src>
import jax
import jax.numpy as jnp
from jax import lax
from jax.experimental import pallas as pl
from jax.experimental.pallas import tpu as pltpu, tpu_sc as plsc

BATCH = 16384
N_IMG = 100
H = 256
W = 256
GRID = H * W

NW = 32
SPW = BATCH // NW
WPW = SPW * 3


def _u32(x):
    return jnp.uint32(x)


def _threefry2x32(k0, k1, x0, x1):
    ks2 = k0 ^ k1 ^ _u32(0x1BD11BDA)
    ks = (k0, k1, ks2)
    rot_a = (13, 15, 26, 6)
    rot_b = (17, 29, 16, 24)
    x0 = x0 + k0
    x1 = x1 + k1
    for i in range(5):
        for r in (rot_a if i % 2 == 0 else rot_b):
            x0 = x0 + x1
            x1 = ((x1 << _u32(r)) | (x1 >> _u32(32 - r))) ^ x0
        x0 = x0 + ks[(i + 1) % 3]
        x1 = x1 + ks[(i + 2) % 3] + _u32(i + 1)
    return x0, x1


def _splat(vec_u32, lane):
    idx = jnp.full((16,), lane, dtype=jnp.int32)
    v = plsc.bitcast(vec_u32, jnp.int32)
    return plsc.bitcast(v.at[idx].get(mode="promise_in_bounds"), jnp.uint32)


def _sc_body(kd_hbm, img_hbm, org_hbm, dir_hbm,
             out_org, out_dir, out_key, out_pix,
             kd_v, gidx_v, pidx_v, key_v,
             org_w, dir_w, pix_w, sem):
    wid = lax.axis_index("s") * 2 + lax.axis_index("c")
    base = wid * SPW

    pltpu.sync_copy(kd_hbm, kd_v)
    zero16 = jnp.zeros((16,), jnp.uint32)
    iota16 = lax.iota(jnp.int32, 16).astype(jnp.uint32)

    kdvec = plsc.bitcast(kd_v[...], jnp.uint32)
    k0 = _splat(kdvec, 0)
    k1 = _splat(kdvec, 1)

    s0, s1 = _threefry2x32(k0, k1, zero16, iota16)
    pk0, pk1 = _splat(s0, 0), _splat(s1, 0)
    dk0, dk1 = _splat(s0, 1), _splat(s1, 1)
    rk0, rk1 = _splat(s0, 2), _splat(s1, 2)

    keyvec = jnp.where(iota16 == _u32(0), rk0, rk1)
    key_v[...] = plsc.bitcast(keyvec, jnp.int32)

    @pl.when(wid == 0)
    def _():
        pltpu.sync_copy(key_v, out_key)

    t0, t1 = _threefry2x32(pk0, pk1, zero16, iota16)
    pA0, pA1 = _splat(t0, 0), _splat(t1, 0)
    pB0, pB1 = _splat(t0, 1), _splat(t1, 1)

    u0, u1 = _threefry2x32(dk0, dk1, zero16, iota16)
    dB0, dB1 = _splat(u0, 1), _splat(u1, 1)

    span = _u32(100)
    cnt = jnp.full((16,), 2 * wid, jnp.int32).astype(jnp.uint32) + iota16
    h0, h1 = _threefry2x32(pA0, pA1, zero16, cnt)
    l0, l1 = _threefry2x32(pB0, pB1, zero16, cnt)
    posevec = (((h0 ^ h1) % span) * _u32(96) + ((l0 ^ l1) % span)) % span
    p_splat = (plsc.bitcast(_splat(posevec, 0), jnp.int32),
               plsc.bitcast(_splat(posevec, 1), jnp.int32))

    for half in range(2):
        pose = p_splat[half]
        gbase = tuple((3 * pose + k) << 16 for k in range(3))
        pbase = tuple(pose + 100 * k for k in range(3))

        def dir_chunk(c2, carry, half=half, gbase=gbase, pbase=pbase):
            i0 = base + half * 256 + c2 * 16
            cnt = jnp.full((16,), i0, jnp.int32).astype(jnp.uint32) + iota16
            d0, d1 = _threefry2x32(dB0, dB1, zero16, cnt)
            dflat = plsc.bitcast((d0 ^ d1) & _u32(0xFFFF), jnp.int32)
            for k in range(3):
                w0 = k * 512 + half * 256 + c2 * 16
                gidx_v[pl.ds(w0, 16)] = gbase[k] + dflat
                pidx_v[pl.ds(w0, 16)] = pbase[k]
            return carry

        lax.fori_loop(0, 16, dir_chunk, 0, unroll=False)

    copies = []
    for j in range(WPW // 128):
        win = pl.ds(j * 128, 128)
        copies.append(pltpu.async_copy(
            img_hbm.at[gidx_v.at[win]], pix_w.at[win], sem))
        copies.append(pltpu.async_copy(
            dir_hbm.at[gidx_v.at[win]], dir_w.at[win], sem))
        copies.append(pltpu.async_copy(
            org_hbm.at[pidx_v.at[win]], org_w.at[win], sem))
    for c in copies:
        c.wait()

    for k in range(3):
        src = pl.ds(k * 512, SPW)
        dst = pl.ds(k * BATCH + base, SPW)
        pltpu.sync_copy(org_w.at[src], out_org.at[dst])
        pltpu.sync_copy(dir_w.at[src], out_dir.at[dst])
        pltpu.sync_copy(pix_w.at[src], out_pix.at[dst])


@jax.jit
def _sampler(kd, images, ray_origins, ray_directions):
    img_p = images.transpose(0, 3, 1, 2).reshape(-1)
    dir_p = ray_directions.transpose(0, 3, 1, 2).reshape(-1)
    org_p = ray_origins.T.reshape(-1)

    mesh = plsc.VectorSubcoreMesh(core_axis_name="c", subcore_axis_name="s")
    f32 = jnp.float32
    run = pl.kernel(
        _sc_body,
        mesh=mesh,
        out_type=(
            jax.ShapeDtypeStruct((3 * BATCH,), f32),
            jax.ShapeDtypeStruct((3 * BATCH,), f32),
            jax.ShapeDtypeStruct((16,), jnp.int32),
            jax.ShapeDtypeStruct((3 * BATCH,), f32),
        ),
        scratch_types=[
            pltpu.VMEM((16,), jnp.int32),
            pltpu.VMEM((WPW,), jnp.int32),
            pltpu.VMEM((WPW,), jnp.int32),
            pltpu.VMEM((16,), jnp.int32),
            pltpu.VMEM((WPW,), f32),
            pltpu.VMEM((WPW,), f32),
            pltpu.VMEM((WPW,), f32),
            pltpu.SemaphoreType.DMA,
        ],
    )
    org_t, dir_t, keyvec, pix_t = run(kd, img_p, org_p, dir_p)
    return (org_t.reshape(3, BATCH).T, dir_t.reshape(3, BATCH).T,
            lax.bitcast_convert_type(keyvec[:2], jnp.uint32),
            pix_t.reshape(3, BATCH).T)


def kernel(key, images, ray_origins, ray_directions):
    kd = lax.bitcast_convert_type(jax.random.key_data(key), jnp.int32)
    kd = jnp.concatenate([kd, jnp.zeros((14,), jnp.int32)])
    return _sampler(kd, images, ray_origins, ray_directions)

# --- scband reference (transcript-rebuilt; emitter-appended) ---
"""Pipeline reference for scband-ne-rfsynthetic-scenes-sampler-61486751810126 (READ-ONLY COPY).

The authoritative reference and input builder live on the scoring server;
editing this copy changes nothing except your own understanding.
"""

import jax, jax.numpy as jnp
import numpy as np

BATCH_SIZE = 16384
POSES_PER_BATCH = 64
PIXELS_PER_POSE = BATCH_SIZE // POSES_PER_BATCH
N_IMAGES = 100
H = 256
W = 256


def setup_inputs(seed: int = 0) -> dict:
    key = jax.random.key(seed)
    k1, k2, k3 = jax.random.split(key, 3)
    images = jax.random.uniform(k1, (N_IMAGES, H, W, 3), dtype=jnp.float32)
    ray_origins = jax.random.normal(k2, (N_IMAGES, 3), dtype=jnp.float32)
    dirs = jax.random.normal(k3, (N_IMAGES, H, W, 3), dtype=jnp.float32)
    ray_directions = dirs / jnp.linalg.norm(dirs, axis=-1, keepdims=True)
    return {
        'key': jax.random.key(42),
        'images': images,
        'ray_origins': ray_origins,
        'ray_directions': ray_directions,
    }


def reference(key, images, ray_origins, ray_directions):
    poses_key, directions_key, return_key = jax.random.split(key, 3)
    height, width = images.shape[1:3]
    grid_size = height * width
    dataset_size = images.shape[0]
    selected_camera_poses_idx = jax.random.choice(poses_key, dataset_size, shape=(POSES_PER_BATCH,))
    selected_directions_idx_flat = jax.random.choice(directions_key, grid_size, shape=(POSES_PER_BATCH, PIXELS_PER_POSE))
    selected_camera_poses_idx = jnp.broadcast_to(selected_camera_poses_idx[:, None], (POSES_PER_BATCH, PIXELS_PER_POSE))
    selected_directions_idx_grid = jax.vmap(lambda flat_index: jnp.unravel_index(flat_index, shape=(height, width)))(selected_directions_idx_flat)
    selected_directions_idx = (selected_camera_poses_idx,) + tuple(selected_directions_idx_grid)
    origins = ray_origins[selected_camera_poses_idx]
    dirs = ray_directions[selected_directions_idx]
    ground_truth_pixel_values = images[selected_directions_idx]
    return (
        origins.reshape((BATCH_SIZE, 3)),
        dirs.reshape((BATCH_SIZE, 3)),
        jax.random.key_data(return_key),
        ground_truth_pixel_values.reshape((BATCH_SIZE, 3)),
    )

if __name__ == "__main__":
    import jax
    _d = setup_inputs()
    print(jax.jit(kernel)(*tuple(_d.values())))

</pallas_src>

<mosaic_0001>
#map = affine_map<(d0, d1) -> (0)>
module attributes {stable_mosaic.version = 14 : i64} {
  func.func @_sc_body(%arg0: i32, %arg1: i32, %arg2: memref<16xi32, #tpu.memory_space<hbm>>, %arg3: memref<19660800xf32, #tpu.memory_space<hbm>>, %arg4: memref<300xf32, #tpu.memory_space<hbm>>, %arg5: memref<19660800xf32, #tpu.memory_space<hbm>>, %arg6: memref<49152xf32, #tpu.memory_space<hbm>>, %arg7: memref<49152xf32, #tpu.memory_space<hbm>>, %arg8: memref<16xi32, #tpu.memory_space<hbm>>, %arg9: memref<49152xf32, #tpu.memory_space<hbm>>, %arg10: memref<16xi32, #tpu.memory_space<vmem>>, %arg11: memref<1536xi32, #tpu.memory_space<vmem>>, %arg12: memref<1536xi32, #tpu.memory_space<vmem>>, %arg13: memref<16xi32, #tpu.memory_space<vmem>>, %arg14: memref<1536xf32, #tpu.memory_space<vmem>>, %arg15: memref<1536xf32, #tpu.memory_space<vmem>>, %arg16: memref<1536xf32, #tpu.memory_space<vmem>>, %arg17: memref<!tpu.dma_semaphore, #tpu.memory_space<semaphore_mem>>) attributes {dimension_semantics = [#tpu.dimension_semantics<core_parallel>, #tpu.dimension_semantics<subcore_parallel>], iteration_bounds = array<i64: 2, 16>, scalar_prefetch = 0 : i64, scratch_operands = 8 : i64, tpu.core_type = #tpu.core_type<sc_vector_subcore>, window_params = [{transform_indices = #map}, {transform_indices = #map}, {transform_indices = #map}, {transform_indices = #map}, {transform_indices = #map}, {transform_indices = #map}, {transform_indices = #map}, {transform_indices = #map}]} {
    %mul3A = arith.constant 2 : i32
    %mul3A_0 = arith.muli %arg1, %mul3A : i32
    %add3A = arith.addi %mul3A_0, %arg0 : i32
    %mul3A_1 = arith.constant 512 : i32
    %mul3A_2 = arith.muli %add3A, %mul3A_1 : i32
    "tpu.region"() ({
      %run_scoped3A = tpu.sem_alloc : memref<!tpu.dma_semaphore, #tpu.memory_space<semaphore_mem>>
      tpu.enqueue_dma source(%arg2 : memref<16xi32, #tpu.memory_space<hbm>>) target(%arg10 : memref<16xi32, #tpu.memory_space<vmem>>) target_semaphore(%run_scoped3A : memref<!tpu.dma_semaphore, #tpu.memory_space<semaphore_mem>>)
      tpu.wait_dma2 semaphore(%run_scoped3A : memref<!tpu.dma_semaphore, #tpu.memory_space<semaphore_mem>>) src(%arg2 : memref<16xi32, #tpu.memory_space<hbm>>) dst(%arg10 : memref<16xi32, #tpu.memory_space<vmem>>)
      tpu.yield
    }) : () -> ()
    %broadcast_in_dim3A = arith.constant 0 : i32
    %broadcast_in_dim3A_3 = vector.broadcast %broadcast_in_dim3A : i32 to vector<16xi32>
    %iota3A = tpu.iota {dimensions = array<i32: 0>} : vector<16xi32>
    %get3A = arith.constant 0 : index
    %get3A_4 = tpu.vector_load %arg10[%get3A] {strides = array<i32>} : memref<16xi32, #tpu.memory_space<vmem>>, vector<16xi32>,
    %get3A_5 = vector.shape_cast %get3A_4 : vector<16xi32> to vector<16xi32>
    %bitcast3A = vector.bitcast %get3A_5 : vector<16xi32> to vector<16xi32>
    %broadcast_in_dim3A_6 = arith.constant 0 : i32
    %broadcast_in_dim3A_7 = vector.broadcast %broadcast_in_dim3A_6 : i32 to vector<16xi32>
    %bitcast3A_8 = vector.bitcast %bitcast3A : vector<16xi32> to vector<16xi32>
    %lt3A = arith.constant 0 : i32
    %lt3A_9 = vector.broadcast %lt3A : i32 to vector<16xi32>
    %lt3A_10 = arith.cmpi slt, %broadcast_in_dim3A_7, %lt3A_9 : vector<16xi32>
    %add3A_11 = arith.constant 16 : i32
    %add3A_12 = vector.broadcast %add3A_11 : i32 to vector<16xi32>
    %add3A_13 = arith.addi %broadcast_in_dim3A_7, %add3A_12 : vector<16xi32>
    %select_n3A = arith.select %lt3A_10, %add3A_13, %broadcast_in_dim3A_7 : vector<16xi1>, vector<16xi32>
    %broadcast_in_dim3A_14 = vector.shape_cast %select_n3A : vector<16xi32> to vector<16x1xi32>
    %gather3A = vector.shape_cast %broadcast_in_dim3A_14 : vector<16x1xi32> to vector<16xi32>
    %gather3A_15 = tpu.dynamic_gather %bitcast3A_8[%gather3A] in [0] : vector<16xi32>, vector<16xi32> -> vector<16xi32>
    %bitcast3A_16 = vector.bitcast %gather3A_15 : vector<16xi32> to vector<16xi32>
    %broadcast_in_dim3A_17 = arith.constant 1 : i32
    %broadcast_in_dim3A_18 = vector.broadcast %broadcast_in_dim3A_17 : i32 to vector<16xi32>
    %bitcast3A_19 = vector.bitcast %bitcast3A : vector<16xi32> to vector<16xi32>
    %lt3A_20 = arith.constant 0 : i32
    %lt3A_21 = vector.broadcast %lt3A_20 : i32 to vector<16xi32>
    %lt3A_22 = arith.cmpi slt, %broadcast_in_dim3A_18, %lt3A_21 : vector<16xi32>
    %add3A_23 = arith.constant 16 : i32
    %add3A_24 = vector.broadcast %add3A_23 : i32 to vector<16xi32>
    %add3A_25 = arith.addi %broadcast_in_dim3A_18, %add3A_24 : vector<16xi32>
    %select_n3A_26 = arith.select %lt3A_22, %add3A_25, %broadcast_in_dim3A_18 : vector<16xi1>, vector<16xi32>
    %broadcast_in_dim3A_27 = vector.shape_cast %select_n3A_26 : vector<16xi32> to vector<16x1xi32>
    %gather3A_28 = vector.shape_cast %broadcast_in_dim3A_27 : vector<16x1xi32> to vector<16xi32>
    %gather3A_29 = tpu.dynamic_gather %bitcast3A_19[%gather3A_28] in [0] : vector<16xi32>, vector<16xi32> -> vector<16xi32>
    %bitcast3A_30 = vector.bitcast %gather3A_29 : vector<16xi32> to vector<16xi32>
    %xor3A = arith.xori %bitcast3A_16, %bitcast3A_30 : vector<16xi32>
    %xor3A_31 = arith.constant 466688986 : i32
    %xor3A_32 = vector.broadcast %xor3A_31 : i32 to vector<16xi32>
    %xor3A_33 = arith.xori %xor3A, %xor3A_32 : vector<16xi32>
    %add3A_34 = arith.addi %broadcast_in_dim3A_3, %bitcast3A_16 : vector<16xi32>
    %add3A_35 = arith.addi %iota3A, %bitcast3A_30 : vector<16xi32>
    %add3A_36 = arith.addi %add3A_34, %add3A_35 : vector<16xi32>
    %shift_left3A = arith.constant 13 : i32
    %shift_left3A_37 = vector.broadcast %shift_left3A : i32 to vector<16xi32>
    %shift_left3A_38 = arith.shli %add3A_35, %shift_left3A_37 : vector<16xi32>
    %shift_right_logical3A = arith.constant 19 : i32
    %shift_right_logical3A_39 = vector.broadcast %shift_right_logical3A : i32 to vector<16xi32>
    %shift_right_logical3A_40 = arith.shrui %add3A_35, %shift_right_logical3A_39 : vector<16xi32>
    %or3A = arith.ori %shift_left3A_38, %shift_right_logical3A_40 : vector<16xi32>
    %xor3A_41 = arith.xori %or3A, %add3A_36 : vector<16xi32>
    %add3A_42 = arith.addi %add3A_36, %xor3A_41 : vector<16xi32>
    %shift_left3A_43 = arith.constant 15 : i32
    %shift_left3A_44 = vector.broadcast %shift_left3A_43 : i32 to vector<16xi32>
    %shift_left3A_45 = arith.shli %xor3A_41, %shift_left3A_44 : vector<16xi32>
    %shift_right_logical3A_46 = arith.constant 17 : i32
    %shift_right_logical3A_47 = vector.broadcast %shift_right_logical3A_46 : i32 to vector<16xi32>
    %shift_right_logical3A_48 = arith.shrui %xor3A_41, %shift_right_logical3A_47 : vector<16xi32>
    %or3A_49 = arith.ori %shift_left3A_45, %shift_right_logical3A_48 : vector<16xi32>
    %xor3A_50 = arith.xori %or3A_49, %add3A_42 : vector<16xi32>
    %add3A_51 = arith.addi %add3A_42, %xor3A_50 : vector<16xi32>
    %shift_left3A_52 = arith.constant 26 : i32
    %shift_left3A_53 = vector.broadcast %shift_left3A_52 : i32 to vector<16xi32>
    %shift_left3A_54 = arith.shli %xor3A_50, %shift_left3A_53 : vector<16xi32>
    %shift_right_logical3A_55 = arith.constant 6 : i32
    %shift_right_logical3A_56 = vector.broadcast %shift_right_logical3A_55 : i32 to vector<16xi32>
    %shift_right_logical3A_57 = arith.shrui %xor3A_50, %shift_right_logical3A_56 : vector<16xi32>
    %or3A_58 = arith.ori %shift_left3A_54, %shift_right_logical3A_57 : vector<16xi32>
    %xor3A_59 = arith.xori %or3A_58, %add3A_51 : vector<16xi32>
    %add3A_60 = arith.addi %add3A_51, %xor3A_59 : vector<16xi32>
    %shift_left3A_61 = arith.constant 6 : i32
    %shift_left3A_62 = vector.broadcast %shift_left3A_61 : i32 to vector<16xi32>
    %shift_left3A_63 = arith.shli %xor3A_59, %shift_left3A_62 : vector<16xi32>
    %shift_right_logical3A_64 = arith.constant 26 : i32
    %shift_right_logical3A_65 = vector.broadcast %shift_right_logical3A_64 : i32 to vector<16xi32>
    %shift_right_logical3A_66 = arith.shrui %xor3A_59, %shift_right_logical3A_65 : vector<16xi32>
    %or3A_67 = arith.ori %shift_left3A_63, %shift_right_logical3A_66 : vector<16xi32>
    %xor3A_68 = arith.xori %or3A_67, %add3A_60 : vector<16xi32>
    %add3A_69 = arith.addi %add3A_60, %bitcast3A_30 : vector<16xi32>
    %add3A_70 = arith.addi %xor3A_68, %xor3A_33 : vector<16xi32>
    %add3A_71 = arith.constant 1 : i32
    %add3A_72 = vector.broadcast %add3A_71 : i32 to vector<16xi32>
    %add3A_73 = arith.addi %add3A_70, %add3A_72 : vector<16xi32>
    %add3A_74 = arith.addi %add3A_69, %add3A_73 : vector<16xi32>
    %shift_left3A_75 = arith.constant 17 : i32
    %shift_left3A_76 = vector.broadcast %shift_left3A_75 : i32 to vector<16xi32>
    %shift_left3A_77 = arith.shli %add3A_73, %shift_left3A_76 : vector<16xi32>
    %shift_right_logical3A_78 = arith.constant 15 : i32
    %shift_right_logical3A_79 = vector.broadcast %shift_right_logical3A_78 : i32 to vector<16xi32>
    %shift_right_logical3A_80 = arith.shrui %add3A_73, %shift_right_logical3A_79 : vector<16xi32>
    %or3A_81 = arith.ori %shift_left3A_77, %shift_right_logical3A_80 : vector<16xi32>
    %xor3A_82 = arith.xori %or3A_81, %add3A_74 : vector<16xi32>
    %add3A_83 = arith.addi %add3A_74, %xor3A_82 : vector<16xi32>
    %shift_left3A_84 = arith.constant 29 : i32
    %shift_left3A_85 = vector.broadcast %shift_left3A_84 : i32 to vector<16xi32>
    %shift_left3A_86 = arith.shli %xor3A_82, %shift_left3A_85 : vector<16xi32>
    %shift_right_logical3A_87 = arith.constant 3 : i32
    %shift_right_logical3A_88 = vector.broadcast %shift_right_logical3A_87 : i32 to vector<16xi32>
    %shift_right_logical3A_89 = arith.shrui %xor3A_82, %shift_right_logical3A_88 : vector<16xi32>
    %or3A_90 = arith.ori %shift_left3A_86, %shift_right_logical3A_89 : vector<16xi32>
    %xor3A_91 = arith.xori %or3A_90, %add3A_83 : vector<16xi32>
    %add3A_92 = arith.addi %add3A_83, %xor3A_91 : vector<16xi32>
    %shift_left3A_93 = arith.constant 16 : i32
    %shift_left3A_94 = vector.broadcast %shift_left3A_93 : i32 to vector<16xi32>
    %shift_left3A_95 = arith.shli %xor3A_91, %shift_left3A_94 : vector<16xi32>
    %shift_right_logical3A_96 = arith.constant 16 : i32
    %shift_right_logical3A_97 = vector.broadcast %shift_right_logical3A_96 : i32 to vector<16xi32>
    %shift_right_logical3A_98 = arith.shrui %xor3A_91, %shift_right_logical3A_97 : vector<16xi32>
    %or3A_99 = arith.ori %shift_left3A_95, %shift_right_logical3A_98 : vector<16xi32>
    %xor3A_100 = arith.xori %or3A_99, %add3A_92 : vector<16xi32>
    %add3A_101 = arith.addi %add3A_92, %xor3A_100 : vector<16xi32>
    %shift_left3A_102 = arith.constant 24 : i32
    %shift_left3A_103 = vector.broadcast %shift_left3A_102 : i32 to vector<16xi32>
    %shift_left3A_104 = arith.shli %xor3A_100, %shift_left3A_103 : vector<16xi32>
    %shift_right_logical3A_105 = arith.constant 8 : i32
    %shift_right_logical3A_106 = vector.broadcast %shift_right_logical3A_105 : i32 to vector<16xi32>
    %shift_right_logical3A_107 = arith.shrui %xor3A_100, %shift_right_logical3A_106 : vector<16xi32>
    %or3A_108 = arith.ori %shift_left3A_104, %shift_right_logical3A_107 : vector<16xi32>
    %xor3A_109 = arith.xori %or3A_108, %add3A_101 : vector<16xi32>
    %add3A_110 = arith.addi %add3A_101, %xor3A_33 : vector<16xi32>
    %add3A_111 = arith.addi %xor3A_109, %bitcast3A_16 : vector<16xi32>
    %add3A_112 = arith.constant 2 : i32
    %add3A_113 = vector.broadcast %add3A_112 : i32 to vector<16xi32>
    %add3A_114 = arith.addi %add3A_111, %add3A_113 : vector<16xi32>
    %add3A_115 = arith.addi %add3A_110, %add3A_114 : vector<16xi32>
    %shift_left3A_116 = arith.constant 13 : i32
    %shift_left3A_117 = vector.broadcast %shift_left3A_116 : i32 to vector<16xi32>
    %shift_left3A_118 = arith.shli %add3A_114, %shift_left3A_117 : vector<16xi32>
    %shift_right_logical3A_119 = arith.constant 19 : i32
    %shift_right_logical3A_120 = vector.broadcast %shift_right_logical3A_119 : i32 to vector<16xi32>
    %shift_right_logical3A_121 = arith.shrui %add3A_114, %shift_right_logical3A_120 : vector<16xi32>
    %or3A_122 = arith.ori %shift_left3A_118, %shift_right_logical3A_121 : vector<16xi32>
    %xor3A_123 = arith.xori %or3A_122, %add3A_115 : vector<16xi32>
    %add3A_124 = arith.addi %add3A_115, %xor3A_123 : vector<16xi32>
    %shift_left3A_125 = arith.constant 15 : i32
    %shift_left3A_126 = vector.broadcast %shift_left3A_125 : i32 to vector<16xi32>
    %shift_left3A_127 = arith.shli %xor3A_123, %shift_left3A_126 : vector<16xi32>
    %shift_right_logical3A_128 = arith.constant 17 : i32
    %shift_right_logical3A_129 = vector.broadcast %shift_right_logical3A_128 : i32 to vector<16xi32>
    %shift_right_logical3A_130 = arith.shrui %xor3A_123, %shift_right_logical3A_129 : vector<16xi32>
    %or3A_131 = arith.ori %shift_left3A_127, %shift_right_logical3A_130 : vector<16xi32>
    %xor3A_132 = arith.xori %or3A_131, %add3A_124 : vector<16xi32>
    %add3A_133 = arith.addi %add3A_124, %xor3A_132 : vector<16xi32>
    %shift_left3A_134 = arith.constant 26 : i32
    %shift_left3A_135 = vector.broadcast %shift_left3A_134 : i32 to vector<16xi32>
    %shift_left3A_136 = arith.shli %xor3A_132, %shift_left3A_135 : vector<16xi32>
    %shift_right_logical3A_137 = arith.constant 6 : i32
    %shift_right_logical3A_138 = vector.broadcast %shift_right_logical3A_137 : i32 to vector<16xi32>
    %shift_right_logical3A_139 = arith.shrui %xor3A_132, %shift_right_logical3A_138 : vector<16xi32>
    %or3A_140 = arith.ori %shift_left3A_136, %shift_right_logical3A_139 : vector<16xi32>
    %xor3A_141 = arith.xori %or3A_140, %add3A_133 : vector<16xi32>
    %add3A_142 = arith.addi %add3A_133, %xor3A_141 : vector<16xi32>
    %shift_left3A_143 = arith.constant 6 : i32
    %shift_left3A_144 = vector.broadcast %shift_left3A_143 : i32 to vector<16xi32>
    %shift_left3A_145 = arith.shli %xor3A_141, %shift_left3A_144 : vector<16xi32>
    %shift_right_logical3A_146 = arith.constant 26 : i32
    %shift_right_logical3A_147 = vector.broadcast %shift_right_logical3A_146 : i32 to vector<16xi32>
    %shift_right_logical3A_148 = arith.shrui %xor3A_141, %shift_right_logical3A_147 : vector<16xi32>
    %or3A_149 = arith.ori %shift_left3A_145, %shift_right_logical3A_148 : vector<16xi32>
    %xor3A_150 = arith.xori %or3A_149, %add3A_142 : vector<16xi32>
    %add3A_151 = arith.addi %add3A_142, %bitcast3A_16 : vector<16xi32>
    %add3A_152 = arith.addi %xor3A_150, %bitcast3A_30 : vector<16xi32>
    %add3A_153 = arith.constant 3 : i32
    %add3A_154 = vector.broadcast %add3A_153 : i32 to vector<16xi32>
    %add3A_155 = arith.addi %add3A_152, %add3A_154 : vector<16xi32>
    %add3A_156 = arith.addi %add3A_151, %add3A_155 : vector<16xi32>
    %shift_left3A_157 = arith.constant 17 : i32
    %shift_left3A_158 = vector.broadcast %shift_left3A_157 : i32 to vector<16xi32>
    %shift_left3A_159 = arith.shli %add3A_155, %shift_left3A_158 : vector<16xi32>
    %shift_right_logical3A_160 = arith.constant 15 : i32
    %shift_right_logical3A_161 = vector.broadcast %shift_right_logical3A_160 : i32 to vector<16xi32>
    %shift_right_logical3A_162 = arith.shrui %add3A_155, %shift_right_logical3A_161 : vector<16xi32>
    %or3A_163 = arith.ori %shift_left3A_159, %shift_right_logical3A_162 : vector<16xi32>
    %xor3A_164 = arith.xori %or3A_163, %add3A_156 : vector<16xi32>
    %add3A_165 = arith.addi %add3A_156, %xor3A_164 : vector<16xi32>
    %shift_left3A_166 = arith.constant 29 : i32
    %shift_left3A_167 = vector.broadcast %shift_left3A_166 : i32 to vector<16xi32>
    %shift_left3A_168 = arith.shli %xor3A_164, %shift_left3A_167 : vector<16xi32>
    %shift_right_logical3A_169 = arith.constant 3 : i32
    %shift_right_logical3A_170 = vector.broadcast %shift_right_logical3A_169 : i32 to vector<16xi32>
    %shift_right_logical3A_171 = arith.shrui %xor3A_164, %shift_right_logical3A_170 : vector<16xi32>
    %or3A_172 = arith.ori %shift_left3A_168, %shift_right_logical3A_171 : vector<16xi32>
    %xor3A_173 = arith.xori %or3A_172, %add3A_165 : vector<16xi32>
    %add3A_174 = arith.addi %add3A_165, %xor3A_173 : vector<16xi32>
    %shift_left3A_175 = arith.constant 16 : i32
    %shift_left3A_176 = vector.broadcast %shift_left3A_175 : i32 to vector<16xi32>
    %shift_left3A_177 = arith.shli %xor3A_173, %shift_left3A_176 : vector<16xi32>
    %shift_right_logical3A_178 = arith.constant 16 : i32
    %shift_right_logical3A_179 = vector.broadcast %shift_right_logical3A_178 : i32 to vector<16xi32>
    %shift_right_logical3A_180 = arith.shrui %xor3A_173, %shift_right_logical3A_179 : vector<16xi32>
    %or3A_181 = arith.ori %shift_left3A_177, %shift_right_logical3A_180 : vector<16xi32>
    %xor3A_182 = arith.xori %or3A_181, %add3A_174 : vector<16xi32>
    %add3A_183 = arith.addi %add3A_174, %xor3A_182 : vector<16xi32>
    %shift_left3A_184 = arith.constant 24 : i32
    %shift_left3A_185 = vector.broadcast %shift_left3A_184 : i32 to vector<16xi32>
    %shift_left3A_186 = arith.shli %xor3A_182, %shift_left3A_185 : vector<16xi32>
    %shift_right_logical3A_187 = arith.constant 8 : i32
    %shift_right_logical3A_188 = vector.broadcast %shift_right_logical3A_187 : i32 to vector<16xi32>
    %shift_right_logical3A_189 = arith.shrui %xor3A_182, %shift_right_logical3A_188 : vector<16xi32>
    %or3A_190 = arith.ori %shift_left3A_186, %shift_right_logical3A_189 : vector<16xi32>
    %xor3A_191 = arith.xori %or3A_190, %add3A_183 : vector<16xi32>
    %add3A_192 = arith.addi %add3A_183, %bitcast3A_30 : vector<16xi32>
    %add3A_193 = arith.addi %xor3A_191, %xor3A_33 : vector<16xi32>
    %add3A_194 = arith.constant 4 : i32
    %add3A_195 = vector.broadcast %add3A_194 : i32 to vector<16xi32>
    %add3A_196 = arith.addi %add3A_193, %add3A_195 : vector<16xi32>
    %add3A_197 = arith.addi %add3A_192, %add3A_196 : vector<16xi32>
    %shift_left3A_198 = arith.constant 13 : i32
    %shift_left3A_199 = vector.broadcast %shift_left3A_198 : i32 to vector<16xi32>
    %shift_left3A_200 = arith.shli %add3A_196, %shift_left3A_199 : vector<16xi32>
    %shift_right_logical3A_201 = arith.constant 19 : i32
    %shift_right_logical3A_202 = vector.broadcast %shift_right_logical3A_201 : i32 to vector<16xi32>
    %shift_right_logical3A_203 = arith.shrui %add3A_196, %shift_right_logical3A_202 : vector<16xi32>
    %or3A_204 = arith.ori %shift_left3A_200, %shift_right_logical3A_203 : vector<16xi32>
    %xor3A_205 = arith.xori %or3A_204, %add3A_197 : vector<16xi32>
    %add3A_206 = arith.addi %add3A_197, %xor3A_205 : vector<16xi32>
    %shift_left3A_207 = arith.constant 15 : i32
    %shift_left3A_208 = vector.broadcast %shift_left3A_207 : i32 to vector<16xi32>
    %shift_left3A_209 = arith.shli %xor3A_205, %shift_left3A_208 : vector<16xi32>
    %shift_right_logical3A_210 = arith.constant 17 : i32
    %shift_right_logical3A_211 = vector.broadcast %shift_right_logical3A_210 : i32 to vector<16xi32>
    %shift_right_logical3A_212 = arith.shrui %xor3A_205, %shift_right_logical3A_211 : vector<16xi32>
    %or3A_213 = arith.ori %shift_left3A_209, %shift_right_logical3A_212 : vector<16xi32>
    %xor3A_214 = arith.xori %or3A_213, %add3A_206 : vector<16xi32>
    %add3A_215 = arith.addi %add3A_206, %xor3A_214 : vector<16xi32>
    %shift_left3A_216 = arith.constant 26 : i32
    %shift_left3A_217 = vector.broadcast %shift_left3A_216 : i32 to vector<16xi32>
    %shift_left3A_218 = arith.shli %xor3A_214, %shift_left3A_217 : vector<16xi32>
    %shift_right_logical3A_219 = arith.constant 6 : i32
    %shift_right_logical3A_220 = vector.broadcast %shift_right_logical3A_219 : i32 to vector<16xi32>
    %shift_right_logical3A_221 = arith.shrui %xor3A_214, %shift_right_logical3A_220 : vector<16xi32>
    %or3A_222 = arith.ori %shift_left3A_218, %shift_right_logical3A_221 : vector<16xi32>
    %xor3A_223 = arith.xori %or3A_222, %add3A_215 : vector<16xi32>
    %add3A_224 = arith.addi %add3A_215, %xor3A_223 : vector<16xi32>
    %shift_left3A_225 = arith.constant 6 : i32
    %shift_left3A_226 = vector.broadcast %shift_left3A_225 : i32 to vector<16xi32>
    %shift_left3A_227 = arith.shli %xor3A_223, %shift_left3A_226 : vector<16xi32>
    %shift_right_logical3A_228 = arith.constant 26 : i32
    %shift_right_logical3A_229 = vector.broadcast %shift_right_logical3A_228 : i32 to vector<16xi32>
    %shift_right_logical3A_230 = arith.shrui %xor3A_223, %shift_right_logical3A_229 : vector<16xi32>
    %or3A_231 = arith.ori %shift_left3A_227, %shift_right_logical3A_230 : vector<16xi32>
    %xor3A_232 = arith.xori %or3A_231, %add3A_224 : vector<16xi32>
    %add3A_233 = arith.addi %add3A_224, %xor3A_33 : vector<16xi32>
    %add3A_234 = arith.addi %xor3A_232, %bitcast3A_16 : vector<16xi32>
    %add3A_235 = arith.constant 5 : i32
    %add3A_236 = vector.broadcast %add3A_235 : i32 to vector<16xi32>
    %add3A_237 = arith.addi %add3A_234, %add3A_236 : vector<16xi32>
    %broadcast_in_dim3A_238 = arith.constant 0 : i32
    %broadcast_in_dim3A_239 = vector.broadcast %broadcast_in_dim3A_238 : i32 to vector<16xi32>
    %bitcast3A_240 = vector.bitcast %add3A_233 : vector<16xi32> to vector<16xi32>
    %lt3A_241 = arith.constant 0 : i32
    %lt3A_242 = vector.broadcast %lt3A_241 : i32 to vector<16xi32>
    %lt3A_243 = arith.cmpi slt, %broadcast_in_dim3A_239, %lt3A_242 : vector<16xi32>
    %add3A_244 = arith.constant 16 : i32
    %add3A_245 = vector.broadcast %add3A_244 : i32 to vector<16xi32>
    %add3A_246 = arith.addi %broadcast_in_dim3A_239, %add3A_245 : vector<16xi32>
    %select_n3A_247 = arith.select %lt3A_243, %add3A_246, %broadcast_in_dim3A_239 : vector<16xi1>, vector<16xi32>
    %broadcast_in_dim3A_248 = vector.shape_cast %select_n3A_247 : vector<16xi32> to vector<16x1xi32>
    %gather3A_249 = vector.shape_cast %broadcast_in_dim3A_248 : vector<16x1xi32> to vector<16xi32>
    %gather3A_250 = tpu.dynamic_gather %bitcast3A_240[%gather3A_249] in [0] : vector<16xi32>, vector<16xi32> -> vector<16xi32>
    %bitcast3A_251 = vector.bitcast %gather3A_250 : vector<16xi32> to vector<16xi32>
    %broadcast_in_dim3A_252 = arith.constant 0 : i32
    %broadcast_in_dim3A_253 = vector.broadcast %broadcast_in_dim3A_252 : i32 to vector<16xi32>
    %bitcast3A_254 = vector.bitcast %add3A_237 : vector<16xi32> to vector<16xi32>
    %lt3A_255 = arith.constant 0 : i32
    %lt3A_256 = vector.broadcast %lt3A_255 : i32 to vector<16xi32>
    %lt3A_257 = arith.cmpi slt, %broadcast_in_dim3A_253, %lt3A_256 : vector<16xi32>
    %add3A_258 = arith.constant 16 : i32
    %add3A_259 = vector.broadcast %add3A_258 : i32 to vector<16xi32>
    %add3A_260 = arith.addi %broadcast_in_dim3A_253, %add3A_259 : vector<16xi32>
    %select_n3A_261 = arith.select %lt3A_257, %add3A_260, %broadcast_in_dim3A_253 : vector<16xi1>, vector<16xi32>
    %broadcast_in_dim3A_262 = vector.shape_cast %select_n3A_261 : vector<16xi32> to vector<16x1xi32>
    %gather3A_263 = vector.shape_cast %broadcast_in_dim3A_262 : vector<16x1xi32> to vector<16xi32>
    %gather3A_264 = tpu.dynamic_gather %bitcast3A_254[%gather3A_263] in [0] : vector<16xi32>, vector<16xi32> -> vector<16xi32>
    %bitcast3A_265 = vector.bitcast %gather3A_264 : vector<16xi32> to vector<16xi32>
    %broadcast_in_dim3A_266 = arith.constant 1 : i32
    %broadcast_in_dim3A_267 = vector.broadcast %broadcast_in_dim3A_266 : i32 to vector<16xi32>
    %bitcast3A_268 = vector.bitcast %add3A_233 : vector<16xi32> to vector<16xi32>
    %lt3A_269 = arith.constant 0 : i32
    %lt3A_270 = vector.broadcast %lt3A_269 : i32 to vector<16xi32>
    %lt3A_271 = arith.cmpi slt, %broadcast_in_dim3A_267, %lt3A_270 : vector<16xi32>
    %add3A_272 = arith.constant 16 : i32
    %add3A_273 = vector.broadcast %add3A_272 : i32 to vector<16xi32>
    %add3A_274 = arith.addi %broadcast_in_dim3A_267, %add3A_273 : vector<16xi32>
    %select_n3A_275 = arith.select %lt3A_271, %add3A_274, %broadcast_in_dim3A_267 : vector<16xi1>, vector<16xi32>
    %broadcast_in_dim3A_276 = vector.shape_cast %select_n3A_275 : vector<16xi32> to vector<16x1xi32>
    %gather3A_277 = vector.shape_cast %broadcast_in_dim3A_276 : vector<16x1xi32> to vector<16xi32>
    %gather3A_278 = tpu.dynamic_gather %bitcast3A_268[%gather3A_277] in [0] : vector<16xi32>, vector<16xi32> -> vector<16xi32>
    %bitcast3A_279 = vector.bitcast %gather3A_278 : vector<16xi32> to vector<16xi32>
    %broadcast_in_dim3A_280 = arith.constant 1 : i32
    %broadcast_in_dim3A_281 = vector.broadcast %broadcast_in_dim3A_280 : i32 to vector<16xi32>
    %bitcast3A_282 = vector.bitcast %add3A_237 : vector<16xi32> to vector<16xi32>
    %lt3A_283 = arith.constant 0 : i32
    %lt3A_284 = vector.broadcast %lt3A_283 : i32 to vector<16xi32>
    %lt3A_285 = arith.cmpi slt, %broadcast_in_dim3A_281, %lt3A_284 : vector<16xi32>
    %add3A_286 = arith.constant 16 : i32
    %add3A_287 = vector.broadcast %add3A_286 : i32 to vector<16xi32>
    %add3A_288 = arith.addi %broadcast_in_dim3A_281, %add3A_287 : vector<16xi32>
    %select_n3A_289 = arith.select %lt3A_285, %add3A_288, %broadcast_in_dim3A_281 : vector<16xi1>, vector<16xi32>
    %broadcast_in_dim3A_290 = vector.shape_cast %select_n3A_289 : vector<16xi32> to vector<16x1xi32>
    %gather3A_291 = vector.shape_cast %broadcast_in_dim3A_290 : vector<16x1xi32> to vector<16xi32>
    %gather3A_292 = tpu.dynamic_gather %bitcast3A_282[%gather3A_291] in [0] : vector<16xi32>, vector<16xi32> -> vector<16xi32>
    %bitcast3A_293 = vector.bitcast %gather3A_292 : vector<16xi32> to vector<16xi32>
    %broadcast_in_dim3A_294 = arith.constant 2 : i32
    %broadcast_in_dim3A_295 = vector.broadcast %broadcast_in_dim3A_294 : i32 to vector<16xi32>
    %bitcast3A_296 = vector.bitcast %add3A_233 : vector<16xi32> to vector<16xi32>
    %lt3A_297 = arith.constant 0 : i32
    %lt3A_298 = vector.broadcast %lt3A_297 : i32 to vector<16xi32>
    %lt3A_299 = arith.cmpi slt, %broadcast_in_dim3A_295, %lt3A_298 : vector<16xi32>
    %add3A_300 = arith.constant 16 : i32
    %add3A_301 = vector.broadcast %add3A_300 : i32 to vector<16xi32>
    %add3A_302 = arith.addi %broadcast_in_dim3A_295, %add3A_301 : vector<16xi32>
    %select_n3A_303 = arith.select %lt3A_299, %add3A_302, %broadcast_in_dim3A_295 : vector<16xi1>, vector<16xi32>
    %broadcast_in_dim3A_304 = vector.shape_cast %select_n3A_303 : vector<16xi32> to vector<16x1xi32>
    %gather3A_305 = vector.shape_cast %broadcast_in_dim3A_304 : vector<16x1xi32> to vector<16xi32>
    %gather3A_306 = tpu.dynamic_gather %bitcast3A_296[%gather3A_305] in [0] : vector<16xi32>, vector<16xi32> -> vector<16xi32>
    %bitcast3A_307 = vector.bitcast %gather3A_306 : vector<16xi32> to vector<16xi32>
    %broadcast_in_dim3A_308 = arith.constant 2 : i32
    %broadcast_in_dim3A_309 = vector.broadcast %broadcast_in_dim3A_308 : i32 to vector<16xi32>
    %bitcast3A_310 = vector.bitcast %add3A_237 : vector<16xi32> to vector<16xi32>
    %lt3A_311 = arith.constant 0 : i32
    %lt3A_312 = vector.broadcast %lt3A_311 : i32 to vector<16xi32>
    %lt3A_313 = arith.cmpi slt, %broadcast_in_dim3A_309, %lt3A_312 : vector<16xi32>
    %add3A_314 = arith.constant 16 : i32
    %add3A_315 = vector.broadcast %add3A_314 : i32 to vector<16xi32>
    %add3A_316 = arith.addi %broadcast_in_dim3A_309, %add3A_315 : vector<16xi32>
    %select_n3A_317 = arith.select %lt3A_313, %add3A_316, %broadcast_in_dim3A_309 : vector<16xi1>, vector<16xi32>
    %broadcast_in_dim3A_318 = vector.shape_cast %select_n3A_317 : vector<16xi32> to vector<16x1xi32>
    %gather3A_319 = vector.shape_cast %broadcast_in_dim3A_318 : vector<16x1xi32> to vector<16xi32>
    %gather3A_320 = tpu.dynamic_gather %bitcast3A_310[%gather3A_319] in [0] : vector<16xi32>, vector<16xi32> -> vector<16xi32>
    %bitcast3A_321 = vector.bitcast %gather3A_320 : vector<16xi32> to vector<16xi32>
    %eq3A = arith.constant 0 : i32
    %eq3A_322 = vector.broadcast %eq3A : i32 to vector<16xi32>
    %eq3A_323 = arith.cmpi eq, %iota3A, %eq3A_322 : vector<16xi32>
    %select_n3A_324 = arith.select %eq3A_323, %bitcast3A_307, %bitcast3A_321 : vector<16xi1>, vector<16xi32>
    %bitcast3A_325 = vector.bitcast %select_n3A_324 : vector<16xi32> to vector<16xi32>
    %swap3A = arith.constant 0 : index
    %swap3A_326 = tpu.vector_load %arg13[%swap3A] {strides = array<i32>} : memref<16xi32, #tpu.memory_space<vmem>>, vector<16xi32>,
    %swap3A_327 = vector.shape_cast %swap3A_326 : vector<16xi32> to vector<16xi32>
    %swap3A_328 = vector.shape_cast %bitcast3A_325 : vector<16xi32> to vector<16xi32>
    tpu.vector_store %arg13[%swap3A], %swap3A_328 {strides = array<i32>} : memref<16xi32, #tpu.memory_space<vmem>>, vector<16xi32>,
    %eq3A_329 = arith.constant 0 : i32
    %eq3A_330 = arith.cmpi eq, %add3A, %eq3A_329 : i32
    %convert_element_type3A = arith.extui %eq3A_330 : i1 to i32
    %cond3A = arith.constant 0 : i32
    %cond3A_331 = arith.cmpi ne, %convert_element_type3A, %cond3A : i32
    scf.if %cond3A_331 {
      "tpu.region"() ({
        %run_scoped3A = tpu.sem_alloc : memref<!tpu.dma_semaphore, #tpu.memory_space<semaphore_mem>>
        tpu.enqueue_dma source(%arg13 : memref<16xi32, #tpu.memory_space<vmem>>) target(%arg8 : memref<16xi32, #tpu.memory_space<hbm>>) target_semaphore(%run_scoped3A : memref<!tpu.dma_semaphore, #tpu.memory_space<semaphore_mem>>)
        tpu.wait_dma2 semaphore(%run_scoped3A : memref<!tpu.dma_semaphore, #tpu.memory_space<semaphore_mem>>) src(%arg13 : memref<16xi32, #tpu.memory_space<vmem>>) dst(%arg8 : memref<16xi32, #tpu.memory_space<hbm>>)
        tpu.yield
      }) : () -> ()
    } else {
    }
    %xor3A_332 = arith.xori %bitcast3A_251, %bitcast3A_265 : vector<16xi32>
    %xor3A_333 = arith.constant 466688986 : i32
    %xor3A_334 = vector.broadcast %xor3A_333 : i32 to vector<16xi32>
    %xor3A_335 = arith.xori %xor3A_332, %xor3A_334 : vector<16xi32>
    %add3A_336 = arith.addi %broadcast_in_dim3A_3, %bitcast3A_251 : vector<16xi32>
    %add3A_337 = arith.addi %iota3A, %bitcast3A_265 : vector<16xi32>
    %add3A_338 = arith.addi %add3A_336, %add3A_337 : vector<16xi32>
    %shift_left3A_339 = arith.constant 13 : i32
    %shift_left3A_340 = vector.broadcast %shift_left3A_339 : i32 to vector<16xi32>
    %shift_left3A_341 = arith.shli %add3A_337, %shift_left3A_340 : vector<16xi32>
    %shift_right_logical3A_342 = arith.constant 19 : i32
    %shift_right_logical3A_343 = vector.broadcast %shift_right_logical3A_342 : i32 to vector<16xi32>
    %shift_right_logical3A_344 = arith.shrui %add3A_337, %shift_right_logical3A_343 : vector<16xi32>
    %or3A_345 = arith.ori %shift_left3A_341, %shift_right_logical3A_344 : vector<16xi32>
    %xor3A_346 = arith.xori %or3A_345, %add3A_338 : vector<16xi32>
    %add3A_347 = arith.addi %add3A_338, %xor3A_346 : vector<16xi32>
    %shift_left3A_348 = arith.constant 15 : i32
    %shift_left3A_349 = vector.broadcast %shift_left3A_348 : i32 to vector<16xi32>
    %shift_left3A_350 = arith.shli %xor3A_346, %shift_left3A_349 : vector<16xi32>
    %shift_right_logical3A_351 = arith.constant 17 : i32
    %shift_right_logical3A_352 = vector.broadcast %shift_right_logical3A_351 : i32 to vector<16xi32>
    %shift_right_logical3A_353 = arith.shrui %xor3A_346, %shift_right_logical3A_352 : vector<16xi32>
    %or3A_354 = arith.ori %shift_left3A_350, %shift_right_logical3A_353 : vector<16xi32>
    %xor3A_355 = arith.xori %or3A_354, %add3A_347 : vector<16xi32>
    %add3A_356 = arith.addi %add3A_347, %xor3A_355 : vector<16xi32>
    %shift_left3A_357 = arith.constant 26 : i32
    %shift_left3A_358 = vector.broadcast %shift_left3A_357 : i32 to vector<16xi32>
    %shift_left3A_359 = arith.shli %xor3A_355, %shift_left3A_358 : vector<16xi32>
    %shift_right_logical3A_360 = arith.constant 6 : i32
    %shift_right_logical3A_361 = vector.broadcast %shift_right_logical3A_360 : i32 to vector<16xi32>
    %shift_right_logical3A_362 = arith.shrui %xor3A_355, %shift_right_logical3A_361 : vector<16xi32>
    %or3A_363 = arith.ori %shift_left3A_359, %shift_right_logical3A_362 : vector<16xi32>
    %xor3A_364 = arith.xori %or3A_363, %add3A_356 : vector<16xi32>
    %add3A_365 = arith.addi %add3A_356, %xor3A_364 : vector<16xi32>
    %shift_left3A_366 = arith.constant 6 : i32
    %shift_left3A_367 = vector.broadcast %shift_left3A_366 : i32 to vector<16xi32>
    %shift_left3A_368 = arith.shli %xor3A_364, %shift_left3A_367 : vector<16xi32>
    %shift_right_logical3A_369 = arith.constant 26 : i32
    %shift_right_logical3A_370 = vector.broadcast %shift_right_logical3A_369 : i32 to vector<16xi32>
    %shift_right_logical3A_371 = arith.shrui %xor3A_364, %shift_right_logical3A_370 : vector<16xi32>
    %or3A_372 = arith.ori %shift_left3A_368, %shift_right_logical3A_371 : vector<16xi32>
    %xor3A_373 = arith.xori %or3A_372, %add3A_365 : vector<16xi32>
    %add3A_374 = arith.addi %add3A_365, %bitcast3A_265 : vector<16xi32>
    %add3A_375 = arith.addi %xor3A_373, %xor3A_335 : vector<16xi32>
    %add3A_376 = arith.constant 1 : i32
    %add3A_377 = vector.broadcast %add3A_376 : i32 to vector<16xi32>
    %add3A_378 = arith.addi %add3A_375, %add3A_377 : vector<16xi32>
    %add3A_379 = arith.addi %add3A_374, %add3A_378 : vector<16xi32>
    %shift_left3A_380 = arith.constant 17 : i32
    %shift_left3A_381 = vector.broadcast %shift_left3A_380 : i32 to vector<16xi32>
    %shift_left3A_382 = arith.shli %add3A_378, %shift_left3A_381 : vector<16xi32>
    %shift_right_logical3A_383 = arith.constant 15 : i32
    %shift_right_logical3A_384 = vector.broadcast %shift_right_logical3A_383 : i32 to vector<16xi32>
    %shift_right_logical3A_385 = arith.shrui %add3A_378, %shift_right_logical3A_384 : vector<16xi32>
    %or3A_386 = arith.ori %shift_left3A_382, %shift_right_logical3A_385 : vector<16xi32>
    %xor3A_387 = arith.xori %or3A_386, %add3A_379 : vector<16xi32>
    %add3A_388 = arith.addi %add3A_379, %xor3A_387 : vector<16xi32>
    %shift_left3A_389 = arith.constant 29 : i32
    %shift_left3A_390 = vector.broadcast %shift_left3A_389 : i32 to vector<16xi32>
    %shift_left3A_391 = arith.shli %xor3A_387, %shift_left3A_390 : vector<16xi32>
    %shift_right_logical3A_392 = arith.constant 3 : i32
    %shift_right_logical3A_393 = vector.broadcast %shift_right_logical3A_392 : i32 to vector<16xi32>
    %shift_right_logical3A_394 = arith.shrui %xor3A_387, %shift_right_logical3A_393 : vector<16xi32>
    %or3A_395 = arith.ori %shift_left3A_391, %shift_right_logical3A_394 : vector<16xi32>
    %xor3A_396 = arith.xori %or3A_395, %add3A_388 : vector<16xi32>
    %add3A_397 = arith.addi %add3A_388, %xor3A_396 : vector<16xi32>
    %shift_left3A_398 = arith.constant 16 : i32
    %shift_left3A_399 = vector.broadcast %shift_left3A_398 : i32 to vector<16xi32>
    %shift_left3A_400 = arith.shli %xor3A_396, %shift_left3A_399 : vector<16xi32>
    %shift_right_logical3A_401 = arith.constant 16 : i32
    %shift_right_logical3A_402 = vector.broadcast %shift_right_logical3A_401 : i32 to vector<16xi32>
    %shift_right_logical3A_403 = arith.shrui %xor3A_396, %shift_right_logical3A_402 : vector<16xi32>
    %or3A_404 = arith.ori %shift_left3A_400, %shift_right_logical3A_403 : vector<16xi32>
    %xor3A_405 = arith.xori %or3A_404, %add3A_397 : vector<16xi32>
    %add3A_406 = arith.addi %add3A_397, %xor3A_405 : vector<16xi32>
    %shift_left3A_407 = arith.constant 24 : i32
    %shift_left3A_408 = vector.broadcast %shift_left3A_407 : i32 to vector<16xi32>
    %shift_left3A_409 = arith.shli %xor3A_405, %shift_left3A_408 : vector<16xi32>
    %shift_right_logical3A_410 = arith.constant 8 : i32
    %shift_right_logical3A_411 = vector.broadcast %shift_right_logical3A_410 : i32 to vector<16xi32>
    %shift_right_logical3A_412 = arith.shrui %xor3A_405, %shift_right_logical3A_411 : vector<16xi32>
    %or3A_413 = arith.ori %shift_left3A_409, %shift_right_logical3A_412 : vector<16xi32>
    %xor3A_414 = arith.xori %or3A_413, %add3A_406 : vector<16xi32>
    %add3A_415 = arith.addi %add3A_406, %xor3A_335 : vector<16xi32>
    %add3A_416 = arith.addi %xor3A_414, %bitcast3A_251 : vector<16xi32>
    %add3A_417 = arith.constant 2 : i32
    %add3A_418 = vector.broadcast %add3A_417 : i32 to vector<16xi32>
    %add3A_419 = arith.addi %add3A_416, %add3A_418 : vector<16xi32>
    %add3A_420 = arith.addi %add3A_415, %add3A_419 : vector<16xi32>
    %shift_left3A_421 = arith.constant 13 : i32
    %shift_left3A_422 = vector.broadcast %shift_left3A_421 : i32 to vector<16xi32>
    %shift_left3A_423 = arith.shli %add3A_419, %shift_left3A_422 : vector<16xi32>
    %shift_right_logical3A_424 = arith.constant 19 : i32
    %shift_right_logical3A_425 = vector.broadcast %shift_right_logical3A_424 : i32 to vector<16xi32>
    %shift_right_logical3A_426 = arith.shrui %add3A_419, %shift_right_logical3A_425 : vector<16xi32>
    %or3A_427 = arith.ori %shift_left3A_423, %shift_right_logical3A_426 : vector<16xi32>
    %xor3A_428 = arith.xori %or3A_427, %add3A_420 : vector<16xi32>
    %add3A_429 = arith.addi %add3A_420, %xor3A_428 : vector<16xi32>
    %shift_left3A_430 = arith.constant 15 : i32
    %shift_left3A_431 = vector.broadcast %shift_left3A_430 : i32 to vector<16xi32>
    %shift_left3A_432 = arith.shli %xor3A_428, %shift_left3A_431 : vector<16xi32>
    %shift_right_logical3A_433 = arith.constant 17 : i32
    %shift_right_logical3A_434 = vector.broadcast %shift_right_logical3A_433 : i32 to vector<16xi32>
    %shift_right_logical3A_435 = arith.shrui %xor3A_428, %shift_right_logical3A_434 : vector<16xi32>
    %or3A_436 = arith.ori %shift_left3A_432, %shift_right_logical3A_435 : vector<16xi32>
    %xor3A_437 = arith.xori %or3A_436, %add3A_429 : vector<16xi32>
    %add3A_438 = arith.addi %add3A_429, %xor3A_437 : vector<16xi32>
    %shift_left3A_439 = arith.constant 26 : i32
    %shift_left3A_440 = vector.broadcast %shift_left3A_439 : i32 to vector<16xi32>
    %shift_left3A_441 = arith.shli %xor3A_437, %shift_left3A_440 : vector<16xi32>
    %shift_right_logical3A_442 = arith.constant 6 : i32
    %shift_right_logical3A_443 = vector.broadcast %shift_right_logical3A_442 : i32 to vector<16xi32>
    %shift_right_logical3A_444 = arith.shrui %xor3A_437, %shift_right_logical3A_443 : vector<16xi32>
    %or3A_445 = arith.ori %shift_left3A_441, %shift_right_logical3A_444 : vector<16xi32>
    %xor3A_446 = arith.xori %or3A_445, %add3A_438 : vector<16xi32>
    %add3A_447 = arith.addi %add3A_438, %xor3A_446 : vector<16xi32>
    %shift_left3A_448 = arith.constant 6 : i32
    %shift_left3A_449 = vector.broadcast %shift_left3A_448 : i32 to vector<16xi32>
    %shift_left3A_450 = arith.shli %xor3A_446, %shift_left3A_449 : vector<16xi32>
    %shift_right_logical3A_451 = arith.constant 26 : i32
    %shift_right_logical3A_452 = vector.broadcast %shift_right_logical3A_451 : i32 to vector<16xi32>
    %shift_right_logical3A_453 = arith.shrui %xor3A_446, %shift_right_logical3A_452 : vector<16xi32>
    %or3A_454 = arith.ori %shift_left3A_450, %shift_right_logical3A_453 : vector<16xi32>
    %xor3A_455 = arith.xori %or3A_454, %add3A_447 : vector<16xi32>
    %add3A_456 = arith.addi %add3A_447, %bitcast3A_251 : vector<16xi32>
    %add3A_457 = arith.addi %xor3A_455, %bitcast3A_265 : vector<16xi32>
    %add3A_458 = arith.constant 3 : i32
    %add3A_459 = vector.broadcast %add3A_458 : i32 to vector<16xi32>
    %add3A_460 = arith.addi %add3A_457, %add3A_459 : vector<16xi32>
    %add3A_461 = arith.addi %add3A_456, %add3A_460 : vector<16xi32>
    %shift_left3A_462 = arith.constant 17 : i32
    %shift_left3A_463 = vector.broadcast %shift_left3A_462 : i32 to vector<16xi32>
    %shift_left3A_464 = arith.shli %add3A_460, %shift_left3A_463 : vector<16xi32>
    %shift_right_logical3A_465 = arith.constant 15 : i32
    %shift_right_logical3A_466 = vector.broadcast %shift_right_logical3A_465 : i32 to vector<16xi32>
    %shift_right_logical3A_467 = arith.shrui %add3A_460, %shift_right_logical3A_466 : vector<16xi32>
    %or3A_468 = arith.ori %shift_left3A_464, %shift_right_logical3A_467 : vector<16xi32>
    %xor3A_469 = arith.xori %or3A_468, %add3A_461 : vector<16xi32>
    %add3A_470 = arith.addi %add3A_461, %xor3A_469 : vector<16xi32>
    %shift_left3A_471 = arith.constant 29 : i32
    %shift_left3A_472 = vector.broadcast %shift_left3A_471 : i32 to vector<16xi32>
    %shift_left3A_473 = arith.shli %xor3A_469, %shift_left3A_472 : vector<16xi32>
    %shift_right_logical3A_474 = arith.constant 3 : i32
    %shift_right_logical3A_475 = vector.broadcast %shift_right_logical3A_474 : i32 to vector<16xi32>
    %shift_right_logical3A_476 = arith.shrui %xor3A_469, %shift_right_logical3A_475 : vector<16xi32>
    %or3A_477 = arith.ori %shift_left3A_473, %shift_right_logical3A_476 : vector<16xi32>
    %xor3A_478 = arith.xori %or3A_477, %add3A_470 : vector<16xi32>
    %add3A_479 = arith.addi %add3A_470, %xor3A_478 : vector<16xi32>
    %shift_left3A_480 = arith.constant 16 : i32
    %shift_left3A_481 = vector.broadcast %shift_left3A_480 : i32 to vector<16xi32>
    %shift_left3A_482 = arith.shli %xor3A_478, %shift_left3A_481 : vector<16xi32>
    %shift_right_logical3A_483 = arith.constant 16 : i32
    %shift_right_logical3A_484 = vector.broadcast %shift_right_logical3A_483 : i32 to vector<16xi32>
    %shift_right_logical3A_485 = arith.shrui %xor3A_478, %shift_right_logical3A_484 : vector<16xi32>
    %or3A_486 = arith.ori %shift_left3A_482, %shift_right_logical3A_485 : vector<16xi32>
    %xor3A_487 = arith.xori %or3A_486, %add3A_479 : vector<16xi32>
    %add3A_488 = arith.addi %add3A_479, %xor3A_487 : vector<16xi32>
    %shift_left3A_489 = arith.constant 24 : i32
    %shift_left3A_490 = vector.broadcast %shift_left3A_489 : i32 to vector<16xi32>
    %shift_left3A_491 = arith.shli %xor3A_487, %shift_left3A_490 : vector<16xi32>
    %shift_right_logical3A_492 = arith.constant 8 : i32
    %shift_right_logical3A_493 = vector.broadcast %shift_right_logical3A_492 : i32 to vector<16xi32>
    %shift_right_logical3A_494 = arith.shrui %xor3A_487, %shift_right_logical3A_493 : vector<16xi32>
    %or3A_495 = arith.ori %shift_left3A_491, %shift_right_logical3A_494 : vector<16xi32>
    %xor3A_496 = arith.xori %or3A_495, %add3A_488 : vector<16xi32>
    %add3A_497 = arith.addi %add3A_488, %bitcast3A_265 : vector<16xi32>
    %add3A_498 = arith.addi %xor3A_496, %xor3A_335 : vector<16xi32>
    %add3A_499 = arith.constant 4 : i32
    %add3A_500 = vector.broadcast %add3A_499 : i32 to vector<16xi32>
    %add3A_501 = arith.addi %add3A_498, %add3A_500 : vector<16xi32>
    %add3A_502 = arith.addi %add3A_497, %add3A_501 : vector<16xi32>
    %shift_left3A_503 = arith.constant 13 : i32
    %shift_left3A_504 = vector.broadcast %shift_left3A_503 : i32 to vector<16xi32>
    %shift_left3A_505 = arith.shli %add3A_501, %shift_left3A_504 : vector<16xi32>
    %shift_right_logical3A_506 = arith.constant 19 : i32
    %shift_right_logical3A_507 = vector.broadcast %shift_right_logical3A_506 : i32 to vector<16xi32>
    %shift_right_logical3A_508 = arith.shrui %add3A_501, %shift_right_logical3A_507 : vector<16xi32>
    %or3A_509 = arith.ori %shift_left3A_505, %shift_right_logical3A_508 : vector<16xi32>
    %xor3A_510 = arith.xori %or3A_509, %add3A_502 : vector<16xi32>
    %add3A_511 = arith.addi %add3A_502, %xor3A_510 : vector<16xi32>
    %shift_left3A_512 = arith.constant 15 : i32
    %shift_left3A_513 = vector.broadcast %shift_left3A_512 : i32 to vector<16xi32>
    %shift_left3A_514 = arith.shli %xor3A_510, %shift_left3A_513 : vector<16xi32>
    %shift_right_logical3A_515 = arith.constant 17 : i32
    %shift_right_logical3A_516 = vector.broadcast %shift_right_logical3A_515 : i32 to vector<16xi32>
    %shift_right_logical3A_517 = arith.shrui %xor3A_510, %shift_right_logical3A_516 : vector<16xi32>
    %or3A_518 = arith.ori %shift_left3A_514, %shift_right_logical3A_517 : vector<16xi32>
    %xor3A_519 = arith.xori %or3A_518, %add3A_511 : vector<16xi32>
    %add3A_520 = arith.addi %add3A_511, %xor3A_519 : vector<16xi32>
    %shift_left3A_521 = arith.constant 26 : i32
    %shift_left3A_522 = vector.broadcast %shift_left3A_521 : i32 to vector<16xi32>
    %shift_left3A_523 = arith.shli %xor3A_519, %shift_left3A_522 : vector<16xi32>
    %shift_right_logical3A_524 = arith.constant 6 : i32
    %shift_right_logical3A_525 = vector.broadcast %shift_right_logical3A_524 : i32 to vector<16xi32>
    %shift_right_logical3A_526 = arith.shrui %xor3A_519, %shift_right_logical3A_525 : vector<16xi32>
    %or3A_527 = arith.ori %shift_left3A_523, %shift_right_logical3A_526 : vector<16xi32>
    %xor3A_528 = arith.xori %or3A_527, %add3A_520 : vector<16xi32>
    %add3A_529 = arith.addi %add3A_520, %xor3A_528 : vector<16xi32>
    %shift_left3A_530 = arith.constant 6 : i32
    %shift_left3A_531 = vector.broadcast %shift_left3A_530 : i32 to vector<16xi32>
    %shift_left3A_532 = arith.shli %xor3A_528, %shift_left3A_531 : vector<16xi32>
    %shift_right_logical3A_533 = arith.constant 26 : i32
    %shift_right_logical3A_534 = vector.broadcast %shift_right_logical3A_533 : i32 to vector<16xi32>
    %shift_right_logical3A_535 = arith.shrui %xor3A_528, %shift_right_logical3A_534 : vector<16xi32>
    %or3A_536 = arith.ori %shift_left3A_532, %shift_right_logical3A_535 : vector<16xi32>
    %xor3A_537 = arith.xori %or3A_536, %add3A_529 : vector<16xi32>
    %add3A_538 = arith.addi %add3A_529, %xor3A_335 : vector<16xi32>
    %add3A_539 = arith.addi %xor3A_537, %bitcast3A_251 : vector<16xi32>
    %add3A_540 = arith.constant 5 : i32
    %add3A_541 = vector.broadcast %add3A_540 : i32 to vector<16xi32>
    %add3A_542 = arith.addi %add3A_539, %add3A_541 : vector<16xi32>
    %broadcast_in_dim3A_543 = arith.constant 0 : i32
    %broadcast_in_dim3A_544 = vector.broadcast %broadcast_in_dim3A_543 : i32 to vector<16xi32>
    %bitcast3A_545 = vector.bitcast %add3A_538 : vector<16xi32> to vector<16xi32>
    %lt3A_546 = arith.constant 0 : i32
    %lt3A_547 = vector.broadcast %lt3A_546 : i32 to vector<16xi32>
    %lt3A_548 = arith.cmpi slt, %broadcast_in_dim3A_544, %lt3A_547 : vector<16xi32>
    %add3A_549 = arith.constant 16 : i32
    %add3A_550 = vector.broadcast %add3A_549 : i32 to vector<16xi32>
    %add3A_551 = arith.addi %broadcast_in_dim3A_544, %add3A_550 : vector<16xi32>
    %select_n3A_552 = arith.select %lt3A_548, %add3A_551, %broadcast_in_dim3A_544 : vector<16xi1>, vector<16xi32>
    %broadcast_in_dim3A_553 = vector.shape_cast %select_n3A_552 : vector<16xi32> to vector<16x1xi32>
    %gather3A_554 = vector.shape_cast %broadcast_in_dim3A_553 : vector<16x1xi32> to vector<16xi32>
    %gather3A_555 = tpu.dynamic_gather %bitcast3A_545[%gather3A_554] in [0] : vector<16xi32>, vector<16xi32> -> vector<16xi32>
    %bitcast3A_556 = vector.bitcast %gather3A_555 : vector<16xi32> to vector<16xi32>
    %broadcast_in_dim3A_557 = arith.constant 0 : i32
    %broadcast_in_dim3A_558 = vector.broadcast %broadcast_in_dim3A_557 : i32 to vector<16xi32>
    %bitcast3A_559 = vector.bitcast %add3A_542 : vector<16xi32> to vector<16xi32>
    %lt3A_560 = arith.constant 0 : i32
    %lt3A_561 = vector.broadcast %lt3A_560 : i32 to vector<16xi32>
    %lt3A_562 = arith.cmpi slt, %broadcast_in_dim3A_558, %lt3A_561 : vector<16xi32>
    %add3A_563 = arith.constant 16 : i32
    %add3A_564 = vector.broadcast %add3A_563 : i32 to vector<16xi32>
    %add3A_565 = arith.addi %broadcast_in_dim3A_558, %add3A_564 : vector<16xi32>
    %select_n3A_566 = arith.select %lt3A_562, %add3A_565, %broadcast_in_dim3A_558 : vector<16xi1>, vector<16xi32>
    %broadcast_in_dim3A_567 = vector.shape_cast %select_n3A_566 : vector<16xi32> to vector<16x1xi32>
    %gather3A_568 = vector.shape_cast %broadcast_in_dim3A_567 : vector<16x1xi32> to vector<16xi32>
    %gather3A_569 = tpu.dynamic_gather %bitcast3A_559[%gather3A_568] in [0] : vector<16xi32>, vector<16xi32> -> vector<16xi32>
    %bitcast3A_570 = vector.bitcast %gather3A_569 : vector<16xi32> to vector<16xi32>
    %broadcast_in_dim3A_571 = arith.constant 1 : i32
    %broadcast_in_dim3A_572 = vector.broadcast %broadcast_in_dim3A_571 : i32 to vector<16xi32>
    %bitcast3A_573 = vector.bitcast %add3A_538 : vector<16xi32> to vector<16xi32>
    %lt3A_574 = arith.constant 0 : i32
    %lt3A_575 = vector.broadcast %lt3A_574 : i32 to vector<16xi32>
    %lt3A_576 = arith.cmpi slt, %broadcast_in_dim3A_572, %lt3A_575 : vector<16xi32>
    %add3A_577 = arith.constant 16 : i32
    %add3A_578 = vector.broadcast %add3A_577 : i32 to vector<16xi32>
    %add3A_579 = arith.addi %broadcast_in_dim3A_572, %add3A_578 : vector<16xi32>
    %select_n3A_580 = arith.select %lt3A_576, %add3A_579, %broadcast_in_dim3A_572 : vector<16xi1>, vector<16xi32>
    %broadcast_in_dim3A_581 = vector.shape_cast %select_n3A_580 : vector<16xi32> to vector<16x1xi32>
    %gather3A_582 = vector.shape_cast %broadcast_in_dim3A_581 : vector<16x1xi32> to vector<16xi32>
    %gather3A_583 = tpu.dynamic_gather %bitcast3A_573[%gather3A_582] in [0] : vector<16xi32>, vector<16xi32> -> vector<16xi32>
    %bitcast3A_584 = vector.bitcast %gather3A_583 : vector<16xi32> to vector<16xi32>
    %broadcast_in_dim3A_585 = arith.constant 1 : i32
    %broadcast_in_dim3A_586 = vector.broadcast %broadcast_in_dim3A_585 : i32 to vector<16xi32>
    %bitcast3A_587 = vector.bitcast %add3A_542 : vector<16xi32> to vector<16xi32>
    %lt3A_588 = arith.constant 0 : i32
    %lt3A_589 = vector.broadcast %lt3A_588 : i32 to vector<16xi32>
    %lt3A_590 = arith.cmpi slt, %broadcast_in_dim3A_586, %lt3A_589 : vector<16xi32>
    %add3A_591 = arith.constant 16 : i32
    %add3A_592 = vector.broadcast %add3A_591 : i32 to vector<16xi32>
    %add3A_593 = arith.addi %broadcast_in_dim3A_586, %add3A_592 : vector<16xi32>
    %select_n3A_594 = arith.select %lt3A_590, %add3A_593, %broadcast_in_dim3A_586 : vector<16xi1>, vector<16xi32>
    %broadcast_in_dim3A_595 = vector.shape_cast %select_n3A_594 : vector<16xi32> to vector<16x1xi32>
    %gather3A_596 = vector.shape_cast %broadcast_in_dim3A_595 : vector<16x1xi32> to vector<16xi32>
    %gather3A_597 = tpu.dynamic_gather %bitcast3A_587[%gather3A_596] in [0] : vector<16xi32>, vector<16xi32> -> vector<16xi32>
    %bitcast3A_598 = vector.bitcast %gather3A_597 : vector<16xi32> to vector<16xi32>
    %xor3A_599 = arith.xori %bitcast3A_279, %bitcast3A_293 : vector<16xi32>
    %xor3A_600 = arith.constant 466688986 : i32
    %xor3A_601 = vector.broadcast %xor3A_600 : i32 to vector<16xi32>
    %xor3A_602 = arith.xori %xor3A_599, %xor3A_601 : vector<16xi32>
    %add3A_603 = arith.addi %broadcast_in_dim3A_3, %bitcast3A_279 : vector<16xi32>
    %add3A_604 = arith.addi %iota3A, %bitcast3A_293 : vector<16xi32>
    %add3A_605 = arith.addi %add3A_603, %add3A_604 : vector<16xi32>
    %shift_left3A_606 = arith.constant 13 : i32
    %shift_left3A_607 = vector.broadcast %shift_left3A_606 : i32 to vector<16xi32>
    %shift_left3A_608 = arith.shli %add3A_604, %shift_left3A_607 : vector<16xi32>
    %shift_right_logical3A_609 = arith.constant 19 : i32
    %shift_right_logical3A_610 = vector.broadcast %shift_right_logical3A_609 : i32 to vector<16xi32>
    %shift_right_logical3A_611 = arith.shrui %add3A_604, %shift_right_logical3A_610 : vector<16xi32>
    %or3A_612 = arith.ori %shift_left3A_608, %shift_right_logical3A_611 : vector<16xi32>
    %xor3A_613 = arith.xori %or3A_612, %add3A_605 : vector<16xi32>
    %add3A_614 = arith.addi %add3A_605, %xor3A_613 : vector<16xi32>
    %shift_left3A_615 = arith.constant 15 : i32
    %shift_left3A_616 = vector.broadcast %shift_left3A_615 : i32 to vector<16xi32>
    %shift_left3A_617 = arith.shli %xor3A_613, %shift_left3A_616 : vector<16xi32>
    %shift_right_logical3A_618 = arith.constant 17 : i32
    %shift_right_logical3A_619 = vector.broadcast %shift_right_logical3A_618 : i32 to vector<16xi32>
    %shift_right_logical3A_620 = arith.shrui %xor3A_613, %shift_right_logical3A_619 : vector<16xi32>
    %or3A_621 = arith.ori %shift_left3A_617, %shift_right_logical3A_620 : vector<16xi32>
    %xor3A_622 = arith.xori %or3A_621, %add3A_614 : vector<16xi32>
    %add3A_623 = arith.addi %add3A_614, %xor3A_622 : vector<16xi32>
    %shift_left3A_624 = arith.constant 26 : i32
    %shift_left3A_625 = vector.broadcast %shift_left3A_624 : i32 to vector<16xi32>
    %shift_left3A_626 = arith.shli %xor3A_622, %shift_left3A_625 : vector<16xi32>
    %shift_right_logical3A_627 = arith.constant 6 : i32
    %shift_right_logical3A_628 = vector.broadcast %shift_right_logical3A_627 : i32 to vector<16xi32>
    %shift_right_logical3A_629 = arith.shrui %xor3A_622, %shift_right_logical3A_628 : vector<16xi32>
    %or3A_630 = arith.ori %shift_left3A_626, %shift_right_logical3A_629 : vector<16xi32>
    %xor3A_631 = arith.xori %or3A_630, %add3A_623 : vector<16xi32>
    %add3A_632 = arith.addi %add3A_623, %xor3A_631 : vector<16xi32>
    %shift_left3A_633 = arith.constant 6 : i32
    %shift_left3A_634 = vector.broadcast %shift_left3A_633 : i32 to vector<16xi32>
    %shift_left3A_635 = arith.shli %xor3A_631, %shift_left3A_634 : vector<16xi32>
    %shift_right_logical3A_636 = arith.constant 26 : i32
    %shift_right_logical3A_637 = vector.broadcast %shift_right_logical3A_636 : i32 to vector<16xi32>
    %shift_right_logical3A_638 = arith.shrui %xor3A_631, %shift_right_logical3A_637 : vector<16xi32>
    %or3A_639 = arith.ori %shift_left3A_635, %shift_right_logical3A_638 : vector<16xi32>
    %xor3A_640 = arith.xori %or3A_639, %add3A_632 : vector<16xi32>
    %add3A_641 = arith.addi %add3A_632, %bitcast3A_293 : vector<16xi32>
    %add3A_642 = arith.addi %xor3A_640, %xor3A_602 : vector<16xi32>
    %add3A_643 = arith.constant 1 : i32
    %add3A_644 = vector.broadcast %add3A_643 : i32 to vector<16xi32>
    %add3A_645 = arith.addi %add3A_642, %add3A_644 : vector<16xi32>
    %add3A_646 = arith.addi %add3A_641, %add3A_645 : vector<16xi32>
    %shift_left3A_647 = arith.constant 17 : i32
    %shift_left3A_648 = vector.broadcast %shift_left3A_647 : i32 to vector<16xi32>
    %shift_left3A_649 = arith.shli %add3A_645, %shift_left3A_648 : vector<16xi32>
    %shift_right_logical3A_650 = arith.constant 15 : i32
    %shift_right_logical3A_651 = vector.broadcast %shift_right_logical3A_650 : i32 to vector<16xi32>
    %shift_right_logical3A_652 = arith.shrui %add3A_645, %shift_right_logical3A_651 : vector<16xi32>
    %or3A_653 = arith.ori %shift_left3A_649, %shift_right_logical3A_652 : vector<16xi32>
    %xor3A_654 = arith.xori %or3A_653, %add3A_646 : vector<16xi32>
    %add3A_655 = arith.addi %add3A_646, %xor3A_654 : vector<16xi32>
    %shift_left3A_656 = arith.constant 29 : i32
    %shift_left3A_657 = vector.broadcast %shift_left3A_656 : i32 to vector<16xi32>
    %shift_left3A_658 = arith.shli %xor3A_654, %shift_left3A_657 : vector<16xi32>
    %shift_right_logical3A_659 = arith.constant 3 : i32
    %shift_right_logical3A_660 = vector.broadcast %shift_right_logical3A_659 : i32 to vector<16xi32>
    %shift_right_logical3A_661 = arith.shrui %xor3A_654, %shift_right_logical3A_660 : vector<16xi32>
    %or3A_662 = arith.ori %shift_left3A_658, %shift_right_logical3A_661 : vector<16xi32>
    %xor3A_663 = arith.xori %or3A_662, %add3A_655 : vector<16xi32>
    %add3A_664 = arith.addi %add3A_655, %xor3A_663 : vector<16xi32>
    %shift_left3A_665 = arith.constant 16 : i32
    %shift_left3A_666 = vector.broadcast %shift_left3A_665 : i32 to vector<16xi32>
    %shift_left3A_667 = arith.shli %xor3A_663, %shift_left3A_666 : vector<16xi32>
    %shift_right_logical3A_668 = arith.constant 16 : i32
    %shift_right_logical3A_669 = vector.broadcast %shift_right_logical3A_668 : i32 to vector<16xi32>
    %shift_right_logical3A_670 = arith.shrui %xor3A_663, %shift_right_logical3A_669 : vector<16xi32>
    %or3A_671 = arith.ori %shift_left3A_667, %shift_right_logical3A_670 : vector<16xi32>
    %xor3A_672 = arith.xori %or3A_671, %add3A_664 : vector<16xi32>
    %add3A_673 = arith.addi %add3A_664, %xor3A_672 : vector<16xi32>
    %shift_left3A_674 = arith.constant 24 : i32
    %shift_left3A_675 = vector.broadcast %shift_left3A_674 : i32 to vector<16xi32>
    %shift_left3A_676 = arith.shli %xor3A_672, %shift_left3A_675 : vector<16xi32>
    %shift_right_logical3A_677 = arith.constant 8 : i32
    %shift_right_logical3A_678 = vector.broadcast %shift_right_logical3A_677 : i32 to vector<16xi32>
    %shift_right_logical3A_679 = arith.shrui %xor3A_672, %shift_right_logical3A_678 : vector<16xi32>
    %or3A_680 = arith.ori %shift_left3A_676, %shift_right_logical3A_679 : vector<16xi32>
    %xor3A_681 = arith.xori %or3A_680, %add3A_673 : vector<16xi32>
    %add3A_682 = arith.addi %add3A_673, %xor3A_602 : vector<16xi32>
    %add3A_683 = arith.addi %xor3A_681, %bitcast3A_279 : vector<16xi32>
    %add3A_684 = arith.constant 2 : i32
    %add3A_685 = vector.broadcast %add3A_684 : i32 to vector<16xi32>
    %add3A_686 = arith.addi %add3A_683, %add3A_685 : vector<16xi32>
    %add3A_687 = arith.addi %add3A_682, %add3A_686 : vector<16xi32>
    %shift_left3A_688 = arith.constant 13 : i32
    %shift_left3A_689 = vector.broadcast %shift_left3A_688 : i32 to vector<16xi32>
    %shift_left3A_690 = arith.shli %add3A_686, %shift_left3A_689 : vector<16xi32>
    %shift_right_logical3A_691 = arith.constant 19 : i32
    %shift_right_logical3A_692 = vector.broadcast %shift_right_logical3A_691 : i32 to vector<16xi32>
    %shift_right_logical3A_693 = arith.shrui %add3A_686, %shift_right_logical3A_692 : vector<16xi32>
    %or3A_694 = arith.ori %shift_left3A_690, %shift_right_logical3A_693 : vector<16xi32>
    %xor3A_695 = arith.xori %or3A_694, %add3A_687 : vector<16xi32>
    %add3A_696 = arith.addi %add3A_687, %xor3A_695 : vector<16xi32>
    %shift_left3A_697 = arith.constant 15 : i32
    %shift_left3A_698 = vector.broadcast %shift_left3A_697 : i32 to vector<16xi32>
    %shift_left3A_699 = arith.shli %xor3A_695, %shift_left3A_698 : vector<16xi32>
    %shift_right_logical3A_700 = arith.constant 17 : i32
    %shift_right_logical3A_701 = vector.broadcast %shift_right_logical3A_700 : i32 to vector<16xi32>
    %shift_right_logical3A_702 = arith.shrui %xor3A_695, %shift_right_logical3A_701 : vector<16xi32>
    %or3A_703 = arith.ori %shift_left3A_699, %shift_right_logical3A_702 : vector<16xi32>
    %xor3A_704 = arith.xori %or3A_703, %add3A_696 : vector<16xi32>
    %add3A_705 = arith.addi %add3A_696, %xor3A_704 : vector<16xi32>
    %shift_left3A_706 = arith.constant 26 : i32
    %shift_left3A_707 = vector.broadcast %shift_left3A_706 : i32 to vector<16xi32>
    %shift_left3A_708 = arith.shli %xor3A_704, %shift_left3A_707 : vector<16xi32>
    %shift_right_logical3A_709 = arith.constant 6 : i32
    %shift_right_logical3A_710 = vector.broadcast %shift_right_logical3A_709 : i32 to vector<16xi32>
    %shift_right_logical3A_711 = arith.shrui %xor3A_704, %shift_right_logical3A_710 : vector<16xi32>
    %or3A_712 = arith.ori %shift_left3A_708, %shift_right_logical3A_711 : vector<16xi32>
    %xor3A_713 = arith.xori %or3A_712, %add3A_705 : vector<16xi32>
    %add3A_714 = arith.addi %add3A_705, %xor3A_713 : vector<16xi32>
    %shift_left3A_715 = arith.constant 6 : i32
    %shift_left3A_716 = vector.broadcast %shift_left3A_715 : i32 to vector<16xi32>
    %shift_left3A_717 = arith.shli %xor3A_713, %shift_left3A_716 : vector<16xi32>
    %shift_right_logical3A_718 = arith.constant 26 : i32
    %shift_right_logical3A_719 = vector.broadcast %shift_right_logical3A_718 : i32 to vector<16xi32>
    %shift_right_logical3A_720 = arith.shrui %xor3A_713, %shift_right_logical3A_719 : vector<16xi32>
    %or3A_721 = arith.ori %shift_left3A_717, %shift_right_logical3A_720 : vector<16xi32>
    %xor3A_722 = arith.xori %or3A_721, %add3A_714 : vector<16xi32>
    %add3A_723 = arith.addi %add3A_714, %bitcast3A_279 : vector<16xi32>
    %add3A_724 = arith.addi %xor3A_722, %bitcast3A_293 : vector<16xi32>
    %add3A_725 = arith.constant 3 : i32
    %add3A_726 = vector.broadcast %add3A_725 : i32 to vector<16xi32>
    %add3A_727 = arith.addi %add3A_724, %add3A_726 : vector<16xi32>
    %add3A_728 = arith.addi %add3A_723, %add3A_727 : vector<16xi32>
    %shift_left3A_729 = arith.constant 17 : i32
    %shift_left3A_730 = vector.broadcast %shift_left3A_729 : i32 to vector<16xi32>
    %shift_left3A_731 = arith.shli %add3A_727, %shift_left3A_730 : vector<16xi32>
    %shift_right_logical3A_732 = arith.constant 15 : i32
    %shift_right_logical3A_733 = vector.broadcast %shift_right_logical3A_732 : i32 to vector<16xi32>
    %shift_right_logical3A_734 = arith.shrui %add3A_727, %shift_right_logical3A_733 : vector<16xi32>
    %or3A_735 = arith.ori %shift_left3A_731, %shift_right_logical3A_734 : vector<16xi32>
    %xor3A_736 = arith.xori %or3A_735, %add3A_728 : vector<16xi32>
    %add3A_737 = arith.addi %add3A_728, %xor3A_736 : vector<16xi32>
    %shift_left3A_738 = arith.constant 29 : i32
    %shift_left3A_739 = vector.broadcast %shift_left3A_738 : i32 to vector<16xi32>
    %shift_left3A_740 = arith.shli %xor3A_736, %shift_left3A_739 : vector<16xi32>
    %shift_right_logical3A_741 = arith.constant 3 : i32
    %shift_right_logical3A_742 = vector.broadcast %shift_right_logical3A_741 : i32 to vector<16xi32>
    %shift_right_logical3A_743 = arith.shrui %xor3A_736, %shift_right_logical3A_742 : vector<16xi32>
    %or3A_744 = arith.ori %shift_left3A_740, %shift_right_logical3A_743 : vector<16xi32>
    %xor3A_745 = arith.xori %or3A_744, %add3A_737 : vector<16xi32>
    %add3A_746 = arith.addi %add3A_737, %xor3A_745 : vector<16xi32>
    %shift_left3A_747 = arith.constant 16 : i32
    %shift_left3A_748 = vector.broadcast %shift_left3A_747 : i32 to vector<16xi32>
    %shift_left3A_749 = arith.shli %xor3A_745, %shift_left3A_748 : vector<16xi32>
    %shift_right_logical3A_750 = arith.constant 16 : i32
    %shift_right_logical3A_751 = vector.broadcast %shift_right_logical3A_750 : i32 to vector<16xi32>
    %shift_right_logical3A_752 = arith.shrui %xor3A_745, %shift_right_logical3A_751 : vector<16xi32>
    %or3A_753 = arith.ori %shift_left3A_749, %shift_right_logical3A_752 : vector<16xi32>
    %xor3A_754 = arith.xori %or3A_753, %add3A_746 : vector<16xi32>
    %add3A_755 = arith.addi %add3A_746, %xor3A_754 : vector<16xi32>
    %shift_left3A_756 = arith.constant 24 : i32
    %shift_left3A_757 = vector.broadcast %shift_left3A_756 : i32 to vector<16xi32>
    %shift_left3A_758 = arith.shli %xor3A_754, %shift_left3A_757 : vector<16xi32>
    %shift_right_logical3A_759 = arith.constant 8 : i32
    %shift_right_logical3A_760 = vector.broadcast %shift_right_logical3A_759 : i32 to vector<16xi32>
    %shift_right_logical3A_761 = arith.shrui %xor3A_754, %shift_right_logical3A_760 : vector<16xi32>
    %or3A_762 = arith.ori %shift_left3A_758, %shift_right_logical3A_761 : vector<16xi32>
    %xor3A_763 = arith.xori %or3A_762, %add3A_755 : vector<16xi32>
    %add3A_764 = arith.addi %add3A_755, %bitcast3A_293 : vector<16xi32>
    %add3A_765 = arith.addi %xor3A_763, %xor3A_602 : vector<16xi32>
    %add3A_766 = arith.constant 4 : i32
    %add3A_767 = vector.broadcast %add3A_766 : i32 to vector<16xi32>
    %add3A_768 = arith.addi %add3A_765, %add3A_767 : vector<16xi32>
    %add3A_769 = arith.addi %add3A_764, %add3A_768 : vector<16xi32>
    %shift_left3A_770 = arith.constant 13 : i32
    %shift_left3A_771 = vector.broadcast %shift_left3A_770 : i32 to vector<16xi32>
    %shift_left3A_772 = arith.shli %add3A_768, %shift_left3A_771 : vector<16xi32>
    %shift_right_logical3A_773 = arith.constant 19 : i32
    %shift_right_logical3A_774 = vector.broadcast %shift_right_logical3A_773 : i32 to vector<16xi32>
    %shift_right_logical3A_775 = arith.shrui %add3A_768, %shift_right_logical3A_774 : vector<16xi32>
    %or3A_776 = arith.ori %shift_left3A_772, %shift_right_logical3A_775 : vector<16xi32>
    %xor3A_777 = arith.xori %or3A_776, %add3A_769 : vector<16xi32>
    %add3A_778 = arith.addi %add3A_769, %xor3A_777 : vector<16xi32>
    %shift_left3A_779 = arith.constant 15 : i32
    %shift_left3A_780 = vector.broadcast %shift_left3A_779 : i32 to vector<16xi32>
    %shift_left3A_781 = arith.shli %xor3A_777, %shift_left3A_780 : vector<16xi32>
    %shift_right_logical3A_782 = arith.constant 17 : i32
    %shift_right_logical3A_783 = vector.broadcast %shift_right_logical3A_782 : i32 to vector<16xi32>
    %shift_right_logical3A_784 = arith.shrui %xor3A_777, %shift_right_logical3A_783 : vector<16xi32>
    %or3A_785 = arith.ori %shift_left3A_781, %shift_right_logical3A_784 : vector<16xi32>
    %xor3A_786 = arith.xori %or3A_785, %add3A_778 : vector<16xi32>
    %add3A_787 = arith.addi %add3A_778, %xor3A_786 : vector<16xi32>
    %shift_left3A_788 = arith.constant 26 : i32
    %shift_left3A_789 = vector.broadcast %shift_left3A_788 : i32 to vector<16xi32>
    %shift_left3A_790 = arith.shli %xor3A_786, %shift_left3A_789 : vector<16xi32>
    %shift_right_logical3A_791 = arith.constant 6 : i32
    %shift_right_logical3A_792 = vector.broadcast %shift_right_logical3A_791 : i32 to vector<16xi32>
    %shift_right_logical3A_793 = arith.shrui %xor3A_786, %shift_right_logical3A_792 : vector<16xi32>
    %or3A_794 = arith.ori %shift_left3A_790, %shift_right_logical3A_793 : vector<16xi32>
    %xor3A_795 = arith.xori %or3A_794, %add3A_787 : vector<16xi32>
    %add3A_796 = arith.addi %add3A_787, %xor3A_795 : vector<16xi32>
    %shift_left3A_797 = arith.constant 6 : i32
    %shift_left3A_798 = vector.broadcast %shift_left3A_797 : i32 to vector<16xi32>
    %shift_left3A_799 = arith.shli %xor3A_795, %shift_left3A_798 : vector<16xi32>
    %shift_right_logical3A_800 = arith.constant 26 : i32
    %shift_right_logical3A_801 = vector.broadcast %shift_right_logical3A_800 : i32 to vector<16xi32>
    %shift_right_logical3A_802 = arith.shrui %xor3A_795, %shift_right_logical3A_801 : vector<16xi32>
    %or3A_803 = arith.ori %shift_left3A_799, %shift_right_logical3A_802 : vector<16xi32>
    %xor3A_804 = arith.xori %or3A_803, %add3A_796 : vector<16xi32>
    %add3A_805 = arith.addi %add3A_796, %xor3A_602 : vector<16xi32>
    %add3A_806 = arith.addi %xor3A_804, %bitcast3A_279 : vector<16xi32>
    %add3A_807 = arith.constant 5 : i32
    %add3A_808 = vector.broadcast %add3A_807 : i32 to vector<16xi32>
    %add3A_809 = arith.addi %add3A_806, %add3A_808 : vector<16xi32>
    %broadcast_in_dim3A_810 = arith.constant 1 : i32
    %broadcast_in_dim3A_811 = vector.broadcast %broadcast_in_dim3A_810 : i32 to vector<16xi32>
    %bitcast3A_812 = vector.bitcast %add3A_805 : vector<16xi32> to vector<16xi32>
    %lt3A_813 = arith.constant 0 : i32
    %lt3A_814 = vector.broadcast %lt3A_813 : i32 to vector<16xi32>
    %lt3A_815 = arith.cmpi slt, %broadcast_in_dim3A_811, %lt3A_814 : vector<16xi32>
    %add3A_816 = arith.constant 16 : i32
    %add3A_817 = vector.broadcast %add3A_816 : i32 to vector<16xi32>
    %add3A_818 = arith.addi %broadcast_in_dim3A_811, %add3A_817 : vector<16xi32>
    %select_n3A_819 = arith.select %lt3A_815, %add3A_818, %broadcast_in_dim3A_811 : vector<16xi1>, vector<16xi32>
    %broadcast_in_dim3A_820 = vector.shape_cast %select_n3A_819 : vector<16xi32> to vector<16x1xi32>
    %gather3A_821 = vector.shape_cast %broadcast_in_dim3A_820 : vector<16x1xi32> to vector<16xi32>
    %gather3A_822 = tpu.dynamic_gather %bitcast3A_812[%gather3A_821] in [0] : vector<16xi32>, vector<16xi32> -> vector<16xi32>
    %bitcast3A_823 = vector.bitcast %gather3A_822 : vector<16xi32> to vector<16xi32>
    %broadcast_in_dim3A_824 = arith.constant 1 : i32
    %broadcast_in_dim3A_825 = vector.broadcast %broadcast_in_dim3A_824 : i32 to vector<16xi32>
    %bitcast3A_826 = vector.bitcast %add3A_809 : vector<16xi32> to vector<16xi32>
    %lt3A_827 = arith.constant 0 : i32
    %lt3A_828 = vector.broadcast %lt3A_827 : i32 to vector<16xi32>
    %lt3A_829 = arith.cmpi slt, %broadcast_in_dim3A_825, %lt3A_828 : vector<16xi32>
    %add3A_830 = arith.constant 16 : i32
    %add3A_831 = vector.broadcast %add3A_830 : i32 to vector<16xi32>
    %add3A_832 = arith.addi %broadcast_in_dim3A_825, %add3A_831 : vector<16xi32>
    %select_n3A_833 = arith.select %lt3A_829, %add3A_832, %broadcast_in_dim3A_825 : vector<16xi1>, vector<16xi32>
    %broadcast_in_dim3A_834 = vector.shape_cast %select_n3A_833 : vector<16xi32> to vector<16x1xi32>
    %gather3A_835 = vector.shape_cast %broadcast_in_dim3A_834 : vector<16x1xi32> to vector<16xi32>
    %gather3A_836 = tpu.dynamic_gather %bitcast3A_826[%gather3A_835] in [0] : vector<16xi32>, vector<16xi32> -> vector<16xi32>
    %bitcast3A_837 = vector.bitcast %gather3A_836 : vector<16xi32> to vector<16xi32>
    %mul3A_838 = arith.constant 2 : i32
    %mul3A_839 = arith.muli %mul3A_838, %add3A : i32
    %broadcast_in_dim3A_840 = vector.broadcast %mul3A_839 : i32 to vector<16xi32>
    %add3A_841 = arith.addi %broadcast_in_dim3A_840, %iota3A : vector<16xi32>
    %xor3A_842 = arith.xori %bitcast3A_556, %bitcast3A_570 : vector<16xi32>
    %xor3A_843 = arith.constant 466688986 : i32
    %xor3A_844 = vector.broadcast %xor3A_843 : i32 to vector<16xi32>
    %xor3A_845 = arith.xori %xor3A_842, %xor3A_844 : vector<16xi32>
    %add3A_846 = arith.addi %broadcast_in_dim3A_3, %bitcast3A_556 : vector<16xi32>
    %add3A_847 = arith.addi %add3A_841, %bitcast3A_570 : vector<16xi32>
    %add3A_848 = arith.addi %add3A_846, %add3A_847 : vector<16xi32>
    %shift_left3A_849 = arith.constant 13 : i32
    %shift_left3A_850 = vector.broadcast %shift_left3A_849 : i32 to vector<16xi32>
    %shift_left3A_851 = arith.shli %add3A_847, %shift_left3A_850 : vector<16xi32>
    %shift_right_logical3A_852 = arith.constant 19 : i32
    %shift_right_logical3A_853 = vector.broadcast %shift_right_logical3A_852 : i32 to vector<16xi32>
    %shift_right_logical3A_854 = arith.shrui %add3A_847, %shift_right_logical3A_853 : vector<16xi32>
    %or3A_855 = arith.ori %shift_left3A_851, %shift_right_logical3A_854 : vector<16xi32>
    %xor3A_856 = arith.xori %or3A_855, %add3A_848 : vector<16xi32>
    %add3A_857 = arith.addi %add3A_848, %xor3A_856 : vector<16xi32>
    %shift_left3A_858 = arith.constant 15 : i32
    %shift_left3A_859 = vector.broadcast %shift_left3A_858 : i32 to vector<16xi32>
    %shift_left3A_860 = arith.shli %xor3A_856, %shift_left3A_859 : vector<16xi32>
    %shift_right_logical3A_861 = arith.constant 17 : i32
    %shift_right_logical3A_862 = vector.broadcast %shift_right_logical3A_861 : i32 to vector<16xi32>
    %shift_right_logical3A_863 = arith.shrui %xor3A_856, %shift_right_logical3A_862 : vector<16xi32>
    %or3A_864 = arith.ori %shift_left3A_860, %shift_right_logical3A_863 : vector<16xi32>
    %xor3A_865 = arith.xori %or3A_864, %add3A_857 : vector<16xi32>
    %add3A_866 = arith.addi %add3A_857, %xor3A_865 : vector<16xi32>
    %shift_left3A_867 = arith.constant 26 : i32
    %shift_left3A_868 = vector.broadcast %shift_left3A_867 : i32 to vector<16xi32>
    %shift_left3A_869 = arith.shli %xor3A_865, %shift_left3A_868 : vector<16xi32>
    %shift_right_logical3A_870 = arith.constant 6 : i32
    %shift_right_logical3A_871 = vector.broadcast %shift_right_logical3A_870 : i32 to vector<16xi32>
    %shift_right_logical3A_872 = arith.shrui %xor3A_865, %shift_right_logical3A_871 : vector<16xi32>
    %or3A_873 = arith.ori %shift_left3A_869, %shift_right_logical3A_872 : vector<16xi32>
    %xor3A_874 = arith.xori %or3A_873, %add3A_866 : vector<16xi32>
    %add3A_875 = arith.addi %add3A_866, %xor3A_874 : vector<16xi32>
    %shift_left3A_876 = arith.constant 6 : i32
    %shift_left3A_877 = vector.broadcast %shift_left3A_876 : i32 to vector<16xi32>
    %shift_left3A_878 = arith.shli %xor3A_874, %shift_left3A_877 : vector<16xi32>
    %shift_right_logical3A_879 = arith.constant 26 : i32
    %shift_right_logical3A_880 = vector.broadcast %shift_right_logical3A_879 : i32 to vector<16xi32>
    %shift_right_logical3A_881 = arith.shrui %xor3A_874, %shift_right_logical3A_880 : vector<16xi32>
    %or3A_882 = arith.ori %shift_left3A_878, %shift_right_logical3A_881 : vector<16xi32>
    %xor3A_883 = arith.xori %or3A_882, %add3A_875 : vector<16xi32>
    %add3A_884 = arith.addi %add3A_875, %bitcast3A_570 : vector<16xi32>
    %add3A_885 = arith.addi %xor3A_883, %xor3A_845 : vector<16xi32>
    %add3A_886 = arith.constant 1 : i32
    %add3A_887 = vector.broadcast %add3A_886 : i32 to vector<16xi32>
    %add3A_888 = arith.addi %add3A_885, %add3A_887 : vector<16xi32>
    %add3A_889 = arith.addi %add3A_884, %add3A_888 : vector<16xi32>
    %shift_left3A_890 = arith.constant 17 : i32
    %shift_left3A_891 = vector.broadcast %shift_left3A_890 : i32 to vector<16xi32>
    %shift_left3A_892 = arith.shli %add3A_888, %shift_left3A_891 : vector<16xi32>
    %shift_right_logical3A_893 = arith.constant 15 : i32
    %shift_right_logical3A_894 = vector.broadcast %shift_right_logical3A_893 : i32 to vector<16xi32>
    %shift_right_logical3A_895 = arith.shrui %add3A_888, %shift_right_logical3A_894 : vector<16xi32>
    %or3A_896 = arith.ori %shift_left3A_892, %shift_right_logical3A_895 : vector<16xi32>
    %xor3A_897 = arith.xori %or3A_896, %add3A_889 : vector<16xi32>
    %add3A_898 = arith.addi %add3A_889, %xor3A_897 : vector<16xi32>
    %shift_left3A_899 = arith.constant 29 : i32
    %shift_left3A_900 = vector.broadcast %shift_left3A_899 : i32 to vector<16xi32>
    %shift_left3A_901 = arith.shli %xor3A_897, %shift_left3A_900 : vector<16xi32>
    %shift_right_logical3A_902 = arith.constant 3 : i32
    %shift_right_logical3A_903 = vector.broadcast %shift_right_logical3A_902 : i32 to vector<16xi32>
    %shift_right_logical3A_904 = arith.shrui %xor3A_897, %shift_right_logical3A_903 : vector<16xi32>
    %or3A_905 = arith.ori %shift_left3A_901, %shift_right_logical3A_904 : vector<16xi32>
    %xor3A_906 = arith.xori %or3A_905, %add3A_898 : vector<16xi32>
    %add3A_907 = arith.addi %add3A_898, %xor3A_906 : vector<16xi32>
    %shift_left3A_908 = arith.constant 16 : i32
    %shift_left3A_909 = vector.broadcast %shift_left3A_908 : i32 to vector<16xi32>
    %shift_left3A_910 = arith.shli %xor3A_906, %shift_left3A_909 : vector<16xi32>
    %shift_right_logical3A_911 = arith.constant 16 : i32
    %shift_right_logical3A_912 = vector.broadcast %shift_right_logical3A_911 : i32 to vector<16xi32>
    %shift_right_logical3A_913 = arith.shrui %xor3A_906, %shift_right_logical3A_912 : vector<16xi32>
    %or3A_914 = arith.ori %shift_left3A_910, %shift_right_logical3A_913 : vector<16xi32>
    %xor3A_915 = arith.xori %or3A_914, %add3A_907 : vector<16xi32>
    %add3A_916 = arith.addi %add3A_907, %xor3A_915 : vector<16xi32>
    %shift_left3A_917 = arith.constant 24 : i32
    %shift_left3A_918 = vector.broadcast %shift_left3A_917 : i32 to vector<16xi32>
    %shift_left3A_919 = arith.shli %xor3A_915, %shift_left3A_918 : vector<16xi32>
    %shift_right_logical3A_920 = arith.constant 8 : i32
    %shift_right_logical3A_921 = vector.broadcast %shift_right_logical3A_920 : i32 to vector<16xi32>
    %shift_right_logical3A_922 = arith.shrui %xor3A_915, %shift_right_logical3A_921 : vector<16xi32>
    %or3A_923 = arith.ori %shift_left3A_919, %shift_right_logical3A_922 : vector<16xi32>
    %xor3A_924 = arith.xori %or3A_923, %add3A_916 : vector<16xi32>
    %add3A_925 = arith.addi %add3A_916, %xor3A_845 : vector<16xi32>
    %add3A_926 = arith.addi %xor3A_924, %bitcast3A_556 : vector<16xi32>
    %add3A_927 = arith.constant 2 : i32
    %add3A_928 = vector.broadcast %add3A_927 : i32 to vector<16xi32>
    %add3A_929 = arith.addi %add3A_926, %add3A_928 : vector<16xi32>
    %add3A_930 = arith.addi %add3A_925, %add3A_929 : vector<16xi32>
    %shift_left3A_931 = arith.constant 13 : i32
    %shift_left3A_932 = vector.broadcast %shift_left3A_931 : i32 to vector<16xi32>
    %shift_left3A_933 = arith.shli %add3A_929, %shift_left3A_932 : vector<16xi32>
    %shift_right_logical3A_934 = arith.constant 19 : i32
    %shift_right_logical3A_935 = vector.broadcast %shift_right_logical3A_934 : i32 to vector<16xi32>
    %shift_right_logical3A_936 = arith.shrui %add3A_929, %shift_right_logical3A_935 : vector<16xi32>
    %or3A_937 = arith.ori %shift_left3A_933, %shift_right_logical3A_936 : vector<16xi32>
    %xor3A_938 = arith.xori %or3A_937, %add3A_930 : vector<16xi32>
    %add3A_939 = arith.addi %add3A_930, %xor3A_938 : vector<16xi32>
    %shift_left3A_940 = arith.constant 15 : i32
    %shift_left3A_941 = vector.broadcast %shift_left3A_940 : i32 to vector<16xi32>
    %shift_left3A_942 = arith.shli %xor3A_938, %shift_left3A_941 : vector<16xi32>
    %shift_right_logical3A_943 = arith.constant 17 : i32
    %shift_right_logical3A_944 = vector.broadcast %shift_right_logical3A_943 : i32 to vector<16xi32>
    %shift_right_logical3A_945 = arith.shrui %xor3A_938, %shift_right_logical3A_944 : vector<16xi32>
    %or3A_946 = arith.ori %shift_left3A_942, %shift_right_logical3A_945 : vector<16xi32>
    %xor3A_947 = arith.xori %or3A_946, %add3A_939 : vector<16xi32>
    %add3A_948 = arith.addi %add3A_939, %xor3A_947 : vector<16xi32>
    %shift_left3A_949 = arith.constant 26 : i32
    %shift_left3A_950 = vector.broadcast %shift_left3A_949 : i32 to vector<16xi32>
    %shift_left3A_951 = arith.shli %xor3A_947, %shift_left3A_950 : vector<16xi32>
    %shift_right_logical3A_952 = arith.constant 6 : i32
    %shift_right_logical3A_953 = vector.broadcast %shift_right_logical3A_952 : i32 to vector<16xi32>
    %shift_right_logical3A_954 = arith.shrui %xor3A_947, %shift_right_logical3A_953 : vector<16xi32>
    %or3A_955 = arith.ori %shift_left3A_951, %shift_right_logical3A_954 : vector<16xi32>
    %xor3A_956 = arith.xori %or3A_955, %add3A_948 : vector<16xi32>
    %add3A_957 = arith.addi %add3A_948, %xor3A_956 : vector<16xi32>
    %shift_left3A_958 = arith.constant 6 : i32
    %shift_left3A_959 = vector.broadcast %shift_left3A_958 : i32 to vector<16xi32>
    %shift_left3A_960 = arith.shli %xor3A_956, %shift_left3A_959 : vector<16xi32>
    %shift_right_logical3A_961 = arith.constant 26 : i32
    %shift_right_logical3A_962 = vector.broadcast %shift_right_logical3A_961 : i32 to vector<16xi32>
    %shift_right_logical3A_963 = arith.shrui %xor3A_956, %shift_right_logical3A_962 : vector<16xi32>
    %or3A_964 = arith.ori %shift_left3A_960, %shift_right_logical3A_963 : vector<16xi32>
    %xor3A_965 = arith.xori %or3A_964, %add3A_957 : vector<16xi32>
    %add3A_966 = arith.addi %add3A_957, %bitcast3A_556 : vector<16xi32>
    %add3A_967 = arith.addi %xor3A_965, %bitcast3A_570 : vector<16xi32>
    %add3A_968 = arith.constant 3 : i32
    %add3A_969 = vector.broadcast %add3A_968 : i32 to vector<16xi32>
    %add3A_970 = arith.addi %add3A_967, %add3A_969 : vector<16xi32>
    %add3A_971 = arith.addi %add3A_966, %add3A_970 : vector<16xi32>
    %shift_left3A_972 = arith.constant 17 : i32
    %shift_left3A_973 = vector.broadcast %shift_left3A_972 : i32 to vector<16xi32>
    %shift_left3A_974 = arith.shli %add3A_970, %shift_left3A_973 : vector<16xi32>
    %shift_right_logical3A_975 = arith.constant 15 : i32
    %shift_right_logical3A_976 = vector.broadcast %shift_right_logical3A_975 : i32 to vector<16xi32>
    %shift_right_logical3A_977 = arith.shrui %add3A_970, %shift_right_logical3A_976 : vector<16xi32>
    %or3A_978 = arith.ori %shift_left3A_974, %shift_right_logical3A_977 : vector<16xi32>
    %xor3A_979 = arith.xori %or3A_978, %add3A_971 : vector<16xi32>
    %add3A_980 = arith.addi %add3A_971, %xor3A_979 : vector<16xi32>
    %shift_left3A_981 = arith.constant 29 : i32
    %shift_left3A_982 = vector.broadcast %shift_left3A_981 : i32 to vector<16xi32>
    %shift_left3A_983 = arith.shli %xor3A_979, %shift_left3A_982 : vector<16xi32>
    %shift_right_logical3A_984 = arith.constant 3 : i32
    %shift_right_logical3A_985 = vector.broadcast %shift_right_logical3A_984 : i32 to vector<16xi32>
    %shift_right_logical3A_986 = arith.shrui %xor3A_979, %shift_right_logical3A_985 : vector<16xi32>
    %or3A_987 = arith.ori %shift_left3A_983, %shift_right_logical3A_986 : vector<16xi32>
    %xor3A_988 = arith.xori %or3A_987, %add3A_980 : vector<16xi32>
    %add3A_989 = arith.addi %add3A_980, %xor3A_988 : vector<16xi32>
    %shift_left3A_990 = arith.constant 16 : i32
    %shift_left3A_991 = vector.broadcast %shift_left3A_990 : i32 to vector<16xi32>
    %shift_left3A_992 = arith.shli %xor3A_988, %shift_left3A_991 : vector<16xi32>
    %shift_right_logical3A_993 = arith.constant 16 : i32
    %shift_right_logical3A_994 = vector.broadcast %shift_right_logical3A_993 : i32 to vector<16xi32>
    %shift_right_logical3A_995 = arith.shrui %xor3A_988, %shift_right_logical3A_994 : vector<16xi32>
    %or3A_996 = arith.ori %shift_left3A_992, %shift_right_logical3A_995 : vector<16xi32>
    %xor3A_997 = arith.xori %or3A_996, %add3A_989 : vector<16xi32>
    %add3A_998 = arith.addi %add3A_989, %xor3A_997 : vector<16xi32>
    %shift_left3A_999 = arith.constant 24 : i32
    %shift_left3A_1000 = vector.broadcast %shift_left3A_999 : i32 to vector<16xi32>
    %shift_left3A_1001 = arith.shli %xor3A_997, %shift_left3A_1000 : vector<16xi32>
    %shift_right_logical3A_1002 = arith.constant 8 : i32
    %shift_right_logical3A_1003 = vector.broadcast %shift_right_logical3A_1002 : i32 to vector<16xi32>
    %shift_right_logical3A_1004 = arith.shrui %xor3A_997, %shift_right_logical3A_1003 : vector<16xi32>
    %or3A_1005 = arith.ori %shift_left3A_1001, %shift_right_logical3A_1004 : vector<16xi32>
    %xor3A_1006 = arith.xori %or3A_1005, %add3A_998 : vector<16xi32>
    %add3A_1007 = arith.addi %add3A_998, %bitcast3A_570 : vector<16xi32>
    %add3A_1008 = arith.addi %xor3A_1006, %xor3A_845 : vector<16xi32>
    %add3A_1009 = arith.constant 4 : i32
    %add3A_1010 = vector.broadcast %add3A_1009 : i32 to vector<16xi32>
    %add3A_1011 = arith.addi %add3A_1008, %add3A_1010 : vector<16xi32>
    %add3A_1012 = arith.addi %add3A_1007, %add3A_1011 : vector<16xi32>
    %shift_left3A_1013 = arith.constant 13 : i32
    %shift_left3A_1014 = vector.broadcast %shift_left3A_1013 : i32 to vector<16xi32>
    %shift_left3A_1015 = arith.shli %add3A_1011, %shift_left3A_1014 : vector<16xi32>
    %shift_right_logical3A_1016 = arith.constant 19 : i32
    %shift_right_logical3A_1017 = vector.broadcast %shift_right_logical3A_1016 : i32 to vector<16xi32>
    %shift_right_logical3A_1018 = arith.shrui %add3A_1011, %shift_right_logical3A_1017 : vector<16xi32>
    %or3A_1019 = arith.ori %shift_left3A_1015, %shift_right_logical3A_1018 : vector<16xi32>
    %xor3A_1020 = arith.xori %or3A_1019, %add3A_1012 : vector<16xi32>
    %add3A_1021 = arith.addi %add3A_1012, %xor3A_1020 : vector<16xi32>
    %shift_left3A_1022 = arith.constant 15 : i32
    %shift_left3A_1023 = vector.broadcast %shift_left3A_1022 : i32 to vector<16xi32>
    %shift_left3A_1024 = arith.shli %xor3A_1020, %shift_left3A_1023 : vector<16xi32>
    %shift_right_logical3A_1025 = arith.constant 17 : i32
    %shift_right_logical3A_1026 = vector.broadcast %shift_right_logical3A_1025 : i32 to vector<16xi32>
    %shift_right_logical3A_1027 = arith.shrui %xor3A_1020, %shift_right_logical3A_1026 : vector<16xi32>
    %or3A_1028 = arith.ori %shift_left3A_1024, %shift_right_logical3A_1027 : vector<16xi32>
    %xor3A_1029 = arith.xori %or3A_1028, %add3A_1021 : vector<16xi32>
    %add3A_1030 = arith.addi %add3A_1021, %xor3A_1029 : vector<16xi32>
    %shift_left3A_1031 = arith.constant 26 : i32
    %shift_left3A_1032 = vector.broadcast %shift_left3A_1031 : i32 to vector<16xi32>
    %shift_left3A_1033 = arith.shli %xor3A_1029, %shift_left3A_1032 : vector<16xi32>
    %shift_right_logical3A_1034 = arith.constant 6 : i32
    %shift_right_logical3A_1035 = vector.broadcast %shift_right_logical3A_1034 : i32 to vector<16xi32>
    %shift_right_logical3A_1036 = arith.shrui %xor3A_1029, %shift_right_logical3A_1035 : vector<16xi32>
    %or3A_1037 = arith.ori %shift_left3A_1033, %shift_right_logical3A_1036 : vector<16xi32>
    %xor3A_1038 = arith.xori %or3A_1037, %add3A_1030 : vector<16xi32>
    %add3A_1039 = arith.addi %add3A_1030, %xor3A_1038 : vector<16xi32>
    %shift_left3A_1040 = arith.constant 6 : i32
    %shift_left3A_1041 = vector.broadcast %shift_left3A_1040 : i32 to vector<16xi32>
    %shift_left3A_1042 = arith.shli %xor3A_1038, %shift_left3A_1041 : vector<16xi32>
    %shift_right_logical3A_1043 = arith.constant 26 : i32
    %shift_right_logical3A_1044 = vector.broadcast %shift_right_logical3A_1043 : i32 to vector<16xi32>
    %shift_right_logical3A_1045 = arith.shrui %xor3A_1038, %shift_right_logical3A_1044 : vector<16xi32>
    %or3A_1046 = arith.ori %shift_left3A_1042, %shift_right_logical3A_1045 : vector<16xi32>
    %xor3A_1047 = arith.xori %or3A_1046, %add3A_1039 : vector<16xi32>
    %add3A_1048 = arith.addi %add3A_1039, %xor3A_845 : vector<16xi32>
    %add3A_1049 = arith.addi %xor3A_1047, %bitcast3A_556 : vector<16xi32>
    %add3A_1050 = arith.constant 5 : i32
    %add3A_1051 = vector.broadcast %add3A_1050 : i32 to vector<16xi32>
    %add3A_1052 = arith.addi %add3A_1049, %add3A_1051 : vector<16xi32>
    %xor3A_1053 = arith.xori %bitcast3A_584, %bitcast3A_598 : vector<16xi32>
    %xor3A_1054 = arith.constant 466688986 : i32
    %xor3A_1055 = vector.broadcast %xor3A_1054 : i32 to vector<16xi32>
    %xor3A_1056 = arith.xori %xor3A_1053, %xor3A_1055 : vector<16xi32>
    %add3A_1057 = arith.addi %broadcast_in_dim3A_3, %bitcast3A_584 : vector<16xi32>
    %add3A_1058 = arith.addi %add3A_841, %bitcast3A_598 : vector<16xi32>
    %add3A_1059 = arith.addi %add3A_1057, %add3A_1058 : vector<16xi32>
    %shift_left3A_1060 = arith.constant 13 : i32
    %shift_left3A_1061 = vector.broadcast %shift_left3A_1060 : i32 to vector<16xi32>
    %shift_left3A_1062 = arith.shli %add3A_1058, %shift_left3A_1061 : vector<16xi32>
    %shift_right_logical3A_1063 = arith.constant 19 : i32
    %shift_right_logical3A_1064 = vector.broadcast %shift_right_logical3A_1063 : i32 to vector<16xi32>
    %shift_right_logical3A_1065 = arith.shrui %add3A_1058, %shift_right_logical3A_1064 : vector<16xi32>
    %or3A_1066 = arith.ori %shift_left3A_1062, %shift_right_logical3A_1065 : vector<16xi32>
    %xor3A_1067 = arith.xori %or3A_1066, %add3A_1059 : vector<16xi32>
    %add3A_1068 = arith.addi %add3A_1059, %xor3A_1067 : vector<16xi32>
    %shift_left3A_1069 = arith.constant 15 : i32
    %shift_left3A_1070 = vector.broadcast %shift_left3A_1069 : i32 to vector<16xi32>
    %shift_left3A_1071 = arith.shli %xor3A_1067, %shift_left3A_1070 : vector<16xi32>
    %shift_right_logical3A_1072 = arith.constant 17 : i32
    %shift_right_logical3A_1073 = vector.broadcast %shift_right_logical3A_1072 : i32 to vector<16xi32>
    %shift_right_logical3A_1074 = arith.shrui %xor3A_1067, %shift_right_logical3A_1073 : vector<16xi32>
    %or3A_1075 = arith.ori %shift_left3A_1071, %shift_right_logical3A_1074 : vector<16xi32>
    %xor3A_1076 = arith.xori %or3A_1075, %add3A_1068 : vector<16xi32>
    %add3A_1077 = arith.addi %add3A_1068, %xor3A_1076 : vector<16xi32>
    %shift_left3A_1078 = arith.constant 26 : i32
    %shift_left3A_1079 = vector.broadcast %shift_left3A_1078 : i32 to vector<16xi32>
    %shift_left3A_1080 = arith.shli %xor3A_1076, %shift_left3A_1079 : vector<16xi32>
    %shift_right_logical3A_1081 = arith.constant 6 : i32
    %shift_right_logical3A_1082 = vector.broadcast %shift_right_logical3A_1081 : i32 to vector<16xi32>
    %shift_right_logical3A_1083 = arith.shrui %xor3A_1076, %shift_right_logical3A_1082 : vector<16xi32>
    %or3A_1084 = arith.ori %shift_left3A_1080, %shift_right_logical3A_1083 : vector<16xi32>
    %xor3A_1085 = arith.xori %or3A_1084, %add3A_1077 : vector<16xi32>
    %add3A_1086 = arith.addi %add3A_1077, %xor3A_1085 : vector<16xi32>
    %shift_left3A_1087 = arith.constant 6 : i32
    %shift_left3A_1088 = vector.broadcast %shift_left3A_1087 : i32 to vector<16xi32>
    %shift_left3A_1089 = arith.shli %xor3A_1085, %shift_left3A_1088 : vector<16xi32>
    %shift_right_logical3A_1090 = arith.constant 26 : i32
    %shift_right_logical3A_1091 = vector.broadcast %shift_right_logical3A_1090 : i32 to vector<16xi32>
    %shift_right_logical3A_1092 = arith.shrui %xor3A_1085, %shift_right_logical3A_1091 : vector<16xi32>
    %or3A_1093 = arith.ori %shift_left3A_1089, %shift_right_logical3A_1092 : vector<16xi32>
    %xor3A_1094 = arith.xori %or3A_1093, %add3A_1086 : vector<16xi32>
    %add3A_1095 = arith.addi %add3A_1086, %bitcast3A_598 : vector<16xi32>
    %add3A_1096 = arith.addi %xor3A_1094, %xor3A_1056 : vector<16xi32>
    %add3A_1097 = arith.constant 1 : i32
    %add3A_1098 = vector.broadcast %add3A_1097 : i32 to vector<16xi32>
    %add3A_1099 = arith.addi %add3A_1096, %add3A_1098 : vector<16xi32>
    %add3A_1100 = arith.addi %add3A_1095, %add3A_1099 : vector<16xi32>
    %shift_left3A_1101 = arith.constant 17 : i32
    %shift_left3A_1102 = vector.broadcast %shift_left3A_1101 : i32 to vector<16xi32>
    %shift_left3A_1103 = arith.shli %add3A_1099, %shift_left3A_1102 : vector<16xi32>
    %shift_right_logical3A_1104 = arith.constant 15 : i32
    %shift_right_logical3A_1105 = vector.broadcast %shift_right_logical3A_1104 : i32 to vector<16xi32>
    %shift_right_logical3A_1106 = arith.shrui %add3A_1099, %shift_right_logical3A_1105 : vector<16xi32>
    %or3A_1107 = arith.ori %shift_left3A_1103, %shift_right_logical3A_1106 : vector<16xi32>
    %xor3A_1108 = arith.xori %or3A_1107, %add3A_1100 : vector<16xi32>
    %add3A_1109 = arith.addi %add3A_1100, %xor3A_1108 : vector<16xi32>
    %shift_left3A_1110 = arith.constant 29 : i32
    %shift_left3A_1111 = vector.broadcast %shift_left3A_1110 : i32 to vector<16xi32>
    %shift_left3A_1112 = arith.shli %xor3A_1108, %shift_left3A_1111 : vector<16xi32>
    %shift_right_logical3A_1113 = arith.constant 3 : i32
    %shift_right_logical3A_1114 = vector.broadcast %shift_right_logical3A_1113 : i32 to vector<16xi32>
    %shift_right_logical3A_1115 = arith.shrui %xor3A_1108, %shift_right_logical3A_1114 : vector<16xi32>
    %or3A_1116 = arith.ori %shift_left3A_1112, %shift_right_logical3A_1115 : vector<16xi32>
    %xor3A_1117 = arith.xori %or3A_1116, %add3A_1109 : vector<16xi32>
    %add3A_1118 = arith.addi %add3A_1109, %xor3A_1117 : vector<16xi32>
    %shift_left3A_1119 = arith.constant 16 : i32
    %shift_left3A_1120 = vector.broadcast %shift_left3A_1119 : i32 to vector<16xi32>
    %shift_left3A_1121 = arith.shli %xor3A_1117, %shift_left3A_1120 : vector<16xi32>
    %shift_right_logical3A_1122 = arith.constant 16 : i32
    %shift_right_logical3A_1123 = vector.broadcast %shift_right_logical3A_1122 : i32 to vector<16xi32>
    %shift_right_logical3A_1124 = arith.shrui %xor3A_1117, %shift_right_logical3A_1123 : vector<16xi32>
    %or3A_1125 = arith.ori %shift_left3A_1121, %shift_right_logical3A_1124 : vector<16xi32>
    %xor3A_1126 = arith.xori %or3A_1125, %add3A_1118 : vector<16xi32>
    %add3A_1127 = arith.addi %add3A_1118, %xor3A_1126 : vector<16xi32>
    %shift_left3A_1128 = arith.constant 24 : i32
    %shift_left3A_1129 = vector.broadcast %shift_left3A_1128 : i32 to vector<16xi32>
    %shift_left3A_1130 = arith.shli %xor3A_1126, %shift_left3A_1129 : vector<16xi32>
    %shift_right_logical3A_1131 = arith.constant 8 : i32
    %shift_right_logical3A_1132 = vector.broadcast %shift_right_logical3A_1131 : i32 to vector<16xi32>
    %shift_right_logical3A_1133 = arith.shrui %xor3A_1126, %shift_right_logical3A_1132 : vector<16xi32>
    %or3A_1134 = arith.ori %shift_left3A_1130, %shift_right_logical3A_1133 : vector<16xi32>
    %xor3A_1135 = arith.xori %or3A_1134, %add3A_1127 : vector<16xi32>
    %add3A_1136 = arith.addi %add3A_1127, %xor3A_1056 : vector<16xi32>
    %add3A_1137 = arith.addi %xor3A_1135, %bitcast3A_584 : vector<16xi32>
    %add3A_1138 = arith.constant 2 : i32
    %add3A_1139 = vector.broadcast %add3A_1138 : i32 to vector<16xi32>
    %add3A_1140 = arith.addi %add3A_1137, %add3A_1139 : vector<16xi32>
    %add3A_1141 = arith.addi %add3A_1136, %add3A_1140 : vector<16xi32>
    %shift_left3A_1142 = arith.constant 13 : i32
    %shift_left3A_1143 = vector.broadcast %shift_left3A_1142 : i32 to vector<16xi32>
    %shift_left3A_1144 = arith.shli %add3A_1140, %shift_left3A_1143 : vector<16xi32>
    %shift_right_logical3A_1145 = arith.constant 19 : i32
    %shift_right_logical3A_1146 = vector.broadcast %shift_right_logical3A_1145 : i32 to vector<16xi32>
    %shift_right_logical3A_1147 = arith.shrui %add3A_1140, %shift_right_logical3A_1146 : vector<16xi32>
    %or3A_1148 = arith.ori %shift_left3A_1144, %shift_right_logical3A_1147 : vector<16xi32>
    %xor3A_1149 = arith.xori %or3A_1148, %add3A_1141 : vector<16xi32>
    %add3A_1150 = arith.addi %add3A_1141, %xor3A_1149 : vector<16xi32>
    %shift_left3A_1151 = arith.constant 15 : i32
    %shift_left3A_1152 = vector.broadcast %shift_left3A_1151 : i32 to vector<16xi32>
    %shift_left3A_1153 = arith.shli %xor3A_1149, %shift_left3A_1152 : vector<16xi32>
    %shift_right_logical3A_1154 = arith.constant 17 : i32
    %shift_right_logical3A_1155 = vector.broadcast %shift_right_logical3A_1154 : i32 to vector<16xi32>
    %shift_right_logical3A_1156 = arith.shrui %xor3A_1149, %shift_right_logical3A_1155 : vector<16xi32>
    %or3A_1157 = arith.ori %shift_left3A_1153, %shift_right_logical3A_1156 : vector<16xi32>
    %xor3A_1158 = arith.xori %or3A_1157, %add3A_1150 : vector<16xi32>
    %add3A_1159 = arith.addi %add3A_1150, %xor3A_1158 : vector<16xi32>
    %shift_left3A_1160 = arith.constant 26 : i32
    %shift_left3A_1161 = vector.broadcast %shift_left3A_1160 : i32 to vector<16xi32>
    %shift_left3A_1162 = arith.shli %xor3A_1158, %shift_left3A_1161 : vector<16xi32>
    %shift_right_logical3A_1163 = arith.constant 6 : i32
    %shift_right_logical3A_1164 = vector.broadcast %shift_right_logical3A_1163 : i32 to vector<16xi32>
    %shift_right_logical3A_1165 = arith.shrui %xor3A_1158, %shift_right_logical3A_1164 : vector<16xi32>
    %or3A_1166 = arith.ori %shift_left3A_1162, %shift_right_logical3A_1165 : vector<16xi32>
    %xor3A_1167 = arith.xori %or3A_1166, %add3A_1159 : vector<16xi32>
    %add3A_1168 = arith.addi %add3A_1159, %xor3A_1167 : vector<16xi32>
    %shift_left3A_1169 = arith.constant 6 : i32
    %shift_left3A_1170 = vector.broadcast %shift_left3A_1169 : i32 to vector<16xi32>
    %shift_left3A_1171 = arith.shli %xor3A_1167, %shift_left3A_1170 : vector<16xi32>
    %shift_right_logical3A_1172 = arith.constant 26 : i32
    %shift_right_logical3A_1173 = vector.broadcast %shift_right_logical3A_1172 : i32 to vector<16xi32>
    %shift_right_logical3A_1174 = arith.shrui %xor3A_1167, %shift_right_logical3A_1173 : vector<16xi32>
    %or3A_1175 = arith.ori %shift_left3A_1171, %shift_right_logical3A_1174 : vector<16xi32>
    %xor3A_1176 = arith.xori %or3A_1175, %add3A_1168 : vector<16xi32>
    %add3A_1177 = arith.addi %add3A_1168, %bitcast3A_584 : vector<16xi32>
    %add3A_1178 = arith.addi %xor3A_1176, %bitcast3A_598 : vector<16xi32>
    %add3A_1179 = arith.constant 3 : i32
    %add3A_1180 = vector.broadcast %add3A_1179 : i32 to vector<16xi32>
    %add3A_1181 = arith.addi %add3A_1178, %add3A_1180 : vector<16xi32>
    %add3A_1182 = arith.addi %add3A_1177, %add3A_1181 : vector<16xi32>
    %shift_left3A_1183 = arith.constant 17 : i32
    %shift_left3A_1184 = vector.broadcast %shift_left3A_1183 : i32 to vector<16xi32>
    %shift_left3A_1185 = arith.shli %add3A_1181, %shift_left3A_1184 : vector<16xi32>
    %shift_right_logical3A_1186 = arith.constant 15 : i32
    %shift_right_logical3A_1187 = vector.broadcast %shift_right_logical3A_1186 : i32 to vector<16xi32>
    %shift_right_logical3A_1188 = arith.shrui %add3A_1181, %shift_right_logical3A_1187 : vector<16xi32>
    %or3A_1189 = arith.ori %shift_left3A_1185, %shift_right_logical3A_1188 : vector<16xi32>
    %xor3A_1190 = arith.xori %or3A_1189, %add3A_1182 : vector<16xi32>
    %add3A_1191 = arith.addi %add3A_1182, %xor3A_1190 : vector<16xi32>
    %shift_left3A_1192 = arith.constant 29 : i32
    %shift_left3A_1193 = vector.broadcast %shift_left3A_1192 : i32 to vector<16xi32>
    %shift_left3A_1194 = arith.shli %xor3A_1190, %shift_left3A_1193 : vector<16xi32>
    %shift_right_logical3A_1195 = arith.constant 3 : i32
    %shift_right_logical3A_1196 = vector.broadcast %shift_right_logical3A_1195 : i32 to vector<16xi32>
    %shift_right_logical3A_1197 = arith.shrui %xor3A_1190, %shift_right_logical3A_1196 : vector<16xi32>
    %or3A_1198 = arith.ori %shift_left3A_1194, %shift_right_logical3A_1197 : vector<16xi32>
    %xor3A_1199 = arith.xori %or3A_1198, %add3A_1191 : vector<16xi32>
    %add3A_1200 = arith.addi %add3A_1191, %xor3A_1199 : vector<16xi32>
    %shift_left3A_1201 = arith.constant 16 : i32
    %shift_left3A_1202 = vector.broadcast %shift_left3A_1201 : i32 to vector<16xi32>
    %shift_left3A_1203 = arith.shli %xor3A_1199, %shift_left3A_1202 : vector<16xi32>
    %shift_right_logical3A_1204 = arith.constant 16 : i32
    %shift_right_logical3A_1205 = vector.broadcast %shift_right_logical3A_1204 : i32 to vector<16xi32>
    %shift_right_logical3A_1206 = arith.shrui %xor3A_1199, %shift_right_logical3A_1205 : vector<16xi32>
    %or3A_1207 = arith.ori %shift_left3A_1203, %shift_right_logical3A_1206 : vector<16xi32>
    %xor3A_1208 = arith.xori %or3A_1207, %add3A_1200 : vector<16xi32>
    %add3A_1209 = arith.addi %add3A_1200, %xor3A_1208 : vector<16xi32>
    %shift_left3A_1210 = arith.constant 24 : i32
    %shift_left3A_1211 = vector.broadcast %shift_left3A_1210 : i32 to vector<16xi32>
    %shift_left3A_1212 = arith.shli %xor3A_1208, %shift_left3A_1211 : vector<16xi32>
    %shift_right_logical3A_1213 = arith.constant 8 : i32
    %shift_right_logical3A_1214 = vector.broadcast %shift_right_logical3A_1213 : i32 to vector<16xi32>
    %shift_right_logical3A_1215 = arith.shrui %xor3A_1208, %shift_right_logical3A_1214 : vector<16xi32>
    %or3A_1216 = arith.ori %shift_left3A_1212, %shift_right_logical3A_1215 : vector<16xi32>
    %xor3A_1217 = arith.xori %or3A_1216, %add3A_1209 : vector<16xi32>
    %add3A_1218 = arith.addi %add3A_1209, %bitcast3A_598 : vector<16xi32>
    %add3A_1219 = arith.addi %xor3A_1217, %xor3A_1056 : vector<16xi32>
    %add3A_1220 = arith.constant 4 : i32
    %add3A_1221 = vector.broadcast %add3A_1220 : i32 to vector<16xi32>
    %add3A_1222 = arith.addi %add3A_1219, %add3A_1221 : vector<16xi32>
    %add3A_1223 = arith.addi %add3A_1218, %add3A_1222 : vector<16xi32>
    %shift_left3A_1224 = arith.constant 13 : i32
    %shift_left3A_1225 = vector.broadcast %shift_left3A_1224 : i32 to vector<16xi32>
    %shift_left3A_1226 = arith.shli %add3A_1222, %shift_left3A_1225 : vector<16xi32>
    %shift_right_logical3A_1227 = arith.constant 19 : i32
    %shift_right_logical3A_1228 = vector.broadcast %shift_right_logical3A_1227 : i32 to vector<16xi32>
    %shift_right_logical3A_1229 = arith.shrui %add3A_1222, %shift_right_logical3A_1228 : vector<16xi32>
    %or3A_1230 = arith.ori %shift_left3A_1226, %shift_right_logical3A_1229 : vector<16xi32>
    %xor3A_1231 = arith.xori %or3A_1230, %add3A_1223 : vector<16xi32>
    %add3A_1232 = arith.addi %add3A_1223, %xor3A_1231 : vector<16xi32>
    %shift_left3A_1233 = arith.constant 15 : i32
    %shift_left3A_1234 = vector.broadcast %shift_left3A_1233 : i32 to vector<16xi32>
    %shift_left3A_1235 = arith.shli %xor3A_1231, %shift_left3A_1234 : vector<16xi32>
    %shift_right_logical3A_1236 = arith.constant 17 : i32
    %shift_right_logical3A_1237 = vector.broadcast %shift_right_logical3A_1236 : i32 to vector<16xi32>
    %shift_right_logical3A_1238 = arith.shrui %xor3A_1231, %shift_right_logical3A_1237 : vector<16xi32>
    %or3A_1239 = arith.ori %shift_left3A_1235, %shift_right_logical3A_1238 : vector<16xi32>
    %xor3A_1240 = arith.xori %or3A_1239, %add3A_1232 : vector<16xi32>
    %add3A_1241 = arith.addi %add3A_1232, %xor3A_1240 : vector<16xi32>
    %shift_left3A_1242 = arith.constant 26 : i32
    %shift_left3A_1243 = vector.broadcast %shift_left3A_1242 : i32 to vector<16xi32>
    %shift_left3A_1244 = arith.shli %xor3A_1240, %shift_left3A_1243 : vector<16xi32>
    %shift_right_logical3A_1245 = arith.constant 6 : i32
    %shift_right_logical3A_1246 = vector.broadcast %shift_right_logical3A_1245 : i32 to vector<16xi32>
    %shift_right_logical3A_1247 = arith.shrui %xor3A_1240, %shift_right_logical3A_1246 : vector<16xi32>
    %or3A_1248 = arith.ori %shift_left3A_1244, %shift_right_logical3A_1247 : vector<16xi32>
    %xor3A_1249 = arith.xori %or3A_1248, %add3A_1241 : vector<16xi32>
    %add3A_1250 = arith.addi %add3A_1241, %xor3A_1249 : vector<16xi32>
    %shift_left3A_1251 = arith.constant 6 : i32
    %shift_left3A_1252 = vector.broadcast %shift_left3A_1251 : i32 to vector<16xi32>
    %shift_left3A_1253 = arith.shli %xor3A_1249, %shift_left3A_1252 : vector<16xi32>
    %shift_right_logical3A_1254 = arith.constant 26 : i32
    %shift_right_logical3A_1255 = vector.broadcast %shift_right_logical3A_1254 : i32 to vector<16xi32>
    %shift_right_logical3A_1256 = arith.shrui %xor3A_1249, %shift_right_logical3A_1255 : vector<16xi32>
    %or3A_1257 = arith.ori %shift_left3A_1253, %shift_right_logical3A_1256 : vector<16xi32>
    %xor3A_1258 = arith.xori %or3A_1257, %add3A_1250 : vector<16xi32>
    %add3A_1259 = arith.addi %add3A_1250, %xor3A_1056 : vector<16xi32>
    %add3A_1260 = arith.addi %xor3A_1258, %bitcast3A_584 : vector<16xi32>
    %add3A_1261 = arith.constant 5 : i32
    %add3A_1262 = vector.broadcast %add3A_1261 : i32 to vector<16xi32>
    %add3A_1263 = arith.addi %add3A_1260, %add3A_1262 : vector<16xi32>
    %xor3A_1264 = arith.xori %add3A_1048, %add3A_1052 : vector<16xi32>
    %jit3A = arith.constant 100 : i32
    %eq3A_1265 = arith.constant 0 : i32
    %eq3A_1266 = arith.cmpi eq, %jit3A, %eq3A_1265 : i32
    %jit3A_1267 = arith.constant 1 : i32
    %select_n3A_1268 = arith.select %eq3A_1266, %jit3A_1267, %jit3A : i32
    %rem3A = vector.broadcast %select_n3A_1268 : i32 to vector<16xi32>
    %rem3A_1269 = arith.remui %xor3A_1264, %rem3A : vector<16xi32>
    %ne3A = arith.constant 0 : i32
    %ne3A_1270 = vector.broadcast %ne3A : i32 to vector<16xi32>
    %ne3A_1271 = arith.cmpi ne, %rem3A_1269, %ne3A_1270 : vector<16xi32>
    %lt3A_1272 = arith.constant 0 : i32
    %lt3A_1273 = vector.broadcast %lt3A_1272 : i32 to vector<16xi32>
    %lt3A_1274 = arith.cmpi ult, %rem3A_1269, %lt3A_1273 : vector<16xi32>
    %lt3A_1275 = arith.constant 0 : i32
    %lt3A_1276 = arith.cmpi ult, %select_n3A_1268, %lt3A_1275 : i32
    %ne3A_1277 = vector.broadcast %lt3A_1276 : i1 to vector<16xi1>
    %ne3A_1278 = vector.broadcast %ne3A_1277 : vector<16xi1> to vector<16xi1>
    %ne3A_1279 = arith.xori %lt3A_1274, %ne3A_1278 : vector<16xi1>
    %and3A = arith.andi %ne3A_1279, %ne3A_1271 : vector<16xi1>
    %add3A_1280 = vector.broadcast %select_n3A_1268 : i32 to vector<16xi32>
    %add3A_1281 = arith.addi %rem3A_1269, %add3A_1280 : vector<16xi32>
    %select_n3A_1282 = arith.select %and3A, %add3A_1281, %rem3A_1269 : vector<16xi1>, vector<16xi32>
    %mul3A_1283 = arith.constant 96 : i32
    %mul3A_1284 = vector.broadcast %mul3A_1283 : i32 to vector<16xi32>
    %mul3A_1285 = arith.muli %select_n3A_1282, %mul3A_1284 : vector<16xi32>
    %xor3A_1286 = arith.xori %add3A_1259, %add3A_1263 : vector<16xi32>
    %jit3A_1287 = arith.constant 100 : i32
    %eq3A_1288 = arith.constant 0 : i32
    %eq3A_1289 = arith.cmpi eq, %jit3A_1287, %eq3A_1288 : i32
    %jit3A_1290 = arith.constant 1 : i32
    %select_n3A_1291 = arith.select %eq3A_1289, %jit3A_1290, %jit3A_1287 : i32
    %rem3A_1292 = vector.broadcast %select_n3A_1291 : i32 to vector<16xi32>
    %rem3A_1293 = arith.remui %xor3A_1286, %rem3A_1292 : vector<16xi32>
    %ne3A_1294 = arith.constant 0 : i32
    %ne3A_1295 = vector.broadcast %ne3A_1294 : i32 to vector<16xi32>
    %ne3A_1296 = arith.cmpi ne, %rem3A_1293, %ne3A_1295 : vector<16xi32>
    %lt3A_1297 = arith.constant 0 : i32
    %lt3A_1298 = vector.broadcast %lt3A_1297 : i32 to vector<16xi32>
    %lt3A_1299 = arith.cmpi ult, %rem3A_1293, %lt3A_1298 : vector<16xi32>
    %lt3A_1300 = arith.constant 0 : i32
    %lt3A_1301 = arith.cmpi ult, %select_n3A_1291, %lt3A_1300 : i32
    %ne3A_1302 = vector.broadcast %lt3A_1301 : i1 to vector<16xi1>
    %ne3A_1303 = vector.broadcast %ne3A_1302 : vector<16xi1> to vector<16xi1>
    %ne3A_1304 = arith.xori %lt3A_1299, %ne3A_1303 : vector<16xi1>
    %and3A_1305 = arith.andi %ne3A_1304, %ne3A_1296 : vector<16xi1>
    %add3A_1306 = vector.broadcast %select_n3A_1291 : i32 to vector<16xi32>
    %add3A_1307 = arith.addi %rem3A_1293, %add3A_1306 : vector<16xi32>
    %select_n3A_1308 = arith.select %and3A_1305, %add3A_1307, %rem3A_1293 : vector<16xi1>, vector<16xi32>
    %add3A_1309 = arith.addi %mul3A_1285, %select_n3A_1308 : vector<16xi32>
    %jit3A_1310 = arith.constant 100 : i32
    %eq3A_1311 = arith.constant 0 : i32
    %eq3A_1312 = arith.cmpi eq, %jit3A_1310, %eq3A_1311 : i32
    %jit3A_1313 = arith.constant 1 : i32
    %select_n3A_1314 = arith.select %eq3A_1312, %jit3A_1313, %jit3A_1310 : i32
    %rem3A_1315 = vector.broadcast %select_n3A_1314 : i32 to vector<16xi32>
    %rem3A_1316 = arith.remui %add3A_1309, %rem3A_1315 : vector<16xi32>
    %ne3A_1317 = arith.constant 0 : i32
    %ne3A_1318 = vector.broadcast %ne3A_1317 : i32 to vector<16xi32>
    %ne3A_1319 = arith.cmpi ne, %rem3A_1316, %ne3A_1318 : vector<16xi32>
    %lt3A_1320 = arith.constant 0 : i32
    %lt3A_1321 = vector.broadcast %lt3A_1320 : i32 to vector<16xi32>
    %lt3A_1322 = arith.cmpi ult, %rem3A_1316, %lt3A_1321 : vector<16xi32>
    %lt3A_1323 = arith.constant 0 : i32
    %lt3A_1324 = arith.cmpi ult, %select_n3A_1314, %lt3A_1323 : i32
    %ne3A_1325 = vector.broadcast %lt3A_1324 : i1 to vector<16xi1>
    %ne3A_1326 = vector.broadcast %ne3A_1325 : vector<16xi1> to vector<16xi1>
    %ne3A_1327 = arith.xori %lt3A_1322, %ne3A_1326 : vector<16xi1>
    %and3A_1328 = arith.andi %ne3A_1327, %ne3A_1319 : vector<16xi1>
    %add3A_1329 = vector.broadcast %select_n3A_1314 : i32 to vector<16xi32>
    %add3A_1330 = arith.addi %rem3A_1316, %add3A_1329 : vector<16xi32>
    %select_n3A_1331 = arith.select %and3A_1328, %add3A_1330, %rem3A_1316 : vector<16xi1>, vector<16xi32>
    %broadcast_in_dim3A_1332 = arith.constant 0 : i32
    %broadcast_in_dim3A_1333 = vector.broadcast %broadcast_in_dim3A_1332 : i32 to vector<16xi32>
    %bitcast3A_1334 = vector.bitcast %select_n3A_1331 : vector<16xi32> to vector<16xi32>
    %lt3A_1335 = arith.constant 0 : i32
    %lt3A_1336 = vector.broadcast %lt3A_1335 : i32 to vector<16xi32>
    %lt3A_1337 = arith.cmpi slt, %broadcast_in_dim3A_1333, %lt3A_1336 : vector<16xi32>
    %add3A_1338 = arith.constant 16 : i32
    %add3A_1339 = vector.broadcast %add3A_1338 : i32 to vector<16xi32>
    %add3A_1340 = arith.addi %broadcast_in_dim3A_1333, %add3A_1339 : vector<16xi32>
    %select_n3A_1341 = arith.select %lt3A_1337, %add3A_1340, %broadcast_in_dim3A_1333 : vector<16xi1>, vector<16xi32>
    %broadcast_in_dim3A_1342 = vector.shape_cast %select_n3A_1341 : vector<16xi32> to vector<16x1xi32>
    %gather3A_1343 = vector.shape_cast %broadcast_in_dim3A_1342 : vector<16x1xi32> to vector<16xi32>
    %gather3A_1344 = tpu.dynamic_gather %bitcast3A_1334[%gather3A_1343] in [0] : vector<16xi32>, vector<16xi32> -> vector<16xi32>
    %bitcast3A_1345 = vector.bitcast %gather3A_1344 : vector<16xi32> to vector<16xi32>
    %bitcast3A_1346 = vector.bitcast %bitcast3A_1345 : vector<16xi32> to vector<16xi32>
    %broadcast_in_dim3A_1347 = arith.constant 1 : i32
    %broadcast_in_dim3A_1348 = vector.broadcast %broadcast_in_dim3A_1347 : i32 to vector<16xi32>
    %bitcast3A_1349 = vector.bitcast %select_n3A_1331 : vector<16xi32> to vector<16xi32>
    %lt3A_1350 = arith.constant 0 : i32
    %lt3A_1351 = vector.broadcast %lt3A_1350 : i32 to vector<16xi32>
    %lt3A_1352 = arith.cmpi slt, %broadcast_in_dim3A_1348, %lt3A_1351 : vector<16xi32>
    %add3A_1353 = arith.constant 16 : i32
    %add3A_1354 = vector.broadcast %add3A_1353 : i32 to vector<16xi32>
    %add3A_1355 = arith.addi %broadcast_in_dim3A_1348, %add3A_1354 : vector<16xi32>
    %select_n3A_1356 = arith.select %lt3A_1352, %add3A_1355, %broadcast_in_dim3A_1348 : vector<16xi1>, vector<16xi32>
    %broadcast_in_dim3A_1357 = vector.shape_cast %select_n3A_1356 : vector<16xi32> to vector<16x1xi32>
    %gather3A_1358 = vector.shape_cast %broadcast_in_dim3A_1357 : vector<16x1xi32> to vector<16xi32>
    %gather3A_1359 = tpu.dynamic_gather %bitcast3A_1349[%gather3A_1358] in [0] : vector<16xi32>, vector<16xi32> -> vector<16xi32>
    %bitcast3A_1360 = vector.bitcast %gather3A_1359 : vector<16xi32> to vector<16xi32>
    %bitcast3A_1361 = vector.bitcast %bitcast3A_1360 : vector<16xi32> to vector<16xi32>
    %mul3A_1362 = arith.constant 3 : i32
    %mul3A_1363 = vector.broadcast %mul3A_1362 : i32 to vector<16xi32>
    %mul3A_1364 = arith.muli %mul3A_1363, %bitcast3A_1346 : vector<16xi32>
    %add3A_1365 = arith.constant 0 : i32
    %add3A_1366 = vector.broadcast %add3A_1365 : i32 to vector<16xi32>
    %add3A_1367 = arith.addi %mul3A_1364, %add3A_1366 : vector<16xi32>
    %shift_left3A_1368 = arith.constant 16 : i32
    %shift_left3A_1369 = vector.broadcast %shift_left3A_1368 : i32 to vector<16xi32>
    %shift_left3A_1370 = arith.shli %add3A_1367, %shift_left3A_1369 : vector<16xi32>
    %mul3A_1371 = arith.constant 3 : i32
    %mul3A_1372 = vector.broadcast %mul3A_1371 : i32 to vector<16xi32>
    %mul3A_1373 = arith.muli %mul3A_1372, %bitcast3A_1346 : vector<16xi32>
    %add3A_1374 = arith.constant 1 : i32
    %add3A_1375 = vector.broadcast %add3A_1374 : i32 to vector<16xi32>
    %add3A_1376 = arith.addi %mul3A_1373, %add3A_1375 : vector<16xi32>
    %shift_left3A_1377 = arith.constant 16 : i32
    %shift_left3A_1378 = vector.broadcast %shift_left3A_1377 : i32 to vector<16xi32>
    %shift_left3A_1379 = arith.shli %add3A_1376, %shift_left3A_1378 : vector<16xi32>
    %mul3A_1380 = arith.constant 3 : i32
    %mul3A_1381 = vector.broadcast %mul3A_1380 : i32 to vector<16xi32>
    %mul3A_1382 = arith.muli %mul3A_1381, %bitcast3A_1346 : vector<16xi32>
    %add3A_1383 = arith.constant 2 : i32
    %add3A_1384 = vector.broadcast %add3A_1383 : i32 to vector<16xi32>
    %add3A_1385 = arith.addi %mul3A_1382, %add3A_1384 : vector<16xi32>
    %shift_left3A_1386 = arith.constant 16 : i32
    %shift_left3A_1387 = vector.broadcast %shift_left3A_1386 : i32 to vector<16xi32>
    %shift_left3A_1388 = arith.shli %add3A_1385, %shift_left3A_1387 : vector<16xi32>
    %add3A_1389 = arith.constant 0 : i32
    %add3A_1390 = vector.broadcast %add3A_1389 : i32 to vector<16xi32>
    %add3A_1391 = arith.addi %bitcast3A_1346, %add3A_1390 : vector<16xi32>
    %add3A_1392 = arith.constant 100 : i32
    %add3A_1393 = vector.broadcast %add3A_1392 : i32 to vector<16xi32>
    %add3A_1394 = arith.addi %bitcast3A_1346, %add3A_1393 : vector<16xi32>
    %add3A_1395 = arith.constant 200 : i32
    %add3A_1396 = vector.broadcast %add3A_1395 : i32 to vector<16xi32>
    %add3A_1397 = arith.addi %bitcast3A_1346, %add3A_1396 : vector<16xi32>
    %scan3A = arith.constant 0 : i32
    %scan3A_1398 = arith.constant 0 : i32
    %scan3A_1399 = arith.constant 16 : i32
    %scan3A_1400 = arith.addi %scan3A_1398, %scan3A_1399 : i32
    %scan3A_1401 = arith.constant 1 : i32
    scf.for %scan3A_1881 = %scan3A_1398 to %scan3A_1400 step %scan3A_1401  : i32 {
      %add3A_1882 = arith.constant 0 : i32
      %add3A_1883 = arith.addi %mul3A_2, %add3A_1882 : i32
      %mul3A_1884 = arith.constant 16 : i32
      %mul3A_1885 = arith.muli %scan3A_1881, %mul3A_1884 : i32
      %add3A_1886 = arith.addi %add3A_1883, %mul3A_1885 : i32
      %broadcast_in_dim3A_1887 = vector.broadcast %add3A_1886 : i32 to vector<16xi32>
      %add3A_1888 = arith.addi %broadcast_in_dim3A_1887, %iota3A : vector<16xi32>
      %xor3A_1889 = arith.xori %bitcast3A_823, %bitcast3A_837 : vector<16xi32>
      %xor3A_1890 = arith.constant 466688986 : i32
      %xor3A_1891 = vector.broadcast %xor3A_1890 : i32 to vector<16xi32>
      %xor3A_1892 = arith.xori %xor3A_1889, %xor3A_1891 : vector<16xi32>
      %add3A_1893 = arith.addi %broadcast_in_dim3A_3, %bitcast3A_823 : vector<16xi32>
      %add3A_1894 = arith.addi %add3A_1888, %bitcast3A_837 : vector<16xi32>
      %add3A_1895 = arith.addi %add3A_1893, %add3A_1894 : vector<16xi32>
      %shift_left3A_1896 = arith.constant 13 : i32
      %shift_left3A_1897 = vector.broadcast %shift_left3A_1896 : i32 to vector<16xi32>
      %shift_left3A_1898 = arith.shli %add3A_1894, %shift_left3A_1897 : vector<16xi32>
      %shift_right_logical3A_1899 = arith.constant 19 : i32
      %shift_right_logical3A_1900 = vector.broadcast %shift_right_logical3A_1899 : i32 to vector<16xi32>
      %shift_right_logical3A_1901 = arith.shrui %add3A_1894, %shift_right_logical3A_1900 : vector<16xi32>
      %or3A_1902 = arith.ori %shift_left3A_1898, %shift_right_logical3A_1901 : vector<16xi32>
      %xor3A_1903 = arith.xori %or3A_1902, %add3A_1895 : vector<16xi32>
      %add3A_1904 = arith.addi %add3A_1895, %xor3A_1903 : vector<16xi32>
      %shift_left3A_1905 = arith.constant 15 : i32
      %shift_left3A_1906 = vector.broadcast %shift_left3A_1905 : i32 to vector<16xi32>
      %shift_left3A_1907 = arith.shli %xor3A_1903, %shift_left3A_1906 : vector<16xi32>
      %shift_right_logical3A_1908 = arith.constant 17 : i32
      %shift_right_logical3A_1909 = vector.broadcast %shift_right_logical3A_1908 : i32 to vector<16xi32>
      %shift_right_logical3A_1910 = arith.shrui %xor3A_1903, %shift_right_logical3A_1909 : vector<16xi32>
      %or3A_1911 = arith.ori %shift_left3A_1907, %shift_right_logical3A_1910 : vector<16xi32>
      %xor3A_1912 = arith.xori %or3A_1911, %add3A_1904 : vector<16xi32>
      %add3A_1913 = arith.addi %add3A_1904, %xor3A_1912 : vector<16xi32>
      %shift_left3A_1914 = arith.constant 26 : i32
      %shift_left3A_1915 = vector.broadcast %shift_left3A_1914 : i32 to vector<16xi32>
      %shift_left3A_1916 = arith.shli %xor3A_1912, %shift_left3A_1915 : vector<16xi32>
      %shift_right_logical3A_1917 = arith.constant 6 : i32
      %shift_right_logical3A_1918 = vector.broadcast %shift_right_logical3A_1917 : i32 to vector<16xi32>
      %shift_right_logical3A_1919 = arith.shrui %xor3A_1912, %shift_right_logical3A_1918 : vector<16xi32>
      %or3A_1920 = arith.ori %shift_left3A_1916, %shift_right_logical3A_1919 : vector<16xi32>
      %xor3A_1921 = arith.xori %or3A_1920, %add3A_1913 : vector<16xi32>
      %add3A_1922 = arith.addi %add3A_1913, %xor3A_1921 : vector<16xi32>
      %shift_left3A_1923 = arith.constant 6 : i32
      %shift_left3A_1924 = vector.broadcast %shift_left3A_1923 : i32 to vector<16xi32>
      %shift_left3A_1925 = arith.shli %xor3A_1921, %shift_left3A_1924 : vector<16xi32>
      %shift_right_logical3A_1926 = arith.constant 26 : i32
      %shift_right_logical3A_1927 = vector.broadcast %shift_right_logical3A_1926 : i32 to vector<16xi32>
      %shift_right_logical3A_1928 = arith.shrui %xor3A_1921, %shift_right_logical3A_1927 : vector<16xi32>
      %or3A_1929 = arith.ori %shift_left3A_1925, %shift_right_logical3A_1928 : vector<16xi32>
      %xor3A_1930 = arith.xori %or3A_1929, %add3A_1922 : vector<16xi32>
      %add3A_1931 = arith.addi %add3A_1922, %bitcast3A_837 : vector<16xi32>
      %add3A_1932 = arith.addi %xor3A_1930, %xor3A_1892 : vector<16xi32>
      %add3A_1933 = arith.constant 1 : i32
      %add3A_1934 = vector.broadcast %add3A_1933 : i32 to vector<16xi32>
      %add3A_1935 = arith.addi %add3A_1932, %add3A_1934 : vector<16xi32>
      %add3A_1936 = arith.addi %add3A_1931, %add3A_1935 : vector<16xi32>
      %shift_left3A_1937 = arith.constant 17 : i32
      %shift_left3A_1938 = vector.broadcast %shift_left3A_1937 : i32 to vector<16xi32>
      %shift_left3A_1939 = arith.shli %add3A_1935, %shift_left3A_1938 : vector<16xi32>
      %shift_right_logical3A_1940 = arith.constant 15 : i32
      %shift_right_logical3A_1941 = vector.broadcast %shift_right_logical3A_1940 : i32 to vector<16xi32>
      %shift_right_logical3A_1942 = arith.shrui %add3A_1935, %shift_right_logical3A_1941 : vector<16xi32>
      %or3A_1943 = arith.ori %shift_left3A_1939, %shift_right_logical3A_1942 : vector<16xi32>
      %xor3A_1944 = arith.xori %or3A_1943, %add3A_1936 : vector<16xi32>
      %add3A_1945 = arith.addi %add3A_1936, %xor3A_1944 : vector<16xi32>
      %shift_left3A_1946 = arith.constant 29 : i32
      %shift_left3A_1947 = vector.broadcast %shift_left3A_1946 : i32 to vector<16xi32>
      %shift_left3A_1948 = arith.shli %xor3A_1944, %shift_left3A_1947 : vector<16xi32>
      %shift_right_logical3A_1949 = arith.constant 3 : i32
      %shift_right_logical3A_1950 = vector.broadcast %shift_right_logical3A_1949 : i32 to vector<16xi32>
      %shift_right_logical3A_1951 = arith.shrui %xor3A_1944, %shift_right_logical3A_1950 : vector<16xi32>
      %or3A_1952 = arith.ori %shift_left3A_1948, %shift_right_logical3A_1951 : vector<16xi32>
      %xor3A_1953 = arith.xori %or3A_1952, %add3A_1945 : vector<16xi32>
      %add3A_1954 = arith.addi %add3A_1945, %xor3A_1953 : vector<16xi32>
      %shift_left3A_1955 = arith.constant 16 : i32
      %shift_left3A_1956 = vector.broadcast %shift_left3A_1955 : i32 to vector<16xi32>
      %shift_left3A_1957 = arith.shli %xor3A_1953, %shift_left3A_1956 : vector<16xi32>
      %shift_right_logical3A_1958 = arith.constant 16 : i32
      %shift_right_logical3A_1959 = vector.broadcast %shift_right_logical3A_1958 : i32 to vector<16xi32>
      %shift_right_logical3A_1960 = arith.shrui %xor3A_1953, %shift_right_logical3A_1959 : vector<16xi32>
      %or3A_1961 = arith.ori %shift_left3A_1957, %shift_right_logical3A_1960 : vector<16xi32>
      %xor3A_1962 = arith.xori %or3A_1961, %add3A_1954 : vector<16xi32>
      %add3A_1963 = arith.addi %add3A_1954, %xor3A_1962 : vector<16xi32>
      %shift_left3A_1964 = arith.constant 24 : i32
      %shift_left3A_1965 = vector.broadcast %shift_left3A_1964 : i32 to vector<16xi32>
      %shift_left3A_1966 = arith.shli %xor3A_1962, %shift_left3A_1965 : vector<16xi32>
      %shift_right_logical3A_1967 = arith.constant 8 : i32
      %shift_right_logical3A_1968 = vector.broadcast %shift_right_logical3A_1967 : i32 to vector<16xi32>
      %shift_right_logical3A_1969 = arith.shrui %xor3A_1962, %shift_right_logical3A_1968 : vector<16xi32>
      %or3A_1970 = arith.ori %shift_left3A_1966, %shift_right_logical3A_1969 : vector<16xi32>
      %xor3A_1971 = arith.xori %or3A_1970, %add3A_1963 : vector<16xi32>
      %add3A_1972 = arith.addi %add3A_1963, %xor3A_1892 : vector<16xi32>
      %add3A_1973 = arith.addi %xor3A_1971, %bitcast3A_823 : vector<16xi32>
      %add3A_1974 = arith.constant 2 : i32
      %add3A_1975 = vector.broadcast %add3A_1974 : i32 to vector<16xi32>
      %add3A_1976 = arith.addi %add3A_1973, %add3A_1975 : vector<16xi32>
      %add3A_1977 = arith.addi %add3A_1972, %add3A_1976 : vector<16xi32>
      %shift_left3A_1978 = arith.constant 13 : i32
      %shift_left3A_1979 = vector.broadcast %shift_left3A_1978 : i32 to vector<16xi32>
      %shift_left3A_1980 = arith.shli %add3A_1976, %shift_left3A_1979 : vector<16xi32>
      %shift_right_logical3A_1981 = arith.constant 19 : i32
      %shift_right_logical3A_1982 = vector.broadcast %shift_right_logical3A_1981 : i32 to vector<16xi32>
      %shift_right_logical3A_1983 = arith.shrui %add3A_1976, %shift_right_logical3A_1982 : vector<16xi32>
      %or3A_1984 = arith.ori %shift_left3A_1980, %shift_right_logical3A_1983 : vector<16xi32>
      %xor3A_1985 = arith.xori %or3A_1984, %add3A_1977 : vector<16xi32>
      %add3A_1986 = arith.addi %add3A_1977, %xor3A_1985 : vector<16xi32>
      %shift_left3A_1987 = arith.constant 15 : i32
      %shift_left3A_1988 = vector.broadcast %shift_left3A_1987 : i32 to vector<16xi32>
      %shift_left3A_1989 = arith.shli %xor3A_1985, %shift_left3A_1988 : vector<16xi32>
      %shift_right_logical3A_1990 = arith.constant 17 : i32
      %shift_right_logical3A_1991 = vector.broadcast %shift_right_logical3A_1990 : i32 to vector<16xi32>
      %shift_right_logical3A_1992 = arith.shrui %xor3A_1985, %shift_right_logical3A_1991 : vector<16xi32>
      %or3A_1993 = arith.ori %shift_left3A_1989, %shift_right_logical3A_1992 : vector<16xi32>
      %xor3A_1994 = arith.xori %or3A_1993, %add3A_1986 : vector<16xi32>
      %add3A_1995 = arith.addi %add3A_1986, %xor3A_1994 : vector<16xi32>
      %shift_left3A_1996 = arith.constant 26 : i32
      %shift_left3A_1997 = vector.broadcast %shift_left3A_1996 : i32 to vector<16xi32>
      %shift_left3A_1998 = arith.shli %xor3A_1994, %shift_left3A_1997 : vector<16xi32>
      %shift_right_logical3A_1999 = arith.constant 6 : i32
      %shift_right_logical3A_2000 = vector.broadcast %shift_right_logical3A_1999 : i32 to vector<16xi32>
      %shift_right_logical3A_2001 = arith.shrui %xor3A_1994, %shift_right_logical3A_2000 : vector<16xi32>
      %or3A_2002 = arith.ori %shift_left3A_1998, %shift_right_logical3A_2001 : vector<16xi32>
      %xor3A_2003 = arith.xori %or3A_2002, %add3A_1995 : vector<16xi32>
      %add3A_2004 = arith.addi %add3A_1995, %xor3A_2003 : vector<16xi32>
      %shift_left3A_2005 = arith.constant 6 : i32
      %shift_left3A_2006 = vector.broadcast %shift_left3A_2005 : i32 to vector<16xi32>
      %shift_left3A_2007 = arith.shli %xor3A_2003, %shift_left3A_2006 : vector<16xi32>
      %shift_right_logical3A_2008 = arith.constant 26 : i32
      %shift_right_logical3A_2009 = vector.broadcast %shift_right_logical3A_2008 : i32 to vector<16xi32>
      %shift_right_logical3A_2010 = arith.shrui %xor3A_2003, %shift_right_logical3A_2009 : vector<16xi32>
      %or3A_2011 = arith.ori %shift_left3A_2007, %shift_right_logical3A_2010 : vector<16xi32>
      %xor3A_2012 = arith.xori %or3A_2011, %add3A_2004 : vector<16xi32>
      %add3A_2013 = arith.addi %add3A_2004, %bitcast3A_823 : vector<16xi32>
      %add3A_2014 = arith.addi %xor3A_2012, %bitcast3A_837 : vector<16xi32>
      %add3A_2015 = arith.constant 3 : i32
      %add3A_2016 = vector.broadcast %add3A_2015 : i32 to vector<16xi32>
      %add3A_2017 = arith.addi %add3A_2014, %add3A_2016 : vector<16xi32>
      %add3A_2018 = arith.addi %add3A_2013, %add3A_2017 : vector<16xi32>
      %shift_left3A_2019 = arith.constant 17 : i32
      %shift_left3A_2020 = vector.broadcast %shift_left3A_2019 : i32 to vector<16xi32>
      %shift_left3A_2021 = arith.shli %add3A_2017, %shift_left3A_2020 : vector<16xi32>
      %shift_right_logical3A_2022 = arith.constant 15 : i32
      %shift_right_logical3A_2023 = vector.broadcast %shift_right_logical3A_2022 : i32 to vector<16xi32>
      %shift_right_logical3A_2024 = arith.shrui %add3A_2017, %shift_right_logical3A_2023 : vector<16xi32>
      %or3A_2025 = arith.ori %shift_left3A_2021, %shift_right_logical3A_2024 : vector<16xi32>
      %xor3A_2026 = arith.xori %or3A_2025, %add3A_2018 : vector<16xi32>
      %add3A_2027 = arith.addi %add3A_2018, %xor3A_2026 : vector<16xi32>
      %shift_left3A_2028 = arith.constant 29 : i32
      %shift_left3A_2029 = vector.broadcast %shift_left3A_2028 : i32 to vector<16xi32>
      %shift_left3A_2030 = arith.shli %xor3A_2026, %shift_left3A_2029 : vector<16xi32>
      %shift_right_logical3A_2031 = arith.constant 3 : i32
      %shift_right_logical3A_2032 = vector.broadcast %shift_right_logical3A_2031 : i32 to vector<16xi32>
      %shift_right_logical3A_2033 = arith.shrui %xor3A_2026, %shift_right_logical3A_2032 : vector<16xi32>
      %or3A_2034 = arith.ori %shift_left3A_2030, %shift_right_logical3A_2033 : vector<16xi32>
      %xor3A_2035 = arith.xori %or3A_2034, %add3A_2027 : vector<16xi32>
      %add3A_2036 = arith.addi %add3A_2027, %xor3A_2035 : vector<16xi32>
      %shift_left3A_2037 = arith.constant 16 : i32
      %shift_left3A_2038 = vector.broadcast %shift_left3A_2037 : i32 to vector<16xi32>
      %shift_left3A_2039 = arith.shli %xor3A_2035, %shift_left3A_2038 : vector<16xi32>
      %shift_right_logical3A_2040 = arith.constant 16 : i32
      %shift_right_logical3A_2041 = vector.broadcast %shift_right_logical3A_2040 : i32 to vector<16xi32>
      %shift_right_logical3A_2042 = arith.shrui %xor3A_2035, %shift_right_logical3A_2041 : vector<16xi32>
      %or3A_2043 = arith.ori %shift_left3A_2039, %shift_right_logical3A_2042 : vector<16xi32>
      %xor3A_2044 = arith.xori %or3A_2043, %add3A_2036 : vector<16xi32>
      %add3A_2045 = arith.addi %add3A_2036, %xor3A_2044 : vector<16xi32>
      %shift_left3A_2046 = arith.constant 24 : i32
      %shift_left3A_2047 = vector.broadcast %shift_left3A_2046 : i32 to vector<16xi32>
      %shift_left3A_2048 = arith.shli %xor3A_2044, %shift_left3A_2047 : vector<16xi32>
      %shift_right_logical3A_2049 = arith.constant 8 : i32
      %shift_right_logical3A_2050 = vector.broadcast %shift_right_logical3A_2049 : i32 to vector<16xi32>
      %shift_right_logical3A_2051 = arith.shrui %xor3A_2044, %shift_right_logical3A_2050 : vector<16xi32>
      %or3A_2052 = arith.ori %shift_left3A_2048, %shift_right_logical3A_2051 : vector<16xi32>
      %xor3A_2053 = arith.xori %or3A_2052, %add3A_2045 : vector<16xi32>
      %add3A_2054 = arith.addi %add3A_2045, %bitcast3A_837 : vector<16xi32>
      %add3A_2055 = arith.addi %xor3A_2053, %xor3A_1892 : vector<16xi32>
      %add3A_2056 = arith.constant 4 : i32
      %add3A_2057 = vector.broadcast %add3A_2056 : i32 to vector<16xi32>
      %add3A_2058 = arith.addi %add3A_2055, %add3A_2057 : vector<16xi32>
      %add3A_2059 = arith.addi %add3A_2054, %add3A_2058 : vector<16xi32>
      %shift_left3A_2060 = arith.constant 13 : i32
      %shift_left3A_2061 = vector.broadcast %shift_left3A_2060 : i32 to vector<16xi32>
      %shift_left3A_2062 = arith.shli %add3A_2058, %shift_left3A_2061 : vector<16xi32>
      %shift_right_logical3A_2063 = arith.constant 19 : i32
      %shift_right_logical3A_2064 = vector.broadcast %shift_right_logical3A_2063 : i32 to vector<16xi32>
      %shift_right_logical3A_2065 = arith.shrui %add3A_2058, %shift_right_logical3A_2064 : vector<16xi32>
      %or3A_2066 = arith.ori %shift_left3A_2062, %shift_right_logical3A_2065 : vector<16xi32>
      %xor3A_2067 = arith.xori %or3A_2066, %add3A_2059 : vector<16xi32>
      %add3A_2068 = arith.addi %add3A_2059, %xor3A_2067 : vector<16xi32>
      %shift_left3A_2069 = arith.constant 15 : i32
      %shift_left3A_2070 = vector.broadcast %shift_left3A_2069 : i32 to vector<16xi32>
      %shift_left3A_2071 = arith.shli %xor3A_2067, %shift_left3A_2070 : vector<16xi32>
      %shift_right_logical3A_2072 = arith.constant 17 : i32
      %shift_right_logical3A_2073 = vector.broadcast %shift_right_logical3A_2072 : i32 to vector<16xi32>
      %shift_right_logical3A_2074 = arith.shrui %xor3A_2067, %shift_right_logical3A_2073 : vector<16xi32>
      %or3A_2075 = arith.ori %shift_left3A_2071, %shift_right_logical3A_2074 : vector<16xi32>
      %xor3A_2076 = arith.xori %or3A_2075, %add3A_2068 : vector<16xi32>
      %add3A_2077 = arith.addi %add3A_2068, %xor3A_2076 : vector<16xi32>
      %shift_left3A_2078 = arith.constant 26 : i32
      %shift_left3A_2079 = vector.broadcast %shift_left3A_2078 : i32 to vector<16xi32>
      %shift_left3A_2080 = arith.shli %xor3A_2076, %shift_left3A_2079 : vector<16xi32>
      %shift_right_logical3A_2081 = arith.constant 6 : i32
      %shift_right_logical3A_2082 = vector.broadcast %shift_right_logical3A_2081 : i32 to vector<16xi32>
      %shift_right_logical3A_2083 = arith.shrui %xor3A_2076, %shift_right_logical3A_2082 : vector<16xi32>
      %or3A_2084 = arith.ori %shift_left3A_2080, %shift_right_logical3A_2083 : vector<16xi32>
      %xor3A_2085 = arith.xori %or3A_2084, %add3A_2077 : vector<16xi32>
      %add3A_2086 = arith.addi %add3A_2077, %xor3A_2085 : vector<16xi32>
      %shift_left3A_2087 = arith.constant 6 : i32
      %shift_left3A_2088 = vector.broadcast %shift_left3A_2087 : i32 to vector<16xi32>
      %shift_left3A_2089 = arith.shli %xor3A_2085, %shift_left3A_2088 : vector<16xi32>
      %shift_right_logical3A_2090 = arith.constant 26 : i32
      %shift_right_logical3A_2091 = vector.broadcast %shift_right_logical3A_2090 : i32 to vector<16xi32>
      %shift_right_logical3A_2092 = arith.shrui %xor3A_2085, %shift_right_logical3A_2091 : vector<16xi32>
      %or3A_2093 = arith.ori %shift_left3A_2089, %shift_right_logical3A_2092 : vector<16xi32>
      %xor3A_2094 = arith.xori %or3A_2093, %add3A_2086 : vector<16xi32>
      %add3A_2095 = arith.addi %add3A_2086, %xor3A_1892 : vector<16xi32>
      %add3A_2096 = arith.addi %xor3A_2094, %bitcast3A_823 : vector<16xi32>
      %add3A_2097 = arith.constant 5 : i32
      %add3A_2098 = vector.broadcast %add3A_2097 : i32 to vector<16xi32>
      %add3A_2099 = arith.addi %add3A_2096, %add3A_2098 : vector<16xi32>
      %xor3A_2100 = arith.xori %add3A_2095, %add3A_2099 : vector<16xi32>
      %and3A_2101 = arith.constant 65535 : i32
      %and3A_2102 = vector.broadcast %and3A_2101 : i32 to vector<16xi32>
      %and3A_2103 = arith.andi %xor3A_2100, %and3A_2102 : vector<16xi32>
      %bitcast3A_2104 = vector.bitcast %and3A_2103 : vector<16xi32> to vector<16xi32>
      %mul3A_2105 = arith.constant 16 : i32
      %mul3A_2106 = arith.muli %scan3A_1881, %mul3A_2105 : i32
      %add3A_2107 = arith.constant 0 : i32
      %add3A_2108 = arith.addi %add3A_2107, %mul3A_2106 : i32
      %add3A_2109 = arith.addi %shift_left3A_1370, %bitcast3A_2104 : vector<16xi32>
      %swap3A_2110 = arith.index_cast %add3A_2108 : i32 to index
      %swap3A_2111 = tpu.vector_load %arg11[%swap3A_2110] {strides = array<i32>} : memref<1536xi32, #tpu.memory_space<vmem>>, vector<16xi32>,
      %swap3A_2112 = vector.shape_cast %swap3A_2111 : vector<16xi32> to vector<16xi32>
      %swap3A_2113 = vector.shape_cast %add3A_2109 : vector<16xi32> to vector<16xi32>
      tpu.vector_store %arg11[%swap3A_2110], %swap3A_2113 {strides = array<i32>} : memref<1536xi32, #tpu.memory_space<vmem>>, vector<16xi32>,
      %swap3A_2114 = arith.index_cast %add3A_2108 : i32 to index
      %swap3A_2115 = tpu.vector_load %arg12[%swap3A_2114] {strides = array<i32>} : memref<1536xi32, #tpu.memory_space<vmem>>, vector<16xi32>,
      %swap3A_2116 = vector.shape_cast %swap3A_2115 : vector<16xi32> to vector<16xi32>
      %swap3A_2117 = vector.shape_cast %add3A_1391 : vector<16xi32> to vector<16xi32>
      tpu.vector_store %arg12[%swap3A_2114], %swap3A_2117 {strides = array<i32>} : memref<1536xi32, #tpu.memory_space<vmem>>, vector<16xi32>,
      %mul3A_2118 = arith.constant 16 : i32
      %mul3A_2119 = arith.muli %scan3A_1881, %mul3A_2118 : i32
      %add3A_2120 = arith.constant 512 : i32
      %add3A_2121 = arith.addi %add3A_2120, %mul3A_2119 : i32
      %add3A_2122 = arith.addi %shift_left3A_1379, %bitcast3A_2104 : vector<16xi32>
      %swap3A_2123 = arith.index_cast %add3A_2121 : i32 to index
      %swap3A_2124 = tpu.vector_load %arg11[%swap3A_2123] {strides = array<i32>} : memref<1536xi32, #tpu.memory_space<vmem>>, vector<16xi32>,
      %swap3A_2125 = vector.shape_cast %swap3A_2124 : vector<16xi32> to vector<16xi32>
      %swap3A_2126 = vector.shape_cast %add3A_2122 : vector<16xi32> to vector<16xi32>
      tpu.vector_store %arg11[%swap3A_2123], %swap3A_2126 {strides = array<i32>} : memref<1536xi32, #tpu.memory_space<vmem>>, vector<16xi32>,
      %swap3A_2127 = arith.index_cast %add3A_2121 : i32 to index
      %swap3A_2128 = tpu.vector_load %arg12[%swap3A_2127] {strides = array<i32>} : memref<1536xi32, #tpu.memory_space<vmem>>, vector<16xi32>,
      %swap3A_2129 = vector.shape_cast %swap3A_2128 : vector<16xi32> to vector<16xi32>
      %swap3A_2130 = vector.shape_cast %add3A_1394 : vector<16xi32> to vector<16xi32>
      tpu.vector_store %arg12[%swap3A_2127], %swap3A_2130 {strides = array<i32>} : memref<1536xi32, #tpu.memory_space<vmem>>, vector<16xi32>,
      %mul3A_2131 = arith.constant 16 : i32
      %mul3A_2132 = arith.muli %scan3A_1881, %mul3A_2131 : i32
      %add3A_2133 = arith.constant 1024 : i32
      %add3A_2134 = arith.addi %add3A_2133, %mul3A_2132 : i32
      %add3A_2135 = arith.addi %shift_left3A_1388, %bitcast3A_2104 : vector<16xi32>
      %swap3A_2136 = arith.index_cast %add3A_2134 : i32 to index
      %swap3A_2137 = tpu.vector_load %arg11[%swap3A_2136] {strides = array<i32>} : memref<1536xi32, #tpu.memory_space<vmem>>, vector<16xi32>,
      %swap3A_2138 = vector.shape_cast %swap3A_2137 : vector<16xi32> to vector<16xi32>
      %swap3A_2139 = vector.shape_cast %add3A_2135 : vector<16xi32> to vector<16xi32>
      tpu.vector_store %arg11[%swap3A_2136], %swap3A_2139 {strides = array<i32>} : memref<1536xi32, #tpu.memory_space<vmem>>, vector<16xi32>,
      %swap3A_2140 = arith.index_cast %add3A_2134 : i32 to index
      %swap3A_2141 = tpu.vector_load %arg12[%swap3A_2140] {strides = array<i32>} : memref<1536xi32, #tpu.memory_space<vmem>>, vector<16xi32>,
      %swap3A_2142 = vector.shape_cast %swap3A_2141 : vector<16xi32> to vector<16xi32>
      %swap3A_2143 = vector.shape_cast %add3A_1397 : vector<16xi32> to vector<16xi32>
      tpu.vector_store %arg12[%swap3A_2140], %swap3A_2143 {strides = array<i32>} : memref<1536xi32, #tpu.memory_space<vmem>>, vector<16xi32>,
    }
    %scan3A_1402 = arith.constant 16 : i32
    %mul3A_1403 = arith.constant 3 : i32
    %mul3A_1404 = vector.broadcast %mul3A_1403 : i32 to vector<16xi32>
    %mul3A_1405 = arith.muli %mul3A_1404, %bitcast3A_1361 : vector<16xi32>
    %add3A_1406 = arith.constant 0 : i32
    %add3A_1407 = vector.broadcast %add3A_1406 : i32 to vector<16xi32>
    %add3A_1408 = arith.addi %mul3A_1405, %add3A_1407 : vector<16xi32>
    %shift_left3A_1409 = arith.constant 16 : i32
    %shift_left3A_1410 = vector.broadcast %shift_left3A_1409 : i32 to vector<16xi32>
    %shift_left3A_1411 = arith.shli %add3A_1408, %shift_left3A_1410 : vector<16xi32>
    %mul3A_1412 = arith.constant 3 : i32
    %mul3A_1413 = vector.broadcast %mul3A_1412 : i32 to vector<16xi32>
    %mul3A_1414 = arith.muli %mul3A_1413, %bitcast3A_1361 : vector<16xi32>
    %add3A_1415 = arith.constant 1 : i32
    %add3A_1416 = vector.broadcast %add3A_1415 : i32 to vector<16xi32>
    %add3A_1417 = arith.addi %mul3A_1414, %add3A_1416 : vector<16xi32>
    %shift_left3A_1418 = arith.constant 16 : i32
    %shift_left3A_1419 = vector.broadcast %shift_left3A_1418 : i32 to vector<16xi32>
    %shift_left3A_1420 = arith.shli %add3A_1417, %shift_left3A_1419 : vector<16xi32>
    %mul3A_1421 = arith.constant 3 : i32
    %mul3A_1422 = vector.broadcast %mul3A_1421 : i32 to vector<16xi32>
    %mul3A_1423 = arith.muli %mul3A_1422, %bitcast3A_1361 : vector<16xi32>
    %add3A_1424 = arith.constant 2 : i32
    %add3A_1425 = vector.broadcast %add3A_1424 : i32 to vector<16xi32>
    %add3A_1426 = arith.addi %mul3A_1423, %add3A_1425 : vector<16xi32>
    %shift_left3A_1427 = arith.constant 16 : i32
    %shift_left3A_1428 = vector.broadcast %shift_left3A_1427 : i32 to vector<16xi32>
    %shift_left3A_1429 = arith.shli %add3A_1426, %shift_left3A_1428 : vector<16xi32>
    %add3A_1430 = arith.constant 0 : i32
    %add3A_1431 = vector.broadcast %add3A_1430 : i32 to vector<16xi32>
    %add3A_1432 = arith.addi %bitcast3A_1361, %add3A_1431 : vector<16xi32>
    %add3A_1433 = arith.constant 100 : i32
    %add3A_1434 = vector.broadcast %add3A_1433 : i32 to vector<16xi32>
    %add3A_1435 = arith.addi %bitcast3A_1361, %add3A_1434 : vector<16xi32>
    %add3A_1436 = arith.constant 200 : i32
    %add3A_1437 = vector.broadcast %add3A_1436 : i32 to vector<16xi32>
    %add3A_1438 = arith.addi %bitcast3A_1361, %add3A_1437 : vector<16xi32>
    %scan3A_1439 = arith.constant 0 : i32
    %scan3A_1440 = arith.constant 0 : i32
    %scan3A_1441 = arith.constant 16 : i32
    %scan3A_1442 = arith.addi %scan3A_1440, %scan3A_1441 : i32
    %scan3A_1443 = arith.constant 1 : i32
    scf.for %scan3A_1881 = %scan3A_1440 to %scan3A_1442 step %scan3A_1443  : i32 {
      %add3A_1882 = arith.constant 256 : i32
      %add3A_1883 = arith.addi %mul3A_2, %add3A_1882 : i32
      %mul3A_1884 = arith.constant 16 : i32
      %mul3A_1885 = arith.muli %scan3A_1881, %mul3A_1884 : i32
      %add3A_1886 = arith.addi %add3A_1883, %mul3A_1885 : i32
      %broadcast_in_dim3A_1887 = vector.broadcast %add3A_1886 : i32 to vector<16xi32>
      %add3A_1888 = arith.addi %broadcast_in_dim3A_1887, %iota3A : vector<16xi32>
      %xor3A_1889 = arith.xori %bitcast3A_823, %bitcast3A_837 : vector<16xi32>
      %xor3A_1890 = arith.constant 466688986 : i32
      %xor3A_1891 = vector.broadcast %xor3A_1890 : i32 to vector<16xi32>
      %xor3A_1892 = arith.xori %xor3A_1889, %xor3A_1891 : vector<16xi32>
      %add3A_1893 = arith.addi %broadcast_in_dim3A_3, %bitcast3A_823 : vector<16xi32>
      %add3A_1894 = arith.addi %add3A_1888, %bitcast3A_837 : vector<16xi32>
      %add3A_1895 = arith.addi %add3A_1893, %add3A_1894 : vector<16xi32>
      %shift_left3A_1896 = arith.constant 13 : i32
      %shift_left3A_1897 = vector.broadcast %shift_left3A_1896 : i32 to vector<16xi32>
      %shift_left3A_1898 = arith.shli %add3A_1894, %shift_left3A_1897 : vector<16xi32>
      %shift_right_logical3A_1899 = arith.constant 19 : i32
      %shift_right_logical3A_1900 = vector.broadcast %shift_right_logical3A_1899 : i32 to vector<16xi32>
      %shift_right_logical3A_1901 = arith.shrui %add3A_1894, %shift_right_logical3A_1900 : vector<16xi32>
      %or3A_1902 = arith.ori %shift_left3A_1898, %shift_right_logical3A_1901 : vector<16xi32>
      %xor3A_1903 = arith.xori %or3A_1902, %add3A_1895 : vector<16xi32>
      %add3A_1904 = arith.addi %add3A_1895, %xor3A_1903 : vector<16xi32>
      %shift_left3A_1905 = arith.constant 15 : i32
      %shift_left3A_1906 = vector.broadcast %shift_left3A_1905 : i32 to vector<16xi32>
      %shift_left3A_1907 = arith.shli %xor3A_1903, %shift_left3A_1906 : vector<16xi32>
      %shift_right_logical3A_1908 = arith.constant 17 : i32
      %shift_right_logical3A_1909 = vector.broadcast %shift_right_logical3A_1908 : i32 to vector<16xi32>
      %shift_right_logical3A_1910 = arith.shrui %xor3A_1903, %shift_right_logical3A_1909 : vector<16xi32>
      %or3A_1911 = arith.ori %shift_left3A_1907, %shift_right_logical3A_1910 : vector<16xi32>
      %xor3A_1912 = arith.xori %or3A_1911, %add3A_1904 : vector<16xi32>
      %add3A_1913 = arith.addi %add3A_1904, %xor3A_1912 : vector<16xi32>
      %shift_left3A_1914 = arith.constant 26 : i32
      %shift_left3A_1915 = vector.broadcast %shift_left3A_1914 : i32 to vector<16xi32>
      %shift_left3A_1916 = arith.shli %xor3A_1912, %shift_left3A_1915 : vector<16xi32>
      %shift_right_logical3A_1917 = arith.constant 6 : i32
      %shift_right_logical3A_1918 = vector.broadcast %shift_right_logical3A_1917 : i32 to vector<16xi32>
      %shift_right_logical3A_1919 = arith.shrui %xor3A_1912, %shift_right_logical3A_1918 : vector<16xi32>
      %or3A_1920 = arith.ori %shift_left3A_1916, %shift_right_logical3A_1919 : vector<16xi32>
      %xor3A_1921 = arith.xori %or3A_1920, %add3A_1913 : vector<16xi32>
      %add3A_1922 = arith.addi %add3A_1913, %xor3A_1921 : vector<16xi32>
      %shift_left3A_1923 = arith.constant 6 : i32
      %shift_left3A_1924 = vector.broadcast %shift_left3A_1923 : i32 to vector<16xi32>
      %shift_left3A_1925 = arith.shli %xor3A_1921, %shift_left3A_1924 : vector<16xi32>
      %shift_right_logical3A_1926 = arith.constant 26 : i32
      %shift_right_logical3A_1927 = vector.broadcast %shift_right_logical3A_1926 : i32 to vector<16xi32>
      %shift_right_logical3A_1928 = arith.shrui %xor3A_1921, %shift_right_logical3A_1927 : vector<16xi32>
      %or3A_1929 = arith.ori %shift_left3A_1925, %shift_right_logical3A_1928 : vector<16xi32>
      %xor3A_1930 = arith.xori %or3A_1929, %add3A_1922 : vector<16xi32>
      %add3A_1931 = arith.addi %add3A_1922, %bitcast3A_837 : vector<16xi32>
      %add3A_1932 = arith.addi %xor3A_1930, %xor3A_1892 : vector<16xi32>
      %add3A_1933 = arith.constant 1 : i32
      %add3A_1934 = vector.broadcast %add3A_1933 : i32 to vector<16xi32>
      %add3A_1935 = arith.addi %add3A_1932, %add3A_1934 : vector<16xi32>
      %add3A_1936 = arith.addi %add3A_1931, %add3A_1935 : vector<16xi32>
      %shift_left3A_1937 = arith.constant 17 : i32
      %shift_left3A_1938 = vector.broadcast %shift_left3A_1937 : i32 to vector<16xi32>
      %shift_left3A_1939 = arith.shli %add3A_1935, %shift_left3A_1938 : vector<16xi32>
      %shift_right_logical3A_1940 = arith.constant 15 : i32
      %shift_right_logical3A_1941 = vector.broadcast %shift_right_logical3A_1940 : i32 to vector<16xi32>
      %shift_right_logical3A_1942 = arith.shrui %add3A_1935, %shift_right_logical3A_1941 : vector<16xi32>
      %or3A_1943 = arith.ori %shift_left3A_1939, %shift_right_logical3A_1942 : vector<16xi32>
      %xor3A_1944 = arith.xori %or3A_1943, %add3A_1936 : vector<16xi32>
      %add3A_1945 = arith.addi %add3A_1936, %xor3A_1944 : vector<16xi32>
      %shift_left3A_1946 = arith.constant 29 : i32
      %shift_left3A_1947 = vector.broadcast %shift_left3A_1946 : i32 to vector<16xi32>
      %shift_left3A_1948 = arith.shli %xor3A_1944, %shift_left3A_1947 : vector<16xi32>
      %shift_right_logical3A_1949 = arith.constant 3 : i32
      %shift_right_logical3A_1950 = vector.broadcast %shift_right_logical3A_1949 : i32 to vector<16xi32>
      %shift_right_logical3A_1951 = arith.shrui %xor3A_1944, %shift_right_logical3A_1950 : vector<16xi32>
      %or3A_1952 = arith.ori %shift_left3A_1948, %shift_right_logical3A_1951 : vector<16xi32>
      %xor3A_1953 = arith.xori %or3A_1952, %add3A_1945 : vector<16xi32>
      %add3A_1954 = arith.addi %add3A_1945, %xor3A_1953 : vector<16xi32>
      %shift_left3A_1955 = arith.constant 16 : i32
      %shift_left3A_1956 = vector.broadcast %shift_left3A_1955 : i32 to vector<16xi32>
      %shift_left3A_1957 = arith.shli %xor3A_1953, %shift_left3A_1956 : vector<16xi32>
      %shift_right_logical3A_1958 = arith.constant 16 : i32
      %shift_right_logical3A_1959 = vector.broadcast %shift_right_logical3A_1958 : i32 to vector<16xi32>
      %shift_right_logical3A_1960 = arith.shrui %xor3A_1953, %shift_right_logical3A_1959 : vector<16xi32>
      %or3A_1961 = arith.ori %shift_left3A_1957, %shift_right_logical3A_1960 : vector<16xi32>
      %xor3A_1962 = arith.xori %or3A_1961, %add3A_1954 : vector<16xi32>
      %add3A_1963 = arith.addi %add3A_1954, %xor3A_1962 : vector<16xi32>
      %shift_left3A_1964 = arith.constant 24 : i32
      %shift_left3A_1965 = vector.broadcast %shift_left3A_1964 : i32 to vector<16xi32>
      %shift_left3A_1966 = arith.shli %xor3A_1962, %shift_left3A_1965 : vector<16xi32>
      %shift_right_logical3A_1967 = arith.constant 8 : i32
      %shift_right_logical3A_1968 = vector.broadcast %shift_right_logical3A_1967 : i32 to vector<16xi32>
      %shift_right_logical3A_1969 = arith.shrui %xor3A_1962, %shift_right_logical3A_1968 : vector<16xi32>
      %or3A_1970 = arith.ori %shift_left3A_1966, %shift_right_logical3A_1969 : vector<16xi32>
      %xor3A_1971 = arith.xori %or3A_1970, %add3A_1963 : vector<16xi32>
      %add3A_1972 = arith.addi %add3A_1963, %xor3A_1892 : vector<16xi32>
      %add3A_1973 = arith.addi %xor3A_1971, %bitcast3A_823 : vector<16xi32>
      %add3A_1974 = arith.constant 2 : i32
      %add3A_1975 = vector.broadcast %add3A_1974 : i32 to vector<16xi32>
      %add3A_1976 = arith.addi %add3A_1973, %add3A_1975 : vector<16xi32>
      %add3A_1977 = arith.addi %add3A_1972, %add3A_1976 : vector<16xi32>
      %shift_left3A_1978 = arith.constant 13 : i32
      %shift_left3A_1979 = vector.broadcast %shift_left3A_1978 : i32 to vector<16xi32>
      %shift_left3A_1980 = arith.shli %add3A_1976, %shift_left3A_1979 : vector<16xi32>
      %shift_right_logical3A_1981 = arith.constant 19 : i32
      %shift_right_logical3A_1982 = vector.broadcast %shift_right_logical3A_1981 : i32 to vector<16xi32>
      %shift_right_logical3A_1983 = arith.shrui %add3A_1976, %shift_right_logical3A_1982 : vector<16xi32>
      %or3A_1984 = arith.ori %shift_left3A_1980, %shift_right_logical3A_1983 : vector<16xi32>
      %xor3A_1985 = arith.xori %or3A_1984, %add3A_1977 : vector<16xi32>
      %add3A_1986 = arith.addi %add3A_1977, %xor3A_1985 : vector<16xi32>
      %shift_left3A_1987 = arith.constant 15 : i32
      %shift_left3A_1988 = vector.broadcast %shift_left3A_1987 : i32 to vector<16xi32>
      %shift_left3A_1989 = arith.shli %xor3A_1985, %shift_left3A_1988 : vector<16xi32>
      %shift_right_logical3A_1990 = arith.constant 17 : i32
      %shift_right_logical3A_1991 = vector.broadcast %shift_right_logical3A_1990 : i32 to vector<16xi32>
      %shift_right_logical3A_1992 = arith.shrui %xor3A_1985, %shift_right_logical3A_1991 : vector<16xi32>
      %or3A_1993 = arith.ori %shift_left3A_1989, %shift_right_logical3A_1992 : vector<16xi32>
      %xor3A_1994 = arith.xori %or3A_1993, %add3A_1986 : vector<16xi32>
      %add3A_1995 = arith.addi %add3A_1986, %xor3A_1994 : vector<16xi32>
      %shift_left3A_1996 = arith.constant 26 : i32
      %shift_left3A_1997 = vector.broadcast %shift_left3A_1996 : i32 to vector<16xi32>
      %shift_left3A_1998 = arith.shli %xor3A_1994, %shift_left3A_1997 : vector<16xi32>
      %shift_right_logical3A_1999 = arith.constant 6 : i32
      %shift_right_logical3A_2000 = vector.broadcast %shift_right_logical3A_1999 : i32 to vector<16xi32>
      %shift_right_logical3A_2001 = arith.shrui %xor3A_1994, %shift_right_logical3A_2000 : vector<16xi32>
      %or3A_2002 = arith.ori %shift_left3A_1998, %shift_right_logical3A_2001 : vector<16xi32>
      %xor3A_2003 = arith.xori %or3A_2002, %add3A_1995 : vector<16xi32>
      %add3A_2004 = arith.addi %add3A_1995, %xor3A_2003 : vector<16xi32>
      %shift_left3A_2005 = arith.constant 6 : i32
      %shift_left3A_2006 = vector.broadcast %shift_left3A_2005 : i32 to vector<16xi32>
      %shift_left3A_2007 = arith.shli %xor3A_2003, %shift_left3A_2006 : vector<16xi32>
      %shift_right_logical3A_2008 = arith.constant 26 : i32
      %shift_right_logical3A_2009 = vector.broadcast %shift_right_logical3A_2008 : i32 to vector<16xi32>
      %shift_right_logical3A_2010 = arith.shrui %xor3A_2003, %shift_right_logical3A_2009 : vector<16xi32>
      %or3A_2011 = arith.ori %shift_left3A_2007, %shift_right_logical3A_2010 : vector<16xi32>
      %xor3A_2012 = arith.xori %or3A_2011, %add3A_2004 : vector<16xi32>
      %add3A_2013 = arith.addi %add3A_2004, %bitcast3A_823 : vector<16xi32>
      %add3A_2014 = arith.addi %xor3A_2012, %bitcast3A_837 : vector<16xi32>
      %add3A_2015 = arith.constant 3 : i32
      %add3A_2016 = vector.broadcast %add3A_2015 : i32 to vector<16xi32>
      %add3A_2017 = arith.addi %add3A_2014, %add3A_2016 : vector<16xi32>
      %add3A_2018 = arith.addi %add3A_2013, %add3A_2017 : vector<16xi32>
      %shift_left3A_2019 = arith.constant 17 : i32
      %shift_left3A_2020 = vector.broadcast %shift_left3A_2019 : i32 to vector<16xi32>
      %shift_left3A_2021 = arith.shli %add3A_2017, %shift_left3A_2020 : vector<16xi32>
      %shift_right_logical3A_2022 = arith.constant 15 : i32
      %shift_right_logical3A_2023 = vector.broadcast %shift_right_logical3A_2022 : i32 to vector<16xi32>
      %shift_right_logical3A_2024 = arith.shrui %add3A_2017, %shift_right_logical3A_2023 : vector<16xi32>
      %or3A_2025 = arith.ori %shift_left3A_2021, %shift_right_logical3A_2024 : vector<16xi32>
      %xor3A_2026 = arith.xori %or3A_2025, %add3A_2018 : vector<16xi32>
      %add3A_2027 = arith.addi %add3A_2018, %xor3A_2026 : vector<16xi32>
      %shift_left3A_2028 = arith.constant 29 : i32
      %shift_left3A_2029 = vector.broadcast %shift_left3A_2028 : i32 to vector<16xi32>
      %shift_left3A_2030 = arith.shli %xor3A_2026, %shift_left3A_2029 : vector<16xi32>
      %shift_right_logical3A_2031 = arith.constant 3 : i32
      %shift_right_logical3A_2032 = vector.broadcast %shift_right_logical3A_2031 : i32 to vector<16xi32>
      %shift_right_logical3A_2033 = arith.shrui %xor3A_2026, %shift_right_logical3A_2032 : vector<16xi32>
      %or3A_2034 = arith.ori %shift_left3A_2030, %shift_right_logical3A_2033 : vector<16xi32>
      %xor3A_2035 = arith.xori %or3A_2034, %add3A_2027 : vector<16xi32>
      %add3A_2036 = arith.addi %add3A_2027, %xor3A_2035 : vector<16xi32>
      %shift_left3A_2037 = arith.constant 16 : i32
      %shift_left3A_2038 = vector.broadcast %shift_left3A_2037 : i32 to vector<16xi32>
      %shift_left3A_2039 = arith.shli %xor3A_2035, %shift_left3A_2038 : vector<16xi32>
      %shift_right_logical3A_2040 = arith.constant 16 : i32
      %shift_right_logical3A_2041 = vector.broadcast %shift_right_logical3A_2040 : i32 to vector<16xi32>
      %shift_right_logical3A_2042 = arith.shrui %xor3A_2035, %shift_right_logical3A_2041 : vector<16xi32>
      %or3A_2043 = arith.ori %shift_left3A_2039, %shift_right_logical3A_2042 : vector<16xi32>
      %xor3A_2044 = arith.xori %or3A_2043, %add3A_2036 : vector<16xi32>
      %add3A_2045 = arith.addi %add3A_2036, %xor3A_2044 : vector<16xi32>
      %shift_left3A_2046 = arith.constant 24 : i32
      %shift_left3A_2047 = vector.broadcast %shift_left3A_2046 : i32 to vector<16xi32>
      %shift_left3A_2048 = arith.shli %xor3A_2044, %shift_left3A_2047 : vector<16xi32>
      %shift_right_logical3A_2049 = arith.constant 8 : i32
      %shift_right_logical3A_2050 = vector.broadcast %shift_right_logical3A_2049 : i32 to vector<16xi32>
      %shift_right_logical3A_2051 = arith.shrui %xor3A_2044, %shift_right_logical3A_2050 : vector<16xi32>
      %or3A_2052 = arith.ori %shift_left3A_2048, %shift_right_logical3A_2051 : vector<16xi32>
      %xor3A_2053 = arith.xori %or3A_2052, %add3A_2045 : vector<16xi32>
      %add3A_2054 = arith.addi %add3A_2045, %bitcast3A_837 : vector<16xi32>
      %add3A_2055 = arith.addi %xor3A_2053, %xor3A_1892 : vector<16xi32>
      %add3A_2056 = arith.constant 4 : i32
      %add3A_2057 = vector.broadcast %add3A_2056 : i32 to vector<16xi32>
      %add3A_2058 = arith.addi %add3A_2055, %add3A_2057 : vector<16xi32>
      %add3A_2059 = arith.addi %add3A_2054, %add3A_2058 : vector<16xi32>
      %shift_left3A_2060 = arith.constant 13 : i32
      %shift_left3A_2061 = vector.broadcast %shift_left3A_2060 : i32 to vector<16xi32>
      %shift_left3A_2062 = arith.shli %add3A_2058, %shift_left3A_2061 : vector<16xi32>
      %shift_right_logical3A_2063 = arith.constant 19 : i32
      %shift_right_logical3A_2064 = vector.broadcast %shift_right_logical3A_2063 : i32 to vector<16xi32>
      %shift_right_logical3A_2065 = arith.shrui %add3A_2058, %shift_right_logical3A_2064 : vector<16xi32>
      %or3A_2066 = arith.ori %shift_left3A_2062, %shift_right_logical3A_2065 : vector<16xi32>
      %xor3A_2067 = arith.xori %or3A_2066, %add3A_2059 : vector<16xi32>
      %add3A_2068 = arith.addi %add3A_2059, %xor3A_2067 : vector<16xi32>
      %shift_left3A_2069 = arith.constant 15 : i32
      %shift_left3A_2070 = vector.broadcast %shift_left3A_2069 : i32 to vector<16xi32>
      %shift_left3A_2071 = arith.shli %xor3A_2067, %shift_left3A_2070 : vector<16xi32>
      %shift_right_logical3A_2072 = arith.constant 17 : i32
      %shift_right_logical3A_2073 = vector.broadcast %shift_right_logical3A_2072 : i32 to vector<16xi32>
      %shift_right_logical3A_2074 = arith.shrui %xor3A_2067, %shift_right_logical3A_2073 : vector<16xi32>
      %or3A_2075 = arith.ori %shift_left3A_2071, %shift_right_logical3A_2074 : vector<16xi32>
      %xor3A_2076 = arith.xori %or3A_2075, %add3A_2068 : vector<16xi32>
      %add3A_2077 = arith.addi %add3A_2068, %xor3A_2076 : vector<16xi32>
      %shift_left3A_2078 = arith.constant 26 : i32
      %shift_left3A_2079 = vector.broadcast %shift_left3A_2078 : i32 to vector<16xi32>
      %shift_left3A_2080 = arith.shli %xor3A_2076, %shift_left3A_2079 : vector<16xi32>
      %shift_right_logical3A_2081 = arith.constant 6 : i32
      %shift_right_logical3A_2082 = vector.broadcast %shift_right_logical3A_2081 : i32 to vector<16xi32>
      %shift_right_logical3A_2083 = arith.shrui %xor3A_2076, %shift_right_logical3A_2082 : vector<16xi32>
      %or3A_2084 = arith.ori %shift_left3A_2080, %shift_right_logical3A_2083 : vector<16xi32>
      %xor3A_2085 = arith.xori %or3A_2084, %add3A_2077 : vector<16xi32>
      %add3A_2086 = arith.addi %add3A_2077, %xor3A_2085 : vector<16xi32>
      %shift_left3A_2087 = arith.constant 6 : i32
      %shift_left3A_2088 = vector.broadcast %shift_left3A_2087 : i32 to vector<16xi32>
      %shift_left3A_2089 = arith.shli %xor3A_2085, %shift_left3A_2088 : vector<16xi32>
      %shift_right_logical3A_2090 = arith.constant 26 : i32
      %shift_right_logical3A_2091 = vector.broadcast %shift_right_logical3A_2090 : i32 to vector<16xi32>
      %shift_right_logical3A_2092 = arith.shrui %xor3A_2085, %shift_right_logical3A_2091 : vector<16xi32>
      %or3A_2093 = arith.ori %shift_left3A_2089, %shift_right_logical3A_2092 : vector<16xi32>
      %xor3A_2094 = arith.xori %or3A_2093, %add3A_2086 : vector<16xi32>
      %add3A_2095 = arith.addi %add3A_2086, %xor3A_1892 : vector<16xi32>
      %add3A_2096 = arith.addi %xor3A_2094, %bitcast3A_823 : vector<16xi32>
      %add3A_2097 = arith.constant 5 : i32
      %add3A_2098 = vector.broadcast %add3A_2097 : i32 to vector<16xi32>
      %add3A_2099 = arith.addi %add3A_2096, %add3A_2098 : vector<16xi32>
      %xor3A_2100 = arith.xori %add3A_2095, %add3A_2099 : vector<16xi32>
      %and3A_2101 = arith.constant 65535 : i32
      %and3A_2102 = vector.broadcast %and3A_2101 : i32 to vector<16xi32>
      %and3A_2103 = arith.andi %xor3A_2100, %and3A_2102 : vector<16xi32>
      %bitcast3A_2104 = vector.bitcast %and3A_2103 : vector<16xi32> to vector<16xi32>
      %mul3A_2105 = arith.constant 16 : i32
      %mul3A_2106 = arith.muli %scan3A_1881, %mul3A_2105 : i32
      %add3A_2107 = arith.constant 256 : i32
      %add3A_2108 = arith.addi %add3A_2107, %mul3A_2106 : i32
      %add3A_2109 = arith.addi %shift_left3A_1411, %bitcast3A_2104 : vector<16xi32>
      %swap3A_2110 = arith.index_cast %add3A_2108 : i32 to index
      %swap3A_2111 = tpu.vector_load %arg11[%swap3A_2110] {strides = array<i32>} : memref<1536xi32, #tpu.memory_space<vmem>>, vector<16xi32>,
      %swap3A_2112 = vector.shape_cast %swap3A_2111 : vector<16xi32> to vector<16xi32>
      %swap3A_2113 = vector.shape_cast %add3A_2109 : vector<16xi32> to vector<16xi32>
      tpu.vector_store %arg11[%swap3A_2110], %swap3A_2113 {strides = array<i32>} : memref<1536xi32, #tpu.memory_space<vmem>>, vector<16xi32>,
      %swap3A_2114 = arith.index_cast %add3A_2108 : i32 to index
      %swap3A_2115 = tpu.vector_load %arg12[%swap3A_2114] {strides = array<i32>} : memref<1536xi32, #tpu.memory_space<vmem>>, vector<16xi32>,
      %swap3A_2116 = vector.shape_cast %swap3A_2115 : vector<16xi32> to vector<16xi32>
      %swap3A_2117 = vector.shape_cast %add3A_1432 : vector<16xi32> to vector<16xi32>
      tpu.vector_store %arg12[%swap3A_2114], %swap3A_2117 {strides = array<i32>} : memref<1536xi32, #tpu.memory_space<vmem>>, vector<16xi32>,
      %mul3A_2118 = arith.constant 16 : i32
      %mul3A_2119 = arith.muli %scan3A_1881, %mul3A_2118 : i32
      %add3A_2120 = arith.constant 768 : i32
      %add3A_2121 = arith.addi %add3A_2120, %mul3A_2119 : i32
      %add3A_2122 = arith.addi %shift_left3A_1420, %bitcast3A_2104 : vector<16xi32>
      %swap3A_2123 = arith.index_cast %add3A_2121 : i32 to index
      %swap3A_2124 = tpu.vector_load %arg11[%swap3A_2123] {strides = array<i32>} : memref<1536xi32, #tpu.memory_space<vmem>>, vector<16xi32>,
      %swap3A_2125 = vector.shape_cast %swap3A_2124 : vector<16xi32> to vector<16xi32>
      %swap3A_2126 = vector.shape_cast %add3A_2122 : vector<16xi32> to vector<16xi32>
      tpu.vector_store %arg11[%swap3A_2123], %swap3A_2126 {strides = array<i32>} : memref<1536xi32, #tpu.memory_space<vmem>>, vector<16xi32>,
      %swap3A_2127 = arith.index_cast %add3A_2121 : i32 to index
      %swap3A_2128 = tpu.vector_load %arg12[%swap3A_2127] {strides = array<i32>} : memref<1536xi32, #tpu.memory_space<vmem>>, vector<16xi32>,
      %swap3A_2129 = vector.shape_cast %swap3A_2128 : vector<16xi32> to vector<16xi32>
      %swap3A_2130 = vector.shape_cast %add3A_1435 : vector<16xi32> to vector<16xi32>
      tpu.vector_store %arg12[%swap3A_2127], %swap3A_2130 {strides = array<i32>} : memref<1536xi32, #tpu.memory_space<vmem>>, vector<16xi32>,
      %mul3A_2131 = arith.constant 16 : i32
      %mul3A_2132 = arith.muli %scan3A_1881, %mul3A_2131 : i32
      %add3A_2133 = arith.constant 1280 : i32
      %add3A_2134 = arith.addi %add3A_2133, %mul3A_2132 : i32
      %add3A_2135 = arith.addi %shift_left3A_1429, %bitcast3A_2104 : vector<16xi32>
      %swap3A_2136 = arith.index_cast %add3A_2134 : i32 to index
      %swap3A_2137 = tpu.vector_load %arg11[%swap3A_2136] {strides = array<i32>} : memref<1536xi32, #tpu.memory_space<vmem>>, vector<16xi32>,
      %swap3A_2138 = vector.shape_cast %swap3A_2137 : vector<16xi32> to vector<16xi32>
      %swap3A_2139 = vector.shape_cast %add3A_2135 : vector<16xi32> to vector<16xi32>
      tpu.vector_store %arg11[%swap3A_2136], %swap3A_2139 {strides = array<i32>} : memref<1536xi32, #tpu.memory_space<vmem>>, vector<16xi32>,
      %swap3A_2140 = arith.index_cast %add3A_2134 : i32 to index
      %swap3A_2141 = tpu.vector_load %arg12[%swap3A_2140] {strides = array<i32>} : memref<1536xi32, #tpu.memory_space<vmem>>, vector<16xi32>,
      %swap3A_2142 = vector.shape_cast %swap3A_2141 : vector<16xi32> to vector<16xi32>
      %swap3A_2143 = vector.shape_cast %add3A_1438 : vector<16xi32> to vector<16xi32>
      tpu.vector_store %arg12[%swap3A_2140], %swap3A_2143 {strides = array<i32>} : memref<1536xi32, #tpu.memory_space<vmem>>, vector<16xi32>,
    }
    %scan3A_1444 = arith.constant 16 : i32
    %dma_start3A = arith.constant 0 : i32
    %dma_start3A_1445 = tpu.memref_slice %arg16[%dma_start3A] : memref<1536xf32, #tpu.memory_space<vmem>> -> memref<128xf32, #tpu.memory_space<vmem>>
    %dma_start3A_1446 = arith.constant 0 : i32
    %dma_start3A_1447 = tpu.memref_slice %arg11[%dma_start3A_1446] : memref<1536xi32, #tpu.memory_space<vmem>> -> memref<128xi32, #tpu.memory_space<vmem>>
    %dma_start3A_1448 = arith.constant 0 : i32
    %dma_start3A_1449 = tpu.memref_slice %arg3[%dma_start3A_1448] : memref<19660800xf32, #tpu.memory_space<hbm>> -> memref<19660800xf32, #tpu.memory_space<hbm>>
    tpu.enqueue_indirect_dma source(%dma_start3A_1449 : memref<19660800xf32, #tpu.memory_space<hbm>>) target(%dma_start3A_1445 : memref<128xf32, #tpu.memory_space<vmem>>) offsets(%dma_start3A_1447 : memref<128xi32, #tpu.memory_space<vmem>>) semaphore(%arg17 : memref<!tpu.dma_semaphore, #tpu.memory_space<semaphore_mem>>)
    %dma_start3A_1450 = arith.constant 0 : i32
    %dma_start3A_1451 = tpu.memref_slice %arg15[%dma_start3A_1450] : memref<1536xf32, #tpu.memory_space<vmem>> -> memref<128xf32, #tpu.memory_space<vmem>>
    %dma_start3A_1452 = arith.constant 0 : i32
    %dma_start3A_1453 = tpu.memref_slice %arg11[%dma_start3A_1452] : memref<1536xi32, #tpu.memory_space<vmem>> -> memref<128xi32, #tpu.memory_space<vmem>>
    %dma_start3A_1454 = arith.constant 0 : i32
    %dma_start3A_1455 = tpu.memref_slice %arg5[%dma_start3A_1454] : memref<19660800xf32, #tpu.memory_space<hbm>> -> memref<19660800xf32, #tpu.memory_space<hbm>>
    tpu.enqueue_indirect_dma source(%dma_start3A_1455 : memref<19660800xf32, #tpu.memory_space<hbm>>) target(%dma_start3A_1451 : memref<128xf32, #tpu.memory_space<vmem>>) offsets(%dma_start3A_1453 : memref<128xi32, #tpu.memory_space<vmem>>) semaphore(%arg17 : memref<!tpu.dma_semaphore, #tpu.memory_space<semaphore_mem>>)
    %dma_start3A_1456 = arith.constant 0 : i32
    %dma_start3A_1457 = tpu.memref_slice %arg14[%dma_start3A_1456] : memref<1536xf32, #tpu.memory_space<vmem>> -> memref<128xf32, #tpu.memory_space<vmem>>
    %dma_start3A_1458 = arith.constant 0 : i32
    %dma_start3A_1459 = tpu.memref_slice %arg12[%dma_start3A_1458] : memref<1536xi32, #tpu.memory_space<vmem>> -> memref<128xi32, #tpu.memory_space<vmem>>
    %dma_start3A_1460 = arith.constant 0 : i32
    %dma_start3A_1461 = tpu.memref_slice %arg4[%dma_start3A_1460] : memref<300xf32, #tpu.memory_space<hbm>> -> memref<300xf32, #tpu.memory_space<hbm>>
    tpu.enqueue_indirect_dma source(%dma_start3A_1461 : memref<300xf32, #tpu.memory_space<hbm>>) target(%dma_start3A_1457 : memref<128xf32, #tpu.memory_space<vmem>>) offsets(%dma_start3A_1459 : memref<128xi32, #tpu.memory_space<vmem>>) semaphore(%arg17 : memref<!tpu.dma_semaphore, #tpu.memory_space<semaphore_mem>>)
    %dma_start3A_1462 = arith.constant 128 : i32
    %dma_start3A_1463 = tpu.memref_slice %arg16[%dma_start3A_1462] : memref<1536xf32, #tpu.memory_space<vmem>> -> memref<128xf32, #tpu.memory_space<vmem>>
    %dma_start3A_1464 = arith.constant 128 : i32
    %dma_start3A_1465 = tpu.memref_slice %arg11[%dma_start3A_1464] : memref<1536xi32, #tpu.memory_space<vmem>> -> memref<128xi32, #tpu.memory_space<vmem>>
    %dma_start3A_1466 = arith.constant 0 : i32
    %dma_start3A_1467 = tpu.memref_slice %arg3[%dma_start3A_1466] : memref<19660800xf32, #tpu.memory_space<hbm>> -> memref<19660800xf32, #tpu.memory_space<hbm>>
    tpu.enqueue_indirect_dma source(%dma_start3A_1467 : memref<19660800xf32, #tpu.memory_space<hbm>>) target(%dma_start3A_1463 : memref<128xf32, #tpu.memory_space<vmem>>) offsets(%dma_start3A_1465 : memref<128xi32, #tpu.memory_space<vmem>>) semaphore(%arg17 : memref<!tpu.dma_semaphore, #tpu.memory_space<semaphore_mem>>)
    %dma_start3A_1468 = arith.constant 128 : i32
    %dma_start3A_1469 = tpu.memref_slice %arg15[%dma_start3A_1468] : memref<1536xf32, #tpu.memory_space<vmem>> -> memref<128xf32, #tpu.memory_space<vmem>>
    %dma_start3A_1470 = arith.constant 128 : i32
    %dma_start3A_1471 = tpu.memref_slice %arg11[%dma_start3A_1470] : memref<1536xi32, #tpu.memory_space<vmem>> -> memref<128xi32, #tpu.memory_space<vmem>>
    %dma_start3A_1472 = arith.constant 0 : i32
    %dma_start3A_1473 = tpu.memref_slice %arg5[%dma_start3A_1472] : memref<19660800xf32, #tpu.memory_space<hbm>> -> memref<19660800xf32, #tpu.memory_space<hbm>>
    tpu.enqueue_indirect_dma source(%dma_start3A_1473 : memref<19660800xf32, #tpu.memory_space<hbm>>) target(%dma_start3A_1469 : memref<128xf32, #tpu.memory_space<vmem>>) offsets(%dma_start3A_1471 : memref<128xi32, #tpu.memory_space<vmem>>) semaphore(%arg17 : memref<!tpu.dma_semaphore, #tpu.memory_space<semaphore_mem>>)
    %dma_start3A_1474 = arith.constant 128 : i32
    %dma_start3A_1475 = tpu.memref_slice %arg14[%dma_start3A_1474] : memref<1536xf32, #tpu.memory_space<vmem>> -> memref<128xf32, #tpu.memory_space<vmem>>
    %dma_start3A_1476 = arith.constant 128 : i32
    %dma_start3A_1477 = tpu.memref_slice %arg12[%dma_start3A_1476] : memref<1536xi32, #tpu.memory_space<vmem>> -> memref<128xi32, #tpu.memory_space<vmem>>
    %dma_start3A_1478 = arith.constant 0 : i32
    %dma_start3A_1479 = tpu.memref_slice %arg4[%dma_start3A_1478] : memref<300xf32, #tpu.memory_space<hbm>> -> memref<300xf32, #tpu.memory_space<hbm>>
    tpu.enqueue_indirect_dma source(%dma_start3A_1479 : memref<300xf32, #tpu.memory_space<hbm>>) target(%dma_start3A_1475 : memref<128xf32, #tpu.memory_space<vmem>>) offsets(%dma_start3A_1477 : memref<128xi32, #tpu.memory_space<vmem>>) semaphore(%arg17 : memref<!tpu.dma_semaphore, #tpu.memory_space<semaphore_mem>>)
    %dma_start3A_1480 = arith.constant 256 : i32
    %dma_start3A_1481 = tpu.memref_slice %arg16[%dma_start3A_1480] : memref<1536xf32, #tpu.memory_space<vmem>> -> memref<128xf32, #tpu.memory_space<vmem>>
    %dma_start3A_1482 = arith.constant 256 : i32
    %dma_start3A_1483 = tpu.memref_slice %arg11[%dma_start3A_1482] : memref<1536xi32, #tpu.memory_space<vmem>> -> memref<128xi32, #tpu.memory_space<vmem>>
    %dma_start3A_1484 = arith.constant 0 : i32
    %dma_start3A_1485 = tpu.memref_slice %arg3[%dma_start3A_1484] : memref<19660800xf32, #tpu.memory_space<hbm>> -> memref<19660800xf32, #tpu.memory_space<hbm>>
    tpu.enqueue_indirect_dma source(%dma_start3A_1485 : memref<19660800xf32, #tpu.memory_space<hbm>>) target(%dma_start3A_1481 : memref<128xf32, #tpu.memory_space<vmem>>) offsets(%dma_start3A_1483 : memref<128xi32, #tpu.memory_space<vmem>>) semaphore(%arg17 : memref<!tpu.dma_semaphore, #tpu.memory_space<semaphore_mem>>)
    %dma_start3A_1486 = arith.constant 256 : i32
    %dma_start3A_1487 = tpu.memref_slice %arg15[%dma_start3A_1486] : memref<1536xf32, #tpu.memory_space<vmem>> -> memref<128xf32, #tpu.memory_space<vmem>>
    %dma_start3A_1488 = arith.constant 256 : i32
    %dma_start3A_1489 = tpu.memref_slice %arg11[%dma_start3A_1488] : memref<1536xi32, #tpu.memory_space<vmem>> -> memref<128xi32, #tpu.memory_space<vmem>>
    %dma_start3A_1490 = arith.constant 0 : i32
    %dma_start3A_1491 = tpu.memref_slice %arg5[%dma_start3A_1490] : memref<19660800xf32, #tpu.memory_space<hbm>> -> memref<19660800xf32, #tpu.memory_space<hbm>>
    tpu.enqueue_indirect_dma source(%dma_start3A_1491 : memref<19660800xf32, #tpu.memory_space<hbm>>) target(%dma_start3A_1487 : memref<128xf32, #tpu.memory_space<vmem>>) offsets(%dma_start3A_1489 : memref<128xi32, #tpu.memory_space<vmem>>) semaphore(%arg17 : memref<!tpu.dma_semaphore, #tpu.memory_space<semaphore_mem>>)
    %dma_start3A_1492 = arith.constant 256 : i32
    %dma_start3A_1493 = tpu.memref_slice %arg14[%dma_start3A_1492] : memref<1536xf32, #tpu.memory_space<vmem>> -> memref<128xf32, #tpu.memory_space<vmem>>
    %dma_start3A_1494 = arith.constant 256 : i32
    %dma_start3A_1495 = tpu.memref_slice %arg12[%dma_start3A_1494] : memref<1536xi32, #tpu.memory_space<vmem>> -> memref<128xi32, #tpu.memory_space<vmem>>
    %dma_start3A_1496 = arith.constant 0 : i32
    %dma_start3A_1497 = tpu.memref_slice %arg4[%dma_start3A_1496] : memref<300xf32, #tpu.memory_space<hbm>> -> memref<300xf32, #tpu.memory_space<hbm>>
    tpu.enqueue_indirect_dma source(%dma_start3A_1497 : memref<300xf32, #tpu.memory_space<hbm>>) target(%dma_start3A_1493 : memref<128xf32, #tpu.memory_space<vmem>>) offsets(%dma_start3A_1495 : memref<128xi32, #tpu.memory_space<vmem>>) semaphore(%arg17 : memref<!tpu.dma_semaphore, #tpu.memory_space<semaphore_mem>>)
    %dma_start3A_1498 = arith.constant 384 : i32
    %dma_start3A_1499 = tpu.memref_slice %arg16[%dma_start3A_1498] : memref<1536xf32, #tpu.memory_space<vmem>> -> memref<128xf32, #tpu.memory_space<vmem>>
    %dma_start3A_1500 = arith.constant 384 : i32
    %dma_start3A_1501 = tpu.memref_slice %arg11[%dma_start3A_1500] : memref<1536xi32, #tpu.memory_space<vmem>> -> memref<128xi32, #tpu.memory_space<vmem>>
    %dma_start3A_1502 = arith.constant 0 : i32
    %dma_start3A_1503 = tpu.memref_slice %arg3[%dma_start3A_1502] : memref<19660800xf32, #tpu.memory_space<hbm>> -> memref<19660800xf32, #tpu.memory_space<hbm>>
    tpu.enqueue_indirect_dma source(%dma_start3A_1503 : memref<19660800xf32, #tpu.memory_space<hbm>>) target(%dma_start3A_1499 : memref<128xf32, #tpu.memory_space<vmem>>) offsets(%dma_start3A_1501 : memref<128xi32, #tpu.memory_space<vmem>>) semaphore(%arg17 : memref<!tpu.dma_semaphore, #tpu.memory_space<semaphore_mem>>)
    %dma_start3A_1504 = arith.constant 384 : i32
    %dma_start3A_1505 = tpu.memref_slice %arg15[%dma_start3A_1504] : memref<1536xf32, #tpu.memory_space<vmem>> -> memref<128xf32, #tpu.memory_space<vmem>>
    %dma_start3A_1506 = arith.constant 384 : i32
    %dma_start3A_1507 = tpu.memref_slice %arg11[%dma_start3A_1506] : memref<1536xi32, #tpu.memory_space<vmem>> -> memref<128xi32, #tpu.memory_space<vmem>>
    %dma_start3A_1508 = arith.constant 0 : i32
    %dma_start3A_1509 = tpu.memref_slice %arg5[%dma_start3A_1508] : memref<19660800xf32, #tpu.memory_space<hbm>> -> memref<19660800xf32, #tpu.memory_space<hbm>>
    tpu.enqueue_indirect_dma source(%dma_start3A_1509 : memref<19660800xf32, #tpu.memory_space<hbm>>) target(%dma_start3A_1505 : memref<128xf32, #tpu.memory_space<vmem>>) offsets(%dma_start3A_1507 : memref<128xi32, #tpu.memory_space<vmem>>) semaphore(%arg17 : memref<!tpu.dma_semaphore, #tpu.memory_space<semaphore_mem>>)
    %dma_start3A_1510 = arith.constant 384 : i32
    %dma_start3A_1511 = tpu.memref_slice %arg14[%dma_start3A_1510] : memref<1536xf32, #tpu.memory_space<vmem>> -> memref<128xf32, #tpu.memory_space<vmem>>
    %dma_start3A_1512 = arith.constant 384 : i32
    %dma_start3A_1513 = tpu.memref_slice %arg12[%dma_start3A_1512] : memref<1536xi32, #tpu.memory_space<vmem>> -> memref<128xi32, #tpu.memory_space<vmem>>
    %dma_start3A_1514 = arith.constant 0 : i32
    %dma_start3A_1515 = tpu.memref_slice %arg4[%dma_start3A_1514] : memref<300xf32, #tpu.memory_space<hbm>> -> memref<300xf32, #tpu.memory_space<hbm>>
    tpu.enqueue_indirect_dma source(%dma_start3A_1515 : memref<300xf32, #tpu.memory_space<hbm>>) target(%dma_start3A_1511 : memref<128xf32, #tpu.memory_space<vmem>>) offsets(%dma_start3A_1513 : memref<128xi32, #tpu.memory_space<vmem>>) semaphore(%arg17 : memref<!tpu.dma_semaphore, #tpu.memory_space<semaphore_mem>>)
    %dma_start3A_1516 = arith.constant 512 : i32
    %dma_start3A_1517 = tpu.memref_slice %arg16[%dma_start3A_1516] : memref<1536xf32, #tpu.memory_space<vmem>> -> memref<128xf32, #tpu.memory_space<vmem>>
    %dma_start3A_1518 = arith.constant 512 : i32
    %dma_start3A_1519 = tpu.memref_slice %arg11[%dma_start3A_1518] : memref<1536xi32, #tpu.memory_space<vmem>> -> memref<128xi32, #tpu.memory_space<vmem>>
    %dma_start3A_1520 = arith.constant 0 : i32
    %dma_start3A_1521 = tpu.memref_slice %arg3[%dma_start3A_1520] : memref<19660800xf32, #tpu.memory_space<hbm>> -> memref<19660800xf32, #tpu.memory_space<hbm>>
    tpu.enqueue_indirect_dma source(%dma_start3A_1521 : memref<19660800xf32, #tpu.memory_space<hbm>>) target(%dma_start3A_1517 : memref<128xf32, #tpu.memory_space<vmem>>) offsets(%dma_start3A_1519 : memref<128xi32, #tpu.memory_space<vmem>>) semaphore(%arg17 : memref<!tpu.dma_semaphore, #tpu.memory_space<semaphore_mem>>)
    %dma_start3A_1522 = arith.constant 512 : i32
    %dma_start3A_1523 = tpu.memref_slice %arg15[%dma_start3A_1522] : memref<1536xf32, #tpu.memory_space<vmem>> -> memref<128xf32, #tpu.memory_space<vmem>>
    %dma_start3A_1524 = arith.constant 512 : i32
    %dma_start3A_1525 = tpu.memref_slice %arg11[%dma_start3A_1524] : memref<1536xi32, #tpu.memory_space<vmem>> -> memref<128xi32, #tpu.memory_space<vmem>>
    %dma_start3A_1526 = arith.constant 0 : i32
    %dma_start3A_1527 = tpu.memref_slice %arg5[%dma_start3A_1526] : memref<19660800xf32, #tpu.memory_space<hbm>> -> memref<19660800xf32, #tpu.memory_space<hbm>>
    tpu.enqueue_indirect_dma source(%dma_start3A_1527 : memref<19660800xf32, #tpu.memory_space<hbm>>) target(%dma_start3A_1523 : memref<128xf32, #tpu.memory_space<vmem>>) offsets(%dma_start3A_1525 : memref<128xi32, #tpu.memory_space<vmem>>) semaphore(%arg17 : memref<!tpu.dma_semaphore, #tpu.memory_space<semaphore_mem>>)
    %dma_start3A_1528 = arith.constant 512 : i32
    %dma_start3A_1529 = tpu.memref_slice %arg14[%dma_start3A_1528] : memref<1536xf32, #tpu.memory_space<vmem>> -> memref<128xf32, #tpu.memory_space<vmem>>
    %dma_start3A_1530 = arith.constant 512 : i32
    %dma_start3A_1531 = tpu.memref_slice %arg12[%dma_start3A_1530] : memref<1536xi32, #tpu.memory_space<vmem>> -> memref<128xi32, #tpu.memory_space<vmem>>
    %dma_start3A_1532 = arith.constant 0 : i32
    %dma_start3A_1533 = tpu.memref_slice %arg4[%dma_start3A_1532] : memref<300xf32, #tpu.memory_space<hbm>> -> memref<300xf32, #tpu.memory_space<hbm>>
    tpu.enqueue_indirect_dma source(%dma_start3A_1533 : memref<300xf32, #tpu.memory_space<hbm>>) target(%dma_start3A_1529 : memref<128xf32, #tpu.memory_space<vmem>>) offsets(%dma_start3A_1531 : memref<128xi32, #tpu.memory_space<vmem>>) semaphore(%arg17 : memref<!tpu.dma_semaphore, #tpu.memory_space<semaphore_mem>>)
    %dma_start3A_1534 = arith.constant 640 : i32
    %dma_start3A_1535 = tpu.memref_slice %arg16[%dma_start3A_1534] : memref<1536xf32, #tpu.memory_space<vmem>> -> memref<128xf32, #tpu.memory_space<vmem>>
    %dma_start3A_1536 = arith.constant 640 : i32
    %dma_start3A_1537 = tpu.memref_slice %arg11[%dma_start3A_1536] : memref<1536xi32, #tpu.memory_space<vmem>> -> memref<128xi32, #tpu.memory_space<vmem>>
    %dma_start3A_1538 = arith.constant 0 : i32
    %dma_start3A_1539 = tpu.memref_slice %arg3[%dma_start3A_1538] : memref<19660800xf32, #tpu.memory_space<hbm>> -> memref<19660800xf32, #tpu.memory_space<hbm>>
    tpu.enqueue_indirect_dma source(%dma_start3A_1539 : memref<19660800xf32, #tpu.memory_space<hbm>>) target(%dma_start3A_1535 : memref<128xf32, #tpu.memory_space<vmem>>) offsets(%dma_start3A_1537 : memref<128xi32, #tpu.memory_space<vmem>>) semaphore(%arg17 : memref<!tpu.dma_semaphore, #tpu.memory_space<semaphore_mem>>)
    %dma_start3A_1540 = arith.constant 640 : i32
    %dma_start3A_1541 = tpu.memref_slice %arg15[%dma_start3A_1540] : memref<1536xf32, #tpu.memory_space<vmem>> -> memref<128xf32, #tpu.memory_space<vmem>>
    %dma_start3A_1542 = arith.constant 640 : i32
    %dma_start3A_1543 = tpu.memref_slice %arg11[%dma_start3A_1542] : memref<1536xi32, #tpu.memory_space<vmem>> -> memref<128xi32, #tpu.memory_space<vmem>>
    %dma_start3A_1544 = arith.constant 0 : i32
    %dma_start3A_1545 = tpu.memref_slice %arg5[%dma_start3A_1544] : memref<19660800xf32, #tpu.memory_space<hbm>> -> memref<19660800xf32, #tpu.memory_space<hbm>>
    tpu.enqueue_indirect_dma source(%dma_start3A_1545 : memref<19660800xf32, #tpu.memory_space<hbm>>) target(%dma_start3A_1541 : memref<128xf32, #tpu.memory_space<vmem>>) offsets(%dma_start3A_1543 : memref<128xi32, #tpu.memory_space<vmem>>) semaphore(%arg17 : memref<!tpu.dma_semaphore, #tpu.memory_space<semaphore_mem>>)
    %dma_start3A_1546 = arith.constant 640 : i32
    %dma_start3A_1547 = tpu.memref_slice %arg14[%dma_start3A_1546] : memref<1536xf32, #tpu.memory_space<vmem>> -> memref<128xf32, #tpu.memory_space<vmem>>
    %dma_start3A_1548 = arith.constant 640 : i32
    %dma_start3A_1549 = tpu.memref_slice %arg12[%dma_start3A_1548] : memref<1536xi32, #tpu.memory_space<vmem>> -> memref<128xi32, #tpu.memory_space<vmem>>
    %dma_start3A_1550 = arith.constant 0 : i32
    %dma_start3A_1551 = tpu.memref_slice %arg4[%dma_start3A_1550] : memref<300xf32, #tpu.memory_space<hbm>> -> memref<300xf32, #tpu.memory_space<hbm>>
    tpu.enqueue_indirect_dma source(%dma_start3A_1551 : memref<300xf32, #tpu.memory_space<hbm>>) target(%dma_start3A_1547 : memref<128xf32, #tpu.memory_space<vmem>>) offsets(%dma_start3A_1549 : memref<128xi32, #tpu.memory_space<vmem>>) semaphore(%arg17 : memref<!tpu.dma_semaphore, #tpu.memory_space<semaphore_mem>>)
    %dma_start3A_1552 = arith.constant 768 : i32
    %dma_start3A_1553 = tpu.memref_slice %arg16[%dma_start3A_1552] : memref<1536xf32, #tpu.memory_space<vmem>> -> memref<128xf32, #tpu.memory_space<vmem>>
    %dma_start3A_1554 = arith.constant 768 : i32
    %dma_start3A_1555 = tpu.memref_slice %arg11[%dma_start3A_1554] : memref<1536xi32, #tpu.memory_space<vmem>> -> memref<128xi32, #tpu.memory_space<vmem>>
    %dma_start3A_1556 = arith.constant 0 : i32
    %dma_start3A_1557 = tpu.memref_slice %arg3[%dma_start3A_1556] : memref<19660800xf32, #tpu.memory_space<hbm>> -> memref<19660800xf32, #tpu.memory_space<hbm>>
    tpu.enqueue_indirect_dma source(%dma_start3A_1557 : memref<19660800xf32, #tpu.memory_space<hbm>>) target(%dma_start3A_1553 : memref<128xf32, #tpu.memory_space<vmem>>) offsets(%dma_start3A_1555 : memref<128xi32, #tpu.memory_space<vmem>>) semaphore(%arg17 : memref<!tpu.dma_semaphore, #tpu.memory_space<semaphore_mem>>)
    %dma_start3A_1558 = arith.constant 768 : i32
    %dma_start3A_1559 = tpu.memref_slice %arg15[%dma_start3A_1558] : memref<1536xf32, #tpu.memory_space<vmem>> -> memref<128xf32, #tpu.memory_space<vmem>>
    %dma_start3A_1560 = arith.constant 768 : i32
    %dma_start3A_1561 = tpu.memref_slice %arg11[%dma_start3A_1560] : memref<1536xi32, #tpu.memory_space<vmem>> -> memref<128xi32, #tpu.memory_space<vmem>>
    %dma_start3A_1562 = arith.constant 0 : i32
    %dma_start3A_1563 = tpu.memref_slice %arg5[%dma_start3A_1562] : memref<19660800xf32, #tpu.memory_space<hbm>> -> memref<19660800xf32, #tpu.memory_space<hbm>>
    tpu.enqueue_indirect_dma source(%dma_start3A_1563 : memref<19660800xf32, #tpu.memory_space<hbm>>) target(%dma_start3A_1559 : memref<128xf32, #tpu.memory_space<vmem>>) offsets(%dma_start3A_1561 : memref<128xi32, #tpu.memory_space<vmem>>) semaphore(%arg17 : memref<!tpu.dma_semaphore, #tpu.memory_space<semaphore_mem>>)
    %dma_start3A_1564 = arith.constant 768 : i32
    %dma_start3A_1565 = tpu.memref_slice %arg14[%dma_start3A_1564] : memref<1536xf32, #tpu.memory_space<vmem>> -> memref<128xf32, #tpu.memory_space<vmem>>
    %dma_start3A_1566 = arith.constant 768 : i32
    %dma_start3A_1567 = tpu.memref_slice %arg12[%dma_start3A_1566] : memref<1536xi32, #tpu.memory_space<vmem>> -> memref<128xi32, #tpu.memory_space<vmem>>
    %dma_start3A_1568 = arith.constant 0 : i32
    %dma_start3A_1569 = tpu.memref_slice %arg4[%dma_start3A_1568] : memref<300xf32, #tpu.memory_space<hbm>> -> memref<300xf32, #tpu.memory_space<hbm>>
    tpu.enqueue_indirect_dma source(%dma_start3A_1569 : memref<300xf32, #tpu.memory_space<hbm>>) target(%dma_start3A_1565 : memref<128xf32, #tpu.memory_space<vmem>>) offsets(%dma_start3A_1567 : memref<128xi32, #tpu.memory_space<vmem>>) semaphore(%arg17 : memref<!tpu.dma_semaphore, #tpu.memory_space<semaphore_mem>>)
    %dma_start3A_1570 = arith.constant 896 : i32
    %dma_start3A_1571 = tpu.memref_slice %arg16[%dma_start3A_1570] : memref<1536xf32, #tpu.memory_space<vmem>> -> memref<128xf32, #tpu.memory_space<vmem>>
    %dma_start3A_1572 = arith.constant 896 : i32
    %dma_start3A_1573 = tpu.memref_slice %arg11[%dma_start3A_1572] : memref<1536xi32, #tpu.memory_space<vmem>> -> memref<128xi32, #tpu.memory_space<vmem>>
    %dma_start3A_1574 = arith.constant 0 : i32
    %dma_start3A_1575 = tpu.memref_slice %arg3[%dma_start3A_1574] : memref<19660800xf32, #tpu.memory_space<hbm>> -> memref<19660800xf32, #tpu.memory_space<hbm>>
    tpu.enqueue_indirect_dma source(%dma_start3A_1575 : memref<19660800xf32, #tpu.memory_space<hbm>>) target(%dma_start3A_1571 : memref<128xf32, #tpu.memory_space<vmem>>) offsets(%dma_start3A_1573 : memref<128xi32, #tpu.memory_space<vmem>>) semaphore(%arg17 : memref<!tpu.dma_semaphore, #tpu.memory_space<semaphore_mem>>)
    %dma_start3A_1576 = arith.constant 896 : i32
    %dma_start3A_1577 = tpu.memref_slice %arg15[%dma_start3A_1576] : memref<1536xf32, #tpu.memory_space<vmem>> -> memref<128xf32, #tpu.memory_space<vmem>>
    %dma_start3A_1578 = arith.constant 896 : i32
    %dma_start3A_1579 = tpu.memref_slice %arg11[%dma_start3A_1578] : memref<1536xi32, #tpu.memory_space<vmem>> -> memref<128xi32, #tpu.memory_space<vmem>>
    %dma_start3A_1580 = arith.constant 0 : i32
    %dma_start3A_1581 = tpu.memref_slice %arg5[%dma_start3A_1580] : memref<19660800xf32, #tpu.memory_space<hbm>> -> memref<19660800xf32, #tpu.memory_space<hbm>>
    tpu.enqueue_indirect_dma source(%dma_start3A_1581 : memref<19660800xf32, #tpu.memory_space<hbm>>) target(%dma_start3A_1577 : memref<128xf32, #tpu.memory_space<vmem>>) offsets(%dma_start3A_1579 : memref<128xi32, #tpu.memory_space<vmem>>) semaphore(%arg17 : memref<!tpu.dma_semaphore, #tpu.memory_space<semaphore_mem>>)
    %dma_start3A_1582 = arith.constant 896 : i32
    %dma_start3A_1583 = tpu.memref_slice %arg14[%dma_start3A_1582] : memref<1536xf32, #tpu.memory_space<vmem>> -> memref<128xf32, #tpu.memory_space<vmem>>
    %dma_start3A_1584 = arith.constant 896 : i32
    %dma_start3A_1585 = tpu.memref_slice %arg12[%dma_start3A_1584] : memref<1536xi32, #tpu.memory_space<vmem>> -> memref<128xi32, #tpu.memory_space<vmem>>
    %dma_start3A_1586 = arith.constant 0 : i32
    %dma_start3A_1587 = tpu.memref_slice %arg4[%dma_start3A_1586] : memref<300xf32, #tpu.memory_space<hbm>> -> memref<300xf32, #tpu.memory_space<hbm>>
    tpu.enqueue_indirect_dma source(%dma_start3A_1587 : memref<300xf32, #tpu.memory_space<hbm>>) target(%dma_start3A_1583 : memref<128xf32, #tpu.memory_space<vmem>>) offsets(%dma_start3A_1585 : memref<128xi32, #tpu.memory_space<vmem>>) semaphore(%arg17 : memref<!tpu.dma_semaphore, #tpu.memory_space<semaphore_mem>>)
    %dma_start3A_1588 = arith.constant 1024 : i32
    %dma_start3A_1589 = tpu.memref_slice %arg16[%dma_start3A_1588] : memref<1536xf32, #tpu.memory_space<vmem>> -> memref<128xf32, #tpu.memory_space<vmem>>
    %dma_start3A_1590 = arith.constant 1024 : i32
    %dma_start3A_1591 = tpu.memref_slice %arg11[%dma_start3A_1590] : memref<1536xi32, #tpu.memory_space<vmem>> -> memref<128xi32, #tpu.memory_space<vmem>>
    %dma_start3A_1592 = arith.constant 0 : i32
    %dma_start3A_1593 = tpu.memref_slice %arg3[%dma_start3A_1592] : memref<19660800xf32, #tpu.memory_space<hbm>> -> memref<19660800xf32, #tpu.memory_space<hbm>>
    tpu.enqueue_indirect_dma source(%dma_start3A_1593 : memref<19660800xf32, #tpu.memory_space<hbm>>) target(%dma_start3A_1589 : memref<128xf32, #tpu.memory_space<vmem>>) offsets(%dma_start3A_1591 : memref<128xi32, #tpu.memory_space<vmem>>) semaphore(%arg17 : memref<!tpu.dma_semaphore, #tpu.memory_space<semaphore_mem>>)
    %dma_start3A_1594 = arith.constant 1024 : i32
    %dma_start3A_1595 = tpu.memref_slice %arg15[%dma_start3A_1594] : memref<1536xf32, #tpu.memory_space<vmem>> -> memref<128xf32, #tpu.memory_space<vmem>>
    %dma_start3A_1596 = arith.constant 1024 : i32
    %dma_start3A_1597 = tpu.memref_slice %arg11[%dma_start3A_1596] : memref<1536xi32, #tpu.memory_space<vmem>> -> memref<128xi32, #tpu.memory_space<vmem>>
    %dma_start3A_1598 = arith.constant 0 : i32
    %dma_start3A_1599 = tpu.memref_slice %arg5[%dma_start3A_1598] : memref<19660800xf32, #tpu.memory_space<hbm>> -> memref<19660800xf32, #tpu.memory_space<hbm>>
    tpu.enqueue_indirect_dma source(%dma_start3A_1599 : memref<19660800xf32, #tpu.memory_space<hbm>>) target(%dma_start3A_1595 : memref<128xf32, #tpu.memory_space<vmem>>) offsets(%dma_start3A_1597 : memref<128xi32, #tpu.memory_space<vmem>>) semaphore(%arg17 : memref<!tpu.dma_semaphore, #tpu.memory_space<semaphore_mem>>)
    %dma_start3A_1600 = arith.constant 1024 : i32
    %dma_start3A_1601 = tpu.memref_slice %arg14[%dma_start3A_1600] : memref<1536xf32, #tpu.memory_space<vmem>> -> memref<128xf32, #tpu.memory_space<vmem>>
    %dma_start3A_1602 = arith.constant 1024 : i32
    %dma_start3A_1603 = tpu.memref_slice %arg12[%dma_start3A_1602] : memref<1536xi32, #tpu.memory_space<vmem>> -> memref<128xi32, #tpu.memory_space<vmem>>
    %dma_start3A_1604 = arith.constant 0 : i32
    %dma_start3A_1605 = tpu.memref_slice %arg4[%dma_start3A_1604] : memref<300xf32, #tpu.memory_space<hbm>> -> memref<300xf32, #tpu.memory_space<hbm>>
    tpu.enqueue_indirect_dma source(%dma_start3A_1605 : memref<300xf32, #tpu.memory_space<hbm>>) target(%dma_start3A_1601 : memref<128xf32, #tpu.memory_space<vmem>>) offsets(%dma_start3A_1603 : memref<128xi32, #tpu.memory_space<vmem>>) semaphore(%arg17 : memref<!tpu.dma_semaphore, #tpu.memory_space<semaphore_mem>>)
    %dma_start3A_1606 = arith.constant 1152 : i32
    %dma_start3A_1607 = tpu.memref_slice %arg16[%dma_start3A_1606] : memref<1536xf32, #tpu.memory_space<vmem>> -> memref<128xf32, #tpu.memory_space<vmem>>
    %dma_start3A_1608 = arith.constant 1152 : i32
    %dma_start3A_1609 = tpu.memref_slice %arg11[%dma_start3A_1608] : memref<1536xi32, #tpu.memory_space<vmem>> -> memref<128xi32, #tpu.memory_space<vmem>>
    %dma_start3A_1610 = arith.constant 0 : i32
    %dma_start3A_1611 = tpu.memref_slice %arg3[%dma_start3A_1610] : memref<19660800xf32, #tpu.memory_space<hbm>> -> memref<19660800xf32, #tpu.memory_space<hbm>>
    tpu.enqueue_indirect_dma source(%dma_start3A_1611 : memref<19660800xf32, #tpu.memory_space<hbm>>) target(%dma_start3A_1607 : memref<128xf32, #tpu.memory_space<vmem>>) offsets(%dma_start3A_1609 : memref<128xi32, #tpu.memory_space<vmem>>) semaphore(%arg17 : memref<!tpu.dma_semaphore, #tpu.memory_space<semaphore_mem>>)
    %dma_start3A_1612 = arith.constant 1152 : i32
    %dma_start3A_1613 = tpu.memref_slice %arg15[%dma_start3A_1612] : memref<1536xf32, #tpu.memory_space<vmem>> -> memref<128xf32, #tpu.memory_space<vmem>>
    %dma_start3A_1614 = arith.constant 1152 : i32
    %dma_start3A_1615 = tpu.memref_slice %arg11[%dma_start3A_1614] : memref<1536xi32, #tpu.memory_space<vmem>> -> memref<128xi32, #tpu.memory_space<vmem>>
    %dma_start3A_1616 = arith.constant 0 : i32
    %dma_start3A_1617 = tpu.memref_slice %arg5[%dma_start3A_1616] : memref<19660800xf32, #tpu.memory_space<hbm>> -> memref<19660800xf32, #tpu.memory_space<hbm>>
    tpu.enqueue_indirect_dma source(%dma_start3A_1617 : memref<19660800xf32, #tpu.memory_space<hbm>>) target(%dma_start3A_1613 : memref<128xf32, #tpu.memory_space<vmem>>) offsets(%dma_start3A_1615 : memref<128xi32, #tpu.memory_space<vmem>>) semaphore(%arg17 : memref<!tpu.dma_semaphore, #tpu.memory_space<semaphore_mem>>)
    %dma_start3A_1618 = arith.constant 1152 : i32
    %dma_start3A_1619 = tpu.memref_slice %arg14[%dma_start3A_1618] : memref<1536xf32, #tpu.memory_space<vmem>> -> memref<128xf32, #tpu.memory_space<vmem>>
    %dma_start3A_1620 = arith.constant 1152 : i32
    %dma_start3A_1621 = tpu.memref_slice %arg12[%dma_start3A_1620] : memref<1536xi32, #tpu.memory_space<vmem>> -> memref<128xi32, #tpu.memory_space<vmem>>
    %dma_start3A_1622 = arith.constant 0 : i32
    %dma_start3A_1623 = tpu.memref_slice %arg4[%dma_start3A_1622] : memref<300xf32, #tpu.memory_space<hbm>> -> memref<300xf32, #tpu.memory_space<hbm>>
    tpu.enqueue_indirect_dma source(%dma_start3A_1623 : memref<300xf32, #tpu.memory_space<hbm>>) target(%dma_start3A_1619 : memref<128xf32, #tpu.memory_space<vmem>>) offsets(%dma_start3A_1621 : memref<128xi32, #tpu.memory_space<vmem>>) semaphore(%arg17 : memref<!tpu.dma_semaphore, #tpu.memory_space<semaphore_mem>>)
    %dma_start3A_1624 = arith.constant 1280 : i32
    %dma_start3A_1625 = tpu.memref_slice %arg16[%dma_start3A_1624] : memref<1536xf32, #tpu.memory_space<vmem>> -> memref<128xf32, #tpu.memory_space<vmem>>
    %dma_start3A_1626 = arith.constant 1280 : i32
    %dma_start3A_1627 = tpu.memref_slice %arg11[%dma_start3A_1626] : memref<1536xi32, #tpu.memory_space<vmem>> -> memref<128xi32, #tpu.memory_space<vmem>>
    %dma_start3A_1628 = arith.constant 0 : i32
    %dma_start3A_1629 = tpu.memref_slice %arg3[%dma_start3A_1628] : memref<19660800xf32, #tpu.memory_space<hbm>> -> memref<19660800xf32, #tpu.memory_space<hbm>>
    tpu.enqueue_indirect_dma source(%dma_start3A_1629 : memref<19660800xf32, #tpu.memory_space<hbm>>) target(%dma_start3A_1625 : memref<128xf32, #tpu.memory_space<vmem>>) offsets(%dma_start3A_1627 : memref<128xi32, #tpu.memory_space<vmem>>) semaphore(%arg17 : memref<!tpu.dma_semaphore, #tpu.memory_space<semaphore_mem>>)
    %dma_start3A_1630 = arith.constant 1280 : i32
    %dma_start3A_1631 = tpu.memref_slice %arg15[%dma_start3A_1630] : memref<1536xf32, #tpu.memory_space<vmem>> -> memref<128xf32, #tpu.memory_space<vmem>>
    %dma_start3A_1632 = arith.constant 1280 : i32
    %dma_start3A_1633 = tpu.memref_slice %arg11[%dma_start3A_1632] : memref<1536xi32, #tpu.memory_space<vmem>> -> memref<128xi32, #tpu.memory_space<vmem>>
    %dma_start3A_1634 = arith.constant 0 : i32
    %dma_start3A_1635 = tpu.memref_slice %arg5[%dma_start3A_1634] : memref<19660800xf32, #tpu.memory_space<hbm>> -> memref<19660800xf32, #tpu.memory_space<hbm>>
    tpu.enqueue_indirect_dma source(%dma_start3A_1635 : memref<19660800xf32, #tpu.memory_space<hbm>>) target(%dma_start3A_1631 : memref<128xf32, #tpu.memory_space<vmem>>) offsets(%dma_start3A_1633 : memref<128xi32, #tpu.memory_space<vmem>>) semaphore(%arg17 : memref<!tpu.dma_semaphore, #tpu.memory_space<semaphore_mem>>)
    %dma_start3A_1636 = arith.constant 1280 : i32
    %dma_start3A_1637 = tpu.memref_slice %arg14[%dma_start3A_1636] : memref<1536xf32, #tpu.memory_space<vmem>> -> memref<128xf32, #tpu.memory_space<vmem>>
    %dma_start3A_1638 = arith.constant 1280 : i32
    %dma_start3A_1639 = tpu.memref_slice %arg12[%dma_start3A_1638] : memref<1536xi32, #tpu.memory_space<vmem>> -> memref<128xi32, #tpu.memory_space<vmem>>
    %dma_start3A_1640 = arith.constant 0 : i32
    %dma_start3A_1641 = tpu.memref_slice %arg4[%dma_start3A_1640] : memref<300xf32, #tpu.memory_space<hbm>> -> memref<300xf32, #tpu.memory_space<hbm>>
    tpu.enqueue_indirect_dma source(%dma_start3A_1641 : memref<300xf32, #tpu.memory_space<hbm>>) target(%dma_start3A_1637 : memref<128xf32, #tpu.memory_space<vmem>>) offsets(%dma_start3A_1639 : memref<128xi32, #tpu.memory_space<vmem>>) semaphore(%arg17 : memref<!tpu.dma_semaphore, #tpu.memory_space<semaphore_mem>>)
    %dma_start3A_1642 = arith.constant 1408 : i32
    %dma_start3A_1643 = tpu.memref_slice %arg16[%dma_start3A_1642] : memref<1536xf32, #tpu.memory_space<vmem>> -> memref<128xf32, #tpu.memory_space<vmem>>
    %dma_start3A_1644 = arith.constant 1408 : i32
    %dma_start3A_1645 = tpu.memref_slice %arg11[%dma_start3A_1644] : memref<1536xi32, #tpu.memory_space<vmem>> -> memref<128xi32, #tpu.memory_space<vmem>>
    %dma_start3A_1646 = arith.constant 0 : i32
    %dma_start3A_1647 = tpu.memref_slice %arg3[%dma_start3A_1646] : memref<19660800xf32, #tpu.memory_space<hbm>> -> memref<19660800xf32, #tpu.memory_space<hbm>>
    tpu.enqueue_indirect_dma source(%dma_start3A_1647 : memref<19660800xf32, #tpu.memory_space<hbm>>) target(%dma_start3A_1643 : memref<128xf32, #tpu.memory_space<vmem>>) offsets(%dma_start3A_1645 : memref<128xi32, #tpu.memory_space<vmem>>) semaphore(%arg17 : memref<!tpu.dma_semaphore, #tpu.memory_space<semaphore_mem>>)
    %dma_start3A_1648 = arith.constant 1408 : i32
    %dma_start3A_1649 = tpu.memref_slice %arg15[%dma_start3A_1648] : memref<1536xf32, #tpu.memory_space<vmem>> -> memref<128xf32, #tpu.memory_space<vmem>>
    %dma_start3A_1650 = arith.constant 1408 : i32
    %dma_start3A_1651 = tpu.memref_slice %arg11[%dma_start3A_1650] : memref<1536xi32, #tpu.memory_space<vmem>> -> memref<128xi32, #tpu.memory_space<vmem>>
    %dma_start3A_1652 = arith.constant 0 : i32
    %dma_start3A_1653 = tpu.memref_slice %arg5[%dma_start3A_1652] : memref<19660800xf32, #tpu.memory_space<hbm>> -> memref<19660800xf32, #tpu.memory_space<hbm>>
    tpu.enqueue_indirect_dma source(%dma_start3A_1653 : memref<19660800xf32, #tpu.memory_space<hbm>>) target(%dma_start3A_1649 : memref<128xf32, #tpu.memory_space<vmem>>) offsets(%dma_start3A_1651 : memref<128xi32, #tpu.memory_space<vmem>>) semaphore(%arg17 : memref<!tpu.dma_semaphore, #tpu.memory_space<semaphore_mem>>)
    %dma_start3A_1654 = arith.constant 1408 : i32
    %dma_start3A_1655 = tpu.memref_slice %arg14[%dma_start3A_1654] : memref<1536xf32, #tpu.memory_space<vmem>> -> memref<128xf32, #tpu.memory_space<vmem>>
    %dma_start3A_1656 = arith.constant 1408 : i32
    %dma_start3A_1657 = tpu.memref_slice %arg12[%dma_start3A_1656] : memref<1536xi32, #tpu.memory_space<vmem>> -> memref<128xi32, #tpu.memory_space<vmem>>
    %dma_start3A_1658 = arith.constant 0 : i32
    %dma_start3A_1659 = tpu.memref_slice %arg4[%dma_start3A_1658] : memref<300xf32, #tpu.memory_space<hbm>> -> memref<300xf32, #tpu.memory_space<hbm>>
    tpu.enqueue_indirect_dma source(%dma_start3A_1659 : memref<300xf32, #tpu.memory_space<hbm>>) target(%dma_start3A_1655 : memref<128xf32, #tpu.memory_space<vmem>>) offsets(%dma_start3A_1657 : memref<128xi32, #tpu.memory_space<vmem>>) semaphore(%arg17 : memref<!tpu.dma_semaphore, #tpu.memory_space<semaphore_mem>>)
    %dma_wait3A = arith.constant 0 : i32
    %dma_wait3A_1660 = tpu.memref_slice %arg16[%dma_wait3A] : memref<1536xf32, #tpu.memory_space<vmem>> -> memref<128xf32, #tpu.memory_space<vmem>>
    %dma_wait3A_1661 = arith.constant 0 : i32
    %dma_wait3A_1662 = tpu.memref_slice %arg11[%dma_wait3A_1661] : memref<1536xi32, #tpu.memory_space<vmem>> -> memref<128xi32, #tpu.memory_space<vmem>>
    %dma_wait3A_1663 = arith.constant 0 : i32
    %dma_wait3A_1664 = tpu.memref_slice %arg3[%dma_wait3A_1663] : memref<19660800xf32, #tpu.memory_space<hbm>> -> memref<19660800xf32, #tpu.memory_space<hbm>>
    tpu.wait_indirect_dma semaphore(%arg17 : memref<!tpu.dma_semaphore, #tpu.memory_space<semaphore_mem>>) src(%dma_wait3A_1664 : memref<19660800xf32, #tpu.memory_space<hbm>>) dst(%dma_wait3A_1660 : memref<128xf32, #tpu.memory_space<vmem>>)
    %dma_wait3A_1665 = arith.constant 0 : i32
    %dma_wait3A_1666 = tpu.memref_slice %arg15[%dma_wait3A_1665] : memref<1536xf32, #tpu.memory_space<vmem>> -> memref<128xf32, #tpu.memory_space<vmem>>
    %dma_wait3A_1667 = arith.constant 0 : i32
    %dma_wait3A_1668 = tpu.memref_slice %arg11[%dma_wait3A_1667] : memref<1536xi32, #tpu.memory_space<vmem>> -> memref<128xi32, #tpu.memory_space<vmem>>
    %dma_wait3A_1669 = arith.constant 0 : i32
    %dma_wait3A_1670 = tpu.memref_slice %arg5[%dma_wait3A_1669] : memref<19660800xf32, #tpu.memory_space<hbm>> -> memref<19660800xf32, #tpu.memory_space<hbm>>
    tpu.wait_indirect_dma semaphore(%arg17 : memref<!tpu.dma_semaphore, #tpu.memory_space<semaphore_mem>>) src(%dma_wait3A_1670 : memref<19660800xf32, #tpu.memory_space<hbm>>) dst(%dma_wait3A_1666 : memref<128xf32, #tpu.memory_space<vmem>>)
    %dma_wait3A_1671 = arith.constant 0 : i32
    %dma_wait3A_1672 = tpu.memref_slice %arg14[%dma_wait3A_1671] : memref<1536xf32, #tpu.memory_space<vmem>> -> memref<128xf32, #tpu.memory_space<vmem>>
    %dma_wait3A_1673 = arith.constant 0 : i32
    %dma_wait3A_1674 = tpu.memref_slice %arg12[%dma_wait3A_1673] : memref<1536xi32, #tpu.memory_space<vmem>> -> memref<128xi32, #tpu.memory_space<vmem>>
    %dma_wait3A_1675 = arith.constant 0 : i32
    %dma_wait3A_1676 = tpu.memref_slice %arg4[%dma_wait3A_1675] : memref<300xf32, #tpu.memory_space<hbm>> -> memref<300xf32, #tpu.memory_space<hbm>>
    tpu.wait_indirect_dma semaphore(%arg17 : memref<!tpu.dma_semaphore, #tpu.memory_space<semaphore_mem>>) src(%dma_wait3A_1676 : memref<300xf32, #tpu.memory_space<hbm>>) dst(%dma_wait3A_1672 : memref<128xf32, #tpu.memory_space<vmem>>)
    %dma_wait3A_1677 = arith.constant 128 : i32
    %dma_wait3A_1678 = tpu.memref_slice %arg16[%dma_wait3A_1677] : memref<1536xf32, #tpu.memory_space<vmem>> -> memref<128xf32, #tpu.memory_space<vmem>>
    %dma_wait3A_1679 = arith.constant 128 : i32
    %dma_wait3A_1680 = tpu.memref_slice %arg11[%dma_wait3A_1679] : memref<1536xi32, #tpu.memory_space<vmem>> -> memref<128xi32, #tpu.memory_space<vmem>>
    %dma_wait3A_1681 = arith.constant 0 : i32
    %dma_wait3A_1682 = tpu.memref_slice %arg3[%dma_wait3A_1681] : memref<19660800xf32, #tpu.memory_space<hbm>> -> memref<19660800xf32, #tpu.memory_space<hbm>>
    tpu.wait_indirect_dma semaphore(%arg17 : memref<!tpu.dma_semaphore, #tpu.memory_space<semaphore_mem>>) src(%dma_wait3A_1682 : memref<19660800xf32, #tpu.memory_space<hbm>>) dst(%dma_wait3A_1678 : memref<128xf32, #tpu.memory_space<vmem>>)
    %dma_wait3A_1683 = arith.constant 128 : i32
    %dma_wait3A_1684 = tpu.memref_slice %arg15[%dma_wait3A_1683] : memref<1536xf32, #tpu.memory_space<vmem>> -> memref<128xf32, #tpu.memory_space<vmem>>
    %dma_wait3A_1685 = arith.constant 128 : i32
    %dma_wait3A_1686 = tpu.memref_slice %arg11[%dma_wait3A_1685] : memref<1536xi32, #tpu.memory_space<vmem>> -> memref<128xi32, #tpu.memory_space<vmem>>
    %dma_wait3A_1687 = arith.constant 0 : i32
    %dma_wait3A_1688 = tpu.memref_slice %arg5[%dma_wait3A_1687] : memref<19660800xf32, #tpu.memory_space<hbm>> -> memref<19660800xf32, #tpu.memory_space<hbm>>
    tpu.wait_indirect_dma semaphore(%arg17 : memref<!tpu.dma_semaphore, #tpu.memory_space<semaphore_mem>>) src(%dma_wait3A_1688 : memref<19660800xf32, #tpu.memory_space<hbm>>) dst(%dma_wait3A_1684 : memref<128xf32, #tpu.memory_space<vmem>>)
    %dma_wait3A_1689 = arith.constant 128 : i32
    %dma_wait3A_1690 = tpu.memref_slice %arg14[%dma_wait3A_1689] : memref<1536xf32, #tpu.memory_space<vmem>> -> memref<128xf32, #tpu.memory_space<vmem>>
    %dma_wait3A_1691 = arith.constant 128 : i32
    %dma_wait3A_1692 = tpu.memref_slice %arg12[%dma_wait3A_1691] : memref<1536xi32, #tpu.memory_space<vmem>> -> memref<128xi32, #tpu.memory_space<vmem>>
    %dma_wait3A_1693 = arith.constant 0 : i32
    %dma_wait3A_1694 = tpu.memref_slice %arg4[%dma_wait3A_1693] : memref<300xf32, #tpu.memory_space<hbm>> -> memref<300xf32, #tpu.memory_space<hbm>>
    tpu.wait_indirect_dma semaphore(%arg17 : memref<!tpu.dma_semaphore, #tpu.memory_space<semaphore_mem>>) src(%dma_wait3A_1694 : memref<300xf32, #tpu.memory_space<hbm>>) dst(%dma_wait3A_1690 : memref<128xf32, #tpu.memory_space<vmem>>)
    %dma_wait3A_1695 = arith.constant 256 : i32
    %dma_wait3A_1696 = tpu.memref_slice %arg16[%dma_wait3A_1695] : memref<1536xf32, #tpu.memory_space<vmem>> -> memref<128xf32, #tpu.memory_space<vmem>>
    %dma_wait3A_1697 = arith.constant 256 : i32
    %dma_wait3A_1698 = tpu.memref_slice %arg11[%dma_wait3A_1697] : memref<1536xi32, #tpu.memory_space<vmem>> -> memref<128xi32, #tpu.memory_space<vmem>>
    %dma_wait3A_1699 = arith.constant 0 : i32
    %dma_wait3A_1700 = tpu.memref_slice %arg3[%dma_wait3A_1699] : memref<19660800xf32, #tpu.memory_space<hbm>> -> memref<19660800xf32, #tpu.memory_space<hbm>>
    tpu.wait_indirect_dma semaphore(%arg17 : memref<!tpu.dma_semaphore, #tpu.memory_space<semaphore_mem>>) src(%dma_wait3A_1700 : memref<19660800xf32, #tpu.memory_space<hbm>>) dst(%dma_wait3A_1696 : memref<128xf32, #tpu.memory_space<vmem>>)
    %dma_wait3A_1701 = arith.constant 256 : i32
    %dma_wait3A_1702 = tpu.memref_slice %arg15[%dma_wait3A_1701] : memref<1536xf32, #tpu.memory_space<vmem>> -> memref<128xf32, #tpu.memory_space<vmem>>
    %dma_wait3A_1703 = arith.constant 256 : i32
    %dma_wait3A_1704 = tpu.memref_slice %arg11[%dma_wait3A_1703] : memref<1536xi32, #tpu.memory_space<vmem>> -> memref<128xi32, #tpu.memory_space<vmem>>
    %dma_wait3A_1705 = arith.constant 0 : i32
    %dma_wait3A_1706 = tpu.memref_slice %arg5[%dma_wait3A_1705] : memref<19660800xf32, #tpu.memory_space<hbm>> -> memref<19660800xf32, #tpu.memory_space<hbm>>
    tpu.wait_indirect_dma semaphore(%arg17 : memref<!tpu.dma_semaphore, #tpu.memory_space<semaphore_mem>>) src(%dma_wait3A_1706 : memref<19660800xf32, #tpu.memory_space<hbm>>) dst(%dma_wait3A_1702 : memref<128xf32, #tpu.memory_space<vmem>>)
    %dma_wait3A_1707 = arith.constant 256 : i32
    %dma_wait3A_1708 = tpu.memref_slice %arg14[%dma_wait3A_1707] : memref<1536xf32, #tpu.memory_space<vmem>> -> memref<128xf32, #tpu.memory_space<vmem>>
    %dma_wait3A_1709 = arith.constant 256 : i32
    %dma_wait3A_1710 = tpu.memref_slice %arg12[%dma_wait3A_1709] : memref<1536xi32, #tpu.memory_space<vmem>> -> memref<128xi32, #tpu.memory_space<vmem>>
    %dma_wait3A_1711 = arith.constant 0 : i32
    %dma_wait3A_1712 = tpu.memref_slice %arg4[%dma_wait3A_1711] : memref<300xf32, #tpu.memory_space<hbm>> -> memref<300xf32, #tpu.memory_space<hbm>>
    tpu.wait_indirect_dma semaphore(%arg17 : memref<!tpu.dma_semaphore, #tpu.memory_space<semaphore_mem>>) src(%dma_wait3A_1712 : memref<300xf32, #tpu.memory_space<hbm>>) dst(%dma_wait3A_1708 : memref<128xf32, #tpu.memory_space<vmem>>)
    %dma_wait3A_1713 = arith.constant 384 : i32
    %dma_wait3A_1714 = tpu.memref_slice %arg16[%dma_wait3A_1713] : memref<1536xf32, #tpu.memory_space<vmem>> -> memref<128xf32, #tpu.memory_space<vmem>>
    %dma_wait3A_1715 = arith.constant 384 : i32
    %dma_wait3A_1716 = tpu.memref_slice %arg11[%dma_wait3A_1715] : memref<1536xi32, #tpu.memory_space<vmem>> -> memref<128xi32, #tpu.memory_space<vmem>>
    %dma_wait3A_1717 = arith.constant 0 : i32
    %dma_wait3A_1718 = tpu.memref_slice %arg3[%dma_wait3A_1717] : memref<19660800xf32, #tpu.memory_space<hbm>> -> memref<19660800xf32, #tpu.memory_space<hbm>>
    tpu.wait_indirect_dma semaphore(%arg17 : memref<!tpu.dma_semaphore, #tpu.memory_space<semaphore_mem>>) src(%dma_wait3A_1718 : memref<19660800xf32, #tpu.memory_space<hbm>>) dst(%dma_wait3A_1714 : memref<128xf32, #tpu.memory_space<vmem>>)
    %dma_wait3A_1719 = arith.constant 384 : i32
    %dma_wait3A_1720 = tpu.memref_slice %arg15[%dma_wait3A_1719] : memref<1536xf32, #tpu.memory_space<vmem>> -> memref<128xf32, #tpu.memory_space<vmem>>
    %dma_wait3A_1721 = arith.constant 384 : i32
    %dma_wait3A_1722 = tpu.memref_slice %arg11[%dma_wait3A_1721] : memref<1536xi32, #tpu.memory_space<vmem>> -> memref<128xi32, #tpu.memory_space<vmem>>
    %dma_wait3A_1723 = arith.constant 0 : i32
    %dma_wait3A_1724 = tpu.memref_slice %arg5[%dma_wait3A_1723] : memref<19660800xf32, #tpu.memory_space<hbm>> -> memref<19660800xf32, #tpu.memory_space<hbm>>
    tpu.wait_indirect_dma semaphore(%arg17 : memref<!tpu.dma_semaphore, #tpu.memory_space<semaphore_mem>>) src(%dma_wait3A_1724 : memref<19660800xf32, #tpu.memory_space<hbm>>) dst(%dma_wait3A_1720 : memref<128xf32, #tpu.memory_space<vmem>>)
    %dma_wait3A_1725 = arith.constant 384 : i32
    %dma_wait3A_1726 = tpu.memref_slice %arg14[%dma_wait3A_1725] : memref<1536xf32, #tpu.memory_space<vmem>> -> memref<128xf32, #tpu.memory_space<vmem>>
    %dma_wait3A_1727 = arith.constant 384 : i32
    %dma_wait3A_1728 = tpu.memref_slice %arg12[%dma_wait3A_1727] : memref<1536xi32, #tpu.memory_space<vmem>> -> memref<128xi32, #tpu.memory_space<vmem>>
    %dma_wait3A_1729 = arith.constant 0 : i32
    %dma_wait3A_1730 = tpu.memref_slice %arg4[%dma_wait3A_1729] : memref<300xf32, #tpu.memory_space<hbm>> -> memref<300xf32, #tpu.memory_space<hbm>>
    tpu.wait_indirect_dma semaphore(%arg17 : memref<!tpu.dma_semaphore, #tpu.memory_space<semaphore_mem>>) src(%dma_wait3A_1730 : memref<300xf32, #tpu.memory_space<hbm>>) dst(%dma_wait3A_1726 : memref<128xf32, #tpu.memory_space<vmem>>)
    %dma_wait3A_1731 = arith.constant 512 : i32
    %dma_wait3A_1732 = tpu.memref_slice %arg16[%dma_wait3A_1731] : memref<1536xf32, #tpu.memory_space<vmem>> -> memref<128xf32, #tpu.memory_space<vmem>>
    %dma_wait3A_1733 = arith.constant 512 : i32
    %dma_wait3A_1734 = tpu.memref_slice %arg11[%dma_wait3A_1733] : memref<1536xi32, #tpu.memory_space<vmem>> -> memref<128xi32, #tpu.memory_space<vmem>>
    %dma_wait3A_1735 = arith.constant 0 : i32
    %dma_wait3A_1736 = tpu.memref_slice %arg3[%dma_wait3A_1735] : memref<19660800xf32, #tpu.memory_space<hbm>> -> memref<19660800xf32, #tpu.memory_space<hbm>>
    tpu.wait_indirect_dma semaphore(%arg17 : memref<!tpu.dma_semaphore, #tpu.memory_space<semaphore_mem>>) src(%dma_wait3A_1736 : memref<19660800xf32, #tpu.memory_space<hbm>>) dst(%dma_wait3A_1732 : memref<128xf32, #tpu.memory_space<vmem>>)
    %dma_wait3A_1737 = arith.constant 512 : i32
    %dma_wait3A_1738 = tpu.memref_slice %arg15[%dma_wait3A_1737] : memref<1536xf32, #tpu.memory_space<vmem>> -> memref<128xf32, #tpu.memory_space<vmem>>
    %dma_wait3A_1739 = arith.constant 512 : i32
    %dma_wait3A_1740 = tpu.memref_slice %arg11[%dma_wait3A_1739] : memref<1536xi32, #tpu.memory_space<vmem>> -> memref<128xi32, #tpu.memory_space<vmem>>
    %dma_wait3A_1741 = arith.constant 0 : i32
    %dma_wait3A_1742 = tpu.memref_slice %arg5[%dma_wait3A_1741] : memref<19660800xf32, #tpu.memory_space<hbm>> -> memref<19660800xf32, #tpu.memory_space<hbm>>
    tpu.wait_indirect_dma semaphore(%arg17 : memref<!tpu.dma_semaphore, #tpu.memory_space<semaphore_mem>>) src(%dma_wait3A_1742 : memref<19660800xf32, #tpu.memory_space<hbm>>) dst(%dma_wait3A_1738 : memref<128xf32, #tpu.memory_space<vmem>>)
    %dma_wait3A_1743 = arith.constant 512 : i32
    %dma_wait3A_1744 = tpu.memref_slice %arg14[%dma_wait3A_1743] : memref<1536xf32, #tpu.memory_space<vmem>> -> memref<128xf32, #tpu.memory_space<vmem>>
    %dma_wait3A_1745 = arith.constant 512 : i32
    %dma_wait3A_1746 = tpu.memref_slice %arg12[%dma_wait3A_1745] : memref<1536xi32, #tpu.memory_space<vmem>> -> memref<128xi32, #tpu.memory_space<vmem>>
    %dma_wait3A_1747 = arith.constant 0 : i32
    %dma_wait3A_1748 = tpu.memref_slice %arg4[%dma_wait3A_1747] : memref<300xf32, #tpu.memory_space<hbm>> -> memref<300xf32, #tpu.memory_space<hbm>>
    tpu.wait_indirect_dma semaphore(%arg17 : memref<!tpu.dma_semaphore, #tpu.memory_space<semaphore_mem>>) src(%dma_wait3A_1748 : memref<300xf32, #tpu.memory_space<hbm>>) dst(%dma_wait3A_1744 : memref<128xf32, #tpu.memory_space<vmem>>)
    %dma_wait3A_1749 = arith.constant 640 : i32
    %dma_wait3A_1750 = tpu.memref_slice %arg16[%dma_wait3A_1749] : memref<1536xf32, #tpu.memory_space<vmem>> -> memref<128xf32, #tpu.memory_space<vmem>>
    %dma_wait3A_1751 = arith.constant 640 : i32
    %dma_wait3A_1752 = tpu.memref_slice %arg11[%dma_wait3A_1751] : memref<1536xi32, #tpu.memory_space<vmem>> -> memref<128xi32, #tpu.memory_space<vmem>>
    %dma_wait3A_1753 = arith.constant 0 : i32
    %dma_wait3A_1754 = tpu.memref_slice %arg3[%dma_wait3A_1753] : memref<19660800xf32, #tpu.memory_space<hbm>> -> memref<19660800xf32, #tpu.memory_space<hbm>>
    tpu.wait_indirect_dma semaphore(%arg17 : memref<!tpu.dma_semaphore, #tpu.memory_space<semaphore_mem>>) src(%dma_wait3A_1754 : memref<19660800xf32, #tpu.memory_space<hbm>>) dst(%dma_wait3A_1750 : memref<128xf32, #tpu.memory_space<vmem>>)
    %dma_wait3A_1755 = arith.constant 640 : i32
    %dma_wait3A_1756 = tpu.memref_slice %arg15[%dma_wait3A_1755] : memref<1536xf32, #tpu.memory_space<vmem>> -> memref<128xf32, #tpu.memory_space<vmem>>
    %dma_wait3A_1757 = arith.constant 640 : i32
    %dma_wait3A_1758 = tpu.memref_slice %arg11[%dma_wait3A_1757] : memref<1536xi32, #tpu.memory_space<vmem>> -> memref<128xi32, #tpu.memory_space<vmem>>
    %dma_wait3A_1759 = arith.constant 0 : i32
    %dma_wait3A_1760 = tpu.memref_slice %arg5[%dma_wait3A_1759] : memref<19660800xf32, #tpu.memory_space<hbm>> -> memref<19660800xf32, #tpu.memory_space<hbm>>
    tpu.wait_indirect_dma semaphore(%arg17 : memref<!tpu.dma_semaphore, #tpu.memory_space<semaphore_mem>>) src(%dma_wait3A_1760 : memref<19660800xf32, #tpu.memory_space<hbm>>) dst(%dma_wait3A_1756 : memref<128xf32, #tpu.memory_space<vmem>>)
    %dma_wait3A_1761 = arith.constant 640 : i32
    %dma_wait3A_1762 = tpu.memref_slice %arg14[%dma_wait3A_1761] : memref<1536xf32, #tpu.memory_space<vmem>> -> memref<128xf32, #tpu.memory_space<vmem>>
    %dma_wait3A_1763 = arith.constant 640 : i32
    %dma_wait3A_1764 = tpu.memref_slice %arg12[%dma_wait3A_1763] : memref<1536xi32, #tpu.memory_space<vmem>> -> memref<128xi32, #tpu.memory_space<vmem>>
    %dma_wait3A_1765 = arith.constant 0 : i32
    %dma_wait3A_1766 = tpu.memref_slice %arg4[%dma_wait3A_1765] : memref<300xf32, #tpu.memory_space<hbm>> -> memref<300xf32, #tpu.memory_space<hbm>>
    tpu.wait_indirect_dma semaphore(%arg17 : memref<!tpu.dma_semaphore, #tpu.memory_space<semaphore_mem>>) src(%dma_wait3A_1766 : memref<300xf32, #tpu.memory_space<hbm>>) dst(%dma_wait3A_1762 : memref<128xf32, #tpu.memory_space<vmem>>)
    %dma_wait3A_1767 = arith.constant 768 : i32
    %dma_wait3A_1768 = tpu.memref_slice %arg16[%dma_wait3A_1767] : memref<1536xf32, #tpu.memory_space<vmem>> -> memref<128xf32, #tpu.memory_space<vmem>>
    %dma_wait3A_1769 = arith.constant 768 : i32
    %dma_wait3A_1770 = tpu.memref_slice %arg11[%dma_wait3A_1769] : memref<1536xi32, #tpu.memory_space<vmem>> -> memref<128xi32, #tpu.memory_space<vmem>>
    %dma_wait3A_1771 = arith.constant 0 : i32
    %dma_wait3A_1772 = tpu.memref_slice %arg3[%dma_wait3A_1771] : memref<19660800xf32, #tpu.memory_space<hbm>> -> memref<19660800xf32, #tpu.memory_space<hbm>>
    tpu.wait_indirect_dma semaphore(%arg17 : memref<!tpu.dma_semaphore, #tpu.memory_space<semaphore_mem>>) src(%dma_wait3A_1772 : memref<19660800xf32, #tpu.memory_space<hbm>>) dst(%dma_wait3A_1768 : memref<128xf32, #tpu.memory_space<vmem>>)
    %dma_wait3A_1773 = arith.constant 768 : i32
    %dma_wait3A_1774 = tpu.memref_slice %arg15[%dma_wait3A_1773] : memref<1536xf32, #tpu.memory_space<vmem>> -> memref<128xf32, #tpu.memory_space<vmem>>
    %dma_wait3A_1775 = arith.constant 768 : i32
    %dma_wait3A_1776 = tpu.memref_slice %arg11[%dma_wait3A_1775] : memref<1536xi32, #tpu.memory_space<vmem>> -> memref<128xi32, #tpu.memory_space<vmem>>
    %dma_wait3A_1777 = arith.constant 0 : i32
    %dma_wait3A_1778 = tpu.memref_slice %arg5[%dma_wait3A_1777] : memref<19660800xf32, #tpu.memory_space<hbm>> -> memref<19660800xf32, #tpu.memory_space<hbm>>
    tpu.wait_indirect_dma semaphore(%arg17 : memref<!tpu.dma_semaphore, #tpu.memory_space<semaphore_mem>>) src(%dma_wait3A_1778 : memref<19660800xf32, #tpu.memory_space<hbm>>) dst(%dma_wait3A_1774 : memref<128xf32, #tpu.memory_space<vmem>>)
    %dma_wait3A_1779 = arith.constant 768 : i32
    %dma_wait3A_1780 = tpu.memref_slice %arg14[%dma_wait3A_1779] : memref<1536xf32, #tpu.memory_space<vmem>> -> memref<128xf32, #tpu.memory_space<vmem>>
    %dma_wait3A_1781 = arith.constant 768 : i32
    %dma_wait3A_1782 = tpu.memref_slice %arg12[%dma_wait3A_1781] : memref<1536xi32, #tpu.memory_space<vmem>> -> memref<128xi32, #tpu.memory_space<vmem>>
    %dma_wait3A_1783 = arith.constant 0 : i32
    %dma_wait3A_1784 = tpu.memref_slice %arg4[%dma_wait3A_1783] : memref<300xf32, #tpu.memory_space<hbm>> -> memref<300xf32, #tpu.memory_space<hbm>>
    tpu.wait_indirect_dma semaphore(%arg17 : memref<!tpu.dma_semaphore, #tpu.memory_space<semaphore_mem>>) src(%dma_wait3A_1784 : memref<300xf32, #tpu.memory_space<hbm>>) dst(%dma_wait3A_1780 : memref<128xf32, #tpu.memory_space<vmem>>)
    %dma_wait3A_1785 = arith.constant 896 : i32
    %dma_wait3A_1786 = tpu.memref_slice %arg16[%dma_wait3A_1785] : memref<1536xf32, #tpu.memory_space<vmem>> -> memref<128xf32, #tpu.memory_space<vmem>>
    %dma_wait3A_1787 = arith.constant 896 : i32
    %dma_wait3A_1788 = tpu.memref_slice %arg11[%dma_wait3A_1787] : memref<1536xi32, #tpu.memory_space<vmem>> -> memref<128xi32, #tpu.memory_space<vmem>>
    %dma_wait3A_1789 = arith.constant 0 : i32
    %dma_wait3A_1790 = tpu.memref_slice %arg3[%dma_wait3A_1789] : memref<19660800xf32, #tpu.memory_space<hbm>> -> memref<19660800xf32, #tpu.memory_space<hbm>>
    tpu.wait_indirect_dma semaphore(%arg17 : memref<!tpu.dma_semaphore, #tpu.memory_space<semaphore_mem>>) src(%dma_wait3A_1790 : memref<19660800xf32, #tpu.memory_space<hbm>>) dst(%dma_wait3A_1786 : memref<128xf32, #tpu.memory_space<vmem>>)
    %dma_wait3A_1791 = arith.constant 896 : i32
    %dma_wait3A_1792 = tpu.memref_slice %arg15[%dma_wait3A_1791] : memref<1536xf32, #tpu.memory_space<vmem>> -> memref<128xf32, #tpu.memory_space<vmem>>
    %dma_wait3A_1793 = arith.constant 896 : i32
    %dma_wait3A_1794 = tpu.memref_slice %arg11[%dma_wait3A_1793] : memref<1536xi32, #tpu.memory_space<vmem>> -> memref<128xi32, #tpu.memory_space<vmem>>
    %dma_wait3A_1795 = arith.constant 0 : i32
    %dma_wait3A_1796 = tpu.memref_slice %arg5[%dma_wait3A_1795] : memref<19660800xf32, #tpu.memory_space<hbm>> -> memref<19660800xf32, #tpu.memory_space<hbm>>
    tpu.wait_indirect_dma semaphore(%arg17 : memref<!tpu.dma_semaphore, #tpu.memory_space<semaphore_mem>>) src(%dma_wait3A_1796 : memref<19660800xf32, #tpu.memory_space<hbm>>) dst(%dma_wait3A_1792 : memref<128xf32, #tpu.memory_space<vmem>>)
    %dma_wait3A_1797 = arith.constant 896 : i32
    %dma_wait3A_1798 = tpu.memref_slice %arg14[%dma_wait3A_1797] : memref<1536xf32, #tpu.memory_space<vmem>> -> memref<128xf32, #tpu.memory_space<vmem>>
    %dma_wait3A_1799 = arith.constant 896 : i32
    %dma_wait3A_1800 = tpu.memref_slice %arg12[%dma_wait3A_1799] : memref<1536xi32, #tpu.memory_space<vmem>> -> memref<128xi32, #tpu.memory_space<vmem>>
    %dma_wait3A_1801 = arith.constant 0 : i32
    %dma_wait3A_1802 = tpu.memref_slice %arg4[%dma_wait3A_1801] : memref<300xf32, #tpu.memory_space<hbm>> -> memref<300xf32, #tpu.memory_space<hbm>>
    tpu.wait_indirect_dma semaphore(%arg17 : memref<!tpu.dma_semaphore, #tpu.memory_space<semaphore_mem>>) src(%dma_wait3A_1802 : memref<300xf32, #tpu.memory_space<hbm>>) dst(%dma_wait3A_1798 : memref<128xf32, #tpu.memory_space<vmem>>)
    %dma_wait3A_1803 = arith.constant 1024 : i32
    %dma_wait3A_1804 = tpu.memref_slice %arg16[%dma_wait3A_1803] : memref<1536xf32, #tpu.memory_space<vmem>> -> memref<128xf32, #tpu.memory_space<vmem>>
    %dma_wait3A_1805 = arith.constant 1024 : i32
    %dma_wait3A_1806 = tpu.memref_slice %arg11[%dma_wait3A_1805] : memref<1536xi32, #tpu.memory_space<vmem>> -> memref<128xi32, #tpu.memory_space<vmem>>
    %dma_wait3A_1807 = arith.constant 0 : i32
    %dma_wait3A_1808 = tpu.memref_slice %arg3[%dma_wait3A_1807] : memref<19660800xf32, #tpu.memory_space<hbm>> -> memref<19660800xf32, #tpu.memory_space<hbm>>
    tpu.wait_indirect_dma semaphore(%arg17 : memref<!tpu.dma_semaphore, #tpu.memory_space<semaphore_mem>>) src(%dma_wait3A_1808 : memref<19660800xf32, #tpu.memory_space<hbm>>) dst(%dma_wait3A_1804 : memref<128xf32, #tpu.memory_space<vmem>>)
    %dma_wait3A_1809 = arith.constant 1024 : i32
    %dma_wait3A_1810 = tpu.memref_slice %arg15[%dma_wait3A_1809] : memref<1536xf32, #tpu.memory_space<vmem>> -> memref<128xf32, #tpu.memory_space<vmem>>
    %dma_wait3A_1811 = arith.constant 1024 : i32
    %dma_wait3A_1812 = tpu.memref_slice %arg11[%dma_wait3A_1811] : memref<1536xi32, #tpu.memory_space<vmem>> -> memref<128xi32, #tpu.memory_space<vmem>>
    %dma_wait3A_1813 = arith.constant 0 : i32
    %dma_wait3A_1814 = tpu.memref_slice %arg5[%dma_wait3A_1813] : memref<19660800xf32, #tpu.memory_space<hbm>> -> memref<19660800xf32, #tpu.memory_space<hbm>>
    tpu.wait_indirect_dma semaphore(%arg17 : memref<!tpu.dma_semaphore, #tpu.memory_space<semaphore_mem>>) src(%dma_wait3A_1814 : memref<19660800xf32, #tpu.memory_space<hbm>>) dst(%dma_wait3A_1810 : memref<128xf32, #tpu.memory_space<vmem>>)
    %dma_wait3A_1815 = arith.constant 1024 : i32
    %dma_wait3A_1816 = tpu.memref_slice %arg14[%dma_wait3A_1815] : memref<1536xf32, #tpu.memory_space<vmem>> -> memref<128xf32, #tpu.memory_space<vmem>>
    %dma_wait3A_1817 = arith.constant 1024 : i32
    %dma_wait3A_1818 = tpu.memref_slice %arg12[%dma_wait3A_1817] : memref<1536xi32, #tpu.memory_space<vmem>> -> memref<128xi32, #tpu.memory_space<vmem>>
    %dma_wait3A_1819 = arith.constant 0 : i32
    %dma_wait3A_1820 = tpu.memref_slice %arg4[%dma_wait3A_1819] : memref<300xf32, #tpu.memory_space<hbm>> -> memref<300xf32, #tpu.memory_space<hbm>>
    tpu.wait_indirect_dma semaphore(%arg17 : memref<!tpu.dma_semaphore, #tpu.memory_space<semaphore_mem>>) src(%dma_wait3A_1820 : memref<300xf32, #tpu.memory_space<hbm>>) dst(%dma_wait3A_1816 : memref<128xf32, #tpu.memory_space<vmem>>)
    %dma_wait3A_1821 = arith.constant 1152 : i32
    %dma_wait3A_1822 = tpu.memref_slice %arg16[%dma_wait3A_1821] : memref<1536xf32, #tpu.memory_space<vmem>> -> memref<128xf32, #tpu.memory_space<vmem>>
    %dma_wait3A_1823 = arith.constant 1152 : i32
    %dma_wait3A_1824 = tpu.memref_slice %arg11[%dma_wait3A_1823] : memref<1536xi32, #tpu.memory_space<vmem>> -> memref<128xi32, #tpu.memory_space<vmem>>
    %dma_wait3A_1825 = arith.constant 0 : i32
    %dma_wait3A_1826 = tpu.memref_slice %arg3[%dma_wait3A_1825] : memref<19660800xf32, #tpu.memory_space<hbm>> -> memref<19660800xf32, #tpu.memory_space<hbm>>
    tpu.wait_indirect_dma semaphore(%arg17 : memref<!tpu.dma_semaphore, #tpu.memory_space<semaphore_mem>>) src(%dma_wait3A_1826 : memref<19660800xf32, #tpu.memory_space<hbm>>) dst(%dma_wait3A_1822 : memref<128xf32, #tpu.memory_space<vmem>>)
    %dma_wait3A_1827 = arith.constant 1152 : i32
    %dma_wait3A_1828 = tpu.memref_slice %arg15[%dma_wait3A_1827] : memref<1536xf32, #tpu.memory_space<vmem>> -> memref<128xf32, #tpu.memory_space<vmem>>
    %dma_wait3A_1829 = arith.constant 1152 : i32
    %dma_wait3A_1830 = tpu.memref_slice %arg11[%dma_wait3A_1829] : memref<1536xi32, #tpu.memory_space<vmem>> -> memref<128xi32, #tpu.memory_space<vmem>>
    %dma_wait3A_1831 = arith.constant 0 : i32
    %dma_wait3A_1832 = tpu.memref_slice %arg5[%dma_wait3A_1831] : memref<19660800xf32, #tpu.memory_space<hbm>> -> memref<19660800xf32, #tpu.memory_space<hbm>>
    tpu.wait_indirect_dma semaphore(%arg17 : memref<!tpu.dma_semaphore, #tpu.memory_space<semaphore_mem>>) src(%dma_wait3A_1832 : memref<19660800xf32, #tpu.memory_space<hbm>>) dst(%dma_wait3A_1828 : memref<128xf32, #tpu.memory_space<vmem>>)
    %dma_wait3A_1833 = arith.constant 1152 : i32
    %dma_wait3A_1834 = tpu.memref_slice %arg14[%dma_wait3A_1833] : memref<1536xf32, #tpu.memory_space<vmem>> -> memref<128xf32, #tpu.memory_space<vmem>>
    %dma_wait3A_1835 = arith.constant 1152 : i32
    %dma_wait3A_1836 = tpu.memref_slice %arg12[%dma_wait3A_1835] : memref<1536xi32, #tpu.memory_space<vmem>> -> memref<128xi32, #tpu.memory_space<vmem>>
    %dma_wait3A_1837 = arith.constant 0 : i32
    %dma_wait3A_1838 = tpu.memref_slice %arg4[%dma_wait3A_1837] : memref<300xf32, #tpu.memory_space<hbm>> -> memref<300xf32, #tpu.memory_space<hbm>>
    tpu.wait_indirect_dma semaphore(%arg17 : memref<!tpu.dma_semaphore, #tpu.memory_space<semaphore_mem>>) src(%dma_wait3A_1838 : memref<300xf32, #tpu.memory_space<hbm>>) dst(%dma_wait3A_1834 : memref<128xf32, #tpu.memory_space<vmem>>)
    %dma_wait3A_1839 = arith.constant 1280 : i32
    %dma_wait3A_1840 = tpu.memref_slice %arg16[%dma_wait3A_1839] : memref<1536xf32, #tpu.memory_space<vmem>> -> memref<128xf32, #tpu.memory_space<vmem>>
    %dma_wait3A_1841 = arith.constant 1280 : i32
    %dma_wait3A_1842 = tpu.memref_slice %arg11[%dma_wait3A_1841] : memref<1536xi32, #tpu.memory_space<vmem>> -> memref<128xi32, #tpu.memory_space<vmem>>
    %dma_wait3A_1843 = arith.constant 0 : i32
    %dma_wait3A_1844 = tpu.memref_slice %arg3[%dma_wait3A_1843] : memref<19660800xf32, #tpu.memory_space<hbm>> -> memref<19660800xf32, #tpu.memory_space<hbm>>
    tpu.wait_indirect_dma semaphore(%arg17 : memref<!tpu.dma_semaphore, #tpu.memory_space<semaphore_mem>>) src(%dma_wait3A_1844 : memref<19660800xf32, #tpu.memory_space<hbm>>) dst(%dma_wait3A_1840 : memref<128xf32, #tpu.memory_space<vmem>>)
    %dma_wait3A_1845 = arith.constant 1280 : i32
    %dma_wait3A_1846 = tpu.memref_slice %arg15[%dma_wait3A_1845] : memref<1536xf32, #tpu.memory_space<vmem>> -> memref<128xf32, #tpu.memory_space<vmem>>
    %dma_wait3A_1847 = arith.constant 1280 : i32
    %dma_wait3A_1848 = tpu.memref_slice %arg11[%dma_wait3A_1847] : memref<1536xi32, #tpu.memory_space<vmem>> -> memref<128xi32, #tpu.memory_space<vmem>>
    %dma_wait3A_1849 = arith.constant 0 : i32
    %dma_wait3A_1850 = tpu.memref_slice %arg5[%dma_wait3A_1849] : memref<19660800xf32, #tpu.memory_space<hbm>> -> memref<19660800xf32, #tpu.memory_space<hbm>>
    tpu.wait_indirect_dma semaphore(%arg17 : memref<!tpu.dma_semaphore, #tpu.memory_space<semaphore_mem>>) src(%dma_wait3A_1850 : memref<19660800xf32, #tpu.memory_space<hbm>>) dst(%dma_wait3A_1846 : memref<128xf32, #tpu.memory_space<vmem>>)
    %dma_wait3A_1851 = arith.constant 1280 : i32
    %dma_wait3A_1852 = tpu.memref_slice %arg14[%dma_wait3A_1851] : memref<1536xf32, #tpu.memory_space<vmem>> -> memref<128xf32, #tpu.memory_space<vmem>>
    %dma_wait3A_1853 = arith.constant 1280 : i32
    %dma_wait3A_1854 = tpu.memref_slice %arg12[%dma_wait3A_1853] : memref<1536xi32, #tpu.memory_space<vmem>> -> memref<128xi32, #tpu.memory_space<vmem>>
    %dma_wait3A_1855 = arith.constant 0 : i32
    %dma_wait3A_1856 = tpu.memref_slice %arg4[%dma_wait3A_1855] : memref<300xf32, #tpu.memory_space<hbm>> -> memref<300xf32, #tpu.memory_space<hbm>>
    tpu.wait_indirect_dma semaphore(%arg17 : memref<!tpu.dma_semaphore, #tpu.memory_space<semaphore_mem>>) src(%dma_wait3A_1856 : memref<300xf32, #tpu.memory_space<hbm>>) dst(%dma_wait3A_1852 : memref<128xf32, #tpu.memory_space<vmem>>)
    %dma_wait3A_1857 = arith.constant 1408 : i32
    %dma_wait3A_1858 = tpu.memref_slice %arg16[%dma_wait3A_1857] : memref<1536xf32, #tpu.memory_space<vmem>> -> memref<128xf32, #tpu.memory_space<vmem>>
    %dma_wait3A_1859 = arith.constant 1408 : i32
    %dma_wait3A_1860 = tpu.memref_slice %arg11[%dma_wait3A_1859] : memref<1536xi32, #tpu.memory_space<vmem>> -> memref<128xi32, #tpu.memory_space<vmem>>
    %dma_wait3A_1861 = arith.constant 0 : i32
    %dma_wait3A_1862 = tpu.memref_slice %arg3[%dma_wait3A_1861] : memref<19660800xf32, #tpu.memory_space<hbm>> -> memref<19660800xf32, #tpu.memory_space<hbm>>
    tpu.wait_indirect_dma semaphore(%arg17 : memref<!tpu.dma_semaphore, #tpu.memory_space<semaphore_mem>>) src(%dma_wait3A_1862 : memref<19660800xf32, #tpu.memory_space<hbm>>) dst(%dma_wait3A_1858 : memref<128xf32, #tpu.memory_space<vmem>>)
    %dma_wait3A_1863 = arith.constant 1408 : i32
    %dma_wait3A_1864 = tpu.memref_slice %arg15[%dma_wait3A_1863] : memref<1536xf32, #tpu.memory_space<vmem>> -> memref<128xf32, #tpu.memory_space<vmem>>
    %dma_wait3A_1865 = arith.constant 1408 : i32
    %dma_wait3A_1866 = tpu.memref_slice %arg11[%dma_wait3A_1865] : memref<1536xi32, #tpu.memory_space<vmem>> -> memref<128xi32, #tpu.memory_space<vmem>>
    %dma_wait3A_1867 = arith.constant 0 : i32
    %dma_wait3A_1868 = tpu.memref_slice %arg5[%dma_wait3A_1867] : memref<19660800xf32, #tpu.memory_space<hbm>> -> memref<19660800xf32, #tpu.memory_space<hbm>>
    tpu.wait_indirect_dma semaphore(%arg17 : memref<!tpu.dma_semaphore, #tpu.memory_space<semaphore_mem>>) src(%dma_wait3A_1868 : memref<19660800xf32, #tpu.memory_space<hbm>>) dst(%dma_wait3A_1864 : memref<128xf32, #tpu.memory_space<vmem>>)
    %dma_wait3A_1869 = arith.constant 1408 : i32
    %dma_wait3A_1870 = tpu.memref_slice %arg14[%dma_wait3A_1869] : memref<1536xf32, #tpu.memory_space<vmem>> -> memref<128xf32, #tpu.memory_space<vmem>>
    %dma_wait3A_1871 = arith.constant 1408 : i32
    %dma_wait3A_1872 = tpu.memref_slice %arg12[%dma_wait3A_1871] : memref<1536xi32, #tpu.memory_space<vmem>> -> memref<128xi32, #tpu.memory_space<vmem>>
    %dma_wait3A_1873 = arith.constant 0 : i32
    %dma_wait3A_1874 = tpu.memref_slice %arg4[%dma_wait3A_1873] : memref<300xf32, #tpu.memory_space<hbm>> -> memref<300xf32, #tpu.memory_space<hbm>>
    tpu.wait_indirect_dma semaphore(%arg17 : memref<!tpu.dma_semaphore, #tpu.memory_space<semaphore_mem>>) src(%dma_wait3A_1874 : memref<300xf32, #tpu.memory_space<hbm>>) dst(%dma_wait3A_1870 : memref<128xf32, #tpu.memory_space<vmem>>)
    %add3A_1875 = arith.constant 0 : i32
    %add3A_1876 = arith.addi %add3A_1875, %mul3A_2 : i32
    "tpu.region"() ({
      %run_scoped3A = tpu.sem_alloc : memref<!tpu.dma_semaphore, #tpu.memory_space<semaphore_mem>>
      %dma_start3A_1881 = arith.constant 0 : i32
      %dma_start3A_1882 = tpu.memref_slice %arg14[%dma_start3A_1881] : memref<1536xf32, #tpu.memory_space<vmem>> -> memref<512xf32, #tpu.memory_space<vmem>>
      %dma_start3A_1883 = tpu.memref_slice %arg6[%add3A_1876] : memref<49152xf32, #tpu.memory_space<hbm>> -> memref<512xf32, #tpu.memory_space<hbm>>
      %dma_start3A_1884 = tpu.memref_slice %arg6[%add3A_1876] : memref<49152xf32, #tpu.memory_space<hbm>> -> memref<512xf32, #tpu.memory_space<hbm>>
      %dma_start3A_1885 = arith.constant 0 : i32
      %dma_start3A_1886 = tpu.memref_slice %arg14[%dma_start3A_1885] : memref<1536xf32, #tpu.memory_space<vmem>> -> memref<512xf32, #tpu.memory_space<vmem>>
      tpu.enqueue_dma source(%dma_start3A_1886 : memref<512xf32, #tpu.memory_space<vmem>>) target(%dma_start3A_1884 : memref<512xf32, #tpu.memory_space<hbm>>) target_semaphore(%run_scoped3A : memref<!tpu.dma_semaphore, #tpu.memory_space<semaphore_mem>>)
      %dma_wait3A_1887 = arith.constant 0 : i32
      %dma_wait3A_1888 = tpu.memref_slice %arg14[%dma_wait3A_1887] : memref<1536xf32, #tpu.memory_space<vmem>> -> memref<512xf32, #tpu.memory_space<vmem>>
      %dma_wait3A_1889 = tpu.memref_slice %arg6[%add3A_1876] : memref<49152xf32, #tpu.memory_space<hbm>> -> memref<512xf32, #tpu.memory_space<hbm>>
      %dma_wait3A_1890 = tpu.memref_slice %arg6[%add3A_1876] : memref<49152xf32, #tpu.memory_space<hbm>> -> memref<512xf32, #tpu.memory_space<hbm>>
      %dma_wait3A_1891 = arith.constant 0 : i32
      %dma_wait3A_1892 = tpu.memref_slice %arg14[%dma_wait3A_1891] : memref<1536xf32, #tpu.memory_space<vmem>> -> memref<512xf32, #tpu.memory_space<vmem>>
      tpu.wait_dma2 semaphore(%run_scoped3A : memref<!tpu.dma_semaphore, #tpu.memory_space<semaphore_mem>>) src(%dma_wait3A_1892 : memref<512xf32, #tpu.memory_space<vmem>>) dst(%dma_wait3A_1890 : memref<512xf32, #tpu.memory_space<hbm>>)
      tpu.yield
    }) : () -> ()
    "tpu.region"() ({
      %run_scoped3A = tpu.sem_alloc : memref<!tpu.dma_semaphore, #tpu.memory_space<semaphore_mem>>
      %dma_start3A_1881 = arith.constant 0 : i32
      %dma_start3A_1882 = tpu.memref_slice %arg15[%dma_start3A_1881] : memref<1536xf32, #tpu.memory_space<vmem>> -> memref<512xf32, #tpu.memory_space<vmem>>
      %dma_start3A_1883 = tpu.memref_slice %arg7[%add3A_1876] : memref<49152xf32, #tpu.memory_space<hbm>> -> memref<512xf32, #tpu.memory_space<hbm>>
      %dma_start3A_1884 = tpu.memref_slice %arg7[%add3A_1876] : memref<49152xf32, #tpu.memory_space<hbm>> -> memref<512xf32, #tpu.memory_space<hbm>>
      %dma_start3A_1885 = arith.constant 0 : i32
      %dma_start3A_1886 = tpu.memref_slice %arg15[%dma_start3A_1885] : memref<1536xf32, #tpu.memory_space<vmem>> -> memref<512xf32, #tpu.memory_space<vmem>>
      tpu.enqueue_dma source(%dma_start3A_1886 : memref<512xf32, #tpu.memory_space<vmem>>) target(%dma_start3A_1884 : memref<512xf32, #tpu.memory_space<hbm>>) target_semaphore(%run_scoped3A : memref<!tpu.dma_semaphore, #tpu.memory_space<semaphore_mem>>)
      %dma_wait3A_1887 = arith.constant 0 : i32
      %dma_wait3A_1888 = tpu.memref_slice %arg15[%dma_wait3A_1887] : memref<1536xf32, #tpu.memory_space<vmem>> -> memref<512xf32, #tpu.memory_space<vmem>>
      %dma_wait3A_1889 = tpu.memref_slice %arg7[%add3A_1876] : memref<49152xf32, #tpu.memory_space<hbm>> -> memref<512xf32, #tpu.memory_space<hbm>>
      %dma_wait3A_1890 = tpu.memref_slice %arg7[%add3A_1876] : memref<49152xf32, #tpu.memory_space<hbm>> -> memref<512xf32, #tpu.memory_space<hbm>>
      %dma_wait3A_1891 = arith.constant 0 : i32
      %dma_wait3A_1892 = tpu.memref_slice %arg15[%dma_wait3A_1891] : memref<1536xf32, #tpu.memory_space<vmem>> -> memref<512xf32, #tpu.memory_space<vmem>>
      tpu.wait_dma2 semaphore(%run_scoped3A : memref<!tpu.dma_semaphore, #tpu.memory_space<semaphore_mem>>) src(%dma_wait3A_1892 : memref<512xf32, #tpu.memory_space<vmem>>) dst(%dma_wait3A_1890 : memref<512xf32, #tpu.memory_space<hbm>>)
      tpu.yield
    }) : () -> ()
    "tpu.region"() ({
      %run_scoped3A = tpu.sem_alloc : memref<!tpu.dma_semaphore, #tpu.memory_space<semaphore_mem>>
      %dma_start3A_1881 = arith.constant 0 : i32
      %dma_start3A_1882 = tpu.memref_slice %arg16[%dma_start3A_1881] : memref<1536xf32, #tpu.memory_space<vmem>> -> memref<512xf32, #tpu.memory_space<vmem>>
      %dma_start3A_1883 = tpu.memref_slice %arg9[%add3A_1876] : memref<49152xf32, #tpu.memory_space<hbm>> -> memref<512xf32, #tpu.memory_space<hbm>>
      %dma_start3A_1884 = tpu.memref_slice %arg9[%add3A_1876] : memref<49152xf32, #tpu.memory_space<hbm>> -> memref<512xf32, #tpu.memory_space<hbm>>
      %dma_start3A_1885 = arith.constant 0 : i32
      %dma_start3A_1886 = tpu.memref_slice %arg16[%dma_start3A_1885] : memref<1536xf32, #tpu.memory_space<vmem>> -> memref<512xf32, #tpu.memory_space<vmem>>
      tpu.enqueue_dma source(%dma_start3A_1886 : memref<512xf32, #tpu.memory_space<vmem>>) target(%dma_start3A_1884 : memref<512xf32, #tpu.memory_space<hbm>>) target_semaphore(%run_scoped3A : memref<!tpu.dma_semaphore, #tpu.memory_space<semaphore_mem>>)
      %dma_wait3A_1887 = arith.constant 0 : i32
      %dma_wait3A_1888 = tpu.memref_slice %arg16[%dma_wait3A_1887] : memref<1536xf32, #tpu.memory_space<vmem>> -> memref<512xf32, #tpu.memory_space<vmem>>
      %dma_wait3A_1889 = tpu.memref_slice %arg9[%add3A_1876] : memref<49152xf32, #tpu.memory_space<hbm>> -> memref<512xf32, #tpu.memory_space<hbm>>
      %dma_wait3A_1890 = tpu.memref_slice %arg9[%add3A_1876] : memref<49152xf32, #tpu.memory_space<hbm>> -> memref<512xf32, #tpu.memory_space<hbm>>
      %dma_wait3A_1891 = arith.constant 0 : i32
      %dma_wait3A_1892 = tpu.memref_slice %arg16[%dma_wait3A_1891] : memref<1536xf32, #tpu.memory_space<vmem>> -> memref<512xf32, #tpu.memory_space<vmem>>
      tpu.wait_dma2 semaphore(%run_scoped3A : memref<!tpu.dma_semaphore, #tpu.memory_space<semaphore_mem>>) src(%dma_wait3A_1892 : memref<512xf32, #tpu.memory_space<vmem>>) dst(%dma_wait3A_1890 : memref<512xf32, #tpu.memory_space<hbm>>)
      tpu.yield
    }) : () -> ()
    %add3A_1877 = arith.constant 16384 : i32
    %add3A_1878 = arith.addi %add3A_1877, %mul3A_2 : i32
    "tpu.region"() ({
      %run_scoped3A = tpu.sem_alloc : memref<!tpu.dma_semaphore, #tpu.memory_space<semaphore_mem>>
      %dma_start3A_1881 = arith.constant 512 : i32
      %dma_start3A_1882 = tpu.memref_slice %arg14[%dma_start3A_1881] : memref<1536xf32, #tpu.memory_space<vmem>> -> memref<512xf32, #tpu.memory_space<vmem>>
      %dma_start3A_1883 = tpu.memref_slice %arg6[%add3A_1878] : memref<49152xf32, #tpu.memory_space<hbm>> -> memref<512xf32, #tpu.memory_space<hbm>>
      %dma_start3A_1884 = tpu.memref_slice %arg6[%add3A_1878] : memref<49152xf32, #tpu.memory_space<hbm>> -> memref<512xf32, #tpu.memory_space<hbm>>
      %dma_start3A_1885 = arith.constant 512 : i32
      %dma_start3A_1886 = tpu.memref_slice %arg14[%dma_start3A_1885] : memref<1536xf32, #tpu.memory_space<vmem>> -> memref<512xf32, #tpu.memory_space<vmem>>
      tpu.enqueue_dma source(%dma_start3A_1886 : memref<512xf32, #tpu.memory_space<vmem>>) target(%dma_start3A_1884 : memref<512xf32, #tpu.memory_space<hbm>>) target_semaphore(%run_scoped3A : memref<!tpu.dma_semaphore, #tpu.memory_space<semaphore_mem>>)
      %dma_wait3A_1887 = arith.constant 512 : i32
      %dma_wait3A_1888 = tpu.memref_slice %arg14[%dma_wait3A_1887] : memref<1536xf32, #tpu.memory_space<vmem>> -> memref<512xf32, #tpu.memory_space<vmem>>
      %dma_wait3A_1889 = tpu.memref_slice %arg6[%add3A_1878] : memref<49152xf32, #tpu.memory_space<hbm>> -> memref<512xf32, #tpu.memory_space<hbm>>
      %dma_wait3A_1890 = tpu.memref_slice %arg6[%add3A_1878] : memref<49152xf32, #tpu.memory_space<hbm>> -> memref<512xf32, #tpu.memory_space<hbm>>
      %dma_wait3A_1891 = arith.constant 512 : i32
      %dma_wait3A_1892 = tpu.memref_slice %arg14[%dma_wait3A_1891] : memref<1536xf32, #tpu.memory_space<vmem>> -> memref<512xf32, #tpu.memory_space<vmem>>
      tpu.wait_dma2 semaphore(%run_scoped3A : memref<!tpu.dma_semaphore, #tpu.memory_space<semaphore_mem>>) src(%dma_wait3A_1892 : memref<512xf32, #tpu.memory_space<vmem>>) dst(%dma_wait3A_1890 : memref<512xf32, #tpu.memory_space<hbm>>)
      tpu.yield
    }) : () -> ()
    "tpu.region"() ({
      %run_scoped3A = tpu.sem_alloc : memref<!tpu.dma_semaphore, #tpu.memory_space<semaphore_mem>>
      %dma_start3A_1881 = arith.constant 512 : i32
      %dma_start3A_1882 = tpu.memref_slice %arg15[%dma_start3A_1881] : memref<1536xf32, #tpu.memory_space<vmem>> -> memref<512xf32, #tpu.memory_space<vmem>>
      %dma_start3A_1883 = tpu.memref_slice %arg7[%add3A_1878] : memref<49152xf32, #tpu.memory_space<hbm>> -> memref<512xf32, #tpu.memory_space<hbm>>
      %dma_start3A_1884 = tpu.memref_slice %arg7[%add3A_1878] : memref<49152xf32, #tpu.memory_space<hbm>> -> memref<512xf32, #tpu.memory_space<hbm>>
      %dma_start3A_1885 = arith.constant 512 : i32
      %dma_start3A_1886 = tpu.memref_slice %arg15[%dma_start3A_1885] : memref<1536xf32, #tpu.memory_space<vmem>> -> memref<512xf32, #tpu.memory_space<vmem>>
      tpu.enqueue_dma source(%dma_start3A_1886 : memref<512xf32, #tpu.memory_space<vmem>>) target(%dma_start3A_1884 : memref<512xf32, #tpu.memory_space<hbm>>) target_semaphore(%run_scoped3A : memref<!tpu.dma_semaphore, #tpu.memory_space<semaphore_mem>>)
      %dma_wait3A_1887 = arith.constant 512 : i32
      %dma_wait3A_1888 = tpu.memref_slice %arg15[%dma_wait3A_1887] : memref<1536xf32, #tpu.memory_space<vmem>> -> memref<512xf32, #tpu.memory_space<vmem>>
      %dma_wait3A_1889 = tpu.memref_slice %arg7[%add3A_1878] : memref<49152xf32, #tpu.memory_space<hbm>> -> memref<512xf32, #tpu.memory_space<hbm>>
      %dma_wait3A_1890 = tpu.memref_slice %arg7[%add3A_1878] : memref<49152xf32, #tpu.memory_space<hbm>> -> memref<512xf32, #tpu.memory_space<hbm>>
      %dma_wait3A_1891 = arith.constant 512 : i32
      %dma_wait3A_1892 = tpu.memref_slice %arg15[%dma_wait3A_1891] : memref<1536xf32, #tpu.memory_space<vmem>> -> memref<512xf32, #tpu.memory_space<vmem>>
      tpu.wait_dma2 semaphore(%run_scoped3A : memref<!tpu.dma_semaphore, #tpu.memory_space<semaphore_mem>>) src(%dma_wait3A_1892 : memref<512xf32, #tpu.memory_space<vmem>>) dst(%dma_wait3A_1890 : memref<512xf32, #tpu.memory_space<hbm>>)
      tpu.yield
    }) : () -> ()
    "tpu.region"() ({
      %run_scoped3A = tpu.sem_alloc : memref<!tpu.dma_semaphore, #tpu.memory_space<semaphore_mem>>
      %dma_start3A_1881 = arith.constant 512 : i32
      %dma_start3A_1882 = tpu.memref_slice %arg16[%dma_start3A_1881] : memref<1536xf32, #tpu.memory_space<vmem>> -> memref<512xf32, #tpu.memory_space<vmem>>
      %dma_start3A_1883 = tpu.memref_slice %arg9[%add3A_1878] : memref<49152xf32, #tpu.memory_space<hbm>> -> memref<512xf32, #tpu.memory_space<hbm>>
      %dma_start3A_1884 = tpu.memref_slice %arg9[%add3A_1878] : memref<49152xf32, #tpu.memory_space<hbm>> -> memref<512xf32, #tpu.memory_space<hbm>>
      %dma_start3A_1885 = arith.constant 512 : i32
      %dma_start3A_1886 = tpu.memref_slice %arg16[%dma_start3A_1885] : memref<1536xf32, #tpu.memory_space<vmem>> -> memref<512xf32, #tpu.memory_space<vmem>>
      tpu.enqueue_dma source(%dma_start3A_1886 : memref<512xf32, #tpu.memory_space<vmem>>) target(%dma_start3A_1884 : memref<512xf32, #tpu.memory_space<hbm>>) target_semaphore(%run_scoped3A : memref<!tpu.dma_semaphore, #tpu.memory_space<semaphore_mem>>)
      %dma_wait3A_1887 = arith.constant 512 : i32
      %dma_wait3A_1888 = tpu.memref_slice %arg16[%dma_wait3A_1887] : memref<1536xf32, #tpu.memory_space<vmem>> -> memref<512xf32, #tpu.memory_space<vmem>>
      %dma_wait3A_1889 = tpu.memref_slice %arg9[%add3A_1878] : memref<49152xf32, #tpu.memory_space<hbm>> -> memref<512xf32, #tpu.memory_space<hbm>>
      %dma_wait3A_1890 = tpu.memref_slice %arg9[%add3A_1878] : memref<49152xf32, #tpu.memory_space<hbm>> -> memref<512xf32, #tpu.memory_space<hbm>>
      %dma_wait3A_1891 = arith.constant 512 : i32
      %dma_wait3A_1892 = tpu.memref_slice %arg16[%dma_wait3A_1891] : memref<1536xf32, #tpu.memory_space<vmem>> -> memref<512xf32, #tpu.memory_space<vmem>>
      tpu.wait_dma2 semaphore(%run_scoped3A : memref<!tpu.dma_semaphore, #tpu.memory_space<semaphore_mem>>) src(%dma_wait3A_1892 : memref<512xf32, #tpu.memory_space<vmem>>) dst(%dma_wait3A_1890 : memref<512xf32, #tpu.memory_space<hbm>>)
      tpu.yield
    }) : () -> ()
    %add3A_1879 = arith.constant 32768 : i32
    %add3A_1880 = arith.addi %add3A_1879, %mul3A_2 : i32
    "tpu.region"() ({
      %run_scoped3A = tpu.sem_alloc : memref<!tpu.dma_semaphore, #tpu.memory_space<semaphore_mem>>
      %dma_start3A_1881 = arith.constant 1024 : i32
      %dma_start3A_1882 = tpu.memref_slice %arg14[%dma_start3A_1881] : memref<1536xf32, #tpu.memory_space<vmem>> -> memref<512xf32, #tpu.memory_space<vmem>>
      %dma_start3A_1883 = tpu.memref_slice %arg6[%add3A_1880] : memref<49152xf32, #tpu.memory_space<hbm>> -> memref<512xf32, #tpu.memory_space<hbm>>
      %dma_start3A_1884 = tpu.memref_slice %arg6[%add3A_1880] : memref<49152xf32, #tpu.memory_space<hbm>> -> memref<512xf32, #tpu.memory_space<hbm>>
      %dma_start3A_1885 = arith.constant 1024 : i32
      %dma_start3A_1886 = tpu.memref_slice %arg14[%dma_start3A_1885] : memref<1536xf32, #tpu.memory_space<vmem>> -> memref<512xf32, #tpu.memory_space<vmem>>
      tpu.enqueue_dma source(%dma_start3A_1886 : memref<512xf32, #tpu.memory_space<vmem>>) target(%dma_start3A_1884 : memref<512xf32, #tpu.memory_space<hbm>>) target_semaphore(%run_scoped3A : memref<!tpu.dma_semaphore, #tpu.memory_space<semaphore_mem>>)
      %dma_wait3A_1887 = arith.constant 1024 : i32
      %dma_wait3A_1888 = tpu.memref_slice %arg14[%dma_wait3A_1887] : memref<1536xf32, #tpu.memory_space<vmem>> -> memref<512xf32, #tpu.memory_space<vmem>>
      %dma_wait3A_1889 = tpu.memref_slice %arg6[%add3A_1880] : memref<49152xf32, #tpu.memory_space<hbm>> -> memref<512xf32, #tpu.memory_space<hbm>>
      %dma_wait3A_1890 = tpu.memref_slice %arg6[%add3A_1880] : memref<49152xf32, #tpu.memory_space<hbm>> -> memref<512xf32, #tpu.memory_space<hbm>>
      %dma_wait3A_1891 = arith.constant 1024 : i32
      %dma_wait3A_1892 = tpu.memref_slice %arg14[%dma_wait3A_1891] : memref<1536xf32, #tpu.memory_space<vmem>> -> memref<512xf32, #tpu.memory_space<vmem>>
      tpu.wait_dma2 semaphore(%run_scoped3A : memref<!tpu.dma_semaphore, #tpu.memory_space<semaphore_mem>>) src(%dma_wait3A_1892 : memref<512xf32, #tpu.memory_space<vmem>>) dst(%dma_wait3A_1890 : memref<512xf32, #tpu.memory_space<hbm>>)
      tpu.yield
    }) : () -> ()
    "tpu.region"() ({
      %run_scoped3A = tpu.sem_alloc : memref<!tpu.dma_semaphore, #tpu.memory_space<semaphore_mem>>
      %dma_start3A_1881 = arith.constant 1024 : i32
      %dma_start3A_1882 = tpu.memref_slice %arg15[%dma_start3A_1881] : memref<1536xf32, #tpu.memory_space<vmem>> -> memref<512xf32, #tpu.memory_space<vmem>>
      %dma_start3A_1883 = tpu.memref_slice %arg7[%add3A_1880] : memref<49152xf32, #tpu.memory_space<hbm>> -> memref<512xf32, #tpu.memory_space<hbm>>
      %dma_start3A_1884 = tpu.memref_slice %arg7[%add3A_1880] : memref<49152xf32, #tpu.memory_space<hbm>> -> memref<512xf32, #tpu.memory_space<hbm>>
      %dma_start3A_1885 = arith.constant 1024 : i32
      %dma_start3A_1886 = tpu.memref_slice %arg15[%dma_start3A_1885] : memref<1536xf32, #tpu.memory_space<vmem>> -> memref<512xf32, #tpu.memory_space<vmem>>
      tpu.enqueue_dma source(%dma_start3A_1886 : memref<512xf32, #tpu.memory_space<vmem>>) target(%dma_start3A_1884 : memref<512xf32, #tpu.memory_space<hbm>>) target_semaphore(%run_scoped3A : memref<!tpu.dma_semaphore, #tpu.memory_space<semaphore_mem>>)
      %dma_wait3A_1887 = arith.constant 1024 : i32
      %dma_wait3A_1888 = tpu.memref_slice %arg15[%dma_wait3A_1887] : memref<1536xf32, #tpu.memory_space<vmem>> -> memref<512xf32, #tpu.memory_space<vmem>>
      %dma_wait3A_1889 = tpu.memref_slice %arg7[%add3A_1880] : memref<49152xf32, #tpu.memory_space<hbm>> -> memref<512xf32, #tpu.memory_space<hbm>>
      %dma_wait3A_1890 = tpu.memref_slice %arg7[%add3A_1880] : memref<49152xf32, #tpu.memory_space<hbm>> -> memref<512xf32, #tpu.memory_space<hbm>>
      %dma_wait3A_1891 = arith.constant 1024 : i32
      %dma_wait3A_1892 = tpu.memref_slice %arg15[%dma_wait3A_1891] : memref<1536xf32, #tpu.memory_space<vmem>> -> memref<512xf32, #tpu.memory_space<vmem>>
      tpu.wait_dma2 semaphore(%run_scoped3A : memref<!tpu.dma_semaphore, #tpu.memory_space<semaphore_mem>>) src(%dma_wait3A_1892 : memref<512xf32, #tpu.memory_space<vmem>>) dst(%dma_wait3A_1890 : memref<512xf32, #tpu.memory_space<hbm>>)
      tpu.yield
    }) : () -> ()
    "tpu.region"() ({
      %run_scoped3A = tpu.sem_alloc : memref<!tpu.dma_semaphore, #tpu.memory_space<semaphore_mem>>
      %dma_start3A_1881 = arith.constant 1024 : i32
      %dma_start3A_1882 = tpu.memref_slice %arg16[%dma_start3A_1881] : memref<1536xf32, #tpu.memory_space<vmem>> -> memref<512xf32, #tpu.memory_space<vmem>>
      %dma_start3A_1883 = tpu.memref_slice %arg9[%add3A_1880] : memref<49152xf32, #tpu.memory_space<hbm>> -> memref<512xf32, #tpu.memory_space<hbm>>
      %dma_start3A_1884 = tpu.memref_slice %arg9[%add3A_1880] : memref<49152xf32, #tpu.memory_space<hbm>> -> memref<512xf32, #tpu.memory_space<hbm>>
      %dma_start3A_1885 = arith.constant 1024 : i32
      %dma_start3A_1886 = tpu.memref_slice %arg16[%dma_start3A_1885] : memref<1536xf32, #tpu.memory_space<vmem>> -> memref<512xf32, #tpu.memory_space<vmem>>
      tpu.enqueue_dma source(%dma_start3A_1886 : memref<512xf32, #tpu.memory_space<vmem>>) target(%dma_start3A_1884 : memref<512xf32, #tpu.memory_space<hbm>>) target_semaphore(%run_scoped3A : memref<!tpu.dma_semaphore, #tpu.memory_space<semaphore_mem>>)
      %dma_wait3A_1887 = arith.constant 1024 : i32
      %dma_wait3A_1888 = tpu.memref_slice %arg16[%dma_wait3A_1887] : memref<1536xf32, #tpu.memory_space<vmem>> -> memref<512xf32, #tpu.memory_space<vmem>>
      %dma_wait3A_1889 = tpu.memref_slice %arg9[%add3A_1880] : memref<49152xf32, #tpu.memory_space<hbm>> -> memref<512xf32, #tpu.memory_space<hbm>>
      %dma_wait3A_1890 = tpu.memref_slice %arg9[%add3A_1880] : memref<49152xf32, #tpu.memory_space<hbm>> -> memref<512xf32, #tpu.memory_space<hbm>>
      %dma_wait3A_1891 = arith.constant 1024 : i32
      %dma_wait3A_1892 = tpu.memref_slice %arg16[%dma_wait3A_1891] : memref<1536xf32, #tpu.memory_space<vmem>> -> memref<512xf32, #tpu.memory_space<vmem>>
      tpu.wait_dma2 semaphore(%run_scoped3A : memref<!tpu.dma_semaphore, #tpu.memory_space<semaphore_mem>>) src(%dma_wait3A_1892 : memref<512xf32, #tpu.memory_space<vmem>>) dst(%dma_wait3A_1890 : memref<512xf32, #tpu.memory_space<hbm>>)
      tpu.yield
    }) : () -> ()
    return
  }
}

</mosaic_0001>

<sc_bundles>
// kernel: _sampler.3.cloned.1.call-start
scs
__scs_entry_jumppad:
0x0: {  	(pc) =	sbr.rel $0x88, $3  }
0x1: {  	(tag) =	ssettag $0x0;
	lr =	simm.s32 $0x1  }
0x2: {  	[smem:$0x3F9D] =	sst lr;
	_ =	strace $0xD0000000  }
0x3: {  	_ = 	snop  }
0x4: {  	_ = 	snop  }
0x5: {  	_ = 	snop  }
0x6: {  	_ = 	snop  }
0x7: {  	_ = 	snop  }
__scs_overlays_trampoline_lowered:
0x8: {  	[smem:$0x3FAC] =	sst s0  }
0x9: {  	[smem:$0x3FAD] =	sst s1  }
0xa: {  	[smem:$0x3FAE] =	sst s2  }
0xb: {  	[smem:$0x3FAF] =	sst s3  }
0xc: {  	[smem:$0x3FB0] =	sst s4  }
0xd: {  	[smem:$0x3FB1] =	sst s5  }
0xe: {  	[smem:$0x3FB2] =	sst s6  }
0xf: {  	[smem:$0x3FB3] =	sst s7  }
0x10: {  	[smem:$0x3FB4] =	sst s8  }
0x11: {  	[smem:$0x3FB5] =	sst s9;
	s0 =	simm.s32 @!p0 $0x0  }
0x12: {  	s1 =	sld [smem:$0x3F9B];
	s0 =	simm.s32 @p0 $0x1  }
0x13: {  	[smem:$0x3FB6] =	sst s0;
	s0 =	simm.s32 @!p1 $0x0  }
0x14: {  	s2 =	sld [smem:$0x3F9A];
	s0 =	simm.s32 @p1 $0x1  }
0x15: {  	[smem:$0x3FB7] =	sst s0;
	s0 =	simm.s32 @!p2 $0x0  }
0x16: {  	s3 =	sld [smem:$0x3FDB];
	s0 =	simm.s32 @p2 $0x1  }
0x17: {  	s4 =	simm.s32 $0x1BF5;
	[smem:$0x3FB9] =	sst s0  }
0x18: {  	s0 =	sld [smem:$0x3F9C];
	_ =	swait.ge [sflag:s4], $0x0  }
0x19: {  	s7 =	sld [smem:$0x3F9D]  }
0x1a: {  	s8 =	sadd.s32 $0xFFFFE003, lr  }
0x1b: {  	s9 =	sadd.s32 $0xFFFFFEF7, lr;
	s5 =	simm.s32 $0xFFFFFFFF;
	p2 =	slt.u32 s8, $0xFFFFF086  }
0x1c: {  	p1 =	slt.u32 s9, $0xF7A;
	s5 =	simm.s32 @!p2 $0x0  }
0x1d: {  	s5 =	simm.s32 @p1 $0x1;
	p0 =	seq.s32 s7, s2  }
0x1e: {  	s7 =	smul.u32 @!p0 $0xF7A, s2;
	p2 =	seq.s32 @!p0 s5, $0x0  }
0x1f: {  	s9 =	smul.u32 $0xF7A, s1;
	s8 =	simm.s32 @!p0 $0x1BF5;
	p2 =	por !p2, p0  }
0x20: {  	[sflag:s8] =	ssyncset.s32 @!p0 $0xFFFFF086;
	s6 =	sadd.s32 @!p0 s3, s7;
	s7 =	simm.s32 @!p0 $0x108  }
0x21: {  	s3 =	sadd.s32 s3, s9;
	s6 =	sadd.s32 @!p0 $0x88, s6;
	s7 =	simm.s32 @p2 $0x1082  }
0x22: {  	[simem:s7], [sflag:s8] =	dma.local @!p0 [hbm:s6], $0xF7A  }
0x23: {  	s9 =	sor.u32 $0xD0000000, s2;
	s6 =	simm.s32 $0x108;
	_ =	swait.ge @!p0 [sflag:s8], $0x0  }
0x24: {  	s3 =	sadd.s32 $0x88, s3;
	s6 =	simm.s32 @!p1 $0x1082;
	[sflag:s4] =	ssyncset.s32 $0xFFFFF086  }
0x25: {  	[simem:s6], [sflag:s4] =	dma.local [hbm:s3], $0xF7A  }
0x26: {  	[smem:$0x3F9D] =	sst s1;
	(tag) =	ssettag s2;
	_ =	strace s9  }
0x27: {  	s1 =	sld [smem:$0x3FAD]  }
0x28: {  	s2 =	sld [smem:$0x3FAE]  }
0x29: {  	s4 =	sld [smem:$0x3FB0]  }
0x2a: {  	p0 =	seq.s32 s5, $0x0;
	s5 =	sld [smem:$0x3FB1]  }
0x2b: {  	s6 =	sld [smem:$0x3FB2]  }
0x2c: {  	s7 =	sld [smem:$0x3FB3]  }
0x2d: {  	s3 =	simm.s32 $0x108;
	s8 =	sld [smem:$0x3FB4]  }
0x2e: {  	s3 =	simm.s32 @!p0 $0x1082;
	s9 =	sld [smem:$0x3FB5]  }
0x2f: {  	lr =	sadd.s32 s0, s3;
	s0 =	sld [smem:$0x3FAC]  }
0x30: {  	s3 =	sld [smem:$0x3FAF]  }
0x31: {  	[smem:$0x3FB8] =	sst s10  }
0x32: {  	s10 =	sld [smem:$0x3FB6];
	_ =	sdelay $0x3  }
0x33: {  	p0 =	seq.s32 s10, $0x1;
	s10 =	sld [smem:$0x3FB8];
	_ =	sdelay $0x3  }
0x34: {  	[smem:$0x3FB8] =	sst s10  }
0x35: {  	s10 =	sld [smem:$0x3FB7];
	_ =	sdelay $0x3  }
0x36: {  	p1 =	seq.s32 s10, $0x1;
	s10 =	sld [smem:$0x3FB8];
	_ =	sdelay $0x3  }
0x37: {  	[smem:$0x3FB8] =	sst s10  }
0x38: {  	s10 =	sld [smem:$0x3FB9]  }
0x39: {  	_ = 	snop;
	(pc) =	sbr.ind lr, $3  }
0x3a: {  	_ = 	snop  }
0x3b: {  	_ = 	snop  }
0x3c: {  	p2 =	seq.s32 s10, $0x1;
	s10 =	sld [smem:$0x3FB8]  }
0x3d: {  	_ =	shalt  }
0x3e: {  	_ =	shalt  }
0x3f: {  	_ =	shalt  }
0x40: {  	_ =	shalt  }
0x41: {  	_ =	shalt  }
0x42: {  	_ =	shalt  }
0x43: {  	_ =	shalt  }
0x44: {  	_ =	shalt  }
0x45: {  	_ =	shalt  }
0x46: {  	_ =	shalt  }
0x47: {  	_ =	shalt  }
0x48: {  	_ =	shalt  }
0x49: {  	_ =	shalt  }
0x4a: {  	_ =	shalt  }
0x4b: {  	_ =	shalt  }
0x4c: {  	_ =	shalt  }
0x4d: {  	_ =	shalt  }
0x4e: {  	_ =	shalt  }
0x4f: {  	_ =	shalt  }
0x50: {  	_ =	shalt  }
0x51: {  	_ =	shalt  }
0x52: {  	_ =	shalt  }
0x53: {  	_ =	shalt  }
0x54: {  	_ =	shalt  }
0x55: {  	_ =	shalt  }
0x56: {  	_ =	shalt  }
0x57: {  	_ =	shalt  }
0x58: {  	_ =	shalt  }
0x59: {  	_ =	shalt  }
0x5a: {  	_ =	shalt  }
0x5b: {  	_ =	shalt  }
0x5c: {  	_ =	shalt  }
0x5d: {  	_ =	shalt  }
0x5e: {  	_ =	shalt  }
0x5f: {  	_ =	shalt  }
0x60: {  	_ =	shalt  }
0x61: {  	_ =	shalt  }
0x62: {  	_ =	shalt  }
0x63: {  	_ =	shalt  }
0x64: {  	_ =	shalt  }
0x65: {  	_ =	shalt  }
0x66: {  	_ =	shalt  }
0x67: {  	_ =	shalt  }
0x68: {  	_ =	shalt  }
0x69: {  	_ =	shalt  }
0x6a: {  	_ =	shalt  }
0x6b: {  	_ =	shalt  }
0x6c: {  	_ =	shalt  }
0x6d: {  	_ =	shalt  }
0x6e: {  	_ =	shalt  }
0x6f: {  	_ =	shalt  }
0x70: {  	_ =	shalt  }
0x71: {  	_ =	shalt  }
0x72: {  	_ =	shalt  }
0x73: {  	_ =	shalt  }
0x74: {  	_ =	shalt  }
0x75: {  	_ =	shalt  }
0x76: {  	_ =	shalt  }
0x77: {  	_ =	shalt  }
0x78: {  	_ =	shalt  }
0x79: {  	_ =	shalt  }
0x7a: {  	_ =	shalt  }
0x7b: {  	_ =	shalt  }
0x7c: {  	_ =	shalt  }
0x7d: {  	_ =	shalt  }
0x7e: {  	_ =	shalt  }
0x7f: {  	_ =	shalt  }
0x80: {  	_ =	shalt  }
0x81: {  	_ =	shalt  }
0x82: {  	_ =	shalt  }
0x83: {  	_ =	shalt  }
0x84: {  	_ =	shalt  }
0x85: {  	_ =	shalt  }
0x86: {  	_ =	shalt  }
0x87: {  	_ =	shalt  }
.Lfunc_end0:
.L_simem_size_0:
called_computation.2_lowered:
.L_overlay_start_0:
0x88: {  	s2 =	sld [smem:$0x3FD9]  }
0x89: {  	s3 =	sld [smem:$0x3FFE];
	_ =	sdelay $0x1  }
0x8a: {  	s1 =	srdreg.scid  }
0x8b: {  	s0 =	sand.u32 $0x1, s1  }
0x8c: {  	s14 =	sshll.u32 s0, $0xA;
	s2 =	sadd.s32 s3, s2  }
0x8d: {  	s2 =	sadd.s32 s2, s14  }
0x8e: {  	[smem:$0x3FC4] =	sst s2  }
0x8f: {  	_ = 	snop  }
0x90: {  	s2 =	sld [smem:$0x3FD0];
	_ =	sdelay $0x2  }
0x91: {  	s4 =	simm.s32 $0xB;
	s5 =	simm.s32 $0x10;
	s15 =	sld [smem:$0x3FC9]  }
0x92: {  	[smem:s5], [sflag:s4] =	dma.local [hbm:s2], $0x1  }
0x93: {  	_ =	swait.eq [sflag:s4], $0x1  }
0x94: {  	s16 =	sld [smem:$0x10];
	[sflag:s4] =	ssyncset.done $0x0  }
0x95: {  	s17 =	sld [smem:$0x11];
	[sflag:s4] =	ssyncadd.s32 $0xFFFFFFFF  }
0x96: {  	s18 =	sld [smem:$0x13];
	(tm) =	ssettm $0x1  }
0x97: {  	s6 =	sld [smem:$0x3FFB];
	_ =	sdelay $0x3  }
0x98: {  	_ =	strace s6  }
0x99: {  	s6 =	sld [smem:$0x3FFC];
	_ =	sdelay $0x3  }
0x9a: {  	_ =	strace s6  }
0x9b: {  	s6 =	sld [smem:$0x3FFD];
	_ =	sdelay $0x3  }
0x9c: {  	_ =	strace s6  }
0x9d: {  	_ =	strace $0x8FFFFFFF  }
0x9e: {  	s19 =	sld [smem:$0x3FDB];
	_ =	sdelay $0x1  }
0x9f: {  	s7 =	simm.s32 $_scs_section_size  }
0xa0: {  	s8 =	simm.s32 $_size__tile_overlayer_lowered;
	s9 =	simm.s32 $_tile_overlayer_lowered  }
0xa1: {  	s22 =	simm.s32 $0x1BFF;
	s21 =	sshll.u32 s9, $0x1;
	s6 =	sadd.s32 s7, s19  }
0xa2: {  	s10 =	simm.s32 $0x0;
	s20 =	sshll.u32 s8, $0x1;
	s8 =	sadd.s32 s21, s6  }
0xa3: {  	[timem:s10], [sflag:s22] =	dma.local [hbm:s8], s20  }
0xa4: {  	_ =	swait.ge [sflag:s22], s20  }
0xa5: {  	s7 =	ssub.s32 $0x0, s20;
	[sflag:s22] =	ssyncset.done $0x0  }
0xa6: {  	[sflag:s22] =	ssyncadd.s32 s7;
	_ =	sdelay $0x1  }
0xa7: {  	s23 =	simm.s32 $0x1B8B  }
0xa8: {  	_ =	swait.ge [sflag:s23], $0x1  }
0xa9: {  	[sflag:s23] =	ssyncset.done $0x0  }
0xaa: {  	s25 =	simm.s32 $0x1B8E;
	s24 =	sld [smem:$0x3FFE];
	[sflag:s23] =	ssyncadd.s32 $0xFFFFFFFF  }
0xab: {  	s26 =	simm.s32 $execute0_lowered;
	[smem:$0x3FD2] =	sst s25  }
0xac: {  	s8 =	sshll.u32 s26, $0x1;
	_ =	strace $0x8000004C;
	[dreg:$0x1] =	wrdreg $0xFFFFFFFF  }
0xad: {  	s28 =	simm.s32 $_size_execute0_lowered;
	s6 =	sadd.s32 s6, s8;
	[dreg:$0x0] =	wrdreg $0x0  }
0xae: {  	s8 =	sshll.u32 s28, $0x1;
	[dreg:$0x2] =	wrdreg s6  }
0xaf: {  	[dreg:$0x3] =	wrdreg s8  }
0xb0: {  	[dreg:$0x4] =	wrdreg $0xC0  }
0xb1: {  	_ =	task [dreg:s10], $0x5FFFF  }
0xb2: {  	[dreg:$0x1] =	wrdreg $0xFFFFFFFF  }
0xb3: {  	[dreg:$0x0] =	wrdreg $0x60  }
0xb4: {  	[dreg:$0x2] =	wrdreg s15  }
0xb5: {  	[dreg:$0x3] =	wrdreg s24  }
0xb6: {  	[dreg:$0x4] =	wrdreg s17  }
0xb7: {  	[dreg:$0x5] =	wrdreg s18  }
0xb8: {  	[dreg:$0x6] =	wrdreg s16  }
0xb9: {  	[dreg:$0x7] =	wrdreg $0x9  }
0xba: {  	_ =	task.clear_ibuf [dreg:s10], $0x8FFFF;
	_ =	strace $0x9000004C  }
0xbb: {  	s29 =	simm.s32 $0x9;
	_ =	strace $0x8000004E  }
0xbc: {  	_ =	swait.ge [sflag:s29], $0x1  }
0xbd: {  	[sflag:s29] =	ssyncadd.s32 $0xFFFFFFFF  }
0xbe: {  	_ =	strace $0x9000004E  }
0xbf: {  	_ =	sfence  }
0xc0: {  	s30 =	sld [smem:$0x0];
	_ =	sdelay $0x2  }
0xc1: {  	s31 =	sshll.u32 s1, $0xD;
	s1 =	sshrl.u32 s1, $0x2  }
0xc2: {  	s3 =	sand.u32 $0x4000, s31;
	s1 =	sadd.s32 s1, s30  }
0xc3: {  	s0 =	sor.u32 s3, s0;
	s1 =	sshll.u32 s1, $0x11  }
0xc4: {  	s0 =	sor.u32 s1, s0  }
0xc5: {  	s0 =	sadd.s32 $0x8F2B, s0  }
0xc6: {  	[sflag:s0] =	ssyncadd.remote.s32 $0x1  }
0xc7: {  	_ =	sfence.sel $0xFFFF  }
0xc8: {  	[dreg:$0x0] =	wrdreg $0xFFFFFFFF;
	(pc) =	sbr.abs _section_cstart, $3  }
0xc9: {  	[dreg:$0x1] =	wrdreg $0xFFFFFFFF  }
0xca: {  	_ =	task.clear_ibuf [dreg:s10], $0x2FFFF;
	_ =	strace $0x9FFFFFFF  }
0xcb: {  	(tm) =	ssettm $0x7FFFFFFF  }
tec
execute0_lowered:
.L_overlay_start_1:
0x0: {  	(tag) =	ssettag $0x1  }
0x1: {  	s0 =	rddreg [dreg:$0x1]  }
0x2: {  	s2 =	rddreg [dreg:$0x2]  }
0x3: {  	s3 =	rddreg [dreg:$0x3];
	s4 =	simm.s32 $0x0  }
0x4: {  	s1 =	srdreg.scid;
	s13 =	stileid.u32;
	s20 =	simm.s32 $0x2  }
0x5: {  	s21 =	simm.s32 $0x80;
	s30 =	simm.s32 $0xF00;
	s31 =	simm.s32 $0x300  }
0x6: {  	s29 =	simm.s32 $0x400;
	s28 =	simm.s32 $0x1;
	[smem:$0x7FF] =	sst s4  }
0x7: {  	s6 =	sadd.s32 $0x1200, s0;
	s5 =	sand.u32 $0x1, s1;
	s7 =	sadd.s32 $0x259200, s0  }
0x8: {  	s8 =	sshll.u32 s13, $0x1;
	s9 =	sadd.s32 $0x4B1200, s0;
	s0 =	sadd.s32 $0x4B2A00, s0  }
0x9: {  	s26 =	sshll.u32 s13, $0xA;
	_ =	strace $0x8000004D;
	s1 =	ssub.s32 $0x2, s5  }
0xa: {  	s8 =	sor.u32 s5, s8;
	s5 =	sshll.u32 s5, $0x9;
	s10 =	sshrl.u32 s1, $0x1  }
0xb: {  	s11 =	sshll.u32 s8, $0x6;
	s17 =	sor.u32 s5, s26;
	p0 =	sne.s32 s8, $0x0  }
0xc: {  	s5 =	simm.s32 $0x380;
	s26 =	simm.s32 $0x1100;
	s10 =	ssub.s32 s1, s10  }
0xd: {  	s1 =	sshll.u32 s8, $0x1;
	s12 =	sadd.s32 s3, s11;
	s22 =	sor.u32 $0x800, s11  }
0xe: {  	s14 =	sadd.s32 s9, s11;
	s23 =	sadd.s32 s0, s11;
	[dreg:$0x6] =	wrdreg s12  }
0xf: {  	s11 =	sor.u32 $0x1000, s11;
	s19 =	sor.u32 $0x100, s17;
	[dreg:$0x7] =	wrdreg s14  }
0x10: {  	s8 =	simm.s32 $0x580;
	[dreg:$0x8] =	wrdreg s23;
	s24 =	sadd.s32 s3, s22  }
0x11: {  	s25 =	sadd.s32 s9, s22;
	s12 =	sadd.s32 s0, s22;
	s3 =	sadd.s32 s3, s11  }
0x12: {  	s15 =	sadd.s32 s9, s11;
	s16 =	sadd.s32 s0, s11;
	[dreg:$0x9] =	wrdreg s24  }
0x13: {  	s18 =	smax.u32 s10, $0x1;
	s22 =	simm.s32 $0x480;
	[dreg:$0xa] =	wrdreg s25  }
0x14: {  	s23 =	simm.s32 $0x1D00;
	s0 =	simm.s32 $0x500;
	[dreg:$0xb] =	wrdreg s12  }
0x15: {  	v0 =	vlaneseq.u32;
	v2 =	vimm.s32 $0x0;
	v3 =	vimm.s32 $0x1;
	s9 =	simm.s32 $0x600;
	s10 =	simm.s32 $0x0;
	[dreg:$0xc] =	wrdreg s3  }
0x16: {  	v4 =	vimm.s32 $0x2;
	vm0 =	vmmov $0x1;
	v1 =	vadd.s32 s1, v0;
	s3 =	simm.s32 $0x1B00;
	s24 =	simm.s32 $0x1500;
	s25 =	simm.s32 $0x1700  }
.LBB2_1:
0x17: {  	s1 =	rddreg [dreg:$0x0]  }
0x18: {  	[tilespmem:s4], [sflag:$0x2] =	stream.linear.gather [hbm4b:s1+s4], $0x80, $0x38;
	[tilespmem:$0x1F00] =	vst v63  }
0x19: {  	_ =	swait.ge [sflag:s20], $0x80  }
0x1a: {  	[sflag:s20] =	ssyncset.done $0x0  }
0x1b: {  	[sflag:s20] =	ssyncadd.s32 $0xFFFFFF80  }
0x1c: {  	v5 =	vld [tilespmem:$0x0];
	_ =	sdelay $0x4  }
0x1d: {  	v6 =	vperm.xlane v5, v3;
	_ =	sdelay $0x1  }
0x1e: {  	v5 =	vperm.xlane v5, v2;
	v7 =	vadd.s32 v0, v6  }
0x1f: {  	v8 =	vshrl.u32 v7, $0x13;
	v9 =	vshll.u32 v7, $0xD  }
0x20: {  	v7 =	vadd.s32 v5, v7;
	v8 =	vor.u32 v8, v9  }
0x21: {  	v8 =	vxor.u32 v7, v8  }
0x22: {  	v9 =	vshrl.u32 v8, $0x11;
	v10 =	vshll.u32 v8, $0xF  }
0x23: {  	v7 =	vadd.s32 v7, v8;
	v8 =	vor.u32 v9, v10  }
0x24: {  	v8 =	vxor.u32 v7, v8  }
0x25: {  	v9 =	vshrl.u32 v8, $0x6;
	v10 =	vshll.u32 v8, $0x1A  }
0x26: {  	v7 =	vadd.s32 v7, v8;
	v8 =	vor.u32 v9, v10  }
0x27: {  	v8 =	vxor.u32 v7, v8  }
0x28: {  	v9 =	vshrl.u32 v8, $0x1A;
	v10 =	vshll.u32 v8, $0x6  }
0x29: {  	v11 =	vxor.u32 v6, v5;
	v7 =	vadd.s32 v7, v8;
	v8 =	vor.u32 v9, v10  }
0x2a: {  	v9 =	vxor.u32 $0x1BD11BDA, v11;
	v8 =	vxor.u32 v7, v8  }
0x2b: {  	v8 =	vadd.s32 v8, v9  }
0x2c: {  	v8 =	vadd.s32 $0x1, v8  }
0x2d: {  	v7 =	vadd.s32 v6, v7;
	v10 =	vshrl.u32 v8, $0xF;
	v11 =	vshll.u32 v8, $0x11  }
0x2e: {  	v7 =	vadd.s32 v8, v7;
	v8 =	vor.u32 v10, v11  }
0x2f: {  	v8 =	vxor.u32 v7, v8  }
0x30: {  	v10 =	vshrl.u32 v8, $0x3;
	v11 =	vshll.u32 v8, $0x1D  }
0x31: {  	v7 =	vadd.s32 v7, v8;
	v8 =	vor.u32 v10, v11  }
0x32: {  	v8 =	vxor.u32 v7, v8  }
0x33: {  	v10 =	vshrl.u32 v8, $0x10;
	v11 =	vshll.u32 v8, $0x10  }
0x34: {  	v7 =	vadd.s32 v7, v8;
	v8 =	vor.u32 v10, v11  }
0x35: {  	v8 =	vxor.u32 v7, v8  }
0x36: {  	v10 =	vshrl.u32 v8, $0x8;
	v11 =	vshll.u32 v8, $0x18  }
0x37: {  	v7 =	vadd.s32 v7, v8;
	v8 =	vor.u32 v10, v11  }
0x38: {  	v8 =	vxor.u32 v7, v8  }
0x39: {  	v8 =	vadd.s32 v8, v5  }
0x3a: {  	v8 =	vadd.s32 $0x2, v8  }
0x3b: {  	v7 =	vadd.s32 v9, v7;
	v10 =	vshrl.u32 v8, $0x13;
	v11 =	vshll.u32 v8, $0xD  }
0x3c: {  	v7 =	vadd.s32 v8, v7;
	v8 =	vor.u32 v10, v11  }
0x3d: {  	v8 =	vxor.u32 v7, v8  }
0x3e: {  	v10 =	vshrl.u32 v8, $0x11;
	v11 =	vshll.u32 v8, $0xF  }
0x3f: {  	v7 =	vadd.s32 v7, v8;
	v8 =	vor.u32 v10, v11  }
0x40: {  	v8 =	vxor.u32 v7, v8  }
0x41: {  	v10 =	vshrl.u32 v8, $0x6;
	v11 =	vshll.u32 v8, $0x1A  }
0x42: {  	v7 =	vadd.s32 v7, v8;
	v8 =	vor.u32 v10, v11  }
0x43: {  	v8 =	vxor.u32 v7, v8  }
0x44: {  	v10 =	vshrl.u32 v8, $0x1A;
	v11 =	vshll.u32 v8, $0x6  }
0x45: {  	v7 =	vadd.s32 v7, v8;
	v8 =	vor.u32 v10, v11  }
0x46: {  	v8 =	vxor.u32 v7, v8  }
0x47: {  	v8 =	vadd.s32 v8, v6  }
0x48: {  	v8 =	vadd.s32 $0x3, v8  }
0x49: {  	v7 =	vadd.s32 v5, v7;
	v10 =	vshrl.u32 v8, $0xF;
	v11 =	vshll.u32 v8, $0x11  }
0x4a: {  	v7 =	vadd.s32 v8, v7;
	v8 =	vor.u32 v10, v11  }
0x4b: {  	v8 =	vxor.u32 v7, v8  }
0x4c: {  	v10 =	vshrl.u32 v8, $0x3;
	v11 =	vshll.u32 v8, $0x1D  }
0x4d: {  	v7 =	vadd.s32 v7, v8;
	v8 =	vor.u32 v10, v11  }
0x4e: {  	v8 =	vxor.u32 v7, v8  }
0x4f: {  	v10 =	vshrl.u32 v8, $0x10;
	v11 =	vshll.u32 v8, $0x10  }
0x50: {  	v7 =	vadd.s32 v7, v8;
	v8 =	vor.u32 v10, v11  }
0x51: {  	v8 =	vxor.u32 v7, v8  }
0x52: {  	v10 =	vshrl.u32 v8, $0x8;
	v11 =	vshll.u32 v8, $0x18  }
0x53: {  	v7 =	vadd.s32 v7, v8;
	v8 =	vor.u32 v10, v11  }
0x54: {  	v8 =	vxor.u32 v7, v8  }
0x55: {  	v8 =	vadd.s32 v8, v9  }
0x56: {  	v8 =	vadd.s32 $0x4, v8  }
0x57: {  	v6 =	vadd.s32 v6, v7;
	v7 =	vshrl.u32 v8, $0x13;
	v10 =	vshll.u32 v8, $0xD  }
0x58: {  	v6 =	vadd.s32 v8, v6;
	v7 =	vor.u32 v7, v10  }
0x59: {  	v7 =	vxor.u32 v6, v7  }
0x5a: {  	v8 =	vshrl.u32 v7, $0x11;
	v10 =	vshll.u32 v7, $0xF  }
0x5b: {  	v6 =	vadd.s32 v6, v7;
	v7 =	vor.u32 v8, v10  }
0x5c: {  	v7 =	vxor.u32 v6, v7  }
0x5d: {  	v8 =	vshrl.u32 v7, $0x6;
	v10 =	vshll.u32 v7, $0x1A  }
0x5e: {  	v6 =	vadd.s32 v6, v7;
	v7 =	vor.u32 v8, v10  }
0x5f: {  	v7 =	vxor.u32 v6, v7  }
0x60: {  	v8 =	vshrl.u32 v7, $0x1A;
	v10 =	vshll.u32 v7, $0x6  }
0x61: {  	v6 =	vadd.s32 v6, v7;
	v7 =	vor.u32 v8, v10  }
0x62: {  	v7 =	vxor.u32 v6, v7  }
0x63: {  	v5 =	vadd.s32 v7, v5  }
0x64: {  	v8 =	vadd.s32 $0x5, v5  }
0x65: {  	v12 =	vperm.xlane v8, v2  }
0x66: {  	v9 =	vadd.s32 v9, v6  }
0x67: {  	v6 =	vperm.xlane v9, v2;
	v5 =	vadd.s32 v0, v12  }
0x68: {  	v7 =	vshrl.u32 v5, $0x13;
	v10 =	vshll.u32 v5, $0xD  }
0x69: {  	v5 =	vadd.s32 v6, v5;
	v7 =	vor.u32 v7, v10  }
0x6a: {  	v7 =	vxor.u32 v5, v7  }
0x6b: {  	v10 =	vshrl.u32 v7, $0x11;
	v11 =	vshll.u32 v7, $0xF  }
0x6c: {  	v5 =	vadd.s32 v5, v7;
	v7 =	vor.u32 v10, v11  }
0x6d: {  	v7 =	vxor.u32 v5, v7  }
0x6e: {  	v10 =	vshrl.u32 v7, $0x6;
	v11 =	vshll.u32 v7, $0x1A  }
0x6f: {  	v5 =	vadd.s32 v5, v7;
	v7 =	vor.u32 v10, v11  }
0x70: {  	v7 =	vxor.u32 v5, v7  }
0x71: {  	v10 =	vshrl.u32 v7, $0x1A;
	v11 =	vshll.u32 v7, $0x6  }
0x72: {  	v13 =	vxor.u32 v12, v6;
	v5 =	vadd.s32 v5, v7;
	v7 =	vor.u32 v10, v11  }
0x73: {  	v10 =	vxor.u32 $0x1BD11BDA, v13;
	v7 =	vxor.u32 v5, v7  }
0x74: {  	v7 =	vadd.s32 v7, v10  }
0x75: {  	v7 =	vadd.s32 $0x1, v7  }
0x76: {  	v5 =	vadd.s32 v12, v5;
	v11 =	vshrl.u32 v7, $0xF;
	v13 =	vshll.u32 v7, $0x11  }
0x77: {  	v5 =	vadd.s32 v7, v5;
	v7 =	vor.u32 v11, v13  }
0x78: {  	v7 =	vxor.u32 v5, v7  }
0x79: {  	v11 =	vshrl.u32 v7, $0x3;
	v13 =	vshll.u32 v7, $0x1D  }
0x7a: {  	v5 =	vadd.s32 v5, v7;
	v7 =	vor.u32 v11, v13  }
0x7b: {  	v7 =	vxor.u32 v5, v7  }
0x7c: {  	v11 =	vshrl.u32 v7, $0x10;
	v13 =	vshll.u32 v7, $0x10  }
0x7d: {  	v5 =	vadd.s32 v5, v7;
	v7 =	vor.u32 v11, v13  }
0x7e: {  	v7 =	vxor.u32 v5, v7  }
0x7f: {  	v11 =	vshrl.u32 v7, $0x8;
	v13 =	vshll.u32 v7, $0x18  }
0x80: {  	v5 =	vadd.s32 v5, v7;
	v7 =	vor.u32 v11, v13  }
0x81: {  	v7 =	vxor.u32 v5, v7  }
0x82: {  	v7 =	vadd.s32 v7, v6  }
0x83: {  	v7 =	vadd.s32 $0x2, v7  }
0x84: {  	v5 =	vadd.s32 v10, v5;
	v11 =	vshrl.u32 v7, $0x13;
	v13 =	vshll.u32 v7, $0xD  }
0x85: {  	v7 =	vadd.s32 v7, v5;
	v5 =	vor.u32 v11, v13  }
0x86: {  	v11 =	vperm.xlane v8, v3;
	v13 =	vxor.u32 v7, v5  }
0x87: {  	v5 =	vperm.xlane v9, v3;
	v7 =	vadd.s32 v7, v13  }
0x88: {  	v14 =	vshrl.u32 v13, $0x11;
	v13 =	vshll.u32 v13, $0xF;
	v15 =	vadd.s32 v0, v11  }
0x89: {  	v13 =	vor.u32 v14, v13;
	v14 =	vshrl.u32 v15, $0x13;
	v16 =	vshll.u32 v15, $0xD  }
0x8a: {  	v15 =	vadd.s32 v5, v15;
	v13 =	vxor.u32 v7, v13;
	v14 =	vor.u32 v14, v16  }
0x8b: {  	v7 =	vadd.s32 v7, v13;
	v16 =	vshrl.u32 v13, $0x6;
	v14 =	vxor.u32 v15, v14  }
0x8c: {  	v13 =	vshll.u32 v13, $0x1A;
	v17 =	vshrl.u32 v14, $0x11;
	v18 =	vshll.u32 v14, $0xF  }
0x8d: {  	v13 =	vor.u32 v16, v13;
	v14 =	vadd.s32 v15, v14;
	v15 =	vor.u32 v17, v18  }
0x8e: {  	v13 =	vxor.u32 v7, v13;
	v15 =	vxor.u32 v14, v15  }
0x8f: {  	v16 =	vshrl.u32 v13, $0x1A;
	v17 =	vshrl.u32 v15, $0x6;
	v18 =	vshll.u32 v15, $0x1A  }
0x90: {  	v19 =	vshll.u32 v13, $0x6;
	v14 =	vadd.s32 v14, v15;
	v15 =	vor.u32 v17, v18  }
0x91: {  	v13 =	vadd.s32 v7, v13;
	v7 =	vor.u32 v16, v19;
	v15 =	vxor.u32 v14, v15  }
0x92: {  	v7 =	vxor.u32 v13, v7;
	v16 =	vshrl.u32 v15, $0x1A;
	v17 =	vshll.u32 v15, $0x6  }
0x93: {  	v18 =	vxor.u32 v11, v5;
	v14 =	vadd.s32 v14, v15;
	v15 =	vor.u32 v16, v17  }
0x94: {  	v16 =	vadd.s32 v7, v12;
	v7 =	vxor.u32 $0x1BD11BDA, v18;
	v15 =	vxor.u32 v14, v15  }
0x95: {  	v13 =	vadd.s32 v6, v13;
	v15 =	vadd.s32 v15, v7  }
0x96: {  	v16 =	vadd.s32 $0x3, v16;
	v14 =	vadd.s32 v11, v14;
	v15 =	vadd.s32 $0x1, v15  }
0x97: {  	v17 =	vshrl.u32 v16, $0xF;
	v18 =	vshrl.u32 v15, $0xF;
	v19 =	vshll.u32 v15, $0x11  }
0x98: {  	v20 =	vshll.u32 v16, $0x11;
	v14 =	vadd.s32 v15, v14;
	v15 =	vor.u32 v18, v19  }
0x99: {  	v13 =	vadd.s32 v16, v13;
	v16 =	vor.u32 v17, v20;
	v15 =	vxor.u32 v14, v15  }
0x9a: {  	v16 =	vxor.u32 v13, v16;
	v17 =	vshrl.u32 v15, $0x3;
	v18 =	vshll.u32 v15, $0x1D  }
0x9b: {  	v13 =	vadd.s32 v13, v16;
	v14 =	vadd.s32 v14, v15;
	v15 =	vor.u32 v17, v18  }
0x9c: {  	v17 =	vshrl.u32 v16, $0x3;
	v16 =	vshll.u32 v16, $0x1D;
	v15 =	vxor.u32 v14, v15  }
0x9d: {  	v16 =	vor.u32 v17, v16;
	v17 =	vshrl.u32 v15, $0x10;
	v18 =	vshll.u32 v15, $0x10  }
0x9e: {  	v16 =	vxor.u32 v13, v16;
	v14 =	vadd.s32 v14, v15;
	v15 =	vor.u32 v17, v18  }
0x9f: {  	v13 =	vadd.s32 v13, v16;
	v17 =	vshrl.u32 v16, $0x10;
	v15 =	vxor.u32 v14, v15  }
0xa0: {  	v16 =	vshll.u32 v16, $0x10;
	v18 =	vshrl.u32 v15, $0x8;
	v19 =	vshll.u32 v15, $0x18  }
0xa1: {  	v16 =	vor.u32 v17, v16;
	v14 =	vadd.s32 v14, v15;
	v15 =	vor.u32 v18, v19  }
0xa2: {  	v16 =	vxor.u32 v13, v16;
	v15 =	vxor.u32 v14, v15  }
0xa3: {  	v13 =	vadd.s32 v13, v16;
	v15 =	vadd.s32 v15, v5  }
0xa4: {  	v17 =	vshrl.u32 v16, $0x8;
	v16 =	vshll.u32 v16, $0x18;
	v15 =	vadd.s32 $0x2, v15  }
0xa5: {  	v14 =	vadd.s32 v7, v14;
	v18 =	vshrl.u32 v15, $0x13;
	v19 =	vshll.u32 v15, $0xD  }
0xa6: {  	v16 =	vor.u32 v17, v16;
	v14 =	vadd.s32 v15, v14;
	v15 =	vor.u32 v18, v19  }
0xa7: {  	v12 =	vadd.s32 v12, v13;
	v16 =	vxor.u32 v13, v16;
	v13 =	vxor.u32 v14, v15  }
0xa8: {  	v15 =	vadd.s32 v16, v10;
	v16 =	vshrl.u32 v13, $0x11;
	v17 =	vshll.u32 v13, $0xF  }
0xa9: {  	v15 =	vadd.s32 $0x4, v15;
	v13 =	vadd.s32 v14, v13;
	v14 =	vor.u32 v16, v17  }
0xaa: {  	v12 =	vadd.s32 v15, v12;
	v16 =	vshrl.u32 v15, $0x13;
	v14 =	vxor.u32 v13, v14  }
0xab: {  	v15 =	vshll.u32 v15, $0xD;
	v17 =	vshrl.u32 v14, $0x6;
	v18 =	vshll.u32 v14, $0x1A  }
0xac: {  	v15 =	vor.u32 v16, v15;
	v13 =	vadd.s32 v13, v14;
	v14 =	vor.u32 v17, v18  }
0xad: {  	v15 =	vxor.u32 v12, v15;
	v14 =	vxor.u32 v13, v14  }
0xae: {  	v16 =	vshrl.u32 v15, $0x11;
	v17 =	vshrl.u32 v14, $0x1A;
	v18 =	vshll.u32 v14, $0x6  }
0xaf: {  	v19 =	vshll.u32 v15, $0xF;
	v13 =	vadd.s32 v13, v14;
	v14 =	vor.u32 v17, v18  }
0xb0: {  	v12 =	vadd.s32 v12, v15;
	v15 =	vor.u32 v16, v19;
	v14 =	vxor.u32 v13, v14  }
0xb1: {  	v15 =	vxor.u32 v12, v15;
	v14 =	vadd.s32 v14, v11  }
0xb2: {  	v16 =	vshrl.u32 v15, $0x6;
	v14 =	vadd.s32 $0x3, v14  }
0xb3: {  	v13 =	vadd.s32 v5, v13;
	v17 =	vshrl.u32 v14, $0xF;
	v18 =	vshll.u32 v14, $0x11  }
0xb4: {  	v19 =	vshll.u32 v15, $0x1A;
	v13 =	vadd.s32 v14, v13;
	v14 =	vor.u32 v17, v18  }
0xb5: {  	v12 =	vadd.s32 v12, v15;
	v15 =	vor.u32 v16, v19;
	v14 =	vxor.u32 v13, v14  }
0xb6: {  	v15 =	vxor.u32 v12, v15;
	v16 =	vshrl.u32 v14, $0x3;
	v17 =	vshll.u32 v14, $0x1D  }
0xb7: {  	v12 =	vadd.s32 v12, v15;
	v13 =	vadd.s32 v13, v14;
	v14 =	vor.u32 v16, v17  }
0xb8: {  	v16 =	vshrl.u32 v15, $0x1A;
	v15 =	vshll.u32 v15, $0x6;
	v14 =	vxor.u32 v13, v14  }
0xb9: {  	v15 =	vor.u32 v16, v15;
	v16 =	vshrl.u32 v14, $0x10;
	v17 =	vshll.u32 v14, $0x10  }
0xba: {  	v15 =	vxor.u32 v12, v15;
	v13 =	vadd.s32 v13, v14;
	v14 =	vor.u32 v16, v17  }
0xbb: {  	v10 =	vadd.s32 v10, v12;
	v6 =	vadd.s32 v15, v6;
	v14 =	vxor.u32 v13, v14  }
0xbc: {  	v15 =	vadd.s32 $0x5, v6;
	v6 =	vshrl.u32 v14, $0x8;
	v16 =	vshll.u32 v14, $0x18  }
0xbd: {  	v12 =	vperm.xlane v15, v2;
	v13 =	vadd.s32 v13, v14;
	v14 =	vor.u32 v6, v16  }
0xbe: {  	v6 =	vperm.xlane v10, v2;
	v14 =	vxor.u32 v13, v14  }
0xbf: {  	v11 =	vadd.s32 v11, v13;
	v13 =	vadd.s32 v14, v7;
	v14 =	vadd.s32 v1, v12  }
0xc0: {  	v13 =	vadd.s32 $0x4, v13;
	v16 =	vshrl.u32 v14, $0x13;
	v17 =	vshll.u32 v14, $0xD  }
0xc1: {  	v14 =	vadd.s32 v6, v14;
	v11 =	vadd.s32 v13, v11;
	v16 =	vor.u32 v16, v17  }
0xc2: {  	v17 =	vshrl.u32 v13, $0x13;
	v13 =	vshll.u32 v13, $0xD;
	v16 =	vxor.u32 v14, v16  }
0xc3: {  	v13 =	vor.u32 v17, v13;
	v17 =	vshrl.u32 v16, $0x11;
	v18 =	vshll.u32 v16, $0xF  }
0xc4: {  	v13 =	vxor.u32 v11, v13;
	v14 =	vadd.s32 v14, v16;
	v16 =	vor.u32 v17, v18  }
0xc5: {  	v17 =	vadd.s32 v11, v13;
	v11 =	vshrl.u32 v13, $0x11;
	v16 =	vxor.u32 v14, v16  }
0xc6: {  	v13 =	vshll.u32 v13, $0xF;
	v18 =	vshrl.u32 v16, $0x6;
	v19 =	vshll.u32 v16, $0x1A  }
0xc7: {  	v11 =	vor.u32 v11, v13;
	v13 =	vadd.s32 v14, v16;
	v14 =	vor.u32 v18, v19  }
0xc8: {  	v10 =	vperm.xlane v10, v3;
	v16 =	vxor.u32 v17, v11;
	v11 =	vxor.u32 v13, v14  }
0xc9: {  	v20 =	vxor.u32 v12, v6;
	v18 =	vshrl.u32 v11, $0x1A;
	v19 =	vshll.u32 v11, $0x6  }
0xca: {  	v14 =	vshrl.u32 v16, $0x6;
	v21 =	vadd.s32 v13, v11;
	v13 =	vor.u32 v18, v19  }
0xcb: {  	v11 =	vxor.u32 $0x1BD11BDA, v20;
	v18 =	vshll.u32 v16, $0x1A;
	v13 =	vxor.u32 v21, v13  }
0xcc: {  	v16 =	vadd.s32 v17, v16;
	v14 =	vor.u32 v14, v18;
	v17 =	vadd.s32 v13, v11  }
0xcd: {  	v13 =	vperm.xlane v15, v3;
	v14 =	vxor.u32 v16, v14;
	v15 =	vadd.s32 $0x1, v17  }
0xce: {  	v17 =	vadd.s32 v12, v21;
	v18 =	vshrl.u32 v15, $0xF;
	v19 =	vshll.u32 v15, $0x11  }
0xcf: {  	v16 =	vadd.s32 v16, v14;
	v15 =	vadd.s32 v15, v17;
	v17 =	vor.u32 v18, v19  }
0xd0: {  	v18 =	vshrl.u32 v14, $0x1A;
	v14 =	vshll.u32 v14, $0x6;
	v17 =	vxor.u32 v15, v17  }
0xd1: {  	v18 =	vor.u32 v18, v14;
	v14 =	vshrl.u32 v17, $0x3;
	v19 =	vshll.u32 v17, $0x1D  }
0xd2: {  	v15 =	vadd.s32 v15, v17;
	v17 =	vadd.s32 v1, v13;
	v14 =	vor.u32 v14, v19  }
0xd3: {  	v19 =	vshrl.u32 v17, $0x13;
	v20 =	vshll.u32 v17, $0xD;
	v14 =	vxor.u32 v15, v14  }
0xd4: {  	v17 =	vadd.s32 v10, v17;
	v19 =	vor.u32 v19, v20;
	v15 =	vadd.s32 v15, v14  }
0xd5: {  	v20 =	vshrl.u32 v14, $0x10;
	v14 =	vshll.u32 v14, $0x10;
	v19 =	vxor.u32 v17, v19  }
0xd6: {  	v14 =	vor.u32 v20, v14;
	v20 =	vshrl.u32 v19, $0x11;
	v21 =	vshll.u32 v19, $0xF  }
0xd7: {  	v17 =	vadd.s32 v17, v19;
	v14 =	vxor.u32 v15, v14;
	v19 =	vor.u32 v20, v21  }
0xd8: {  	v15 =	vadd.s32 v15, v14;
	v20 =	vshrl.u32 v14, $0x8;
	v19 =	vxor.u32 v17, v19  }
0xd9: {  	v14 =	vshll.u32 v14, $0x18;
	v21 =	vshrl.u32 v19, $0x6;
	v22 =	vshll.u32 v19, $0x1A  }
0xda: {  	v14 =	vor.u32 v20, v14;
	v17 =	vadd.s32 v17, v19;
	v19 =	vor.u32 v21, v22  }
0xdb: {  	v14 =	vxor.u32 v15, v14;
	v15 =	vadd.s32 v11, v15;
	v19 =	vxor.u32 v17, v19  }
0xdc: {  	v22 =	vxor.u32 v13, v10;
	v20 =	vshrl.u32 v19, $0x1A;
	v21 =	vshll.u32 v19, $0x6  }
0xdd: {  	v14 =	vadd.s32 v14, v6;
	v17 =	vadd.s32 v17, v19;
	v19 =	vor.u32 v20, v21  }
0xde: {  	v20 =	vadd.s32 $0x2, v14;
	v14 =	vxor.u32 $0x1BD11BDA, v22;
	v19 =	vxor.u32 v17, v19  }
0xdf: {  	v7 =	vadd.s32 v7, v16;
	v15 =	vadd.s32 v20, v15;
	v19 =	vadd.s32 v19, v14  }
0xe0: {  	v21 =	vshrl.u32 v20, $0x13;
	v20 =	vshll.u32 v20, $0xD;
	v19 =	vadd.s32 $0x1, v19  }
0xe1: {  	v17 =	vadd.s32 v13, v17;
	v22 =	vshrl.u32 v19, $0xF;
	v23 =	vshll.u32 v19, $0x11  }
0xe2: {  	v20 =	vor.u32 v21, v20;
	v17 =	vadd.s32 v19, v17;
	v19 =	vor.u32 v22, v23  }
0xe3: {  	v18 =	vxor.u32 v16, v18;
	v16 =	vxor.u32 v15, v20;
	v19 =	vxor.u32 v17, v19  }
0xe4: {  	v20 =	vshrl.u32 v16, $0x11;
	v21 =	vshrl.u32 v19, $0x3;
	v22 =	vshll.u32 v19, $0x1D  }
0xe5: {  	v23 =	vshll.u32 v16, $0xF;
	v17 =	vadd.s32 v17, v19;
	v19 =	vor.u32 v21, v22  }
0xe6: {  	v15 =	vadd.s32 v15, v16;
	v16 =	vor.u32 v20, v23;
	v19 =	vxor.u32 v17, v19  }
0xe7: {  	v16 =	vxor.u32 v15, v16;
	v20 =	vshrl.u32 v19, $0x10;
	v21 =	vshll.u32 v19, $0x10  }
0xe8: {  	v15 =	vadd.s32 v15, v16;
	v17 =	vadd.s32 v17, v19;
	v19 =	vor.u32 v20, v21  }
0xe9: {  	v20 =	vshrl.u32 v16, $0x6;
	v16 =	vshll.u32 v16, $0x1A;
	v19 =	vxor.u32 v17, v19  }
0xea: {  	v16 =	vor.u32 v20, v16;
	v20 =	vshrl.u32 v19, $0x8;
	v21 =	vshll.u32 v19, $0x18  }
0xeb: {  	v16 =	vxor.u32 v15, v16;
	v17 =	vadd.s32 v17, v19;
	v19 =	vor.u32 v20, v21  }
0xec: {  	v5 =	vadd.s32 v18, v5;
	v20 =	vshrl.u32 v16, $0x1A;
	v19 =	vxor.u32 v17, v19  }
0xed: {  	v21 =	vshll.u32 v16, $0x6;
	v15 =	vadd.s32 v15, v16;
	v19 =	vadd.s32 v19, v10  }
0xee: {  	v16 =	vor.u32 v20, v21;
	v17 =	vadd.s32 v14, v17;
	v18 =	vadd.s32 $0x2, v19  }
0xef: {  	v16 =	vxor.u32 v15, v16;
	v19 =	vshrl.u32 v18, $0x13;
	v20 =	vshll.u32 v18, $0xD  }
0xf0: {  	v16 =	vadd.s32 v16, v12;
	v17 =	vadd.s32 v18, v17;
	v18 =	vor.u32 v19, v20  }
0xf1: {  	v15 =	vadd.s32 v6, v15;
	v16 =	vadd.s32 $0x3, v16;
	v18 =	vxor.u32 v17, v18  }
0xf2: {  	v19 =	vshrl.u32 v16, $0xF;
	v20 =	vshrl.u32 v18, $0x11;
	v21 =	vshll.u32 v18, $0xF  }
0xf3: {  	v22 =	vshll.u32 v16, $0x11;
	v17 =	vadd.s32 v17, v18;
	v18 =	vor.u32 v20, v21  }
0xf4: {  	v15 =	vadd.s32 v16, v15;
	v16 =	vor.u32 v19, v22;
	v18 =	vxor.u32 v17, v18  }
0xf5: {  	v16 =	vxor.u32 v15, v16;
	v19 =	vshrl.u32 v18, $0x6;
	v20 =	vshll.u32 v18, $0x1A  }
0xf6: {  	v15 =	vadd.s32 v15, v16;
	v17 =	vadd.s32 v17, v18;
	v18 =	vor.u32 v19, v20  }
0xf7: {  	v19 =	vshrl.u32 v16, $0x3;
	v16 =	vshll.u32 v16, $0x1D;
	v18 =	vxor.u32 v17, v18  }
0xf8: {  	v16 =	vor.u32 v19, v16;
	v19 =	vshrl.u32 v18, $0x1A;
	v20 =	vshll.u32 v18, $0x6  }
0xf9: {  	v16 =	vxor.u32 v15, v16;
	v17 =	vadd.s32 v17, v18;
	v18 =	vor.u32 v19, v20  }
0xfa: {  	v7 =	vperm.xlane v7, v3;
	v19 =	vshrl.u32 v16, $0x10;
	v18 =	vxor.u32 v17, v18  }
0xfb: {  	v20 =	vshll.u32 v16, $0x10;
	v15 =	vadd.s32 v15, v16;
	v18 =	vadd.s32 v18, v13  }
0xfc: {  	v16 =	vor.u32 v19, v20;
	v17 =	vadd.s32 v10, v17;
	v18 =	vadd.s32 $0x3, v18  }
0xfd: {  	v16 =	vxor.u32 v15, v16;
	v19 =	vshrl.u32 v18, $0xF;
	v20 =	vshll.u32 v18, $0x11  }
0xfe: {  	v15 =	vadd.s32 v15, v16;
	v17 =	vadd.s32 v18, v17;
	v18 =	vor.u32 v19, v20  }
0xff: {  	v19 =	vshrl.u32 v16, $0x8;
	v16 =	vshll.u32 v16, $0x18;
	v18 =	vxor.u32 v17, v18  }
0x100: {  	v16 =	vor.u32 v19, v16;
	v19 =	vshrl.u32 v18, $0x3;
	v20 =	vshll.u32 v18, $0x1D  }
0x101: {  	v16 =	vxor.u32 v15, v16;
	v17 =	vadd.s32 v17, v18;
	v18 =	vor.u32 v19, v20  }
0x102: {  	v12 =	vadd.s32 v12, v15;
	v15 =	vadd.s32 v16, v11;
	v16 =	vxor.u32 v17, v18  }
0x103: {  	v15 =	vadd.s32 $0x4, v15;
	v18 =	vshrl.u32 v16, $0x10;
	v19 =	vshll.u32 v16, $0x10  }
0x104: {  	v12 =	vadd.s32 v15, v12;
	v16 =	vadd.s32 v17, v16;
	v17 =	vor.u32 v18, v19  }
0x105: {  	v18 =	vshrl.u32 v15, $0x13;
	v15 =	vshll.u32 v15, $0xD;
	v17 =	vxor.u32 v16, v17  }
0x106: {  	v15 =	vor.u32 v18, v15;
	v18 =	vshrl.u32 v17, $0x8;
	v19 =	vshll.u32 v17, $0x18  }
0x107: {  	v15 =	vxor.u32 v12, v15;
	v16 =	vadd.s32 v16, v17;
	v17 =	vor.u32 v18, v19  }
0x108: {  	v5 =	vadd.s32 $0x5, v5;
	v18 =	vshrl.u32 v15, $0x11;
	v17 =	vxor.u32 v16, v17  }
0x109: {  	v19 =	vshll.u32 v15, $0xF;
	v12 =	vadd.s32 v12, v15;
	v17 =	vadd.s32 v17, v14  }
0x10a: {  	v13 =	vadd.s32 v13, v16;
	v15 =	vor.u32 v18, v19;
	v17 =	vadd.s32 $0x4, v17  }
0x10b: {  	v15 =	vxor.u32 v12, v15;
	v16 =	vshrl.u32 v17, $0x13;
	v18 =	vshll.u32 v17, $0xD  }
0x10c: {  	v12 =	vadd.s32 v12, v15;
	v13 =	vadd.s32 v17, v13;
	v16 =	vor.u32 v16, v18  }
0x10d: {  	v17 =	vshrl.u32 v15, $0x6;
	v15 =	vshll.u32 v15, $0x1A;
	v16 =	vxor.u32 v13, v16  }
0x10e: {  	v15 =	vor.u32 v17, v15;
	v17 =	vshrl.u32 v16, $0x11;
	v18 =	vshll.u32 v16, $0xF  }
0x10f: {  	v15 =	vxor.u32 v12, v15;
	v13 =	vadd.s32 v13, v16;
	v16 =	vor.u32 v17, v18  }
0x110: {  	v5 =	vperm.xlane v5, v3;
	v12 =	vadd.s32 v12, v15;
	v16 =	vxor.u32 v13, v16  }
0x111: {  	v17 =	vshrl.u32 v15, $0x1A;
	v18 =	vshrl.u32 v16, $0x6;
	v19 =	vshll.u32 v16, $0x1A  }
0x112: {  	v15 =	vshll.u32 v15, $0x6;
	v13 =	vadd.s32 v13, v16;
	v16 =	vor.u32 v18, v19  }
0x113: {  	v11 =	vadd.s32 v11, v12;
	v15 =	vor.u32 v17, v15;
	v16 =	vxor.u32 v13, v16  }
0x114: {  	v15 =	vxor.u32 v12, v15;
	v12 =	vshrl.u32 v16, $0x1A;
	v17 =	vshll.u32 v16, $0x6  }
0x115: {  	v6 =	vadd.s32 v15, v6;
	v13 =	vadd.s32 v13, v16;
	v12 =	vor.u32 v12, v17  }
0x116: {  	v15 =	vadd.s32 s17, v5;
	v6 =	vadd.s32 $0x5, v6;
	v12 =	vxor.u32 v13, v12  }
0x117: {  	v6 =	vxor.u32 v11, v6;
	v10 =	vadd.s32 v12, v10;
	v12 =	vadd.s32 v0, v15  }
0x118: {  	v13 =	vadd.s32 v14, v13;
	v14 =	vshrl.u32 v12, $0x13;
	v15 =	vshll.u32 v12, $0xD  }
0x119: {  	v10 =	vadd.s32 $0x5, v10;
	v11 =	vadd.s32 v7, v12;
	v12 =	vor.u32 v14, v15  }
0x11a: {  	v14 =	vmulhi.u32 $0x51EB851F, v6;
	v10 =	vxor.u32 v13, v10;
	v12 =	vxor.u32 v11, v12  }
0x11b: {  	v13 =	vmulhi.u32 $0x51EB851F, v10;
	v15 =	vshrl.u32 v12, $0x11;
	v16 =	vshll.u32 v12, $0xF  }
0x11c: {  	v14 =	vshrl.u32 v14, $0x5;
	v11 =	vadd.s32 v11, v12;
	v12 =	vor.u32 v15, v16  }
0x11d: {  	v14 =	vmul.u32 $0x64, v14;
	v13 =	vshrl.u32 v13, $0x5;
	v12 =	vxor.u32 v11, v12  }
0x11e: {  	v13 =	vmul.u32 $0x64, v13;
	v15 =	vshrl.u32 v12, $0x6;
	v16 =	vshll.u32 v12, $0x1A  }
0x11f: {  	v6 =	vsub.s32 v6, v14;
	v11 =	vadd.s32 v11, v12;
	v12 =	vor.u32 v15, v16  }
0x120: {  	v14 =	vmul.u32 $0x60, v6;
	v10 =	vsub.s32 v10, v13;
	v12 =	vxor.u32 v11, v12  }
0x121: {  	v6 =	vxor.u32 v5, v7;
	v13 =	vshrl.u32 v12, $0x1A;
	v15 =	vshll.u32 v12, $0x6  }
0x122: {  	v6 =	vxor.u32 $0x1BD11BDA, v6;
	v11 =	vadd.s32 v11, v12;
	v13 =	vor.u32 v13, v15  }
0x123: {  	v10 =	vadd.s32 v14, v10;
	v12 =	vadd.s32 $0x1, v6;
	v13 =	vxor.u32 v11, v13  }
0x124: {  	v10 =	vand.u32 $0xFFFF, v10;
	v13 =	vadd.s32 v13, v12  }
0x125: {  	v11 =	vadd.s32 v5, v11;
	v14 =	vshrl.u32 v13, $0xF;
	v15 =	vshll.u32 v13, $0x11  }
0x126: {  	v16 =	vmulhi.u32 $0x28F5C29, v10;
	v11 =	vadd.s32 v13, v11;
	v13 =	vor.u32 v14, v15  }
0x127: {  	v13 =	vxor.u32 v11, v13  }
0x128: {  	v14 =	vmul.u32 $0x64, v16;
	v15 =	vshrl.u32 v13, $0x3;
	v16 =	vshll.u32 v13, $0x1D  }
0x129: {  	v11 =	vadd.s32 v11, v13;
	v13 =	vor.u32 v15, v16  }
0x12a: {  	v8 =	vperm.xlane v8, v4;
	v13 =	vxor.u32 v11, v13  }
0x12b: {  	v9 =	vperm.xlane v9, v4;
	v15 =	vshrl.u32 v13, $0x10;
	v16 =	vshll.u32 v13, $0x10  }
0x12c: {  	v10 =	vsub.s32 v10, v14;
	v11 =	vadd.s32 v11, v13;
	v13 =	vor.u32 v15, v16  }
0x12d: {  	v21 =	vsel vm0, v9, v8;
	v14 =	vperm.xlane v10, v2;
	v9 =	vxor.u32 v11, v13  }
0x12e: {  	v8 =	vperm.xlane v10, v3;
	v10 =	vshrl.u32 v9, $0x8;
	v13 =	vshll.u32 v9, $0x18  }
0x12f: {  	v9 =	vadd.s32 v11, v9;
	v10 =	vor.u32 v10, v13  }
0x130: {  	s14 =	sadd.s32 $0x10, s17;
	v13 =	vadd.s32 $0x2, v7;
	v10 =	vxor.u32 v9, v10  }
0x131: {  	v22 =	vadd.s32 s14, v5;
	v17 =	vmul.u32 $0x30000, v14;
	v10 =	vadd.s32 v10, v13  }
0x132: {  	v9 =	vadd.s32 v6, v9;
	v11 =	vshrl.u32 v10, $0x13;
	v20 =	vshll.u32 v10, $0xD  }
0x133: {  	v16 =	vadd.s32 $0x64, v14;
	v9 =	vadd.s32 v10, v9;
	v11 =	vor.u32 v11, v20  }
0x134: {  	v15 =	vadd.s32 $0xC8, v14;
	v20 =	vadd.s32 v0, v22;
	v11 =	vxor.u32 v9, v11  }
0x135: {  	v22 =	vshrl.u32 v20, $0x13;
	v25 =	vshll.u32 v20, $0xD;
	v20 =	vadd.s32 v7, v20  }
0x136: {  	v23 =	vshrl.u32 v11, $0x11;
	v24 =	vshll.u32 v11, $0xF;
	v22 =	vor.u32 v22, v25  }
0x137: {  	v9 =	vadd.s32 v9, v11;
	v11 =	vor.u32 v23, v24;
	v22 =	vxor.u32 v20, v22  }
0x138: {  	v18 =	vadd.s32 $0x10000, v17;
	v11 =	vxor.u32 v9, v11;
	v20 =	vadd.s32 v20, v22  }
0x139: {  	v23 =	vshrl.u32 v11, $0x6;
	v24 =	vshll.u32 v11, $0x1A;
	v9 =	vadd.s32 v9, v11  }
0x13a: {  	v11 =	vor.u32 v23, v24;
	v23 =	vshrl.u32 v22, $0x11;
	v22 =	vshll.u32 v22, $0xF  }
0x13b: {  	v10 =	vadd.s32 $0x3, v5;
	v11 =	vxor.u32 v9, v11;
	v22 =	vor.u32 v23, v22  }
0x13c: {  	v23 =	vshrl.u32 v11, $0x1A;
	v24 =	vshll.u32 v11, $0x6;
	v22 =	vxor.u32 v20, v22  }
0x13d: {  	v9 =	vadd.s32 v9, v11;
	v11 =	vor.u32 v23, v24;
	v23 =	vshrl.u32 v22, $0x6  }
0x13e: {  	v24 =	vshll.u32 v22, $0x1A;
	v20 =	vadd.s32 v20, v22;
	v11 =	vxor.u32 v9, v11  }
0x13f: {  	v22 =	vor.u32 v23, v24;
	v9 =	vadd.s32 v7, v9;
	v11 =	vadd.s32 v11, v10  }
0x140: {  	v22 =	vxor.u32 v20, v22;
	v23 =	vshrl.u32 v11, $0xF;
	v24 =	vshll.u32 v11, $0x11  }
0x141: {  	v9 =	vadd.s32 v11, v9;
	v11 =	vadd.s32 $0x4, v6;
	v23 =	vor.u32 v23, v24  }
0x142: {  	v20 =	vadd.s32 v20, v22;
	v24 =	vshrl.u32 v22, $0x1A;
	v23 =	vxor.u32 v9, v23  }
0x143: {  	v22 =	vshll.u32 v22, $0x6;
	v25 =	vshrl.u32 v23, $0x3;
	v26 =	vshll.u32 v23, $0x1D  }
0x144: {  	v22 =	vor.u32 v24, v22;
	v9 =	vadd.s32 v9, v23;
	v23 =	vor.u32 v25, v26  }
0x145: {  	v24 =	vadd.s32 v5, v20;
	v20 =	vxor.u32 v20, v22;
	v23 =	vxor.u32 v9, v23  }
0x146: {  	v20 =	vadd.s32 v20, v12;
	v22 =	vshrl.u32 v23, $0x10;
	v25 =	vshll.u32 v23, $0x10  }
0x147: {  	v9 =	vadd.s32 v9, v23;
	v23 =	vadd.s32 v20, v24;
	v22 =	vor.u32 v22, v25  }
0x148: {  	v24 =	vshrl.u32 v20, $0xF;
	v20 =	vshll.u32 v20, $0x11;
	v22 =	vxor.u32 v9, v22  }
0x149: {  	v20 =	vor.u32 v24, v20;
	v25 =	vshrl.u32 v22, $0x8;
	v26 =	vshll.u32 v22, $0x18  }
0x14a: {  	s1 =	sadd.s32 $0x10, s14;
	v20 =	vxor.u32 v23, v20;
	v22 =	vadd.s32 v9, v22;
	v24 =	vor.u32 v25, v26  }
0x14b: {  	v9 =	vadd.s32 $0x5, v7;
	v25 =	vadd.s32 s1, v5;
	v24 =	vxor.u32 v22, v24  }
0x14c: {  	v26 =	vshrl.u32 v20, $0x3;
	v22 =	vadd.s32 v5, v22;
	v24 =	vadd.s32 v24, v11  }
0x14d: {  	[tilespmem:$0xC80] =	vst v21;
	v21 =	vadd.s32 v0, v25;
	v27 =	vshrl.u32 v24, $0x13;
	v28 =	vshll.u32 v24, $0xD  }
0x14e: {  	v22 =	vadd.s32 v24, v22;
	v24 =	vshll.u32 v20, $0x1D;
	v27 =	vor.u32 v27, v28  }
0x14f: {  	v20 =	vadd.s32 v23, v20;
	v23 =	vor.u32 v26, v24;
	v24 =	vxor.u32 v22, v27  }
0x150: {  	v23 =	vxor.u32 v20, v23;
	v26 =	vshrl.u32 v24, $0x11;
	v27 =	vshll.u32 v24, $0xF  }
0x151: {  	v20 =	vadd.s32 v20, v23;
	v22 =	vadd.s32 v22, v24;
	v24 =	vor.u32 v26, v27  }
0x152: {  	v26 =	vshrl.u32 v23, $0x10;
	v23 =	vshll.u32 v23, $0x10;
	v24 =	vxor.u32 v22, v24  }
0x153: {  	v23 =	vor.u32 v26, v23;
	v26 =	vshrl.u32 v24, $0x6;
	v27 =	vshll.u32 v24, $0x1A  }
0x154: {  	v23 =	vxor.u32 v20, v23;
	v22 =	vadd.s32 v22, v24;
	v24 =	vor.u32 v26, v27  }
0x155: {  	v20 =	vadd.s32 v20, v23;
	v26 =	vshrl.u32 v23, $0x8;
	v23 =	vshll.u32 v23, $0x18  }
0x156: {  	v25 =	vshrl.u32 v21, $0x13;
	v24 =	vxor.u32 v22, v24;
	v23 =	vor.u32 v26, v23  }
0x157: {  	v27 =	vshrl.u32 v24, $0x1A;
	v62 =	vshll.u32 v24, $0x6;
	v22 =	vadd.s32 v22, v24  }
0x158: {  	v23 =	vxor.u32 v20, v23;
	v20 =	vadd.s32 v6, v20;
	v24 =	vor.u32 v27, v62  }
0x159: {  	v23 =	vadd.s32 v23, v13;
	v24 =	vxor.u32 v22, v24;
	v22 =	vadd.s32 v6, v22  }
0x15a: {  	v26 =	vshrl.u32 v23, $0x13;
	v27 =	vshll.u32 v23, $0xD;
	v24 =	vadd.s32 v24, v9  }
0x15b: {  	v23 =	vadd.s32 v23, v20;
	v22 =	vxor.u32 v22, v24;
	v24 =	vor.u32 v26, v27  }
0x15c: {  	s11 =	simm.s32 @!p0 $0x0;
	s12 =	simm.s32 @!p0 $0xC80;
	s13 =	rddreg [dreg:$0x4];
	v63 =	vshll.u32 v21, $0xD;
	v20 =	vand.u32 $0xFFFF, v22;
	v22 =	vxor.u32 v23, v24  }
0x15d: {  	[hbm4b:s13+s11] =	stream.linear.scatter @!p0 [tilespmem:s12], [sflag:$0x2], $0x80, $0x38;
	v21 =	vadd.s32 v7, v21;
	v26 =	vshrl.u32 v22, $0x11;
	v27 =	vshll.u32 v22, $0xF;
	[tilespmem:$0x1F00] =	vst v63  }
0x15e: {  	s11 =	simm.s32 @!p0 $0x2;
	v25 =	vor.u32 v25, v63;
	v22 =	vadd.s32 v23, v22;
	v23 =	vor.u32 v26, v27  }
0x15f: {  	_ =	swait.ge @!p0 [sflag:s11], $0x80;
	v19 =	vadd.s32 $0x20000, v17;
	v25 =	vxor.u32 v21, v25;
	v23 =	vxor.u32 v22, v23  }
0x160: {  	[sflag:s11] =	ssyncset.done @!p0 $0x0;
	v21 =	vadd.s32 v21, v25;
	v26 =	vshrl.u32 v23, $0x6;
	v27 =	vshll.u32 v23, $0x1A  }
0x161: {  	s13 =	simm.s32 $0x0;
	[sflag:s11] =	ssyncadd.s32 @!p0 $0xFFFFFF80;
	v24 =	vor.u32 v19, v20;
	v22 =	vadd.s32 v22, v23;
	v23 =	vor.u32 v26, v27  }
0x162: {  	[tilespmem:s13+$0x480] =	vst v24;
	v24 =	vshrl.u32 v25, $0x11;
	v25 =	vshll.u32 v25, $0xF;
	v26 =	vxor.u32 v22, v23  }
0x163: {  	[tilespmem:s13+$0x680] =	vst v14;
	v23 =	vor.u32 v24, v25;
	v24 =	vshrl.u32 v26, $0x1A;
	v25 =	vshll.u32 v26, $0x6  }
0x164: {  	[tilespmem:s13+$0x880] =	vst v16;
	v23 =	vxor.u32 v21, v23;
	v22 =	vadd.s32 v22, v26;
	v26 =	vor.u32 v24, v25  }
0x165: {  	s14 =	simm.s32 $0xC0;
	s12 =	simm.s32 $0x40;
	s11 =	simm.s32 $0x80;
	[tilespmem:s13+$0xA80] =	vst v15;
	v24 =	vshrl.u32 v23, $0x6;
	v25 =	vshll.u32 v23, $0x1A;
	v26 =	vxor.u32 v22, v26  }
.LBB2_2:
0x166: {  	p1 =	sne.s32 s14, $0x3C0;
	v21 =	vadd.s32 v21, v23;
	v23 =	vor.u32 v24, v25;
	v24 =	vadd.s32 v26, v10  }
0x167: {  	v22 =	vadd.s32 v7, v22;
	v25 =	vshrl.u32 v24, $0xF;
	v26 =	vshll.u32 v24, $0x11  }
0x168: {  	v23 =	vxor.u32 v21, v23;
	v22 =	vadd.s32 v24, v22;
	v24 =	vor.u32 v25, v26  }
0x169: {  	v21 =	vadd.s32 v21, v23;
	v25 =	vor.u32 v17, v20;
	v24 =	vxor.u32 v22, v24  }
0x16a: {  	v26 =	vshrl.u32 v23, $0x1A;
	v27 =	vshrl.u32 v24, $0x3;
	v28 =	vshll.u32 v24, $0x1D;
	[tilespmem:s13+$0x80] =	vst v25  }
0x16b: {  	v23 =	vshll.u32 v23, $0x6;
	v22 =	vadd.s32 v22, v24;
	v24 =	vor.u32 v27, v28  }
0x16c: {  	v23 =	vor.u32 v26, v23;
	v25 =	vadd.s32 v5, v21;
	v24 =	vxor.u32 v22, v24  }
0x16d: {  	v21 =	vxor.u32 v21, v23;
	v23 =	vshrl.u32 v24, $0x10;
	v26 =	vshll.u32 v24, $0x10  }
0x16e: {  	v21 =	vadd.s32 v21, v12;
	v22 =	vadd.s32 v22, v24;
	v23 =	vor.u32 v23, v26  }
0x16f: {  	v24 =	vadd.s32 v21, v25;
	v25 =	vshrl.u32 v21, $0xF;
	v23 =	vxor.u32 v22, v23  }
0x170: {  	v21 =	vshll.u32 v21, $0x11;
	v26 =	vshrl.u32 v23, $0x8;
	v27 =	vshll.u32 v23, $0x18  }
0x171: {  	v21 =	vor.u32 v25, v21;
	v22 =	vadd.s32 v22, v23;
	v23 =	vor.u32 v26, v27  }
0x172: {  	s1 =	sadd.s32 $0x10, s1;
	v20 =	vor.u32 v18, v20;
	v21 =	vxor.u32 v24, v21;
	v23 =	vxor.u32 v22, v23  }
0x173: {  	v25 =	vadd.s32 s1, v5;
	v26 =	vshrl.u32 v21, $0x3;
	v23 =	vadd.s32 v23, v11;
	[tilespmem:s13+$0x280] =	vst v20  }
0x174: {  	v20 =	vadd.s32 v5, v22;
	v22 =	vshrl.u32 v23, $0x13;
	v27 =	vshll.u32 v23, $0xD  }
0x175: {  	v28 =	vshll.u32 v21, $0x1D;
	v20 =	vadd.s32 v23, v20;
	v22 =	vor.u32 v22, v27  }
0x176: {  	v21 =	vadd.s32 v24, v21;
	v23 =	vor.u32 v26, v28;
	v22 =	vxor.u32 v20, v22  }
0x177: {  	v23 =	vxor.u32 v21, v23;
	v24 =	vshrl.u32 v22, $0x11;
	v26 =	vshll.u32 v22, $0xF  }
0x178: {  	v21 =	vadd.s32 v21, v23;
	v20 =	vadd.s32 v20, v22;
	v22 =	vor.u32 v24, v26  }
0x179: {  	v24 =	vshrl.u32 v23, $0x10;
	v23 =	vshll.u32 v23, $0x10;
	v22 =	vxor.u32 v20, v22  }
0x17a: {  	v23 =	vor.u32 v24, v23;
	v24 =	vshrl.u32 v22, $0x6;
	v26 =	vshll.u32 v22, $0x1A  }
0x17b: {  	v23 =	vxor.u32 v21, v23;
	v20 =	vadd.s32 v20, v22;
	v22 =	vor.u32 v24, v26  }
0x17c: {  	v21 =	vadd.s32 v21, v23;
	v24 =	vshrl.u32 v23, $0x8;
	v22 =	vxor.u32 v20, v22  }
0x17d: {  	v23 =	vshll.u32 v23, $0x18;
	v26 =	vshrl.u32 v22, $0x1A;
	v27 =	vshll.u32 v22, $0x6  }
0x17e: {  	v23 =	vor.u32 v24, v23;
	v20 =	vadd.s32 v20, v22;
	v22 =	vor.u32 v26, v27  }
0x17f: {  	v23 =	vxor.u32 v21, v23;
	v21 =	vadd.s32 v6, v21;
	v22 =	vxor.u32 v20, v22  }
0x180: {  	v23 =	vadd.s32 v23, v13;
	v20 =	vadd.s32 v6, v20;
	v22 =	vadd.s32 v22, v9  }
0x181: {  	v24 =	vshrl.u32 v23, $0x13;
	v26 =	vshll.u32 v23, $0xD;
	v20 =	vxor.u32 v20, v22  }
0x182: {  	v21 =	vadd.s32 v23, v21;
	v22 =	vor.u32 v24, v26;
	v20 =	vand.u32 $0xFFFF, v20  }
0x183: {  	s13 =	sshra.s32 s12, $0x2;
	s12 =	smov.u32 s11;
	s11 =	smov.u32 s14;
	v23 =	vadd.s32 v0, v25;
	v22 =	vxor.u32 v21, v22;
	v24 =	vor.u32 v19, v20  }
0x184: {  	v25 =	vshrl.u32 v23, $0x13;
	v26 =	vshrl.u32 v22, $0x11;
	v27 =	vshll.u32 v22, $0xF;
	[tilespmem:s13+$0x480] =	vst v24  }
0x185: {  	v22 =	vadd.s32 v21, v22;
	v24 =	vshll.u32 v23, $0xD;
	v21 =	vor.u32 v26, v27;
	[tilespmem:s13+$0x680] =	vst v14  }
0x186: {  	v23 =	vadd.s32 v7, v23;
	v24 =	vor.u32 v25, v24;
	v25 =	vxor.u32 v22, v21;
	[tilespmem:s13+$0x880] =	vst v16  }
0x187: {  	v24 =	vxor.u32 v23, v24;
	v26 =	vshrl.u32 v25, $0x6;
	v27 =	vshll.u32 v25, $0x1A;
	[tilespmem:s13+$0xA80] =	vst v15  }
.Ltmp0:
0x188: {  	v22 =	vadd.s32 v22, v25;
	v21 =	vadd.s32 v23, v24;
	v23 =	vor.u32 v26, v27;
	(pc) =	sbr.rel @p1 .LBB2_2-.Ltmp0, $4  }
0x189: {  	v25 =	vshrl.u32 v24, $0x11;
	v24 =	vshll.u32 v24, $0xF;
	v26 =	vxor.u32 v22, v23  }
0x18a: {  	v23 =	vor.u32 v25, v24;
	v24 =	vshrl.u32 v26, $0x1A;
	v25 =	vshll.u32 v26, $0x6  }
0x18b: {  	v23 =	vxor.u32 v21, v23;
	v22 =	vadd.s32 v22, v26;
	v26 =	vor.u32 v24, v25  }
0x18c: {  	s14 =	sadd.s32 $0x40, s14;
	v24 =	vshrl.u32 v23, $0x6;
	v25 =	vshll.u32 v23, $0x1A;
	v26 =	vxor.u32 v22, v26  }
0x18d: {  	v21 =	vadd.s32 v21, v23;
	v23 =	vadd.s32 v26, v10;
	v24 =	vor.u32 v24, v25  }
0x18e: {  	v22 =	vadd.s32 v7, v22;
	v25 =	vshrl.u32 v23, $0xF;
	v26 =	vshll.u32 v23, $0x11  }
0x18f: {  	v24 =	vxor.u32 v21, v24;
	v22 =	vadd.s32 v23, v22;
	v23 =	vor.u32 v25, v26  }
0x190: {  	v25 =	vshrl.u32 v24, $0x1A;
	v26 =	vshll.u32 v24, $0x6;
	v23 =	vxor.u32 v22, v23  }
0x191: {  	v21 =	vadd.s32 v21, v24;
	v24 =	vor.u32 v25, v26;
	v25 =	vshrl.u32 v23, $0x3  }
0x192: {  	v26 =	vshll.u32 v23, $0x1D;
	v24 =	vxor.u32 v21, v24;
	v22 =	vadd.s32 v22, v23  }
0x193: {  	v21 =	vadd.s32 v5, v21;
	v23 =	vor.u32 v25, v26;
	v24 =	vadd.s32 v24, v12  }
0x194: {  	v25 =	vshrl.u32 v24, $0xF;
	v26 =	vshll.u32 v24, $0x11;
	v23 =	vxor.u32 v22, v23  }
0x195: {  	v21 =	vadd.s32 v24, v21;
	v24 =	vor.u32 v25, v26;
	v25 =	vshrl.u32 v23, $0x10  }
0x196: {  	v26 =	vshll.u32 v23, $0x10;
	v22 =	vadd.s32 v22, v23;
	v24 =	vxor.u32 v21, v24  }
0x197: {  	v25 =	vor.u32 v25, v26;
	v23 =	vshrl.u32 v24, $0x3;
	v27 =	vshll.u32 v24, $0x1D  }
0x198: {  	v21 =	vadd.s32 v21, v24;
	v24 =	vxor.u32 v22, v25;
	v23 =	vor.u32 v23, v27  }
0x199: {  	v25 =	vshrl.u32 v24, $0x8;
	v28 =	vshll.u32 v24, $0x18;
	v23 =	vxor.u32 v21, v23  }
0x19a: {  	v22 =	vadd.s32 v22, v24;
	v26 =	vshrl.u32 v23, $0x10;
	v27 =	vshll.u32 v23, $0x10  }
0x19b: {  	v24 =	vor.u32 v25, v28;
	v21 =	vadd.s32 v21, v23;
	v23 =	vor.u32 v26, v27  }
0x19c: {  	v24 =	vxor.u32 v22, v24;
	v23 =	vxor.u32 v21, v23  }
0x19d: {  	v22 =	vadd.s32 v5, v22;
	v25 =	vshrl.u32 v23, $0x8;
	v26 =	vshll.u32 v23, $0x18  }
0x19e: {  	v24 =	vadd.s32 v24, v11;
	v21 =	vadd.s32 v21, v23;
	v23 =	vor.u32 v25, v26  }
0x19f: {  	v22 =	vadd.s32 v24, v22;
	v23 =	vxor.u32 v21, v23  }
0x1a0: {  	v25 =	vshrl.u32 v24, $0x13;
	v26 =	vshll.u32 v24, $0xD;
	v23 =	vadd.s32 v23, v13  }
0x1a1: {  	v21 =	vadd.s32 v6, v21;
	v24 =	vshrl.u32 v23, $0x13;
	v27 =	vshll.u32 v23, $0xD  }
0x1a2: {  	v25 =	vor.u32 v25, v26;
	v21 =	vadd.s32 v23, v21;
	v23 =	vor.u32 v24, v27  }
0x1a3: {  	v24 =	vxor.u32 v22, v25;
	v23 =	vxor.u32 v21, v23  }
0x1a4: {  	v25 =	vshrl.u32 v24, $0x11;
	v26 =	vshrl.u32 v23, $0x11;
	v27 =	vshll.u32 v23, $0xF  }
0x1a5: {  	v52 =	vshll.u32 v24, $0xF;
	v21 =	vadd.s32 v21, v23;
	v23 =	vor.u32 v26, v27  }
0x1a6: {  	v22 =	vadd.s32 v22, v24;
	v24 =	vor.u32 v25, v52;
	v23 =	vxor.u32 v21, v23  }
0x1a7: {  	v24 =	vxor.u32 v22, v24;
	v25 =	vshrl.u32 v23, $0x6;
	v26 =	vshll.u32 v23, $0x1A  }
0x1a8: {  	v27 =	vshrl.u32 v24, $0x6;
	v21 =	vadd.s32 v21, v23;
	v23 =	vor.u32 v25, v26  }
0x1a9: {  	v22 =	vadd.s32 v22, v24;
	v25 =	vshll.u32 v24, $0x1A;
	v23 =	vxor.u32 v21, v23  }
0x1aa: {  	v24 =	vor.u32 v27, v25;
	v25 =	vshrl.u32 v23, $0x1A;
	v26 =	vshll.u32 v23, $0x6  }
0x1ab: {  	v24 =	vxor.u32 v22, v24;
	v21 =	vadd.s32 v21, v23;
	v23 =	vor.u32 v25, v26  }
0x1ac: {  	v25 =	vshrl.u32 v24, $0x1A;
	v23 =	vxor.u32 v21, v23  }
0x1ad: {  	v26 =	vshll.u32 v24, $0x6;
	v22 =	vadd.s32 v22, v24;
	v23 =	vadd.s32 v23, v10  }
0x1ae: {  	v21 =	vadd.s32 v7, v21;
	v24 =	vshrl.u32 v23, $0xF;
	v27 =	vshll.u32 v23, $0x11  }
0x1af: {  	s1 =	sadd.s32 $0x10, s19;
	v25 =	vor.u32 v25, v26;
	v23 =	vadd.s32 v23, v21;
	v24 =	vor.u32 v24, v27  }
0x1b0: {  	v37 =	vadd.s32 s1, v5;
	v25 =	vxor.u32 v22, v25;
	v24 =	vxor.u32 v23, v24  }
0x1b1: {  	v22 =	vadd.s32 v6, v22;
	v26 =	vshrl.u32 v24, $0x3;
	v27 =	vshll.u32 v24, $0x1D  }
0x1b2: {  	v25 =	vadd.s32 v25, v9;
	v23 =	vadd.s32 v23, v24;
	v24 =	vor.u32 v26, v27  }
0x1b3: {  	v39 =	vadd.s32 v0, v37;
	v22 =	vxor.u32 v22, v25;
	v24 =	vxor.u32 v23, v24  }
0x1b4: {  	v27 =	vadd.s32 s19, v5;
	v25 =	vshrl.u32 v24, $0x10;
	v26 =	vshll.u32 v24, $0x10  }
0x1b5: {  	v23 =	vadd.s32 v23, v24;
	v24 =	vor.u32 v25, v26;
	v25 =	vadd.s32 v0, v27  }
0x1b6: {  	v24 =	vxor.u32 v23, v24;
	v26 =	vshrl.u32 v25, $0x13;
	v27 =	vshll.u32 v25, $0xD  }
0x1b7: {  	v25 =	vadd.s32 v7, v25;
	v53 =	vshrl.u32 v24, $0x8;
	v26 =	vor.u32 v26, v27  }
0x1b8: {  	v27 =	vshll.u32 v24, $0x18;
	v23 =	vadd.s32 v23, v24;
	v24 =	vxor.u32 v25, v26  }
0x1b9: {  	v26 =	vor.u32 v53, v27;
	v27 =	vshrl.u32 v24, $0x11;
	v54 =	vshll.u32 v24, $0xF  }
0x1ba: {  	v26 =	vxor.u32 v23, v26;
	v24 =	vadd.s32 v25, v24;
	v25 =	vor.u32 v27, v54  }
0x1bb: {  	v23 =	vadd.s32 v5, v23;
	v27 =	vand.u32 $0xFFFF, v22;
	v25 =	vxor.u32 v24, v25  }
0x1bc: {  	v22 =	vadd.s32 v26, v11;
	v26 =	vshrl.u32 v25, $0x6;
	v55 =	vshll.u32 v25, $0x1A  }
0x1bd: {  	v29 =	vshrl.u32 v22, $0x13;
	v24 =	vadd.s32 v24, v25;
	v25 =	vor.u32 v26, v55  }
0x1be: {  	v26 =	vshll.u32 v22, $0xD;
	v22 =	vadd.s32 v22, v23;
	v23 =	vxor.u32 v24, v25  }
0x1bf: {  	v25 =	vor.u32 v29, v26;
	v26 =	vshrl.u32 v23, $0x1A;
	v56 =	vshll.u32 v23, $0x6  }
0x1c0: {  	v25 =	vxor.u32 v22, v25;
	v24 =	vadd.s32 v24, v23;
	v26 =	vor.u32 v26, v56  }
0x1c1: {  	v41 =	vshll.u32 v39, $0xD;
	v57 =	vshrl.u32 v25, $0x11;
	v26 =	vxor.u32 v24, v26  }
0x1c2: {  	v58 =	vshll.u32 v25, $0xF;
	v25 =	vadd.s32 v22, v25;
	v22 =	vadd.s32 v26, v12  }
0x1c3: {  	v24 =	vadd.s32 v5, v24;
	v26 =	vshrl.u32 v22, $0xF;
	v30 =	vshll.u32 v22, $0x11  }
0x1c4: {  	v28 =	vor.u32 v57, v58;
	v24 =	vadd.s32 v22, v24;
	v26 =	vor.u32 v26, v30  }
0x1c5: {  	v23 =	vor.u32 v19, v27;
	v28 =	vxor.u32 v25, v28;
	v26 =	vxor.u32 v24, v26  }
0x1c6: {  	v61 =	vshll.u32 v28, $0x1A;
	v59 =	vshrl.u32 v26, $0x3;
	v60 =	vshll.u32 v26, $0x1D  }
0x1c7: {  	v24 =	vadd.s32 v24, v26;
	v26 =	vshrl.u32 v28, $0x6;
	v29 =	vor.u32 v59, v60  }
0x1c8: {  	v25 =	vadd.s32 v25, v28;
	v26 =	vor.u32 v26, v61;
	v62 =	vxor.u32 v24, v29  }
0x1c9: {  	v26 =	vxor.u32 v25, v26;
	v29 =	vshrl.u32 v62, $0x10;
	v63 =	vshll.u32 v62, $0x10  }
0x1ca: {  	v24 =	vadd.s32 v24, v62;
	v33 =	vshrl.u32 v26, $0x1A;
	v29 =	vor.u32 v29, v63  }
0x1cb: {  	v34 =	vshll.u32 v26, $0x6;
	v25 =	vadd.s32 v25, v26;
	v26 =	vxor.u32 v24, v29  }
0x1cc: {  	v22 =	vor.u32 v17, v27;
	v29 =	vshrl.u32 v26, $0x8;
	v35 =	vshll.u32 v26, $0x18  }
0x1cd: {  	v28 =	vor.u32 v33, v34;
	v24 =	vadd.s32 v24, v26;
	v26 =	vor.u32 v29, v35  }
0x1ce: {  	v28 =	vxor.u32 v25, v28;
	v25 =	vadd.s32 v6, v25;
	v29 =	vxor.u32 v24, v26  }
0x1cf: {  	v28 =	vadd.s32 v28, v9;
	v26 =	vor.u32 v18, v27;
	v27 =	vadd.s32 v29, v13  }
0x1d0: {  	v24 =	vadd.s32 v6, v24;
	v36 =	vshrl.u32 v27, $0x13;
	v29 =	vshll.u32 v27, $0xD  }
0x1d1: {  	v25 =	vxor.u32 v25, v28;
	v24 =	vadd.s32 v27, v24;
	v27 =	vor.u32 v36, v29  }
0x1d2: {  	v21 =	vor.u32 v17, v20;
	v38 =	vand.u32 $0xFFFF, v25;
	v25 =	vxor.u32 v24, v27  }
0x1d3: {  	v20 =	vor.u32 v18, v20;
	v27 =	vshrl.u32 v25, $0x11;
	v40 =	vshll.u32 v25, $0xF  }
0x1d4: {  	v24 =	vadd.s32 v24, v25;
	v25 =	vshrl.u32 v39, $0x13;
	v27 =	vor.u32 v27, v40  }
0x1d5: {  	v31 =	vor.u32 v19, v38;
	v19 =	vor.u32 v25, v41;
	v25 =	vxor.u32 v24, v27  }
0x1d6: {  	v27 =	vshrl.u32 v25, $0x6;
	v42 =	vadd.s32 v24, v25;
	v24 =	vshll.u32 v25, $0x1A  }
0x1d7: {  	v25 =	vor.u32 v17, v38;
	v17 =	vadd.s32 v7, v39;
	v27 =	vor.u32 v27, v24  }
0x1d8: {  	v24 =	vor.u32 v18, v38;
	v18 =	vxor.u32 v17, v19;
	v19 =	vxor.u32 v42, v27  }
0x1d9: {  	v44 =	vshrl.u32 v18, $0x11;
	v27 =	vshrl.u32 v19, $0x1A;
	v43 =	vshll.u32 v19, $0x6  }
0x1da: {  	v45 =	vshll.u32 v18, $0xF;
	v19 =	vadd.s32 v42, v19;
	v27 =	vor.u32 v27, v43  }
0x1db: {  	v17 =	vadd.s32 v17, v18;
	v18 =	vor.u32 v44, v45;
	v27 =	vxor.u32 v19, v27  }
0x1dc: {  	v18 =	vxor.u32 v17, v18;
	v19 =	vadd.s32 v7, v19;
	v27 =	vadd.s32 v27, v10  }
0x1dd: {  	v48 =	vshll.u32 v18, $0x1A;
	v46 =	vshrl.u32 v27, $0xF;
	v47 =	vshll.u32 v27, $0x11  }
0x1de: {  	v19 =	vadd.s32 v27, v19;
	v27 =	vshrl.u32 v18, $0x6;
	v28 =	vor.u32 v46, v47  }
0x1df: {  	v17 =	vadd.s32 v17, v18;
	v18 =	vor.u32 v27, v48;
	v27 =	vxor.u32 v19, v28  }
0x1e0: {  	v18 =	vxor.u32 v17, v18;
	v28 =	vshrl.u32 v27, $0x3;
	v49 =	vshll.u32 v27, $0x1D  }
0x1e1: {  	v17 =	vadd.s32 v17, v18;
	v19 =	vadd.s32 v19, v27;
	v27 =	vor.u32 v28, v49  }
0x1e2: {  	v50 =	vshrl.u32 v18, $0x1A;
	v18 =	vshll.u32 v18, $0x6;
	v27 =	vxor.u32 v19, v27  }
0x1e3: {  	v18 =	vor.u32 v50, v18;
	v51 =	vshrl.u32 v27, $0x10;
	v52 =	vshll.u32 v27, $0x10  }
0x1e4: {  	v18 =	vxor.u32 v17, v18;
	v19 =	vadd.s32 v19, v27;
	v27 =	vor.u32 v51, v52  }
0x1e5: {  	v17 =	vadd.s32 v5, v17;
	v18 =	vadd.s32 v18, v12;
	v27 =	vxor.u32 v19, v27  }
0x1e6: {  	v55 =	vshll.u32 v18, $0x11;
	v53 =	vshrl.u32 v27, $0x8;
	v54 =	vshll.u32 v27, $0x18  }
0x1e7: {  	v19 =	vadd.s32 v19, v27;
	v27 =	vshrl.u32 v18, $0xF;
	v28 =	vor.u32 v53, v54  }
0x1e8: {  	v17 =	vadd.s32 v18, v17;
	v18 =	vor.u32 v27, v55;
	v27 =	vxor.u32 v19, v28  }
0x1e9: {  	v18 =	vxor.u32 v17, v18;
	v19 =	vadd.s32 v5, v19;
	v27 =	vadd.s32 v27, v11  }
0x1ea: {  	v58 =	vshll.u32 v18, $0x1D;
	v56 =	vshrl.u32 v27, $0x13;
	v57 =	vshll.u32 v27, $0xD  }
0x1eb: {  	v19 =	vadd.s32 v27, v19;
	v27 =	vshrl.u32 v18, $0x3;
	v28 =	vor.u32 v56, v57  }
0x1ec: {  	v17 =	vadd.s32 v17, v18;
	v18 =	vor.u32 v27, v58;
	v27 =	vxor.u32 v19, v28  }
0x1ed: {  	v18 =	vxor.u32 v17, v18;
	v28 =	vshrl.u32 v27, $0x11;
	v59 =	vshll.u32 v27, $0xF  }
0x1ee: {  	v60 =	vadd.s32 v17, v18;
	v17 =	vadd.s32 v19, v27;
	v19 =	vor.u32 v28, v59  }
0x1ef: {  	v27 =	vshrl.u32 v18, $0x10;
	v18 =	vshll.u32 v18, $0x10;
	v19 =	vxor.u32 v17, v19  }
0x1f0: {  	v18 =	vor.u32 v27, v18;
	v27 =	vshrl.u32 v19, $0x6;
	v61 =	vshll.u32 v19, $0x1A  }
0x1f1: {  	v18 =	vxor.u32 v60, v18;
	v19 =	vadd.s32 v17, v19;
	v27 =	vor.u32 v27, v61  }
0x1f2: {  	[tilespmem:s13+$0x80] =	vst v21;
	v17 =	vmul.u32 $0x30000, v8;
	v62 =	vadd.s32 v60, v18;
	v27 =	vxor.u32 v19, v27  }
0x1f3: {  	s12 =	sshra.s32 s12, $0x2;
	[tilespmem:s13+$0x280] =	vst v20;
	v21 =	vshrl.u32 v27, $0x1A;
	v63 =	vadd.s32 v19, v27;
	v19 =	vshll.u32 v27, $0x6  }
0x1f4: {  	[tilespmem:s12+$0x80] =	vst v22;
	v20 =	vshrl.u32 v18, $0x8;
	v22 =	vadd.s32 v6, v62;
	v19 =	vor.u32 v21, v19  }
0x1f5: {  	[tilespmem:s12+$0x480] =	vst v23;
	v21 =	vshll.u32 v18, $0x18;
	v18 =	vadd.s32 $0x10000, v17;
	v23 =	vadd.s32 v6, v63  }
0x1f6: {  	v21 =	vor.u32 v20, v21;
	v20 =	vxor.u32 v63, v19;
	v19 =	vadd.s32 $0x20000, v17  }
0x1f7: {  	[tilespmem:s12+$0x680] =	vst v14;
	v20 =	vadd.s32 v20, v9;
	v27 =	vxor.u32 v62, v21;
	v21 =	vadd.s32 $0xC8, v8  }
0x1f8: {  	[tilespmem:s12+$0x880] =	vst v16;
	v23 =	vxor.u32 v23, v20;
	v20 =	vadd.s32 $0x64, v8;
	v27 =	vadd.s32 v27, v13  }
0x1f9: {  	s1 =	sadd.s32 $0x10, s1;
	[tilespmem:s12+$0x280] =	vst v26;
	v26 =	vshrl.u32 v27, $0x13;
	v28 =	vadd.s32 v27, v22;
	v22 =	vshll.u32 v27, $0xD  }
0x1fa: {  	s11 =	sshra.s32 s11, $0x2;
	[tilespmem:s12+$0xA80] =	vst v15;
	v27 =	vadd.s32 s1, v5;
	v26 =	vor.u32 v26, v22;
	v22 =	vand.u32 $0xFFFF, v23  }
0x1fb: {  	[tilespmem:s11+$0x480] =	vst v31;
	v23 =	vadd.s32 v0, v27;
	v26 =	vxor.u32 v28, v26;
	v27 =	vor.u32 v19, v22  }
0x1fc: {  	[tilespmem:s11+$0x680] =	vst v14;
	v14 =	vshrl.u32 v26, $0x11;
	v28 =	vadd.s32 v28, v26;
	v26 =	vshll.u32 v26, $0xF  }
0x1fd: {  	[tilespmem:s11+$0x880] =	vst v16;
	v16 =	vshrl.u32 v23, $0x13;
	v14 =	vor.u32 v14, v26;
	v26 =	vshll.u32 v23, $0xD  }
0x1fe: {  	[tilespmem:s11+$0xA80] =	vst v15;
	v15 =	vadd.s32 v7, v23;
	v16 =	vor.u32 v16, v26;
	v14 =	vxor.u32 v28, v14  }
0x1ff: {  	[tilespmem:s11+$0x80] =	vst v25;
	v16 =	vxor.u32 v15, v16;
	v23 =	vshrl.u32 v14, $0x6;
	v25 =	vshll.u32 v14, $0x1A  }
0x200: {  	s13 =	simm.s32 $0x0;
	[tilespmem:s11+$0x280] =	vst v24;
	v14 =	vadd.s32 v28, v14;
	v15 =	vadd.s32 v15, v16;
	v23 =	vor.u32 v23, v25  }
0x201: {  	[tilespmem:s13+$0x780] =	vst v8;
	v24 =	vshrl.u32 v16, $0x11;
	v16 =	vshll.u32 v16, $0xF;
	v25 =	vxor.u32 v14, v23  }
0x202: {  	[tilespmem:s13+$0xB80] =	vst v21;
	v16 =	vor.u32 v24, v16;
	v24 =	vshrl.u32 v25, $0x1A;
	v26 =	vshll.u32 v25, $0x6  }
0x203: {  	[tilespmem:s13+$0x980] =	vst v20;
	v23 =	vxor.u32 v15, v16;
	v14 =	vadd.s32 v14, v25;
	v16 =	vor.u32 v24, v26  }
0x204: {  	s14 =	simm.s32 $0xC0;
	s12 =	simm.s32 $0x40;
	s11 =	simm.s32 $0x80;
	[tilespmem:s13+$0x580] =	vst v27;
	v24 =	vshrl.u32 v23, $0x6;
	v25 =	vshll.u32 v23, $0x1A;
	v16 =	vxor.u32 v14, v16  }
.LBB2_4:
0x205: {  	p1 =	sne.s32 s14, $0x3C0;
	v15 =	vadd.s32 v15, v23;
	v23 =	vor.u32 v24, v25;
	v16 =	vadd.s32 v16, v10  }
0x206: {  	v14 =	vadd.s32 v7, v14;
	v24 =	vshrl.u32 v16, $0xF;
	v25 =	vshll.u32 v16, $0x11  }
0x207: {  	v23 =	vxor.u32 v15, v23;
	v14 =	vadd.s32 v16, v14;
	v16 =	vor.u32 v24, v25  }
0x208: {  	v15 =	vadd.s32 v15, v23;
	v24 =	vor.u32 v17, v22;
	v16 =	vxor.u32 v14, v16  }
0x209: {  	v25 =	vshrl.u32 v23, $0x1A;
	v26 =	vshrl.u32 v16, $0x3;
	v27 =	vshll.u32 v16, $0x1D;
	[tilespmem:s13+$0x180] =	vst v24  }
0x20a: {  	v23 =	vshll.u32 v23, $0x6;
	v14 =	vadd.s32 v14, v16;
	v16 =	vor.u32 v26, v27  }
0x20b: {  	v23 =	vor.u32 v25, v23;
	v24 =	vadd.s32 v5, v15;
	v16 =	vxor.u32 v14, v16  }
0x20c: {  	v15 =	vxor.u32 v15, v23;
	v23 =	vshrl.u32 v16, $0x10;
	v25 =	vshll.u32 v16, $0x10  }
0x20d: {  	v15 =	vadd.s32 v15, v12;
	v14 =	vadd.s32 v14, v16;
	v16 =	vor.u32 v23, v25  }
0x20e: {  	v23 =	vadd.s32 v15, v24;
	v24 =	vshrl.u32 v15, $0xF;
	v16 =	vxor.u32 v14, v16  }
0x20f: {  	v15 =	vshll.u32 v15, $0x11;
	v25 =	vshrl.u32 v16, $0x8;
	v26 =	vshll.u32 v16, $0x18  }
0x210: {  	v15 =	vor.u32 v24, v15;
	v14 =	vadd.s32 v14, v16;
	v16 =	vor.u32 v25, v26  }
0x211: {  	s1 =	sadd.s32 $0x10, s1;
	v22 =	vor.u32 v18, v22;
	v15 =	vxor.u32 v23, v15;
	v16 =	vxor.u32 v14, v16  }
0x212: {  	v24 =	vadd.s32 s1, v5;
	v25 =	vshrl.u32 v15, $0x3;
	v16 =	vadd.s32 v16, v11;
	[tilespmem:s13+$0x380] =	vst v22  }
0x213: {  	v14 =	vadd.s32 v5, v14;
	v22 =	vshrl.u32 v16, $0x13;
	v26 =	vshll.u32 v16, $0xD  }
0x214: {  	v27 =	vshll.u32 v15, $0x1D;
	v14 =	vadd.s32 v16, v14;
	v16 =	vor.u32 v22, v26  }
0x215: {  	v15 =	vadd.s32 v23, v15;
	v22 =	vor.u32 v25, v27;
	v16 =	vxor.u32 v14, v16  }
0x216: {  	v22 =	vxor.u32 v15, v22;
	v23 =	vshrl.u32 v16, $0x11;
	v25 =	vshll.u32 v16, $0xF  }
0x217: {  	v15 =	vadd.s32 v15, v22;
	v14 =	vadd.s32 v14, v16;
	v16 =	vor.u32 v23, v25  }
0x218: {  	v23 =	vshrl.u32 v22, $0x10;
	v22 =	vshll.u32 v22, $0x10;
	v16 =	vxor.u32 v14, v16  }
0x219: {  	v22 =	vor.u32 v23, v22;
	v23 =	vshrl.u32 v16, $0x6;
	v25 =	vshll.u32 v16, $0x1A  }
0x21a: {  	v22 =	vxor.u32 v15, v22;
	v14 =	vadd.s32 v14, v16;
	v16 =	vor.u32 v23, v25  }
0x21b: {  	v15 =	vadd.s32 v15, v22;
	v23 =	vshrl.u32 v22, $0x8;
	v16 =	vxor.u32 v14, v16  }
0x21c: {  	v22 =	vshll.u32 v22, $0x18;
	v25 =	vshrl.u32 v16, $0x1A;
	v26 =	vshll.u32 v16, $0x6  }
0x21d: {  	v22 =	vor.u32 v23, v22;
	v14 =	vadd.s32 v14, v16;
	v16 =	vor.u32 v25, v26  }
0x21e: {  	v22 =	vxor.u32 v15, v22;
	v15 =	vadd.s32 v6, v15;
	v16 =	vxor.u32 v14, v16  }
0x21f: {  	v22 =	vadd.s32 v22, v13;
	v14 =	vadd.s32 v6, v14;
	v16 =	vadd.s32 v16, v9  }
0x220: {  	v23 =	vshrl.u32 v22, $0x13;
	v25 =	vshll.u32 v22, $0xD;
	v14 =	vxor.u32 v14, v16  }
0x221: {  	v15 =	vadd.s32 v22, v15;
	v16 =	vor.u32 v23, v25;
	v22 =	vand.u32 $0xFFFF, v14  }
0x222: {  	s13 =	sshra.s32 s12, $0x2;
	s12 =	smov.u32 s11;
	s11 =	smov.u32 s14;
	v14 =	vadd.s32 v0, v24;
	v16 =	vxor.u32 v15, v16;
	v23 =	vor.u32 v19, v22  }
0x223: {  	v24 =	vshrl.u32 v14, $0x13;
	v25 =	vshrl.u32 v16, $0x11;
	v26 =	vshll.u32 v16, $0xF;
	[tilespmem:s13+$0x580] =	vst v23  }
0x224: {  	v16 =	vadd.s32 v15, v16;
	v23 =	vshll.u32 v14, $0xD;
	v15 =	vor.u32 v25, v26;
	[tilespmem:s13+$0x780] =	vst v8  }
0x225: {  	v14 =	vadd.s32 v7, v14;
	v23 =	vor.u32 v24, v23;
	v24 =	vxor.u32 v16, v15;
	[tilespmem:s13+$0x980] =	vst v20  }
0x226: {  	v23 =	vxor.u32 v14, v23;
	v25 =	vshrl.u32 v24, $0x6;
	v26 =	vshll.u32 v24, $0x1A;
	[tilespmem:s13+$0xB80] =	vst v21  }
.Ltmp1:
0x227: {  	v15 =	vadd.s32 v14, v23;
	v14 =	vadd.s32 v16, v24;
	v16 =	vor.u32 v25, v26;
	(pc) =	sbr.rel @p1 .LBB2_4-.Ltmp1, $4  }
0x228: {  	v24 =	vshrl.u32 v23, $0x11;
	v23 =	vshll.u32 v23, $0xF;
	v16 =	vxor.u32 v14, v16  }
0x229: {  	v23 =	vor.u32 v24, v23;
	v24 =	vshrl.u32 v16, $0x1A;
	v25 =	vshll.u32 v16, $0x6  }
0x22a: {  	v23 =	vxor.u32 v15, v23;
	v14 =	vadd.s32 v14, v16;
	v16 =	vor.u32 v24, v25  }
0x22b: {  	s14 =	sadd.s32 $0x40, s14;
	v24 =	vshrl.u32 v23, $0x6;
	v25 =	vshll.u32 v23, $0x1A;
	v16 =	vxor.u32 v14, v16  }
0x22c: {  	v15 =	vadd.s32 v15, v23;
	v30 =	vor.u32 v24, v25  }
0x22d: {  	v23 =	vxor.u32 v15, v30  }
0x22e: {  	v31 =	vshrl.u32 v23, $0x1A;
	v32 =	vshll.u32 v23, $0x6  }
0x22f: {  	v15 =	vadd.s32 v15, v23;
	v33 =	vor.u32 v31, v32  }
0x230: {  	v23 =	vxor.u32 v15, v33  }
0x231: {  	v12 =	vadd.s32 v23, v12  }
0x232: {  	v15 =	vadd.s32 v5, v15;
	v23 =	vshrl.u32 v12, $0xF;
	v34 =	vshll.u32 v12, $0x11  }
0x233: {  	v12 =	vadd.s32 v12, v15;
	v35 =	vor.u32 v23, v34  }
0x234: {  	v15 =	vxor.u32 v12, v35  }
0x235: {  	v36 =	vshrl.u32 v15, $0x3;
	v37 =	vshll.u32 v15, $0x1D  }
0x236: {  	v12 =	vadd.s32 v12, v15;
	v38 =	vor.u32 v36, v37  }
0x237: {  	v15 =	vxor.u32 v12, v38  }
0x238: {  	v39 =	vshrl.u32 v15, $0x10;
	v40 =	vshll.u32 v15, $0x10  }
0x239: {  	v12 =	vadd.s32 v12, v15;
	v41 =	vor.u32 v39, v40  }
0x23a: {  	v15 =	vxor.u32 v12, v41  }
0x23b: {  	v42 =	vshrl.u32 v15, $0x8;
	v43 =	vshll.u32 v15, $0x18  }
0x23c: {  	v16 =	vadd.s32 v16, v10;
	v12 =	vadd.s32 v12, v15;
	v44 =	vor.u32 v42, v43  }
0x23d: {  	v14 =	vadd.s32 v7, v14;
	v45 =	vshrl.u32 v16, $0xF;
	v15 =	vxor.u32 v12, v44  }
0x23e: {  	v46 =	vshll.u32 v16, $0x11;
	v14 =	vadd.s32 v16, v14;
	v13 =	vadd.s32 v15, v13  }
0x23f: {  	v12 =	vadd.s32 v6, v12;
	v15 =	vshrl.u32 v13, $0x13;
	v47 =	vshll.u32 v13, $0xD  }
0x240: {  	v23 =	vor.u32 v45, v46;
	v12 =	vadd.s32 v13, v12;
	v48 =	vor.u32 v15, v47  }
0x241: {  	v49 =	vxor.u32 v14, v23;
	v13 =	vxor.u32 v12, v48  }
0x242: {  	v23 =	vshrl.u32 v49, $0x3;
	v50 =	vshrl.u32 v13, $0x11;
	v51 =	vshll.u32 v13, $0xF  }
0x243: {  	v26 =	vshll.u32 v49, $0x1D;
	v12 =	vadd.s32 v12, v13;
	v52 =	vor.u32 v50, v51  }
0x244: {  	v14 =	vadd.s32 v14, v49;
	v53 =	vor.u32 v23, v26;
	v13 =	vxor.u32 v12, v52  }
0x245: {  	v15 =	vxor.u32 v14, v53;
	v54 =	vshrl.u32 v13, $0x6;
	v55 =	vshll.u32 v13, $0x1A  }
0x246: {  	v56 =	vshrl.u32 v15, $0x10;
	v12 =	vadd.s32 v12, v13;
	v57 =	vor.u32 v54, v55  }
0x247: {  	v58 =	vshll.u32 v15, $0x10;
	v14 =	vadd.s32 v14, v15;
	v13 =	vxor.u32 v12, v57  }
0x248: {  	v59 =	vor.u32 v56, v58;
	v60 =	vshrl.u32 v13, $0x1A;
	v61 =	vshll.u32 v13, $0x6  }
0x249: {  	v15 =	vxor.u32 v14, v59;
	v12 =	vadd.s32 v12, v13;
	v62 =	vor.u32 v60, v61  }
0x24a: {  	v63 =	vshrl.u32 v15, $0x8;
	v28 =	vshll.u32 v15, $0x18;
	v13 =	vxor.u32 v12, v62  }
0x24b: {  	v14 =	vadd.s32 v14, v15;
	v29 =	vor.u32 v63, v28;
	v30 =	vadd.s32 v13, v10  }
0x24c: {  	v7 =	vadd.s32 v7, v12;
	v31 =	vshrl.u32 v30, $0xF;
	v13 =	vshll.u32 v30, $0x11  }
0x24d: {  	v15 =	vxor.u32 v14, v29;
	v7 =	vadd.s32 v30, v7;
	v32 =	vor.u32 v31, v13  }
0x24e: {  	v33 =	vadd.s32 v15, v11;
	v10 =	vxor.u32 v7, v32  }
0x24f: {  	v35 =	vshrl.u32 v33, $0x13;
	v36 =	vshrl.u32 v10, $0x3;
	v37 =	vshll.u32 v10, $0x1D  }
0x250: {  	v38 =	vshll.u32 v33, $0xD;
	v7 =	vadd.s32 v7, v10;
	v39 =	vor.u32 v36, v37  }
0x251: {  	v34 =	vadd.s32 v5, v14;
	v40 =	vor.u32 v35, v38;
	v10 =	vxor.u32 v7, v39  }
0x252: {  	v12 =	vadd.s32 v33, v34;
	v41 =	vshrl.u32 v10, $0x10;
	v42 =	vshll.u32 v10, $0x10  }
0x253: {  	v13 =	vxor.u32 v12, v40;
	v7 =	vadd.s32 v7, v10;
	v44 =	vor.u32 v41, v42  }
0x254: {  	v43 =	vshrl.u32 v13, $0x11;
	v45 =	vshll.u32 v13, $0xF;
	v10 =	vxor.u32 v7, v44  }
0x255: {  	v12 =	vadd.s32 v12, v13;
	v47 =	vshrl.u32 v10, $0x8;
	v48 =	vshll.u32 v10, $0x18  }
0x256: {  	v46 =	vor.u32 v43, v45;
	v7 =	vadd.s32 v7, v10;
	v49 =	vor.u32 v47, v48  }
0x257: {  	v16 =	vor.u32 v17, v22;
	v13 =	vxor.u32 v12, v46;
	v10 =	vxor.u32 v7, v49  }
0x258: {  	v60 =	vor.u32 v18, v22;
	v50 =	vshrl.u32 v13, $0x6;
	v10 =	vadd.s32 v10, v11  }
0x259: {  	v5 =	vadd.s32 v5, v7;
	v7 =	vshrl.u32 v10, $0x13;
	v11 =	vshll.u32 v10, $0xD  }
0x25a: {  	v51 =	vshll.u32 v13, $0x1A;
	v5 =	vadd.s32 v10, v5;
	v7 =	vor.u32 v7, v11  }
0x25b: {  	v12 =	vadd.s32 v12, v13;
	v52 =	vor.u32 v50, v51;
	v7 =	vxor.u32 v5, v7  }
0x25c: {  	v13 =	vxor.u32 v12, v52;
	v55 =	vshrl.u32 v7, $0x11;
	v56 =	vshll.u32 v7, $0xF  }
0x25d: {  	v53 =	vshrl.u32 v13, $0x1A;
	v5 =	vadd.s32 v5, v7;
	v7 =	vor.u32 v55, v56  }
0x25e: {  	v54 =	vshll.u32 v13, $0x6;
	v12 =	vadd.s32 v12, v13;
	v7 =	vxor.u32 v5, v7  }
0x25f: {  	v10 =	vor.u32 v53, v54;
	v58 =	vshrl.u32 v7, $0x6;
	v59 =	vshll.u32 v7, $0x1A  }
0x260: {  	[tilespmem:s13+$0x180] =	vst v16;
	v10 =	vxor.u32 v12, v10;
	v5 =	vadd.s32 v5, v7;
	v7 =	vor.u32 v58, v59  }
0x261: {  	s1 =	sshra.s32 s12, $0x2;
	[tilespmem:s13+$0x380] =	vst v60;
	v57 =	vadd.s32 v6, v12;
	v10 =	vadd.s32 v10, v9;
	v7 =	vxor.u32 v5, v7  }
0x262: {  	[tilespmem:s1+$0x780] =	vst v8;
	v10 =	vxor.u32 v57, v10;
	v62 =	vshrl.u32 v7, $0x1A;
	v63 =	vshll.u32 v7, $0x6  }
0x263: {  	[tilespmem:s1+$0x980] =	vst v20;
	v10 =	vand.u32 $0xFFFF, v10;
	v5 =	vadd.s32 v5, v7;
	v7 =	vor.u32 v62, v63  }
0x264: {  	[tilespmem:s1+$0xB80] =	vst v21;
	v61 =	vor.u32 v19, v10;
	v7 =	vxor.u32 v5, v7  }
0x265: {  	[tilespmem:s1+$0x580] =	vst v61;
	v5 =	vadd.s32 v6, v5;
	v6 =	vadd.s32 v7, v9;
	v7 =	vor.u32 v17, v10  }
0x266: {  	v5 =	vxor.u32 v5, v6;
	[tilespmem:s1+$0x180] =	vst v7;
	v6 =	vor.u32 v18, v10  }
0x267: {  	s13 =	sshra.s32 s11, $0x2;
	[tilespmem:s1+$0x380] =	vst v6  }
0x268: {  	[tilespmem:s13+$0x780] =	vst v8  }
0x269: {  	v5 =	vand.u32 $0xFFFF, v5;
	[tilespmem:s13+$0x980] =	vst v20  }
0x26a: {  	v6 =	vor.u32 v19, v5;
	[tilespmem:s13+$0xB80] =	vst v21  }
0x26b: {  	[tilespmem:s13+$0x580] =	vst v6;
	v6 =	vor.u32 v17, v5  }
0x26c: {  	v5 =	vor.u32 v18, v5;
	[tilespmem:s13+$0x180] =	vst v6  }
0x26d: {  	s11 =	simm.s32 $0x1900;
	[tilespmem:s13+$0x380] =	vst v5  }
0x26e: {  	[tilespmem:s11], [sflag:$0x1] =	stream.indirect.gather [hbm4b:s6+s21], $0x1, s21, s21, $0xb8;
	[tilespmem:$0x1F00] =	vst v63  }
0x26f: {  	s12 =	simm.s32 $0x1300  }
0x270: {  	[tilespmem:s12], [sflag:$0x1] =	stream.indirect.gather [hbm4b:s7+s21], $0x1, s21, s21, $0xb8;
	[tilespmem:$0x1F00] =	vst v63  }
0x271: {  	s14 =	simm.s32 $0x680;
	s13 =	simm.s32 $0xD00  }
0x272: {  	[tilespmem:s13], [sflag:$0x1] =	stream.indirect.gather [hbm4b:s2+s21], $0x1, s14, s21, $0xb8;
	[tilespmem:$0x1F00] =	vst v63  }
0x273: {  	s1 =	simm.s32 $0x100;
	s14 =	simm.s32 $0x1980  }
0x274: {  	[tilespmem:s14], [sflag:$0x1] =	stream.indirect.gather [hbm4b:s6+s21], $0x1, s1, s21, $0xb8;
	[tilespmem:$0x1F00] =	vst v63  }
0x275: {  	s14 =	simm.s32 $0x1380  }
0x276: {  	[tilespmem:s14], [sflag:$0x1] =	stream.indirect.gather [hbm4b:s7+s21], $0x1, s1, s21, $0xb8;
	[tilespmem:$0x1F00] =	vst v63  }
0x277: {  	s1 =	simm.s32 $0x700;
	s14 =	simm.s32 $0xD80  }
0x278: {  	[tilespmem:s14], [sflag:$0x1] =	stream.indirect.gather [hbm4b:s2+s21], $0x1, s1, s21, $0xb8;
	[tilespmem:$0x1F00] =	vst v63  }
0x279: {  	s1 =	simm.s32 $0x180;
	s14 =	simm.s32 $0x1A00  }
0x27a: {  	[tilespmem:s14], [sflag:$0x1] =	stream.indirect.gather [hbm4b:s6+s21], $0x1, s1, s21, $0xb8;
	[tilespmem:$0x1F00] =	vst v63  }
0x27b: {  	s14 =	simm.s32 $0x1400  }
0x27c: {  	[tilespmem:s14], [sflag:$0x1] =	stream.indirect.gather [hbm4b:s7+s21], $0x1, s1, s21, $0xb8;
	[tilespmem:$0x1F00] =	vst v63  }
0x27d: {  	s1 =	simm.s32 $0x780;
	s14 =	simm.s32 $0xE00  }
0x27e: {  	[tilespmem:s14], [sflag:$0x1] =	stream.indirect.gather [hbm4b:s2+s21], $0x1, s1, s21, $0xb8;
	[tilespmem:$0x1F00] =	vst v63  }
0x27f: {  	s1 =	simm.s32 $0x200;
	s14 =	simm.s32 $0x1A80  }
0x280: {  	[tilespmem:s14], [sflag:$0x1] =	stream.indirect.gather [hbm4b:s6+s21], $0x1, s1, s21, $0xb8;
	[tilespmem:$0x1F00] =	vst v63  }
0x281: {  	s14 =	simm.s32 $0x1480  }
0x282: {  	[tilespmem:s14], [sflag:$0x1] =	stream.indirect.gather [hbm4b:s7+s21], $0x1, s1, s21, $0xb8;
	[tilespmem:$0x1F00] =	vst v63  }
0x283: {  	s1 =	simm.s32 $0x800;
	s14 =	simm.s32 $0xE80  }
0x284: {  	[tilespmem:s14], [sflag:$0x1] =	stream.indirect.gather [hbm4b:s2+s21], $0x1, s1, s21, $0xb8;
	[tilespmem:$0x1F00] =	vst v63  }
0x285: {  	s14 =	simm.s32 $0x280  }
0x286: {  	[tilespmem:s3], [sflag:$0x1] =	stream.indirect.gather [hbm4b:s6+s21], $0x1, s14, s21, $0xb8;
	[tilespmem:$0x1F00] =	vst v63  }
0x287: {  	_ = 	snop  }
0x288: {  	[tilespmem:s24], [sflag:$0x1] =	stream.indirect.gather [hbm4b:s7+s21], $0x1, s14, s21, $0xb8;
	[tilespmem:$0x1F00] =	vst v63  }
0x289: {  	s14 =	simm.s32 $0x880  }
0x28a: {  	[tilespmem:s30], [sflag:$0x1] =	stream.indirect.gather [hbm4b:s2+s21], $0x1, s14, s21, $0xb8;
	[tilespmem:$0x1F00] =	vst v63  }
0x28b: {  	s14 =	simm.s32 $0x1B80  }
0x28c: {  	[tilespmem:s14], [sflag:$0x1] =	stream.indirect.gather [hbm4b:s6+s21], $0x1, s31, s21, $0xb8;
	[tilespmem:$0x1F00] =	vst v63  }
0x28d: {  	s14 =	simm.s32 $0x1580  }
0x28e: {  	[tilespmem:s14], [sflag:$0x1] =	stream.indirect.gather [hbm4b:s7+s21], $0x1, s31, s21, $0xb8;
	[tilespmem:$0x1F00] =	vst v63  }
0x28f: {  	s1 =	simm.s32 $0x900;
	s14 =	simm.s32 $0xF80  }
0x290: {  	[tilespmem:s14], [sflag:$0x1] =	stream.indirect.gather [hbm4b:s2+s21], $0x1, s1, s21, $0xb8;
	[tilespmem:$0x1F00] =	vst v63  }
0x291: {  	s14 =	simm.s32 $0x1C00  }
0x292: {  	[tilespmem:s14], [sflag:$0x1] =	stream.indirect.gather [hbm4b:s6+s21], $0x1, s5, s21, $0xb8;
	[tilespmem:$0x1F00] =	vst v63  }
0x293: {  	s14 =	simm.s32 $0x1600  }
0x294: {  	[tilespmem:s14], [sflag:$0x1] =	stream.indirect.gather [hbm4b:s7+s21], $0x1, s5, s21, $0xb8;
	[tilespmem:$0x1F00] =	vst v63  }
0x295: {  	s1 =	simm.s32 $0x980;
	s14 =	simm.s32 $0x1000  }
0x296: {  	[tilespmem:s14], [sflag:$0x1] =	stream.indirect.gather [hbm4b:s2+s21], $0x1, s1, s21, $0xb8;
	[tilespmem:$0x1F00] =	vst v63  }
0x297: {  	s14 =	simm.s32 $0x1C80  }
0x298: {  	[tilespmem:s14], [sflag:$0x1] =	stream.indirect.gather [hbm4b:s6+s21], $0x1, s29, s21, $0xb8;
	[tilespmem:$0x1F00] =	vst v63  }
0x299: {  	s14 =	simm.s32 $0x1680  }
0x29a: {  	[tilespmem:s14], [sflag:$0x1] =	stream.indirect.gather [hbm4b:s7+s21], $0x1, s29, s21, $0xb8;
	[tilespmem:$0x1F00] =	vst v63  }
0x29b: {  	s1 =	simm.s32 $0xA00;
	s14 =	simm.s32 $0x1080  }
0x29c: {  	[tilespmem:s14], [sflag:$0x1] =	stream.indirect.gather [hbm4b:s2+s21], $0x1, s1, s21, $0xb8;
	[tilespmem:$0x1F00] =	vst v63  }
0x29d: {  	_ = 	snop  }
0x29e: {  	[tilespmem:s23], [sflag:$0x1] =	stream.indirect.gather [hbm4b:s6+s21], $0x1, s22, s21, $0xb8;
	[tilespmem:$0x1F00] =	vst v63  }
0x29f: {  	_ = 	snop  }
0x2a0: {  	[tilespmem:s25], [sflag:$0x1] =	stream.indirect.gather [hbm4b:s7+s21], $0x1, s22, s21, $0xb8;
	[tilespmem:$0x1F00] =	vst v63  }
0x2a1: {  	s14 =	simm.s32 $0xA80  }
0x2a2: {  	[tilespmem:s26], [sflag:$0x1] =	stream.indirect.gather [hbm4b:s2+s21], $0x1, s14, s21, $0xb8;
	[tilespmem:$0x1F00] =	vst v63  }
0x2a3: {  	s14 =	simm.s32 $0x1D80  }
0x2a4: {  	[tilespmem:s14], [sflag:$0x1] =	stream.indirect.gather [hbm4b:s6+s21], $0x1, s0, s21, $0xb8;
	[tilespmem:$0x1F00] =	vst v63  }
0x2a5: {  	s14 =	simm.s32 $0x1780  }
0x2a6: {  	[tilespmem:s14], [sflag:$0x1] =	stream.indirect.gather [hbm4b:s7+s21], $0x1, s0, s21, $0xb8;
	[tilespmem:$0x1F00] =	vst v63  }
0x2a7: {  	s1 =	simm.s32 $0xB00;
	s14 =	simm.s32 $0x1180  }
0x2a8: {  	[tilespmem:s14], [sflag:$0x1] =	stream.indirect.gather [hbm4b:s2+s21], $0x1, s1, s21, $0xb8;
	[tilespmem:$0x1F00] =	vst v63  }
0x2a9: {  	s14 =	simm.s32 $0x1E00  }
0x2aa: {  	[tilespmem:s14], [sflag:$0x1] =	stream.indirect.gather [hbm4b:s6+s21], $0x1, s8, s21, $0xb8;
	[tilespmem:$0x1F00] =	vst v63  }
0x2ab: {  	s14 =	simm.s32 $0x1800  }
0x2ac: {  	[tilespmem:s14], [sflag:$0x1] =	stream.indirect.gather [hbm4b:s7+s21], $0x1, s8, s21, $0xb8;
	[tilespmem:$0x1F00] =	vst v63  }
0x2ad: {  	s1 =	simm.s32 $0xB80;
	s14 =	simm.s32 $0x1200  }
0x2ae: {  	[tilespmem:s14], [sflag:$0x1] =	stream.indirect.gather [hbm4b:s2+s21], $0x1, s1, s21, $0xb8;
	[tilespmem:$0x1F00] =	vst v63  }
0x2af: {  	s14 =	simm.s32 $0x1E80  }
0x2b0: {  	[tilespmem:s14], [sflag:$0x1] =	stream.indirect.gather [hbm4b:s6+s21], $0x1, s9, s21, $0xb8;
	[tilespmem:$0x1F00] =	vst v63  }
0x2b1: {  	s14 =	simm.s32 $0x1880  }
0x2b2: {  	[tilespmem:s14], [sflag:$0x1] =	stream.indirect.gather [hbm4b:s7+s21], $0x1, s9, s21, $0xb8;
	[tilespmem:$0x1F00] =	vst v63  }
0x2b3: {  	s1 =	simm.s32 $0xC00;
	s14 =	simm.s32 $0x1280  }
0x2b4: {  	[tilespmem:s14], [sflag:$0x1] =	stream.indirect.gather [hbm4b:s2+s21], $0x1, s1, s21, $0xb8;
	[tilespmem:$0x1F00] =	vst v63  }
0x2b5: {  	_ =	swait.ge [sflag:s28], $0x80  }
0x2b6: {  	[sflag:s28] =	ssyncset.done $0x0  }
0x2b7: {  	[sflag:s28] =	ssyncadd.s32 $0xFFFFFF80  }
0x2b8: {  	_ =	swait.ge [sflag:s28], $0x80  }
0x2b9: {  	[sflag:s28] =	ssyncset.done $0x0  }
0x2ba: {  	[sflag:s28] =	ssyncadd.s32 $0xFFFFFF80  }
0x2bb: {  	_ =	swait.ge [sflag:s28], $0x80  }
0x2bc: {  	[sflag:s28] =	ssyncset.done $0x0  }
0x2bd: {  	[sflag:s28] =	ssyncadd.s32 $0xFFFFFF80  }
0x2be: {  	_ =	swait.ge [sflag:s28], $0x80  }
0x2bf: {  	[sflag:s28] =	ssyncset.done $0x0  }
0x2c0: {  	[sflag:s28] =	ssyncadd.s32 $0xFFFFFF80  }
0x2c1: {  	_ =	swait.ge [sflag:s28], $0x80  }
0x2c2: {  	[sflag:s28] =	ssyncset.done $0x0  }
0x2c3: {  	[sflag:s28] =	ssyncadd.s32 $0xFFFFFF80  }
0x2c4: {  	_ =	swait.ge [sflag:s28], $0x80  }
0x2c5: {  	[sflag:s28] =	ssyncset.done $0x0  }
0x2c6: {  	[sflag:s28] =	ssyncadd.s32 $0xFFFFFF80  }
0x2c7: {  	_ =	swait.ge [sflag:s28], $0x80  }
0x2c8: {  	[sflag:s28] =	ssyncset.done $0x0  }
0x2c9: {  	[sflag:s28] =	ssyncadd.s32 $0xFFFFFF80  }
0x2ca: {  	_ =	swait.ge [sflag:s28], $0x80  }
0x2cb: {  	[sflag:s28] =	ssyncset.done $0x0  }
0x2cc: {  	[sflag:s28] =	ssyncadd.s32 $0xFFFFFF80  }
0x2cd: {  	_ =	swait.ge [sflag:s28], $0x80  }
0x2ce: {  	[sflag:s28] =	ssyncset.done $0x0  }
0x2cf: {  	[sflag:s28] =	ssyncadd.s32 $0xFFFFFF80  }
0x2d0: {  	_ =	swait.ge [sflag:s28], $0x80  }
0x2d1: {  	[sflag:s28] =	ssyncset.done $0x0  }
0x2d2: {  	[sflag:s28] =	ssyncadd.s32 $0xFFFFFF80  }
0x2d3: {  	_ =	swait.ge [sflag:s28], $0x80  }
0x2d4: {  	[sflag:s28] =	ssyncset.done $0x0  }
0x2d5: {  	[sflag:s28] =	ssyncadd.s32 $0xFFFFFF80  }
0x2d6: {  	_ =	swait.ge [sflag:s28], $0x80  }
0x2d7: {  	[sflag:s28] =	ssyncset.done $0x0  }
0x2d8: {  	[sflag:s28] =	ssyncadd.s32 $0xFFFFFF80  }
0x2d9: {  	_ =	swait.ge [sflag:s28], $0x80  }
0x2da: {  	[sflag:s28] =	ssyncset.done $0x0  }
0x2db: {  	[sflag:s28] =	ssyncadd.s32 $0xFFFFFF80  }
0x2dc: {  	_ =	swait.ge [sflag:s28], $0x80  }
0x2dd: {  	[sflag:s28] =	ssyncset.done $0x0  }
0x2de: {  	[sflag:s28] =	ssyncadd.s32 $0xFFFFFF80  }
0x2df: {  	_ =	swait.ge [sflag:s28], $0x80  }
0x2e0: {  	[sflag:s28] =	ssyncset.done $0x0  }
0x2e1: {  	[sflag:s28] =	ssyncadd.s32 $0xFFFFFF80  }
0x2e2: {  	_ =	swait.ge [sflag:s28], $0x80  }
0x2e3: {  	[sflag:s28] =	ssyncset.done $0x0  }
0x2e4: {  	[sflag:s28] =	ssyncadd.s32 $0xFFFFFF80  }
0x2e5: {  	_ =	swait.ge [sflag:s28], $0x80  }
0x2e6: {  	[sflag:s28] =	ssyncset.done $0x0  }
0x2e7: {  	[sflag:s28] =	ssyncadd.s32 $0xFFFFFF80  }
0x2e8: {  	_ =	swait.ge [sflag:s28], $0x80  }
0x2e9: {  	[sflag:s28] =	ssyncset.done $0x0  }
0x2ea: {  	[sflag:s28] =	ssyncadd.s32 $0xFFFFFF80  }
0x2eb: {  	_ =	swait.ge [sflag:s28], $0x80  }
0x2ec: {  	[sflag:s28] =	ssyncset.done $0x0  }
0x2ed: {  	[sflag:s28] =	ssyncadd.s32 $0xFFFFFF80  }
0x2ee: {  	_ =	swait.ge [sflag:s28], $0x80  }
0x2ef: {  	[sflag:s28] =	ssyncset.done $0x0  }
0x2f0: {  	[sflag:s28] =	ssyncadd.s32 $0xFFFFFF80  }
0x2f1: {  	_ =	swait.ge [sflag:s28], $0x80  }
0x2f2: {  	[sflag:s28] =	ssyncset.done $0x0  }
0x2f3: {  	[sflag:s28] =	ssyncadd.s32 $0xFFFFFF80  }
0x2f4: {  	_ =	swait.ge [sflag:s28], $0x80  }
0x2f5: {  	[sflag:s28] =	ssyncset.done $0x0  }
0x2f6: {  	[sflag:s28] =	ssyncadd.s32 $0xFFFFFF80  }
0x2f7: {  	_ =	swait.ge [sflag:s28], $0x80  }
0x2f8: {  	[sflag:s28] =	ssyncset.done $0x0  }
0x2f9: {  	[sflag:s28] =	ssyncadd.s32 $0xFFFFFF80  }
0x2fa: {  	_ =	swait.ge [sflag:s28], $0x80  }
0x2fb: {  	[sflag:s28] =	ssyncset.done $0x0  }
0x2fc: {  	[sflag:s28] =	ssyncadd.s32 $0xFFFFFF80  }
0x2fd: {  	_ =	swait.ge [sflag:s28], $0x80  }
0x2fe: {  	[sflag:s28] =	ssyncset.done $0x0  }
0x2ff: {  	[sflag:s28] =	ssyncadd.s32 $0xFFFFFF80  }
0x300: {  	_ =	swait.ge [sflag:s28], $0x80  }
0x301: {  	[sflag:s28] =	ssyncset.done $0x0  }
0x302: {  	[sflag:s28] =	ssyncadd.s32 $0xFFFFFF80  }
0x303: {  	_ =	swait.ge [sflag:s28], $0x80  }
0x304: {  	[sflag:s28] =	ssyncset.done $0x0  }
0x305: {  	[sflag:s28] =	ssyncadd.s32 $0xFFFFFF80  }
0x306: {  	_ =	swait.ge [sflag:s28], $0x80  }
0x307: {  	[sflag:s28] =	ssyncset.done $0x0  }
0x308: {  	[sflag:s28] =	ssyncadd.s32 $0xFFFFFF80  }
0x309: {  	_ =	swait.ge [sflag:s28], $0x80  }
0x30a: {  	[sflag:s28] =	ssyncset.done $0x0  }
0x30b: {  	[sflag:s28] =	ssyncadd.s32 $0xFFFFFF80  }
0x30c: {  	_ =	swait.ge [sflag:s28], $0x80  }
0x30d: {  	[sflag:s28] =	ssyncset.done $0x0  }
0x30e: {  	[sflag:s28] =	ssyncadd.s32 $0xFFFFFF80  }
0x30f: {  	_ =	swait.ge [sflag:s28], $0x80  }
0x310: {  	[sflag:s28] =	ssyncset.done $0x0  }
0x311: {  	[sflag:s28] =	ssyncadd.s32 $0xFFFFFF80  }
0x312: {  	_ =	swait.ge [sflag:s28], $0x80  }
0x313: {  	[sflag:s28] =	ssyncset.done $0x0  }
0x314: {  	[sflag:s28] =	ssyncadd.s32 $0xFFFFFF80  }
0x315: {  	_ =	swait.ge [sflag:s28], $0x80  }
0x316: {  	[sflag:s28] =	ssyncset.done $0x0  }
0x317: {  	[sflag:s28] =	ssyncadd.s32 $0xFFFFFF80  }
0x318: {  	_ =	swait.ge [sflag:s28], $0x80  }
0x319: {  	[sflag:s28] =	ssyncset.done $0x0  }
0x31a: {  	[sflag:s28] =	ssyncadd.s32 $0xFFFFFF80  }
0x31b: {  	_ =	swait.ge [sflag:s28], $0x80  }
0x31c: {  	[sflag:s28] =	ssyncset.done $0x0  }
0x31d: {  	[sflag:s28] =	ssyncadd.s32 $0xFFFFFF80  }
0x31e: {  	_ =	swait.ge [sflag:s28], $0x80  }
0x31f: {  	[sflag:s28] =	ssyncset.done $0x0  }
0x320: {  	s14 =	rddreg [dreg:$0x6];
	[sflag:s28] =	ssyncadd.s32 $0xFFFFFF80  }
0x321: {  	[hbm4b:s14+s4] =	stream.linear.scatter [tilespmem:s13], [sflag:$0x2], $0x200, $0x38;
	[tilespmem:$0x1F00] =	vst v63  }
0x322: {  	_ =	swait.ge [sflag:s20], $0x200  }
0x323: {  	[sflag:s20] =	ssyncset.done $0x0  }
0x324: {  	s13 =	rddreg [dreg:$0x7];
	[sflag:s20] =	ssyncadd.s32 $0xFFFFFE00  }
0x325: {  	[hbm4b:s13+s4] =	stream.linear.scatter [tilespmem:s12], [sflag:$0x2], $0x200, $0x38;
	[tilespmem:$0x1F00] =	vst v63  }
0x326: {  	_ =	swait.ge [sflag:s20], $0x200  }
0x327: {  	[sflag:s20] =	ssyncset.done $0x0  }
0x328: {  	s14 =	rddreg [dreg:$0x8];
	[sflag:s20] =	ssyncadd.s32 $0xFFFFFE00  }
0x329: {  	[hbm4b:s14+s4] =	stream.linear.scatter [tilespmem:s11], [sflag:$0x2], $0x200, $0x38;
	[tilespmem:$0x1F00] =	vst v63  }
0x32a: {  	_ =	swait.ge [sflag:s20], $0x200  }
0x32b: {  	[sflag:s20] =	ssyncset.done $0x0  }
0x32c: {  	s11 =	rddreg [dreg:$0x9];
	[sflag:s20] =	ssyncadd.s32 $0xFFFFFE00  }
0x32d: {  	[hbm4b:s11+s4] =	stream.linear.scatter [tilespmem:s30], [sflag:$0x2], $0x200, $0x38;
	[tilespmem:$0x1F00] =	vst v63  }
0x32e: {  	_ =	swait.ge [sflag:s20], $0x200  }
0x32f: {  	[sflag:s20] =	ssyncset.done $0x0  }
0x330: {  	s12 =	rddreg [dreg:$0xa];
	[sflag:s20] =	ssyncadd.s32 $0xFFFFFE00  }
0x331: {  	[hbm4b:s12+s4] =	stream.linear.scatter [tilespmem:s24], [sflag:$0x2], $0x200, $0x38;
	[tilespmem:$0x1F00] =	vst v63  }
0x332: {  	_ =	swait.ge [sflag:s20], $0x200  }
0x333: {  	[sflag:s20] =	ssyncset.done $0x0  }
0x334: {  	s13 =	rddreg [dreg:$0xb];
	[sflag:s20] =	ssyncadd.s32 $0xFFFFFE00  }
0x335: {  	[hbm4b:s13+s4] =	stream.linear.scatter [tilespmem:s3], [sflag:$0x2], $0x200, $0x38;
	[tilespmem:$0x1F00] =	vst v63  }
0x336: {  	_ =	swait.ge [sflag:s20], $0x200  }
0x337: {  	[sflag:s20] =	ssyncset.done $0x0  }
0x338: {  	s14 =	rddreg [dreg:$0xc];
	[sflag:s20] =	ssyncadd.s32 $0xFFFFFE00  }
0x339: {  	[hbm4b:s14+s4] =	stream.linear.scatter [tilespmem:s26], [sflag:$0x2], $0x200, $0x38;
	[tilespmem:$0x1F00] =	vst v63  }
0x33a: {  	_ =	swait.ge [sflag:s20], $0x200  }
0x33b: {  	[sflag:s20] =	ssyncset.done $0x0  }
0x33c: {  	[sflag:s20] =	ssyncadd.s32 $0xFFFFFE00  }
0x33d: {  	[hbm4b:s15+s4] =	stream.linear.scatter [tilespmem:s25], [sflag:$0x2], $0x200, $0x38;
	[tilespmem:$0x1F00] =	vst v63  }
0x33e: {  	s10 =	sadd.s32 $0x1, s10;
	_ =	swait.ge [sflag:s20], $0x200  }
0x33f: {  	p1 =	sne.s32 s10, s18;
	[sflag:s20] =	ssyncset.done $0x0  }
.Ltmp2:
0x340: {  	[sflag:s20] =	ssyncadd.s32 $0xFFFFFE00;
	(pc) =	sbr.rel @p1 .LBB2_1-.Ltmp2, $4  }
0x341: {  	[hbm4b:s16+s4] =	stream.linear.scatter [tilespmem:s23], [sflag:$0x2], $0x200, $0x38;
	[tilespmem:$0x1F00] =	vst v63  }
0x342: {  	_ =	swait.ge [sflag:s20], $0x200  }
0x343: {  	[sflag:s20] =	ssyncset.done $0x0  }
0x344: {  	[sflag:s20] =	ssyncadd.s32 $0xFFFFFE00  }
0x345: {  	_ =	sfence.sel $0x180000  }
0x346: {  	[bflag:$0x0] =	sbarrier.arrive $0xFFFF  }
0x347: {  	_ =	strace $0x9000004D  }
0x348: {  	s0 =	stileid.u32;
	[bflag:$0x2] =	sbarrier.arrive $0xFFFF  }
0x349: {  	p0 =	sne.s32 s0, $0x0;
	s0 =	rddreg [dreg:$0x5]  }
0x34a: {  	s0 =	sadd.s32 @!p0 $0x100000, s0  }
0x34b: {  	[sflag:s0] =	ssyncadd.tile.s32 @!p0 $0x1;
	_ =	shalt  }
.Lfunc_end2:
_tile_overlayer_lowered:
.L_overlay_start_2:
0x34c: {  	(tag) =	ssettag $0x2  }
0x34d: {  	s0 =	rddreg [dreg:$0x0];
	s2 =	stileid.u32  }
0x34e: {  	s1 =	rddreg [dreg:$0x1];
	p0 =	sne.s32 s2, $0x0  }
0x34f: {  	s3 =	rddreg [dreg:$0x2];
	[bflag:$0x3] =	sbarrier.arrive $0xFFFF;
	s2 =	simm.s32 @!p0 $0x1C02  }
0x350: {  	[timem:s3], [sflag:s2] =	dma.local @!p0 [hbm:s0], s1  }
0x351: {  	s0 =	simm.s32 @!p0 $0x2  }
0x352: {  	_ =	swait.ge @!p0 [sflag:s0], s1  }
0x353: {  	s1 =	ssub.s32 @!p0 $0x0, s1;
	[sflag:s0] =	ssyncset.done @!p0 $0x0  }
0x354: {  	[sflag:s0] =	ssyncadd.s32 @!p0 s1  }
0x355: {  	[bflag:$0x3] =	sbarrier.arrive $0xFFFF  }
0x356: {  	_ =	shalt  }

// kernel: sparse-core-data-format-call.1.cloned.1.call-start
scs
called_computation.1_lowered:
.L_overlay_start_0:
0x0: {  	s2 =	sld [smem:$0x3FD9]  }
0x1: {  	s3 =	sld [smem:$0x3FFE];
	_ =	sdelay $0x1  }
0x2: {  	s1 =	srdreg.scid  }
0x3: {  	s0 =	sand.u32 $0x1, s1  }
0x4: {  	s18 =	sshll.u32 s0, $0xA;
	s2 =	sadd.s32 s3, s2  }
0x5: {  	s2 =	sadd.s32 s2, s18  }
0x6: {  	[smem:$0x3FC4] =	sst s2  }
0x7: {  	_ = 	snop  }
0x8: {  	s2 =	sld [smem:$0x3FC8];
	(tm) =	ssettm $0x1  }
0x9: {  	s19 =	sld [smem:$0x3FFB];
	_ =	sdelay $0x3  }
0xa: {  	_ =	strace s19  }
0xb: {  	s3 =	sld [smem:$0x3FFC];
	_ =	sdelay $0x3  }
0xc: {  	_ =	strace s3  }
0xd: {  	s3 =	sld [smem:$0x3FFD];
	_ =	sdelay $0x3  }
0xe: {  	_ =	strace s3  }
0xf: {  	_ =	strace $0x8FFFFFFF  }
0x10: {  	s20 =	sld [smem:$0x3FDB];
	_ =	sdelay $0x1  }
0x11: {  	s4 =	simm.s32 $_scs_section_size  }
0x12: {  	s5 =	simm.s32 $_size__tile_overlayer_lowered;
	s6 =	simm.s32 $_tile_overlayer_lowered  }
0x13: {  	s23 =	simm.s32 $0x1BFF;
	s22 =	sshll.u32 s6, $0x1;
	s3 =	sadd.s32 s4, s20  }
0x14: {  	s7 =	simm.s32 $0x0;
	s21 =	sshll.u32 s5, $0x1;
	s5 =	sadd.s32 s22, s3  }
0x15: {  	[timem:s7], [sflag:s23] =	dma.local [hbm:s5], s21  }
0x16: {  	_ =	swait.ge [sflag:s23], s21  }
0x17: {  	s4 =	ssub.s32 $0x0, s21;
	[sflag:s23] =	ssyncset.done $0x0  }
0x18: {  	[sflag:s23] =	ssyncadd.s32 s4;
	_ =	sdelay $0x1  }
0x19: {  	s24 =	simm.s32 $0x1B8B  }
0x1a: {  	_ =	swait.ge [sflag:s24], $0x1  }
0x1b: {  	[sflag:s24] =	ssyncset.done $0x0  }
0x1c: {  	s26 =	simm.s32 $0x1B8E;
	s25 =	sld [smem:$0x3FFE];
	[sflag:s24] =	ssyncadd.s32 $0xFFFFFFFF  }
0x1d: {  	s27 =	simm.s32 $execute0_lowered;
	[smem:$0x3FD2] =	sst s26  }
0x1e: {  	s5 =	sshll.u32 s27, $0x1;
	_ =	strace $0x80000046;
	[dreg:$0x1] =	wrdreg $0xFFFFFFFF  }
0x1f: {  	s28 =	simm.s32 $_size_execute0_lowered;
	s3 =	sadd.s32 s3, s5;
	[dreg:$0x0] =	wrdreg $0x0  }
0x20: {  	s5 =	sshll.u32 s28, $0x1;
	[dreg:$0x2] =	wrdreg s3  }
0x21: {  	[dreg:$0x3] =	wrdreg s5  }
0x22: {  	[dreg:$0x4] =	wrdreg $0xC0  }
0x23: {  	_ =	task [dreg:s7], $0x5FFFF  }
0x24: {  	[dreg:$0x1] =	wrdreg $0xFFFFFFFF  }
0x25: {  	[dreg:$0x0] =	wrdreg $0x60  }
0x26: {  	[dreg:$0x2] =	wrdreg s2  }
0x27: {  	[dreg:$0x3] =	wrdreg s25  }
0x28: {  	[dreg:$0x4] =	wrdreg $0xA  }
0x29: {  	_ =	task.clear_ibuf [dreg:s7], $0x5FFFF;
	_ =	strace $0x90000046  }
0x2a: {  	s29 =	simm.s32 $0xA;
	_ =	strace $0x80000048  }
0x2b: {  	_ =	swait.ge [sflag:s29], $0x1  }
0x2c: {  	[sflag:s29] =	ssyncadd.s32 $0xFFFFFFFF  }
0x2d: {  	_ =	strace $0x90000048  }
0x2e: {  	_ =	sfence  }
0x2f: {  	s30 =	sld [smem:$0x0];
	_ =	sdelay $0x2  }
0x30: {  	s31 =	sshll.u32 s1, $0xD;
	s1 =	sshrl.u32 s1, $0x2  }
0x31: {  	s3 =	sand.u32 $0x4000, s31;
	s1 =	sadd.s32 s1, s30  }
0x32: {  	s0 =	sor.u32 s3, s0;
	s1 =	sshll.u32 s1, $0x11  }
0x33: {  	s0 =	sor.u32 s1, s0  }
0x34: {  	s0 =	sadd.s32 $0x8F2B, s0  }
0x35: {  	[sflag:s0] =	ssyncadd.remote.s32 $0x1  }
0x36: {  	_ =	sfence.sel $0xFFFF  }
0x37: {  	[dreg:$0x0] =	wrdreg $0xFFFFFFFF;
	(pc) =	sbr.abs _section_cstart, $3  }
0x38: {  	[dreg:$0x1] =	wrdreg $0xFFFFFFFF  }
0x39: {  	_ =	task.clear_ibuf [dreg:s7], $0x2FFFF;
	_ =	strace $0x9FFFFFFF  }
0x3a: {  	(tm) =	ssettm $0x7FFFFFFF  }
0x3b: {  	_ =	shalt  }
tec
execute0_lowered:
.L_overlay_start_1:
0x0: {  	(tag) =	ssettag $0x1  }
0x1: {  	s0 =	srdreg.scid  }
0x2: {  	s1 =	sshll.u32 s0, $0x4  }
0x3: {  	s2 =	rddreg [dreg:$0x0];
	s0 =	stileid.u32;
	s1 =	sand.u32 $0x10, s1  }
0x4: {  	s4 =	rddreg [dreg:$0x1];
	s7 =	simm.s32 $0x1;
	s1 =	sor.u32 s0, s1  }
0x5: {  	s8 =	simm.s32 $0x2;
	s9 =	simm.s32 $0x0;
	s3 =	sshll.u32 s1, $0x3  }
0x6: {  	s12 =	simm.s32 $0x0;
	s11 =	simm.s32 $0x0;
	s6 =	ssub.s32 $0x2580, s3  }
.Ltmp0:
0x7: {  	s4 =	sadd.s32 $0x1200, s4;
	s5 =	sand.u32 $0xF8, s6;
	(pc) =	sbr.rel .LBB1_1-.Ltmp0, $4  }
0x8: {  	s1 =	rddreg [dreg:$0x2];
	_ =	strace $0x80000047;
	p0 =	sne.s32 s5, $0x0  }
0x9: {  	s6 =	sshrl.u32 s6, $0x8;
	s5 =	simm.s32 $0x1;
	s7 =	simm.s32 @!p0 $0x0  }
0xa: {  	s10 =	smov.u32 s3;
	[sflag:s5] =	ssyncpa.u1 $0x0;
	s6 =	sadd.s32 s7, s6  }
0xb: {  	[sflag:s8] =	ssyncpa.u1 $0x0;
	s8 =	simm.s32 $0x0;
	s7 =	sadd.s32 $0x1, s6  }
.LBB1_9:
0xc: {  	s14 =	sadd.s32 $0x100, s10  }
0xd: {  	p1 =	sgt.s32 s14, $0x257F  }
0xe: {  	s14 =	smov.u32 @p1 s3;
	p1 =	sne.s32 s11, s7  }
.Ltmp1:
0xf: {  	p0 =	slt.u32 s11, $0x2;
	(pc) =	sbr.rel @!p1 .LBB1_10-.Ltmp1, $4  }
0x10: {  	s13 =	simm.s32 @!p0 $0x2  }
0x11: {  	s15 =	sadd.s32 $0x1, s11;
	_ =	swait.ge @!p0 [sflag:s13], $0x4000  }
0x12: {  	s12 =	smov.u32 s10;
	s9 =	sadd.s32 $0x4000, s9;
	[sflag:s13] =	ssyncset.done @!p0 $0x0  }
0x13: {  	s11 =	smov.u32 s15;
	s10 =	smov.u32 s14;
	[sflag:s13] =	ssyncadd.s32 @!p0 $0xFFFFC000  }
.LBB1_1:
0x14: {  	p0 =	sge.u32 s11, s6  }
0x15: {  	s13 =	sxor.u32 @!p0 $0xFFFFFFFF, s11  }
0x16: {  	s31 =	sadd.s32 $0xFFFFFFFF, s11;
	s14 =	sshll.u32 @!p0 s10, $0x8;
	s13 =	sshll.u32 @!p0 s13, $0xE  }
0x17: {  	s15 =	simm.s32 @!p0 $0x0;
	s14 =	sadd.s32 @!p0 s2, s14;
	s13 =	sand.u32 @!p0 $0x4000, s13  }
0x18: {  	[tilespmem:s13], [sflag:$0x1] =	stream.linear.gather @!p0 [hbm4b:s14+s15], $0x4000, $0x38;
	[tilespmem:$0x10000] =	vst v63  }
0x19: {  	p0 =	sge.u32 s31, s6  }
.Ltmp2:
0x1a: {  	_ = 	snop;
	(pc) =	sbr.rel @p0 .LBB1_9-.Ltmp2, $1  }
0x1b: {  	_ =	sdelay $0x3  }
0x1c: {  	s13 =	sshll.u32 s9, $0x2;
	_ =	swait.ge [sflag:s5], $0x4000;
	s14 =	sshll.u32 s11, $0xE  }
0x1d: {  	s16 =	simm.s32 $0x0;
	s17 =	simm.s32 $0x0;
	s15 =	sand.u32 $0x10000, s13  }
0x1e: {  	[sflag:s5] =	ssyncset.done $0x0;
	s31 =	sand.u32 $0x4000, s14;
	s14 =	sshrl.u32 s15, $0x2  }
0x1f: {  	[sflag:s5] =	ssyncadd.s32 $0xFFFFC000;
	s13 =	sor.u32 $0x8000, s31;
	s15 =	sor.u32 $0x8000, s14  }
.LBB1_3:
0x20: {  	s18 =	sshra.s32 s16, $0x2  }
0x21: {  	v0 =	vmov s18;
	_ =	sdelay $0x3  }
0x22: {  	p1 =	por $0x1, $0x1;
	s18 =	simm.s32 $0x0  }
.LBB1_4:
0x23: {  	_ = 	snop  }
0x24: {  	s19 =	sshll.u32 s18, $0xA  }
0x25: {  	s19 =	sand.u32 $0x3FFFFC00, s19  }
0x26: {  	s19 =	sadd.s32 s19, s14  }
0x27: {  	v5 =	vld.idx.msk [tilespmem:v0+s19+$0x70 ss:$0x1], $0xffff  }
0x28: {  	v6 =	vld.idx.msk [tilespmem:v0+s19+$0x10 ss:$0x1], $0xffff  }
0x29: {  	v7 =	vld.idx.msk [tilespmem:v0+s19+$0x20 ss:$0x1], $0xffff  }
0x2a: {  	s31 =	sshll.u32 s18, $0x7;
	v1 =	vld.idx.msk [tilespmem:v0+s19+$0x30 ss:$0x1], $0xffff  }
0x2b: {  	s18 =	sand.u32 $0x3FFFFF80, s31;
	v2 =	vld.idx.msk [tilespmem:v0+s19+$0x40 ss:$0x1], $0xffff  }
0x2c: {  	s18 =	sadd.s32 s18, s15;
	v3 =	vld.idx.msk [tilespmem:v0+s19+$0x50 ss:$0x1], $0xffff  }
0x2d: {  	v4 =	vld.idx.msk [tilespmem:v0+s19+$0x60 ss:$0x1], $0xffff;
	[tilespmem:v0+s18+$0x70 ss:$0x1] =	vst.idx.msk $0xffff, v5  }
0x2e: {  	v5 =	vld.idx.msk [tilespmem:v0+s19+$0x0 ss:$0x1], $0xffff;
	[tilespmem:v0+s18+$0x10 ss:$0x1] =	vst.idx.msk $0xffff, v6;
	s19 =	sadd.s32 $0x80, s19  }
0x2f: {  	p0 =	por p1, p1;
	s20 =	simm.s32 $0x6;
	[tilespmem:v0+s18+$0x20 ss:$0x1] =	vst.idx.msk $0xffff, v7;
	v6 =	vld.idx.msk [tilespmem:v0+s19+$0x70 ss:$0x1], $0xffff  }
.LBB1_5:
0x30: {  	p1 =	sne.s32 s20, $0x1;
	v7 =	vld.idx.msk [tilespmem:v0+s19+$0x10 ss:$0x1], $0xffff;
	[tilespmem:v0+s18+$0x30 ss:$0x1] =	vst.idx.msk $0xffff, v1  }
0x31: {  	v8 =	vld.idx.msk [tilespmem:v0+s19+$0x20 ss:$0x1], $0xffff;
	[tilespmem:v0+s18+$0x40 ss:$0x1] =	vst.idx.msk $0xffff, v2  }
0x32: {  	v1 =	vld.idx.msk [tilespmem:v0+s19+$0x30 ss:$0x1], $0xffff;
	[tilespmem:v0+s18+$0x50 ss:$0x1] =	vst.idx.msk $0xffff, v3  }
.Ltmp3:
0x33: {  	v2 =	vld.idx.msk [tilespmem:v0+s19+$0x40 ss:$0x1], $0xffff;
	[tilespmem:v0+s18+$0x60 ss:$0x1] =	vst.idx.msk $0xffff, v4;
	(pc) =	sbr.rel @p1 .LBB1_5-.Ltmp3, $4  }
0x34: {  	v3 =	vld.idx.msk [tilespmem:v0+s19+$0x50 ss:$0x1], $0xffff;
	[tilespmem:v0+s18+$0x0 ss:$0x1] =	vst.idx.msk $0xffff, v5;
	s18 =	sadd.s32 $0x100, s18  }
0x35: {  	v4 =	vld.idx.msk [tilespmem:v0+s19+$0x60 ss:$0x1], $0xffff;
	[tilespmem:v0+s18+$0x70 ss:$0x1] =	vst.idx.msk $0xffff, v6  }
0x36: {  	v5 =	vld.idx.msk [tilespmem:v0+s19+$0x0 ss:$0x1], $0xffff;
	[tilespmem:v0+s18+$0x10 ss:$0x1] =	vst.idx.msk $0xffff, v7;
	s19 =	sadd.s32 $0x80, s19  }
0x37: {  	s20 =	sadd.s32 $0xFFFFFFFF, s20;
	v6 =	vld.idx.msk [tilespmem:v0+s19+$0x70 ss:$0x1], $0xffff;
	[tilespmem:v0+s18+$0x20 ss:$0x1] =	vst.idx.msk $0xffff, v8  }
0x38: {  	_ =	sdelay $0x3  }
0x39: {  	[tilespmem:v0+s18+$0x30 ss:$0x1] =	vst.idx.msk $0xffff, v1  }
0x3a: {  	v1 =	vld.idx.msk [tilespmem:v0+s19+$0x10 ss:$0x1], $0xffff;
	[tilespmem:v0+s18+$0x40 ss:$0x1] =	vst.idx.msk $0xffff, v2  }
0x3b: {  	v2 =	vld.idx.msk [tilespmem:v0+s19+$0x20 ss:$0x1], $0xffff;
	[tilespmem:v0+s18+$0x50 ss:$0x1] =	vst.idx.msk $0xffff, v3  }
0x3c: {  	v61 =	vld.idx.msk [tilespmem:v0+s19+$0x40 ss:$0x1], $0xffff;
	[tilespmem:v0+s18+$0x60 ss:$0x1] =	vst.idx.msk $0xffff, v4  }
0x3d: {  	s31 =	sadd.s32 $0x100, s18;
	v62 =	vld.idx.msk [tilespmem:v0+s19+$0x50 ss:$0x1], $0xffff;
	[tilespmem:v0+s18+$0x0 ss:$0x1] =	vst.idx.msk $0xffff, v5  }
0x3e: {  	v63 =	vld.idx.msk [tilespmem:v0+s19+$0x60 ss:$0x1], $0xffff;
	[tilespmem:v0+s31+$0x70 ss:$0x1] =	vst.idx.msk $0xffff, v6  }
0x3f: {  	v3 =	vld.idx.msk [tilespmem:v0+s19+$0x30 ss:$0x1], $0xffff;
	[tilespmem:v0+s31+$0x10 ss:$0x1] =	vst.idx.msk $0xffff, v1  }
0x40: {  	v1 =	vld.idx.msk [tilespmem:v0+s19+$0x0 ss:$0x1], $0xffff;
	[tilespmem:v0+s31+$0x20 ss:$0x1] =	vst.idx.msk $0xffff, v2  }
.Ltmp4:
0x41: {  	[tilespmem:v0+s31+$0x40 ss:$0x1] =	vst.idx.msk $0xffff, v61;
	(pc) =	sbr.rel @p0 .LBB1_4-.Ltmp4, $4  }
0x42: {  	[tilespmem:v0+s31+$0x50 ss:$0x1] =	vst.idx.msk $0xffff, v62  }
0x43: {  	[tilespmem:v0+s31+$0x60 ss:$0x1] =	vst.idx.msk $0xffff, v63  }
0x44: {  	[tilespmem:v0+s31+$0x30 ss:$0x1] =	vst.idx.msk $0xffff, v3  }
0x45: {  	p1 =	por $0x0, $0x0;
	s18 =	simm.s32 $0x1;
	[tilespmem:v0+s31+$0x0 ss:$0x1] =	vst.idx.msk $0xffff, v1  }
0x46: {  	s17 =	sadd.s32 $0x1, s17  }
0x47: {  	p0 =	sne.s32 s17, $0x8  }
.Ltmp5:
0x48: {  	_ = 	snop;
	(pc) =	sbr.rel @p0 .LBB1_3-.Ltmp5, $2  }
0x49: {  	_ =	sdelay $0x2  }
0x4a: {  	s16 =	sadd.s32 $0x2000, s16  }
.Ltmp6:
0x4b: {  	(pc) =	sbr.rel .LBB1_9-.Ltmp6, $4  }
0x4c: {  	_ = 	snop  }
0x4d: {  	s12 =	sshll.u32 s12, $0x8  }
0x4e: {  	s12 =	sadd.s32 s4, s12  }
0x4f: {  	[hbm4b:s12+s8] =	stream.linear.scatter [tilespmem:s13], [sflag:$0x2], $0x4000, $0x38;
	[tilespmem:$0x10000] =	vst v63  }
.LBB1_10:
0x50: {  	_ =	sfence.sel $0x180000  }
0x51: {  	s2 =	simm.s32 $0x1;
	[bflag:$0x0] =	sbarrier.arrive $0xFFFF  }
0x52: {  	s31 =	simm.s32 $0x2;
	[sflag:s2] =	ssyncpa.u1 $0x1  }
0x53: {  	[sflag:s31] =	ssyncpa.u1 $0x1  }
0x54: {  	p0 =	sne.s32 s0, $0x0;
	_ =	strace $0x90000047  }
0x55: {  	s0 =	sadd.s32 @!p0 $0x100000, s1;
	[bflag:$0x2] =	sbarrier.arrive $0xFFFF  }
0x56: {  	[sflag:s0] =	ssyncadd.tile.s32 @!p0 $0x1;
	_ =	shalt  }
.Lfunc_end1:
_tile_overlayer_lowered:
.L_overlay_start_2:
0x57: {  	(tag) =	ssettag $0x2  }
0x58: {  	s0 =	rddreg [dreg:$0x0];
	s2 =	stileid.u32  }
0x59: {  	s1 =	rddreg [dreg:$0x1];
	p0 =	sne.s32 s2, $0x0  }
0x5a: {  	s3 =	rddreg [dreg:$0x2];
	[bflag:$0x3] =	sbarrier.arrive $0xFFFF;
	s2 =	simm.s32 @!p0 $0x1C01  }
0x5b: {  	[timem:s3], [sflag:s2] =	dma.local @!p0 [hbm:s0], s1  }
0x5c: {  	s0 =	simm.s32 @!p0 $0x1  }
0x5d: {  	_ =	swait.ge @!p0 [sflag:s0], s1  }
0x5e: {  	s1 =	ssub.s32 @!p0 $0x0, s1;
	[sflag:s0] =	ssyncset.done @!p0 $0x0  }
0x5f: {  	[sflag:s0] =	ssyncadd.s32 @!p0 s1  }
0x60: {  	[bflag:$0x3] =	sbarrier.arrive $0xFFFF  }
0x61: {  	_ =	shalt  }

// kernel: sparse-core-data-format-call.cloned.1.call-start
scs
called_computation_lowered:
.L_overlay_start_0:
0x0: {  	s2 =	sld [smem:$0x3FD9]  }
0x1: {  	s3 =	sld [smem:$0x3FFE];
	_ =	sdelay $0x1  }
0x2: {  	s1 =	srdreg.scid  }
0x3: {  	s0 =	sand.u32 $0x1, s1  }
0x4: {  	s18 =	sshll.u32 s0, $0xA;
	s2 =	sadd.s32 s3, s2  }
0x5: {  	s2 =	sadd.s32 s2, s18  }
0x6: {  	[smem:$0x3FC4] =	sst s2  }
0x7: {  	_ = 	snop  }
0x8: {  	s19 =	sld [smem:$0x3FC6];
	(tm) =	ssettm $0x1  }
0x9: {  	s20 =	sld [smem:$0x3FFB];
	_ =	sdelay $0x3  }
0xa: {  	_ =	strace s20  }
0xb: {  	s2 =	sld [smem:$0x3FFC];
	_ =	sdelay $0x3  }
0xc: {  	_ =	strace s2  }
0xd: {  	s2 =	sld [smem:$0x3FFD];
	_ =	sdelay $0x3  }
0xe: {  	_ =	strace s2  }
0xf: {  	_ =	strace $0x8FFFFFFF  }
0x10: {  	s21 =	sld [smem:$0x3FDB];
	_ =	sdelay $0x1  }
0x11: {  	s4 =	simm.s32 $_scs_section_size  }
0x12: {  	s5 =	simm.s32 $_size__tile_overlayer_lowered;
	s6 =	simm.s32 $_tile_overlayer_lowered  }
0x13: {  	s7 =	simm.s32 $0x1BFF;
	s22 =	sshll.u32 s6, $0x1;
	s4 =	sadd.s32 s4, s21  }
0x14: {  	s23 =	simm.s32 $0x0;
	s5 =	sshll.u32 s5, $0x1;
	s6 =	sadd.s32 s22, s4  }
0x15: {  	[timem:s23], [sflag:s7] =	dma.local [hbm:s6], s5  }
0x16: {  	_ =	swait.ge [sflag:s7], s5  }
0x17: {  	s5 =	ssub.s32 $0x0, s5;
	[sflag:s7] =	ssyncset.done $0x0  }
0x18: {  	[sflag:s7] =	ssyncadd.s32 s5;
	_ =	sdelay $0x1  }
0x19: {  	s24 =	simm.s32 $0x1B8B  }
0x1a: {  	_ =	swait.ge [sflag:s24], $0x1  }
0x1b: {  	[sflag:s24] =	ssyncset.done $0x0  }
0x1c: {  	[sflag:s24] =	ssyncadd.s32 $0xFFFFFFFF  }
0x1d: {  	s5 =	sld [smem:$0x0]  }
0x1e: {  	s6 =	sand.u32 $0xFFFFFFFE, s1  }
0x1f: {  	p0 =	sne.s32 s1, s6  }
0x20: {  	s6 =	sshll.u32 @p0 s6, $0xE  }
0x21: {  	s6 =	sadd.s32 @p0 $0x11B8D, s6;
	s7 =	sshll.u32 @p0 s5, $0x11  }
0x22: {  	s6 =	sor.u32 @p0 s7, s6  }
0x23: {  	[sflag:s6] =	ssyncadd.remote.s32 @p0 $0x1;
	_ =	sdelay $0x1  }
0x24: {  	s6 =	simm.s32 @p0 $0x1B8D  }
0x25: {  	_ =	swait.eq @p0 [sflag:s6], $0x1  }
0x26: {  	[sflag:s6] =	ssyncadd.s32 @p0 $0xFFFFFFFF  }
0x27: {  	s7 =	sshll.u32 @!p0 s1, $0xE  }
0x28: {  	s7 =	sor.u32 @!p0 $0x4000, s7;
	s6 =	simm.s32 @!p0 $0x1B8D  }
0x29: {  	s5 =	sshll.u32 @!p0 s5, $0x11;
	s7 =	sadd.s32 @!p0 $0x11B8D, s7;
	_ =	swait.eq @!p0 [sflag:s6], $0x1  }
0x2a: {  	s5 =	sor.u32 @!p0 s5, s7;
	[sflag:s6] =	ssyncadd.s32 @!p0 $0xFFFFFFFF  }
0x2b: {  	s26 =	simm.s32 $0x1B8E;
	s25 =	sld [smem:$0x3FFE];
	[sflag:s5] =	ssyncadd.remote.s32 @!p0 $0x1  }
0x2c: {  	s27 =	simm.s32 $execute0_lowered;
	[smem:$0x3FD2] =	sst s26  }
0x2d: {  	s6 =	sshll.u32 s27, $0x1;
	_ =	strace $0x80000049;
	[dreg:$0x1] =	wrdreg $0xFFFFFFFF  }
0x2e: {  	s28 =	simm.s32 $_size_execute0_lowered;
	s4 =	sadd.s32 s4, s6;
	[dreg:$0x0] =	wrdreg $0x0  }
0x2f: {  	s6 =	sshll.u32 s28, $0x1;
	[dreg:$0x2] =	wrdreg s4  }
0x30: {  	[dreg:$0x3] =	wrdreg s6  }
0x31: {  	[dreg:$0x4] =	wrdreg $0xC0  }
0x32: {  	_ =	task [dreg:s23], $0x5FFFF  }
0x33: {  	[dreg:$0x1] =	wrdreg $0xFFFFFFFF  }
0x34: {  	[dreg:$0x0] =	wrdreg $0x60  }
0x35: {  	[dreg:$0x2] =	wrdreg s19  }
0x36: {  	[dreg:$0x3] =	wrdreg s25  }
0x37: {  	[dreg:$0x4] =	wrdreg $0x9  }
0x38: {  	_ =	task.clear_ibuf [dreg:s23], $0x5FFFF;
	_ =	strace $0x90000049  }
0x39: {  	s29 =	simm.s32 $0x9;
	_ =	strace $0x8000004B  }
0x3a: {  	_ =	swait.ge [sflag:s29], $0x1  }
0x3b: {  	[sflag:s29] =	ssyncadd.s32 $0xFFFFFFFF  }
0x3c: {  	_ =	strace $0x9000004B  }
0x3d: {  	_ =	sfence  }
0x3e: {  	s30 =	sld [smem:$0x0];
	_ =	sdelay $0x2  }
0x3f: {  	s31 =	sshll.u32 s1, $0xD;
	s1 =	sshrl.u32 s1, $0x2  }
0x40: {  	s4 =	sand.u32 $0x4000, s31;
	s1 =	sadd.s32 s1, s30  }
0x41: {  	s0 =	sor.u32 s4, s0;
	s1 =	sshll.u32 s1, $0x11  }
0x42: {  	s0 =	sor.u32 s1, s0  }
0x43: {  	s0 =	sadd.s32 $0x8F2B, s0  }
0x44: {  	[sflag:s0] =	ssyncadd.remote.s32 $0x1  }
0x45: {  	_ =	sfence.sel $0xFFFF  }
0x46: {  	[dreg:$0x0] =	wrdreg $0xFFFFFFFF;
	(pc) =	sbr.abs _section_cstart, $3  }
0x47: {  	[dreg:$0x1] =	wrdreg $0xFFFFFFFF  }
0x48: {  	_ =	task.clear_ibuf [dreg:s23], $0x2FFFF;
	_ =	strace $0x9FFFFFFF  }
0x49: {  	(tm) =	ssettm $0x7FFFFFFF  }
tec
execute0_lowered:
.L_overlay_start_1:
0x0: {  	(tag) =	ssettag $0x1  }
0x1: {  	s0 =	srdreg.scid  }
0x2: {  	s1 =	sshll.u32 s0, $0x4  }
0x3: {  	s2 =	rddreg [dreg:$0x0];
	s0 =	stileid.u32;
	s1 =	sand.u32 $0x10, s1  }
0x4: {  	s4 =	rddreg [dreg:$0x1];
	s7 =	simm.s32 $0x1;
	s1 =	sor.u32 s0, s1  }
0x5: {  	s8 =	simm.s32 $0x2;
	s9 =	simm.s32 $0x0;
	s3 =	sshll.u32 s1, $0x3  }
0x6: {  	s12 =	simm.s32 $0x0;
	s11 =	simm.s32 $0x0;
	s6 =	ssub.s32 $0x2580, s3  }
.Ltmp0:
0x7: {  	s4 =	sadd.s32 $0x259200, s4;
	s5 =	sand.u32 $0xF8, s6;
	(pc) =	sbr.rel .LBB1_1-.Ltmp0, $4  }
0x8: {  	s1 =	rddreg [dreg:$0x2];
	_ =	strace $0x8000004A;
	p0 =	sne.s32 s5, $0x0  }
0x9: {  	s6 =	sshrl.u32 s6, $0x8;
	s5 =	simm.s32 $0x1;
	s7 =	simm.s32 @!p0 $0x0  }
0xa: {  	s10 =	smov.u32 s3;
	[sflag:s5] =	ssyncpa.u1 $0x0;
	s6 =	sadd.s32 s7, s6  }
0xb: {  	[sflag:s8] =	ssyncpa.u1 $0x0;
	s8 =	simm.s32 $0x0;
	s7 =	sadd.s32 $0x1, s6  }
.LBB1_9:
0xc: {  	s14 =	sadd.s32 $0x100, s10  }
0xd: {  	p1 =	sgt.s32 s14, $0x257F  }
0xe: {  	s14 =	smov.u32 @p1 s3;
	p1 =	sne.s32 s11, s7  }
.Ltmp1:
0xf: {  	p0 =	slt.u32 s11, $0x2;
	(pc) =	sbr.rel @!p1 .LBB1_10-.Ltmp1, $4  }
0x10: {  	s13 =	simm.s32 @!p0 $0x2  }
0x11: {  	s15 =	sadd.s32 $0x1, s11;
	_ =	swait.ge @!p0 [sflag:s13], $0x4000  }
0x12: {  	s12 =	smov.u32 s10;
	s9 =	sadd.s32 $0x4000, s9;
	[sflag:s13] =	ssyncset.done @!p0 $0x0  }
0x13: {  	s11 =	smov.u32 s15;
	s10 =	smov.u32 s14;
	[sflag:s13] =	ssyncadd.s32 @!p0 $0xFFFFC000  }
.LBB1_1:
0x14: {  	p0 =	sge.u32 s11, s6  }
0x15: {  	s13 =	sxor.u32 @!p0 $0xFFFFFFFF, s11  }
0x16: {  	s31 =	sadd.s32 $0xFFFFFFFF, s11;
	s14 =	sshll.u32 @!p0 s10, $0x8;
	s13 =	sshll.u32 @!p0 s13, $0xE  }
0x17: {  	s15 =	simm.s32 @!p0 $0x0;
	s14 =	sadd.s32 @!p0 s2, s14;
	s13 =	sand.u32 @!p0 $0x4000, s13  }
0x18: {  	[tilespmem:s13], [sflag:$0x1] =	stream.linear.gather @!p0 [hbm4b:s14+s15], $0x4000, $0x38;
	[tilespmem:$0x10000] =	vst v63  }
0x19: {  	p0 =	sge.u32 s31, s6  }
.Ltmp2:
0x1a: {  	_ = 	snop;
	(pc) =	sbr.rel @p0 .LBB1_9-.Ltmp2, $1  }
0x1b: {  	_ =	sdelay $0x3  }
0x1c: {  	s13 =	sshll.u32 s9, $0x2;
	_ =	swait.ge [sflag:s5], $0x4000;
	s14 =	sshll.u32 s11, $0xE  }
0x1d: {  	s16 =	simm.s32 $0x0;
	s17 =	simm.s32 $0x0;
	s15 =	sand.u32 $0x10000, s13  }
0x1e: {  	[sflag:s5] =	ssyncset.done $0x0;
	s31 =	sand.u32 $0x4000, s14;
	s14 =	sshrl.u32 s15, $0x2  }
0x1f: {  	[sflag:s5] =	ssyncadd.s32 $0xFFFFC000;
	s13 =	sor.u32 $0x8000, s31;
	s15 =	sor.u32 $0x8000, s14  }
.LBB1_3:
0x20: {  	s18 =	sshra.s32 s16, $0x2  }
0x21: {  	v0 =	vmov s18;
	_ =	sdelay $0x3  }
0x22: {  	p1 =	por $0x1, $0x1;
	s18 =	simm.s32 $0x0  }
.LBB1_4:
0x23: {  	_ = 	snop  }
0x24: {  	s19 =	sshll.u32 s18, $0xA  }
0x25: {  	s19 =	sand.u32 $0x3FFFFC00, s19  }
0x26: {  	s19 =	sadd.s32 s19, s14  }
0x27: {  	v5 =	vld.idx.msk [tilespmem:v0+s19+$0x70 ss:$0x1], $0xffff  }
0x28: {  	v6 =	vld.idx.msk [tilespmem:v0+s19+$0x10 ss:$0x1], $0xffff  }
0x29: {  	v7 =	vld.idx.msk [tilespmem:v0+s19+$0x20 ss:$0x1], $0xffff  }
0x2a: {  	s31 =	sshll.u32 s18, $0x7;
	v1 =	vld.idx.msk [tilespmem:v0+s19+$0x30 ss:$0x1], $0xffff  }
0x2b: {  	s18 =	sand.u32 $0x3FFFFF80, s31;
	v2 =	vld.idx.msk [tilespmem:v0+s19+$0x40 ss:$0x1], $0xffff  }
0x2c: {  	s18 =	sadd.s32 s18, s15;
	v3 =	vld.idx.msk [tilespmem:v0+s19+$0x50 ss:$0x1], $0xffff  }
0x2d: {  	v4 =	vld.idx.msk [tilespmem:v0+s19+$0x60 ss:$0x1], $0xffff;
	[tilespmem:v0+s18+$0x70 ss:$0x1] =	vst.idx.msk $0xffff, v5  }
0x2e: {  	v5 =	vld.idx.msk [tilespmem:v0+s19+$0x0 ss:$0x1], $0xffff;
	[tilespmem:v0+s18+$0x10 ss:$0x1] =	vst.idx.msk $0xffff, v6;
	s19 =	sadd.s32 $0x80, s19  }
0x2f: {  	p0 =	por p1, p1;
	s20 =	simm.s32 $0x6;
	[tilespmem:v0+s18+$0x20 ss:$0x1] =	vst.idx.msk $0xffff, v7;
	v6 =	vld.idx.msk [tilespmem:v0+s19+$0x70 ss:$0x1], $0xffff  }
.LBB1_5:
0x30: {  	p1 =	sne.s32 s20, $0x1;
	v7 =	vld.idx.msk [tilespmem:v0+s19+$0x10 ss:$0x1], $0xffff;
	[tilespmem:v0+s18+$0x30 ss:$0x1] =	vst.idx.msk $0xffff, v1  }
0x31: {  	v8 =	vld.idx.msk [tilespmem:v0+s19+$0x20 ss:$0x1], $0xffff;
	[tilespmem:v0+s18+$0x40 ss:$0x1] =	vst.idx.msk $0xffff, v2  }
0x32: {  	v1 =	vld.idx.msk [tilespmem:v0+s19+$0x30 ss:$0x1], $0xffff;
	[tilespmem:v0+s18+$0x50 ss:$0x1] =	vst.idx.msk $0xffff, v3  }
.Ltmp3:
0x33: {  	v2 =	vld.idx.msk [tilespmem:v0+s19+$0x40 ss:$0x1], $0xffff;
	[tilespmem:v0+s18+$0x60 ss:$0x1] =	vst.idx.msk $0xffff, v4;
	(pc) =	sbr.rel @p1 .LBB1_5-.Ltmp3, $4  }
0x34: {  	v3 =	vld.idx.msk [tilespmem:v0+s19+$0x50 ss:$0x1], $0xffff;
	[tilespmem:v0+s18+$0x0 ss:$0x1] =	vst.idx.msk $0xffff, v5;
	s18 =	sadd.s32 $0x100, s18  }
0x35: {  	v4 =	vld.idx.msk [tilespmem:v0+s19+$0x60 ss:$0x1], $0xffff;
	[tilespmem:v0+s18+$0x70 ss:$0x1] =	vst.idx.msk $0xffff, v6  }
0x36: {  	v5 =	vld.idx.msk [tilespmem:v0+s19+$0x0 ss:$0x1], $0xffff;
	[tilespmem:v0+s18+$0x10 ss:$0x1] =	vst.idx.msk $0xffff, v7;
	s19 =	sadd.s32 $0x80, s19  }
0x37: {  	s20 =	sadd.s32 $0xFFFFFFFF, s20;
	v6 =	vld.idx.msk [tilespmem:v0+s19+$0x70 ss:$0x1], $0xffff;
	[tilespmem:v0+s18+$0x20 ss:$0x1] =	vst.idx.msk $0xffff, v8  }
0x38: {  	_ =	sdelay $0x3  }
0x39: {  	[tilespmem:v0+s18+$0x30 ss:$0x1] =	vst.idx.msk $0xffff, v1  }
0x3a: {  	v1 =	vld.idx.msk [tilespmem:v0+s19+$0x10 ss:$0x1], $0xffff;
	[tilespmem:v0+s18+$0x40 ss:$0x1] =	vst.idx.msk $0xffff, v2  }
0x3b: {  	v2 =	vld.idx.msk [tilespmem:v0+s19+$0x20 ss:$0x1], $0xffff;
	[tilespmem:v0+s18+$0x50 ss:$0x1] =	vst.idx.msk $0xffff, v3  }
0x3c: {  	v61 =	vld.idx.msk [tilespmem:v0+s19+$0x40 ss:$0x1], $0xffff;
	[tilespmem:v0+s18+$0x60 ss:$0x1] =	vst.idx.msk $0xffff, v4  }
0x3d: {  	s31 =	sadd.s32 $0x100, s18;
	v62 =	vld.idx.msk [tilespmem:v0+s19+$0x50 ss:$0x1], $0xffff;
	[tilespmem:v0+s18+$0x0 ss:$0x1] =	vst.idx.msk $0xffff, v5  }
0x3e: {  	v63 =	vld.idx.msk [tilespmem:v0+s19+$0x60 ss:$0x1], $0xffff;
	[tilespmem:v0+s31+$0x70 ss:$0x1] =	vst.idx.msk $0xffff, v6  }
0x3f: {  	v3 =	vld.idx.msk [tilespmem:v0+s19+$0x30 ss:$0x1], $0xffff;
	[tilespmem:v0+s31+$0x10 ss:$0x1] =	vst.idx.msk $0xffff, v1  }
0x40: {  	v1 =	vld.idx.msk [tilespmem:v0+s19+$0x0 ss:$0x1], $0xffff;
	[tilespmem:v0+s31+$0x20 ss:$0x1] =	vst.idx.msk $0xffff, v2  }
.Ltmp4:
0x41: {  	[tilespmem:v0+s31+$0x40 ss:$0x1] =	vst.idx.msk $0xffff, v61;
	(pc) =	sbr.rel @p0 .LBB1_4-.Ltmp4, $4  }
0x42: {  	[tilespmem:v0+s31+$0x50 ss:$0x1] =	vst.idx.msk $0xffff, v62  }
0x43: {  	[tilespmem:v0+s31+$0x60 ss:$0x1] =	vst.idx.msk $0xffff, v63  }
0x44: {  	[tilespmem:v0+s31+$0x30 ss:$0x1] =	vst.idx.msk $0xffff, v3  }
0x45: {  	p1 =	por $0x0, $0x0;
	s18 =	simm.s32 $0x1;
	[tilespmem:v0+s31+$0x0 ss:$0x1] =	vst.idx.msk $0xffff, v1  }
0x46: {  	s17 =	sadd.s32 $0x1, s17  }
0x47: {  	p0 =	sne.s32 s17, $0x8  }
.Ltmp5:
0x48: {  	_ = 	snop;
	(pc) =	sbr.rel @p0 .LBB1_3-.Ltmp5, $2  }
0x49: {  	_ =	sdelay $0x2  }
0x4a: {  	s16 =	sadd.s32 $0x2000, s16  }
.Ltmp6:
0x4b: {  	(pc) =	sbr.rel .LBB1_9-.Ltmp6, $4  }
0x4c: {  	_ = 	snop  }
0x4d: {  	s12 =	sshll.u32 s12, $0x8  }
0x4e: {  	s12 =	sadd.s32 s4, s12  }
0x4f: {  	[hbm4b:s12+s8] =	stream.linear.scatter [tilespmem:s13], [sflag:$0x2], $0x4000, $0x38;
	[tilespmem:$0x10000] =	vst v63  }
.LBB1_10:
0x50: {  	_ =	sfence.sel $0x180000  }
0x51: {  	s2 =	simm.s32 $0x1;
	[bflag:$0x0] =	sbarrier.arrive $0xFFFF  }
0x52: {  	s31 =	simm.s32 $0x2;
	[sflag:s2] =	ssyncpa.u1 $0x1  }
0x53: {  	[sflag:s31] =	ssyncpa.u1 $0x1  }
0x54: {  	p0 =	sne.s32 s0, $0x0;
	_ =	strace $0x9000004A  }
0x55: {  	s0 =	sadd.s32 @!p0 $0x100000, s1;
	[bflag:$0x2] =	sbarrier.arrive $0xFFFF  }
0x56: {  	[sflag:s0] =	ssyncadd.tile.s32 @!p0 $0x1;
	_ =	shalt  }
.Lfunc_end1:
_tile_overlayer_lowered:
.L_overlay_start_2:
0x57: {  	(tag) =	ssettag $0x2  }
0x58: {  	s0 =	rddreg [dreg:$0x0];
	s2 =	stileid.u32  }
0x59: {  	s1 =	rddreg [dreg:$0x1];
	p0 =	sne.s32 s2, $0x0  }
0x5a: {  	s3 =	rddreg [dreg:$0x2];
	[bflag:$0x3] =	sbarrier.arrive $0xFFFF;
	s2 =	simm.s32 @!p0 $0x1C01  }
0x5b: {  	[timem:s3], [sflag:s2] =	dma.local @!p0 [hbm:s0], s1  }
0x5c: {  	s0 =	simm.s32 @!p0 $0x1  }
0x5d: {  	_ =	swait.ge @!p0 [sflag:s0], s1  }
0x5e: {  	s1 =	ssub.s32 @!p0 $0x0, s1;
	[sflag:s0] =	ssyncset.done @!p0 $0x0  }
0x5f: {  	[sflag:s0] =	ssyncadd.s32 @!p0 s1  }
0x60: {  	[bflag:$0x3] =	sbarrier.arrive $0xFFFF  }
0x61: {  	_ =	shalt  }

</sc_bundles>
